<compile_context>
chip_gen: v7x
topology: tpu7x:2x2x1
jax: 0.10.2.dev20260603
libtpu: 0.0.44.dev20260713+nightly
codegen_flags: <defaults>
</compile_context>

<pallas_src>
import dataclasses
import functools

import jax
import jax.numpy as jnp
from jax import lax
from jax.experimental import pallas as pl
from jax.experimental.pallas import tpu as pltpu
from jax.experimental.pallas import tpu_sc as plsc

NC = 2
NS = 16
NW = NC * NS
L = 16

C = 128
NPAD = 10112
SHIFT = 64
HALF = NPAD // NC
RPT_A = 320
RPT_B = (HALF - 8 * RPT_A) // 8
EPB = 128
DEGW = 16

_MESH = plsc.VectorSubcoreMesh(core_axis_name="c", subcore_axis_name="s")

_SC_PARAMS = pltpu.CompilerParams()
if "needs_layout_passes" in pltpu.CompilerParams.__dataclass_fields__:
    _SC_PARAMS = dataclasses.replace(_SC_PARAMS, needs_layout_passes=False)


def _fill16(ref, nrows, width, value):
    vec = jnp.full((L,), value, jnp.float32)

    @pl.loop(0, nrows)
    def _(i):
        for t in range(width // L):
            ref[i, pl.ds(t * L, L)] = vec


def _slice_plan(s):
    return ((s * RPT_A, RPT_A),
            (8 * RPT_A + (s - 8) * RPT_B, RPT_B))


def _zero_my_slice(zeros_v, acc, s):
    zr = zeros_v.shape[0]
    lo, hi = _slice_plan(s)
    for cond, (base, nrows) in ((s < 8, lo), (s >= 8, hi)):
        @pl.when(cond)
        def _():
            off = 0
            for step in (zr,) * (nrows // zr) + (nrows % zr,):
                if step:
                    pltpu.sync_copy(zeros_v.at[pl.ds(0, step)],
                                    acc.at[pl.ds(base + off, step)])
                off += step


def _redirect(cols_v, j, adj_row, base, trash):
    for t in range(EPB // L):
        col = cols_v[j, pl.ds(t * L, L)]
        lc = col - base
        ok = (lc >= 0) & (lc < HALF)
        adj_row[pl.ds(t * L, L)] = jnp.where(ok, lc, trash)


def _dump_my_slice(acc, out_hbm, c, s):
    lo, hi = _slice_plan(s)
    for cond, (base, nrows) in ((s < 8, lo), (s >= 8, hi)):
        @pl.when(cond)
        def _():
            pltpu.sync_copy(acc.at[pl.ds(base, nrows)],
                            out_hbm.at[c, pl.ds(base, nrows)])


@functools.cache
def _deg_kernel(nchunk):
    @functools.partial(
        pl.kernel,
        out_type=jax.ShapeDtypeStruct((NC, NS, HALF), jnp.float32),
        mesh=_MESH,
        compiler_params=_SC_PARAMS,
        scratch_types=[
            pltpu.VMEM((nchunk, EPB), jnp.int32),
            pltpu.VMEM((HALF * DEGW,), jnp.float32),
            pltpu.VMEM((HALF,), jnp.float32),
        ],
    )
    def k(cols_hbm, out_hbm, cols_v, acc, tot_v):
        c = lax.axis_index("c")
        s = lax.axis_index("s")
        base = c * HALF
        trash = c * (HALF - 1)
        pltpu.sync_copy(cols_hbm.at[s], cols_v)
        ones = jnp.ones((L,), jnp.float32)
        lane = lax.iota(jnp.int32, L)

        @pl.loop(0, HALF * DEGW, step=L)
        def _(i):
            acc[pl.ds(i, L)] = jnp.zeros((L,), jnp.float32)

        @pl.loop(0, nchunk)
        def _(j):
            for t in range(EPB // L):
                col = cols_v[j, pl.ds(t * L, L)]
                lc = col - base
                ok = (lc >= 0) & (lc < HALF)
                lc = jnp.where(ok, lc, trash)
                plsc.addupdate_scatter(acc, [lc * DEGW + lane], ones)

        @pl.loop(0, HALF, step=L)
        def _(nb):
            tot = jnp.zeros((L,), jnp.float32)
            for l in range(DEGW):
                tot = tot + plsc.load_gather(acc, [(nb + lane) * DEGW + l])
            tot_v[pl.ds(nb, L)] = tot

        pltpu.sync_copy(tot_v, out_hbm.at[c, s])

    return k


def _deg_call(cols):
    return _deg_kernel(cols.shape[1])(cols)


@functools.cache
def _hop_kernel(nchunk):
    assert nchunk % 2 == 1

    @functools.partial(
        pl.kernel,
        out_type=jax.ShapeDtypeStruct((NC, HALF, C), jnp.float32),
        mesh=_MESH,
        compiler_params=_SC_PARAMS,
        scratch_types=[
            pltpu.VMEM((nchunk, EPB), jnp.int32),
            pltpu.VMEM((nchunk, EPB), jnp.int32),
            pltpu.VMEM((2, EPB, C), jnp.float32),
            pltpu.VMEM((EPB, C), jnp.float32),
            pltpu.VMEM((2, EPB), jnp.int32),
            pltpu.VMEM_SHARED((HALF, C), jnp.float32),
            pltpu.SemaphoreType.DMA,
            pltpu.SemaphoreType.DMA,
        ],
    )
    def k(u_hbm, rows_hbm, cols_hbm, out_hbm,
          rows_v, cols_v, buf, zeros_v, adj, acc, sem0, sem1):
        c = lax.axis_index("c")
        s = lax.axis_index("s")
        base = c * HALF
        pltpu.sync_copy(rows_hbm.at[s], rows_v)
        pltpu.sync_copy(cols_hbm.at[s], cols_v)
        _fill16(zeros_v, EPB, C, 0.0)
        _zero_my_slice(zeros_v, acc, s)
        plsc.subcore_barrier()

        sems = (sem0, sem1)

        def gather(j, b):
            pltpu.async_copy(u_hbm.at[rows_v.at[j]], buf.at[b], sems[b])

        def wait_gather(b):
            pltpu.make_async_copy(u_hbm.at[pl.ds(0, EPB)], buf.at[b],
                                  sems[b]).wait()

        trash = c * (HALF - 1)

        def scat(b, j):
            _redirect(cols_v, j, adj.at[b], base, trash)
            wait_gather(b)
            pltpu.sync_copy(buf.at[b], acc.at[adj.at[b]], add=True)

        gather(0, 0)

        @pl.loop(0, (nchunk - 1) // 2)
        def _(kk):
            j = kk * 2
            gather(j + 1, 1)
            scat(0, j)
            gather(j + 2, 0)
            scat(1, j + 1)

        scat(0, nchunk - 1)

        plsc.subcore_barrier()
        _dump_my_slice(acc, out_hbm, c, s)

    return k


def _hop_call(u, rows, cols):
    return _hop_kernel(rows.shape[1])(u, rows, cols)


def _dis(deg_ref):
    deg = jnp.sum(deg_ref[...], axis=1, keepdims=True)
    return lax.rsqrt(deg + 1.0)


def _prep_call(x_pad, Wt, b2, deg):

    def body(x_ref, w_ref, b_ref, deg_ref, u_ref):
        h = jnp.dot(x_ref[...], w_ref[...],
                    preferred_element_type=jnp.float32) + b_ref[...]
        u_ref[...] = h * _dis(deg_ref)

    return pl.pallas_call(
        body,
        out_shape=jax.ShapeDtypeStruct((NPAD, C), jnp.float32),
    )(x_pad, Wt, b2, deg)


def _combine_call(psum, u, deg, twice):

    def body(p_ref, u_ref, deg_ref, o_ref):
        dis = _dis(deg_ref)
        sfac = dis * dis if twice else dis
        o_ref[...] = (p_ref[...] + u_ref[...]) * sfac

    return pl.pallas_call(
        body,
        out_shape=jax.ShapeDtypeStruct((NPAD, C), jnp.float32),
    )(psum, u, deg)


def _halves(parts):
    return parts.reshape(NPAD, parts.shape[2])


def kernel(x, edge_index, W, b):
    n = x.shape[0]
    x = x.astype(jnp.float32)
    ei = edge_index.astype(jnp.int32)
    e = ei.shape[1]

    nchunk = -(-e // (NS * EPB))
    if nchunk % 2 == 0:
        nchunk += 1
    pe = NS * EPB * nchunk
    pad = jnp.full((pe - e,), n + SHIFT, jnp.int32)
    rows = jnp.concatenate([ei[0] + SHIFT, pad]).reshape(NS, nchunk, EPB)
    cols = jnp.concatenate([ei[1] + SHIFT, pad]).reshape(NS, nchunk, EPB)
    x_pad = jnp.pad(x, ((SHIFT, NPAD - n - SHIFT), (0, 0)))

    degp = _deg_call(cols)
    deg = degp.transpose(0, 2, 1).reshape(NPAD, NS)
    u1 = _prep_call(x_pad, W.T, b.reshape(1, C), deg)
    p1 = _halves(_hop_call(u1, rows, cols))
    u2 = _combine_call(p1, u1, deg, twice=True)
    p2 = _halves(_hop_call(u2, rows, cols))
    h2 = _combine_call(p2, u2, deg, twice=False)
    return h2[SHIFT:SHIFT + n]

# --- scband reference (transcript-rebuilt; emitter-appended) ---
"""Pipeline reference for scband-sgcmem-79577154060359 (READ-ONLY COPY).

The authoritative reference and input builder live on the scoring server;
editing this copy changes nothing except your own understanding.
"""

import jax, jax.numpy as jnp
import numpy as np

HOPS = 2
IN_CHANNELS = 128
OUT_CHANNELS = 128
N_NODES = 10000
N_EDGES = 320000


def setup_inputs(seed: int = 0) -> dict:
    key = jax.random.key(seed)
    k1, k2, k3, k4 = jax.random.split(key, 4)
    x = jax.random.normal(k1, (N_NODES, IN_CHANNELS), dtype=jnp.float32)
    edge_index = jax.random.randint(k2, (2, N_EDGES), 0, N_NODES, dtype=jnp.int64)
    bound = 1.0 / np.sqrt(IN_CHANNELS)
    W = jax.random.uniform(k3, (OUT_CHANNELS, IN_CHANNELS), dtype=jnp.float32, minval=-bound, maxval=bound)
    b = jax.random.uniform(k4, (OUT_CHANNELS,), dtype=jnp.float32, minval=-bound, maxval=bound)
    return {"x": x, "edge_index": edge_index, "W": W, "b": b}


def reference(x, edge_index, W, b):
    n = x.shape[0]
    # linear first (low-memory SGC variant)
    h = x @ W.T + b
    # gcn_norm with self loops (improved=False, add_self_loops=True)
    row = edge_index[0]
    col = edge_index[1]
    loop = jnp.arange(n, dtype=row.dtype)
    row = jnp.concatenate([row, loop])
    col = jnp.concatenate([col, loop])
    ew = jnp.ones(row.shape[0], dtype=h.dtype)
    deg = jax.ops.segment_sum(ew, col, num_segments=n)
    deg_inv_sqrt = jnp.where(deg > 0, 1.0 / jnp.sqrt(deg), 0.0)
    w = deg_inv_sqrt[row] * ew * deg_inv_sqrt[col]
    # adj_t = SparseTensor(row=col, col=row): out[col] += w * h[row]
    for _ in range(HOPS):
        h = jax.ops.segment_sum(w[:, None] * h[row], col, num_segments=n)
    return h

if __name__ == "__main__":
    import jax
    _d = setup_inputs()
    print(jax.jit(kernel)(*tuple(_d.values())))

</pallas_src>

<mosaic_0001>
#map = affine_map<(d0, d1) -> (0, 0, 0)>
module attributes {stable_mosaic.version = 14 : i64} {
  func.func @k(%arg0: i32, %arg1: i32, %arg2: memref<16x157x128xi32, #tpu.memory_space<hbm>>, %arg3: memref<2x16x5056xf32, #tpu.memory_space<hbm>>, %arg4: memref<157x128xi32, #tpu.memory_space<vmem>>, %arg5: memref<80896xf32, #tpu.memory_space<vmem>>, %arg6: memref<5056xf32, #tpu.memory_space<vmem>>) attributes {dimension_semantics = [#tpu.dimension_semantics<core_parallel>, #tpu.dimension_semantics<subcore_parallel>], iteration_bounds = array<i64: 2, 16>, scalar_prefetch = 0 : i64, scratch_operands = 3 : i64, tpu.core_type = #tpu.core_type<sc_vector_subcore>, window_params = [{transform_indices = #map}, {transform_indices = #map}]} {
    %mul3A = arith.constant 5056 : i32
    %mul3A_0 = arith.muli %arg0, %mul3A : i32
    %mul3A_1 = arith.constant 5055 : i32
    %mul3A_2 = arith.muli %arg0, %mul3A_1 : i32
    "tpu.region"() ({
      %run_scoped3A = tpu.sem_alloc : memref<!tpu.dma_semaphore, #tpu.memory_space<semaphore_mem>>
      %dma_start3A = arith.constant 0 : i32
      %dma_start3A_18 = arith.constant 0 : i32
      %dma_start3A_19 = tpu.memref_slice %arg2[%arg1, %dma_start3A, %dma_start3A_18] : memref<16x157x128xi32, #tpu.memory_space<hbm>> -> memref<1x157x128xi32, #tpu.memory_space<hbm>>
      %dma_start3A_20 = tpu.memref_squeeze %dma_start3A_19 : memref<1x157x128xi32, #tpu.memory_space<hbm>> -> memref<157x128xi32, #tpu.memory_space<hbm>>
      %dma_start3A_21 = arith.constant 0 : i32
      %dma_start3A_22 = arith.constant 0 : i32
      %dma_start3A_23 = tpu.memref_slice %arg2[%arg1, %dma_start3A_21, %dma_start3A_22] : memref<16x157x128xi32, #tpu.memory_space<hbm>> -> memref<1x157x128xi32, #tpu.memory_space<hbm>>
      %dma_start3A_24 = tpu.memref_squeeze %dma_start3A_23 : memref<1x157x128xi32, #tpu.memory_space<hbm>> -> memref<157x128xi32, #tpu.memory_space<hbm>>
      tpu.enqueue_dma source(%dma_start3A_24 : memref<157x128xi32, #tpu.memory_space<hbm>>) target(%arg4 : memref<157x128xi32, #tpu.memory_space<vmem>>) target_semaphore(%run_scoped3A : memref<!tpu.dma_semaphore, #tpu.memory_space<semaphore_mem>>)
      %dma_wait3A = arith.constant 0 : i32
      %dma_wait3A_25 = arith.constant 0 : i32
      %dma_wait3A_26 = tpu.memref_slice %arg2[%arg1, %dma_wait3A, %dma_wait3A_25] : memref<16x157x128xi32, #tpu.memory_space<hbm>> -> memref<1x157x128xi32, #tpu.memory_space<hbm>>
      %dma_wait3A_27 = tpu.memref_squeeze %dma_wait3A_26 : memref<1x157x128xi32, #tpu.memory_space<hbm>> -> memref<157x128xi32, #tpu.memory_space<hbm>>
      %dma_wait3A_28 = arith.constant 0 : i32
      %dma_wait3A_29 = arith.constant 0 : i32
      %dma_wait3A_30 = tpu.memref_slice %arg2[%arg1, %dma_wait3A_28, %dma_wait3A_29] : memref<16x157x128xi32, #tpu.memory_space<hbm>> -> memref<1x157x128xi32, #tpu.memory_space<hbm>>
      %dma_wait3A_31 = tpu.memref_squeeze %dma_wait3A_30 : memref<1x157x128xi32, #tpu.memory_space<hbm>> -> memref<157x128xi32, #tpu.memory_space<hbm>>
      tpu.wait_dma2 semaphore(%run_scoped3A : memref<!tpu.dma_semaphore, #tpu.memory_space<semaphore_mem>>) src(%dma_wait3A_31 : memref<157x128xi32, #tpu.memory_space<hbm>>) dst(%arg4 : memref<157x128xi32, #tpu.memory_space<vmem>>)
      tpu.yield
    }) : () -> ()
    %broadcast_in_dim3A = arith.constant 1.000000e+00 : f32
    %broadcast_in_dim3A_3 = vector.broadcast %broadcast_in_dim3A : f32 to vector<16xf32>
    %iota3A = tpu.iota {dimensions = array<i32: 0>} : vector<16xi32>
    %scan3A = arith.constant 0 : i32
    %scan3A_4 = arith.constant 5056 : i32
    %scan3A_5 = arith.addi %scan3A, %scan3A_4 : i32
    %scan3A_6 = arith.constant 1 : i32
    scf.for %scan3A_18 = %scan3A to %scan3A_5 step %scan3A_6  : i32 {
      %mul3A_19 = arith.constant 16 : i32
      %mul3A_20 = arith.muli %scan3A_18, %mul3A_19 : i32
      %add3A = arith.constant 0 : i32
      %add3A_21 = arith.addi %add3A, %mul3A_20 : i32
      %broadcast_in_dim3A_22 = arith.constant 0.000000e+00 : f32
      %broadcast_in_dim3A_23 = vector.broadcast %broadcast_in_dim3A_22 : f32 to vector<16xf32>
      %swap3A = arith.index_cast %add3A_21 : i32 to index
      %swap3A_24 = tpu.vector_load %arg5[%swap3A] {strides = array<i32>} : memref<80896xf32, #tpu.memory_space<vmem>>, vector<16xf32>,
      tpu.vector_store %arg5[%swap3A], %broadcast_in_dim3A_23 {strides = array<i32>} : memref<80896xf32, #tpu.memory_space<vmem>>, vector<16xf32>,
    }
    %scan3A_7 = arith.constant 5056 : i32
    %scan3A_8 = arith.constant 0 : i32
    %scan3A_9 = arith.constant 157 : i32
    %scan3A_10 = arith.addi %scan3A_8, %scan3A_9 : i32
    %scan3A_11 = arith.constant 1 : i32
    scf.for %scan3A_18 = %scan3A_8 to %scan3A_10 step %scan3A_11  : i32 {
      %mul3A_19 = arith.constant 1 : i32
      %mul3A_20 = arith.muli %scan3A_18, %mul3A_19 : i32
      %add3A = arith.constant 0 : i32
      %add3A_21 = arith.addi %add3A, %mul3A_20 : i32
      %get3A = arith.index_cast %add3A_21 : i32 to index
      %get3A_22 = arith.constant 0 : index
      %get3A_23 = tpu.vector_load %arg4[%get3A, %get3A_22] {strides = array<i32>} : memref<157x128xi32, #tpu.memory_space<vmem>>, vector<16xi32>,
      %sub3A = vector.broadcast %mul3A_0 : i32 to vector<16xi32>
      %sub3A_24 = arith.subi %get3A_23, %sub3A : vector<16xi32>
      %ge3A = arith.constant 0 : i32
      %ge3A_25 = vector.broadcast %ge3A : i32 to vector<16xi32>
      %ge3A_26 = arith.cmpi sge, %sub3A_24, %ge3A_25 : vector<16xi32>
      %lt3A = arith.constant 5056 : i32
      %lt3A_27 = vector.broadcast %lt3A : i32 to vector<16xi32>
      %lt3A_28 = arith.cmpi slt, %sub3A_24, %lt3A_27 : vector<16xi32>
      %and3A = arith.andi %ge3A_26, %lt3A_28 : vector<16xi1>
      %broadcast_in_dim3A_29 = vector.broadcast %mul3A_2 : i32 to vector<16xi32>
      %select_n3A = arith.select %and3A, %sub3A_24, %broadcast_in_dim3A_29 : vector<16xi1>, vector<16xi32>
      %mul3A_30 = arith.constant 16 : i32
      %mul3A_31 = vector.broadcast %mul3A_30 : i32 to vector<16xi32>
      %mul3A_32 = arith.muli %select_n3A, %mul3A_31 : vector<16xi32>
      %add3A_33 = arith.addi %mul3A_32, %iota3A : vector<16xi32>
      tpu.vector_store_idx %arg5[%add3A_33], %broadcast_in_dim3A_3 {add = true} : memref<80896xf32, #tpu.memory_space<vmem>>[vector<16xi32>], vector<16xf32>,
      %get3A_34 = arith.index_cast %add3A_21 : i32 to index
      %get3A_35 = arith.constant 16 : index
      %get3A_36 = tpu.vector_load %arg4[%get3A_34, %get3A_35] {strides = array<i32>} : memref<157x128xi32, #tpu.memory_space<vmem>>, vector<16xi32>,
      %sub3A_37 = vector.broadcast %mul3A_0 : i32 to vector<16xi32>
      %sub3A_38 = arith.subi %get3A_36, %sub3A_37 : vector<16xi32>
      %ge3A_39 = arith.constant 0 : i32
      %ge3A_40 = vector.broadcast %ge3A_39 : i32 to vector<16xi32>
      %ge3A_41 = arith.cmpi sge, %sub3A_38, %ge3A_40 : vector<16xi32>
      %lt3A_42 = arith.constant 5056 : i32
      %lt3A_43 = vector.broadcast %lt3A_42 : i32 to vector<16xi32>
      %lt3A_44 = arith.cmpi slt, %sub3A_38, %lt3A_43 : vector<16xi32>
      %and3A_45 = arith.andi %ge3A_41, %lt3A_44 : vector<16xi1>
      %broadcast_in_dim3A_46 = vector.broadcast %mul3A_2 : i32 to vector<16xi32>
      %select_n3A_47 = arith.select %and3A_45, %sub3A_38, %broadcast_in_dim3A_46 : vector<16xi1>, vector<16xi32>
      %mul3A_48 = arith.constant 16 : i32
      %mul3A_49 = vector.broadcast %mul3A_48 : i32 to vector<16xi32>
      %mul3A_50 = arith.muli %select_n3A_47, %mul3A_49 : vector<16xi32>
      %add3A_51 = arith.addi %mul3A_50, %iota3A : vector<16xi32>
      tpu.vector_store_idx %arg5[%add3A_51], %broadcast_in_dim3A_3 {add = true} : memref<80896xf32, #tpu.memory_space<vmem>>[vector<16xi32>], vector<16xf32>,
      %get3A_52 = arith.index_cast %add3A_21 : i32 to index
      %get3A_53 = arith.constant 32 : index
      %get3A_54 = tpu.vector_load %arg4[%get3A_52, %get3A_53] {strides = array<i32>} : memref<157x128xi32, #tpu.memory_space<vmem>>, vector<16xi32>,
      %sub3A_55 = vector.broadcast %mul3A_0 : i32 to vector<16xi32>
      %sub3A_56 = arith.subi %get3A_54, %sub3A_55 : vector<16xi32>
      %ge3A_57 = arith.constant 0 : i32
      %ge3A_58 = vector.broadcast %ge3A_57 : i32 to vector<16xi32>
      %ge3A_59 = arith.cmpi sge, %sub3A_56, %ge3A_58 : vector<16xi32>
      %lt3A_60 = arith.constant 5056 : i32
      %lt3A_61 = vector.broadcast %lt3A_60 : i32 to vector<16xi32>
      %lt3A_62 = arith.cmpi slt, %sub3A_56, %lt3A_61 : vector<16xi32>
      %and3A_63 = arith.andi %ge3A_59, %lt3A_62 : vector<16xi1>
      %broadcast_in_dim3A_64 = vector.broadcast %mul3A_2 : i32 to vector<16xi32>
      %select_n3A_65 = arith.select %and3A_63, %sub3A_56, %broadcast_in_dim3A_64 : vector<16xi1>, vector<16xi32>
      %mul3A_66 = arith.constant 16 : i32
      %mul3A_67 = vector.broadcast %mul3A_66 : i32 to vector<16xi32>
      %mul3A_68 = arith.muli %select_n3A_65, %mul3A_67 : vector<16xi32>
      %add3A_69 = arith.addi %mul3A_68, %iota3A : vector<16xi32>
      tpu.vector_store_idx %arg5[%add3A_69], %broadcast_in_dim3A_3 {add = true} : memref<80896xf32, #tpu.memory_space<vmem>>[vector<16xi32>], vector<16xf32>,
      %get3A_70 = arith.index_cast %add3A_21 : i32 to index
      %get3A_71 = arith.constant 48 : index
      %get3A_72 = tpu.vector_load %arg4[%get3A_70, %get3A_71] {strides = array<i32>} : memref<157x128xi32, #tpu.memory_space<vmem>>, vector<16xi32>,
      %sub3A_73 = vector.broadcast %mul3A_0 : i32 to vector<16xi32>
      %sub3A_74 = arith.subi %get3A_72, %sub3A_73 : vector<16xi32>
      %ge3A_75 = arith.constant 0 : i32
      %ge3A_76 = vector.broadcast %ge3A_75 : i32 to vector<16xi32>
      %ge3A_77 = arith.cmpi sge, %sub3A_74, %ge3A_76 : vector<16xi32>
      %lt3A_78 = arith.constant 5056 : i32
      %lt3A_79 = vector.broadcast %lt3A_78 : i32 to vector<16xi32>
      %lt3A_80 = arith.cmpi slt, %sub3A_74, %lt3A_79 : vector<16xi32>
      %and3A_81 = arith.andi %ge3A_77, %lt3A_80 : vector<16xi1>
      %broadcast_in_dim3A_82 = vector.broadcast %mul3A_2 : i32 to vector<16xi32>
      %select_n3A_83 = arith.select %and3A_81, %sub3A_74, %broadcast_in_dim3A_82 : vector<16xi1>, vector<16xi32>
      %mul3A_84 = arith.constant 16 : i32
      %mul3A_85 = vector.broadcast %mul3A_84 : i32 to vector<16xi32>
      %mul3A_86 = arith.muli %select_n3A_83, %mul3A_85 : vector<16xi32>
      %add3A_87 = arith.addi %mul3A_86, %iota3A : vector<16xi32>
      tpu.vector_store_idx %arg5[%add3A_87], %broadcast_in_dim3A_3 {add = true} : memref<80896xf32, #tpu.memory_space<vmem>>[vector<16xi32>], vector<16xf32>,
      %get3A_88 = arith.index_cast %add3A_21 : i32 to index
      %get3A_89 = arith.constant 64 : index
      %get3A_90 = tpu.vector_load %arg4[%get3A_88, %get3A_89] {strides = array<i32>} : memref<157x128xi32, #tpu.memory_space<vmem>>, vector<16xi32>,
      %sub3A_91 = vector.broadcast %mul3A_0 : i32 to vector<16xi32>
      %sub3A_92 = arith.subi %get3A_90, %sub3A_91 : vector<16xi32>
      %ge3A_93 = arith.constant 0 : i32
      %ge3A_94 = vector.broadcast %ge3A_93 : i32 to vector<16xi32>
      %ge3A_95 = arith.cmpi sge, %sub3A_92, %ge3A_94 : vector<16xi32>
      %lt3A_96 = arith.constant 5056 : i32
      %lt3A_97 = vector.broadcast %lt3A_96 : i32 to vector<16xi32>
      %lt3A_98 = arith.cmpi slt, %sub3A_92, %lt3A_97 : vector<16xi32>
      %and3A_99 = arith.andi %ge3A_95, %lt3A_98 : vector<16xi1>
      %broadcast_in_dim3A_100 = vector.broadcast %mul3A_2 : i32 to vector<16xi32>
      %select_n3A_101 = arith.select %and3A_99, %sub3A_92, %broadcast_in_dim3A_100 : vector<16xi1>, vector<16xi32>
      %mul3A_102 = arith.constant 16 : i32
      %mul3A_103 = vector.broadcast %mul3A_102 : i32 to vector<16xi32>
      %mul3A_104 = arith.muli %select_n3A_101, %mul3A_103 : vector<16xi32>
      %add3A_105 = arith.addi %mul3A_104, %iota3A : vector<16xi32>
      tpu.vector_store_idx %arg5[%add3A_105], %broadcast_in_dim3A_3 {add = true} : memref<80896xf32, #tpu.memory_space<vmem>>[vector<16xi32>], vector<16xf32>,
      %get3A_106 = arith.index_cast %add3A_21 : i32 to index
      %get3A_107 = arith.constant 80 : index
      %get3A_108 = tpu.vector_load %arg4[%get3A_106, %get3A_107] {strides = array<i32>} : memref<157x128xi32, #tpu.memory_space<vmem>>, vector<16xi32>,
      %sub3A_109 = vector.broadcast %mul3A_0 : i32 to vector<16xi32>
      %sub3A_110 = arith.subi %get3A_108, %sub3A_109 : vector<16xi32>
      %ge3A_111 = arith.constant 0 : i32
      %ge3A_112 = vector.broadcast %ge3A_111 : i32 to vector<16xi32>
      %ge3A_113 = arith.cmpi sge, %sub3A_110, %ge3A_112 : vector<16xi32>
      %lt3A_114 = arith.constant 5056 : i32
      %lt3A_115 = vector.broadcast %lt3A_114 : i32 to vector<16xi32>
      %lt3A_116 = arith.cmpi slt, %sub3A_110, %lt3A_115 : vector<16xi32>
      %and3A_117 = arith.andi %ge3A_113, %lt3A_116 : vector<16xi1>
      %broadcast_in_dim3A_118 = vector.broadcast %mul3A_2 : i32 to vector<16xi32>
      %select_n3A_119 = arith.select %and3A_117, %sub3A_110, %broadcast_in_dim3A_118 : vector<16xi1>, vector<16xi32>
      %mul3A_120 = arith.constant 16 : i32
      %mul3A_121 = vector.broadcast %mul3A_120 : i32 to vector<16xi32>
      %mul3A_122 = arith.muli %select_n3A_119, %mul3A_121 : vector<16xi32>
      %add3A_123 = arith.addi %mul3A_122, %iota3A : vector<16xi32>
      tpu.vector_store_idx %arg5[%add3A_123], %broadcast_in_dim3A_3 {add = true} : memref<80896xf32, #tpu.memory_space<vmem>>[vector<16xi32>], vector<16xf32>,
      %get3A_124 = arith.index_cast %add3A_21 : i32 to index
      %get3A_125 = arith.constant 96 : index
      %get3A_126 = tpu.vector_load %arg4[%get3A_124, %get3A_125] {strides = array<i32>} : memref<157x128xi32, #tpu.memory_space<vmem>>, vector<16xi32>,
      %sub3A_127 = vector.broadcast %mul3A_0 : i32 to vector<16xi32>
      %sub3A_128 = arith.subi %get3A_126, %sub3A_127 : vector<16xi32>
      %ge3A_129 = arith.constant 0 : i32
      %ge3A_130 = vector.broadcast %ge3A_129 : i32 to vector<16xi32>
      %ge3A_131 = arith.cmpi sge, %sub3A_128, %ge3A_130 : vector<16xi32>
      %lt3A_132 = arith.constant 5056 : i32
      %lt3A_133 = vector.broadcast %lt3A_132 : i32 to vector<16xi32>
      %lt3A_134 = arith.cmpi slt, %sub3A_128, %lt3A_133 : vector<16xi32>
      %and3A_135 = arith.andi %ge3A_131, %lt3A_134 : vector<16xi1>
      %broadcast_in_dim3A_136 = vector.broadcast %mul3A_2 : i32 to vector<16xi32>
      %select_n3A_137 = arith.select %and3A_135, %sub3A_128, %broadcast_in_dim3A_136 : vector<16xi1>, vector<16xi32>
      %mul3A_138 = arith.constant 16 : i32
      %mul3A_139 = vector.broadcast %mul3A_138 : i32 to vector<16xi32>
      %mul3A_140 = arith.muli %select_n3A_137, %mul3A_139 : vector<16xi32>
      %add3A_141 = arith.addi %mul3A_140, %iota3A : vector<16xi32>
      tpu.vector_store_idx %arg5[%add3A_141], %broadcast_in_dim3A_3 {add = true} : memref<80896xf32, #tpu.memory_space<vmem>>[vector<16xi32>], vector<16xf32>,
      %get3A_142 = arith.index_cast %add3A_21 : i32 to index
      %get3A_143 = arith.constant 112 : index
      %get3A_144 = tpu.vector_load %arg4[%get3A_142, %get3A_143] {strides = array<i32>} : memref<157x128xi32, #tpu.memory_space<vmem>>, vector<16xi32>,
      %sub3A_145 = vector.broadcast %mul3A_0 : i32 to vector<16xi32>
      %sub3A_146 = arith.subi %get3A_144, %sub3A_145 : vector<16xi32>
      %ge3A_147 = arith.constant 0 : i32
      %ge3A_148 = vector.broadcast %ge3A_147 : i32 to vector<16xi32>
      %ge3A_149 = arith.cmpi sge, %sub3A_146, %ge3A_148 : vector<16xi32>
      %lt3A_150 = arith.constant 5056 : i32
      %lt3A_151 = vector.broadcast %lt3A_150 : i32 to vector<16xi32>
      %lt3A_152 = arith.cmpi slt, %sub3A_146, %lt3A_151 : vector<16xi32>
      %and3A_153 = arith.andi %ge3A_149, %lt3A_152 : vector<16xi1>
      %broadcast_in_dim3A_154 = vector.broadcast %mul3A_2 : i32 to vector<16xi32>
      %select_n3A_155 = arith.select %and3A_153, %sub3A_146, %broadcast_in_dim3A_154 : vector<16xi1>, vector<16xi32>
      %mul3A_156 = arith.constant 16 : i32
      %mul3A_157 = vector.broadcast %mul3A_156 : i32 to vector<16xi32>
      %mul3A_158 = arith.muli %select_n3A_155, %mul3A_157 : vector<16xi32>
      %add3A_159 = arith.addi %mul3A_158, %iota3A : vector<16xi32>
      tpu.vector_store_idx %arg5[%add3A_159], %broadcast_in_dim3A_3 {add = true} : memref<80896xf32, #tpu.memory_space<vmem>>[vector<16xi32>], vector<16xf32>,
    }
    %scan3A_12 = arith.constant 157 : i32
    %scan3A_13 = arith.constant 0 : i32
    %scan3A_14 = arith.constant 316 : i32
    %scan3A_15 = arith.addi %scan3A_13, %scan3A_14 : i32
    %scan3A_16 = arith.constant 1 : i32
    scf.for %scan3A_18 = %scan3A_13 to %scan3A_15 step %scan3A_16  : i32 {
      %mul3A_19 = arith.constant 16 : i32
      %mul3A_20 = arith.muli %scan3A_18, %mul3A_19 : i32
      %add3A = arith.constant 0 : i32
      %add3A_21 = arith.addi %add3A, %mul3A_20 : i32
      %broadcast_in_dim3A_22 = arith.constant 0.000000e+00 : f32
      %broadcast_in_dim3A_23 = vector.broadcast %broadcast_in_dim3A_22 : f32 to vector<16xf32>
      %add3A_24 = vector.broadcast %add3A_21 : i32 to vector<16xi32>
      %add3A_25 = arith.addi %add3A_24, %iota3A : vector<16xi32>
      %mul3A_26 = arith.constant 16 : i32
      %mul3A_27 = vector.broadcast %mul3A_26 : i32 to vector<16xi32>
      %mul3A_28 = arith.muli %add3A_25, %mul3A_27 : vector<16xi32>
      %add3A_29 = arith.constant 0 : i32
      %add3A_30 = vector.broadcast %add3A_29 : i32 to vector<16xi32>
      %add3A_31 = arith.addi %mul3A_28, %add3A_30 : vector<16xi32>
      %gather3A = tpu.vector_load_idx %arg5[%add3A_31] : memref<80896xf32, #tpu.memory_space<vmem>>[vector<16xi32>], vector<16xf32>,
      %add3A_32 = arith.addf %broadcast_in_dim3A_23, %gather3A : vector<16xf32>
      %add3A_33 = vector.broadcast %add3A_21 : i32 to vector<16xi32>
      %add3A_34 = arith.addi %add3A_33, %iota3A : vector<16xi32>
      %mul3A_35 = arith.constant 16 : i32
      %mul3A_36 = vector.broadcast %mul3A_35 : i32 to vector<16xi32>
      %mul3A_37 = arith.muli %add3A_34, %mul3A_36 : vector<16xi32>
      %add3A_38 = arith.constant 1 : i32
      %add3A_39 = vector.broadcast %add3A_38 : i32 to vector<16xi32>
      %add3A_40 = arith.addi %mul3A_37, %add3A_39 : vector<16xi32>
      %gather3A_41 = tpu.vector_load_idx %arg5[%add3A_40] : memref<80896xf32, #tpu.memory_space<vmem>>[vector<16xi32>], vector<16xf32>,
      %add3A_42 = arith.addf %add3A_32, %gather3A_41 : vector<16xf32>
      %add3A_43 = vector.broadcast %add3A_21 : i32 to vector<16xi32>
      %add3A_44 = arith.addi %add3A_43, %iota3A : vector<16xi32>
      %mul3A_45 = arith.constant 16 : i32
      %mul3A_46 = vector.broadcast %mul3A_45 : i32 to vector<16xi32>
      %mul3A_47 = arith.muli %add3A_44, %mul3A_46 : vector<16xi32>
      %add3A_48 = arith.constant 2 : i32
      %add3A_49 = vector.broadcast %add3A_48 : i32 to vector<16xi32>
      %add3A_50 = arith.addi %mul3A_47, %add3A_49 : vector<16xi32>
      %gather3A_51 = tpu.vector_load_idx %arg5[%add3A_50] : memref<80896xf32, #tpu.memory_space<vmem>>[vector<16xi32>], vector<16xf32>,
      %add3A_52 = arith.addf %add3A_42, %gather3A_51 : vector<16xf32>
      %add3A_53 = vector.broadcast %add3A_21 : i32 to vector<16xi32>
      %add3A_54 = arith.addi %add3A_53, %iota3A : vector<16xi32>
      %mul3A_55 = arith.constant 16 : i32
      %mul3A_56 = vector.broadcast %mul3A_55 : i32 to vector<16xi32>
      %mul3A_57 = arith.muli %add3A_54, %mul3A_56 : vector<16xi32>
      %add3A_58 = arith.constant 3 : i32
      %add3A_59 = vector.broadcast %add3A_58 : i32 to vector<16xi32>
      %add3A_60 = arith.addi %mul3A_57, %add3A_59 : vector<16xi32>
      %gather3A_61 = tpu.vector_load_idx %arg5[%add3A_60] : memref<80896xf32, #tpu.memory_space<vmem>>[vector<16xi32>], vector<16xf32>,
      %add3A_62 = arith.addf %add3A_52, %gather3A_61 : vector<16xf32>
      %add3A_63 = vector.broadcast %add3A_21 : i32 to vector<16xi32>
      %add3A_64 = arith.addi %add3A_63, %iota3A : vector<16xi32>
      %mul3A_65 = arith.constant 16 : i32
      %mul3A_66 = vector.broadcast %mul3A_65 : i32 to vector<16xi32>
      %mul3A_67 = arith.muli %add3A_64, %mul3A_66 : vector<16xi32>
      %add3A_68 = arith.constant 4 : i32
      %add3A_69 = vector.broadcast %add3A_68 : i32 to vector<16xi32>
      %add3A_70 = arith.addi %mul3A_67, %add3A_69 : vector<16xi32>
      %gather3A_71 = tpu.vector_load_idx %arg5[%add3A_70] : memref<80896xf32, #tpu.memory_space<vmem>>[vector<16xi32>], vector<16xf32>,
      %add3A_72 = arith.addf %add3A_62, %gather3A_71 : vector<16xf32>
      %add3A_73 = vector.broadcast %add3A_21 : i32 to vector<16xi32>
      %add3A_74 = arith.addi %add3A_73, %iota3A : vector<16xi32>
      %mul3A_75 = arith.constant 16 : i32
      %mul3A_76 = vector.broadcast %mul3A_75 : i32 to vector<16xi32>
      %mul3A_77 = arith.muli %add3A_74, %mul3A_76 : vector<16xi32>
      %add3A_78 = arith.constant 5 : i32
      %add3A_79 = vector.broadcast %add3A_78 : i32 to vector<16xi32>
      %add3A_80 = arith.addi %mul3A_77, %add3A_79 : vector<16xi32>
      %gather3A_81 = tpu.vector_load_idx %arg5[%add3A_80] : memref<80896xf32, #tpu.memory_space<vmem>>[vector<16xi32>], vector<16xf32>,
      %add3A_82 = arith.addf %add3A_72, %gather3A_81 : vector<16xf32>
      %add3A_83 = vector.broadcast %add3A_21 : i32 to vector<16xi32>
      %add3A_84 = arith.addi %add3A_83, %iota3A : vector<16xi32>
      %mul3A_85 = arith.constant 16 : i32
      %mul3A_86 = vector.broadcast %mul3A_85 : i32 to vector<16xi32>
      %mul3A_87 = arith.muli %add3A_84, %mul3A_86 : vector<16xi32>
      %add3A_88 = arith.constant 6 : i32
      %add3A_89 = vector.broadcast %add3A_88 : i32 to vector<16xi32>
      %add3A_90 = arith.addi %mul3A_87, %add3A_89 : vector<16xi32>
      %gather3A_91 = tpu.vector_load_idx %arg5[%add3A_90] : memref<80896xf32, #tpu.memory_space<vmem>>[vector<16xi32>], vector<16xf32>,
      %add3A_92 = arith.addf %add3A_82, %gather3A_91 : vector<16xf32>
      %add3A_93 = vector.broadcast %add3A_21 : i32 to vector<16xi32>
      %add3A_94 = arith.addi %add3A_93, %iota3A : vector<16xi32>
      %mul3A_95 = arith.constant 16 : i32
      %mul3A_96 = vector.broadcast %mul3A_95 : i32 to vector<16xi32>
      %mul3A_97 = arith.muli %add3A_94, %mul3A_96 : vector<16xi32>
      %add3A_98 = arith.constant 7 : i32
      %add3A_99 = vector.broadcast %add3A_98 : i32 to vector<16xi32>
      %add3A_100 = arith.addi %mul3A_97, %add3A_99 : vector<16xi32>
      %gather3A_101 = tpu.vector_load_idx %arg5[%add3A_100] : memref<80896xf32, #tpu.memory_space<vmem>>[vector<16xi32>], vector<16xf32>,
      %add3A_102 = arith.addf %add3A_92, %gather3A_101 : vector<16xf32>
      %add3A_103 = vector.broadcast %add3A_21 : i32 to vector<16xi32>
      %add3A_104 = arith.addi %add3A_103, %iota3A : vector<16xi32>
      %mul3A_105 = arith.constant 16 : i32
      %mul3A_106 = vector.broadcast %mul3A_105 : i32 to vector<16xi32>
      %mul3A_107 = arith.muli %add3A_104, %mul3A_106 : vector<16xi32>
      %add3A_108 = arith.constant 8 : i32
      %add3A_109 = vector.broadcast %add3A_108 : i32 to vector<16xi32>
      %add3A_110 = arith.addi %mul3A_107, %add3A_109 : vector<16xi32>
      %gather3A_111 = tpu.vector_load_idx %arg5[%add3A_110] : memref<80896xf32, #tpu.memory_space<vmem>>[vector<16xi32>], vector<16xf32>,
      %add3A_112 = arith.addf %add3A_102, %gather3A_111 : vector<16xf32>
      %add3A_113 = vector.broadcast %add3A_21 : i32 to vector<16xi32>
      %add3A_114 = arith.addi %add3A_113, %iota3A : vector<16xi32>
      %mul3A_115 = arith.constant 16 : i32
      %mul3A_116 = vector.broadcast %mul3A_115 : i32 to vector<16xi32>
      %mul3A_117 = arith.muli %add3A_114, %mul3A_116 : vector<16xi32>
      %add3A_118 = arith.constant 9 : i32
      %add3A_119 = vector.broadcast %add3A_118 : i32 to vector<16xi32>
      %add3A_120 = arith.addi %mul3A_117, %add3A_119 : vector<16xi32>
      %gather3A_121 = tpu.vector_load_idx %arg5[%add3A_120] : memref<80896xf32, #tpu.memory_space<vmem>>[vector<16xi32>], vector<16xf32>,
      %add3A_122 = arith.addf %add3A_112, %gather3A_121 : vector<16xf32>
      %add3A_123 = vector.broadcast %add3A_21 : i32 to vector<16xi32>
      %add3A_124 = arith.addi %add3A_123, %iota3A : vector<16xi32>
      %mul3A_125 = arith.constant 16 : i32
      %mul3A_126 = vector.broadcast %mul3A_125 : i32 to vector<16xi32>
      %mul3A_127 = arith.muli %add3A_124, %mul3A_126 : vector<16xi32>
      %add3A_128 = arith.constant 10 : i32
      %add3A_129 = vector.broadcast %add3A_128 : i32 to vector<16xi32>
      %add3A_130 = arith.addi %mul3A_127, %add3A_129 : vector<16xi32>
      %gather3A_131 = tpu.vector_load_idx %arg5[%add3A_130] : memref<80896xf32, #tpu.memory_space<vmem>>[vector<16xi32>], vector<16xf32>,
      %add3A_132 = arith.addf %add3A_122, %gather3A_131 : vector<16xf32>
      %add3A_133 = vector.broadcast %add3A_21 : i32 to vector<16xi32>
      %add3A_134 = arith.addi %add3A_133, %iota3A : vector<16xi32>
      %mul3A_135 = arith.constant 16 : i32
      %mul3A_136 = vector.broadcast %mul3A_135 : i32 to vector<16xi32>
      %mul3A_137 = arith.muli %add3A_134, %mul3A_136 : vector<16xi32>
      %add3A_138 = arith.constant 11 : i32
      %add3A_139 = vector.broadcast %add3A_138 : i32 to vector<16xi32>
      %add3A_140 = arith.addi %mul3A_137, %add3A_139 : vector<16xi32>
      %gather3A_141 = tpu.vector_load_idx %arg5[%add3A_140] : memref<80896xf32, #tpu.memory_space<vmem>>[vector<16xi32>], vector<16xf32>,
      %add3A_142 = arith.addf %add3A_132, %gather3A_141 : vector<16xf32>
      %add3A_143 = vector.broadcast %add3A_21 : i32 to vector<16xi32>
      %add3A_144 = arith.addi %add3A_143, %iota3A : vector<16xi32>
      %mul3A_145 = arith.constant 16 : i32
      %mul3A_146 = vector.broadcast %mul3A_145 : i32 to vector<16xi32>
      %mul3A_147 = arith.muli %add3A_144, %mul3A_146 : vector<16xi32>
      %add3A_148 = arith.constant 12 : i32
      %add3A_149 = vector.broadcast %add3A_148 : i32 to vector<16xi32>
      %add3A_150 = arith.addi %mul3A_147, %add3A_149 : vector<16xi32>
      %gather3A_151 = tpu.vector_load_idx %arg5[%add3A_150] : memref<80896xf32, #tpu.memory_space<vmem>>[vector<16xi32>], vector<16xf32>,
      %add3A_152 = arith.addf %add3A_142, %gather3A_151 : vector<16xf32>
      %add3A_153 = vector.broadcast %add3A_21 : i32 to vector<16xi32>
      %add3A_154 = arith.addi %add3A_153, %iota3A : vector<16xi32>
      %mul3A_155 = arith.constant 16 : i32
      %mul3A_156 = vector.broadcast %mul3A_155 : i32 to vector<16xi32>
      %mul3A_157 = arith.muli %add3A_154, %mul3A_156 : vector<16xi32>
      %add3A_158 = arith.constant 13 : i32
      %add3A_159 = vector.broadcast %add3A_158 : i32 to vector<16xi32>
      %add3A_160 = arith.addi %mul3A_157, %add3A_159 : vector<16xi32>
      %gather3A_161 = tpu.vector_load_idx %arg5[%add3A_160] : memref<80896xf32, #tpu.memory_space<vmem>>[vector<16xi32>], vector<16xf32>,
      %add3A_162 = arith.addf %add3A_152, %gather3A_161 : vector<16xf32>
      %add3A_163 = vector.broadcast %add3A_21 : i32 to vector<16xi32>
      %add3A_164 = arith.addi %add3A_163, %iota3A : vector<16xi32>
      %mul3A_165 = arith.constant 16 : i32
      %mul3A_166 = vector.broadcast %mul3A_165 : i32 to vector<16xi32>
      %mul3A_167 = arith.muli %add3A_164, %mul3A_166 : vector<16xi32>
      %add3A_168 = arith.constant 14 : i32
      %add3A_169 = vector.broadcast %add3A_168 : i32 to vector<16xi32>
      %add3A_170 = arith.addi %mul3A_167, %add3A_169 : vector<16xi32>
      %gather3A_171 = tpu.vector_load_idx %arg5[%add3A_170] : memref<80896xf32, #tpu.memory_space<vmem>>[vector<16xi32>], vector<16xf32>,
      %add3A_172 = arith.addf %add3A_162, %gather3A_171 : vector<16xf32>
      %add3A_173 = vector.broadcast %add3A_21 : i32 to vector<16xi32>
      %add3A_174 = arith.addi %add3A_173, %iota3A : vector<16xi32>
      %mul3A_175 = arith.constant 16 : i32
      %mul3A_176 = vector.broadcast %mul3A_175 : i32 to vector<16xi32>
      %mul3A_177 = arith.muli %add3A_174, %mul3A_176 : vector<16xi32>
      %add3A_178 = arith.constant 15 : i32
      %add3A_179 = vector.broadcast %add3A_178 : i32 to vector<16xi32>
      %add3A_180 = arith.addi %mul3A_177, %add3A_179 : vector<16xi32>
      %gather3A_181 = tpu.vector_load_idx %arg5[%add3A_180] : memref<80896xf32, #tpu.memory_space<vmem>>[vector<16xi32>], vector<16xf32>,
      %add3A_182 = arith.addf %add3A_172, %gather3A_181 : vector<16xf32>
      %swap3A = arith.index_cast %add3A_21 : i32 to index
      %swap3A_183 = tpu.vector_load %arg6[%swap3A] {strides = array<i32>} : memref<5056xf32, #tpu.memory_space<vmem>>, vector<16xf32>,
      tpu.vector_store %arg6[%swap3A], %add3A_182 {strides = array<i32>} : memref<5056xf32, #tpu.memory_space<vmem>>, vector<16xf32>,
    }
    %scan3A_17 = arith.constant 316 : i32
    "tpu.region"() ({
      %run_scoped3A = tpu.sem_alloc : memref<!tpu.dma_semaphore, #tpu.memory_space<semaphore_mem>>
      %dma_start3A = arith.constant 0 : i32
      %dma_start3A_18 = tpu.memref_slice %arg3[%arg0, %arg1, %dma_start3A] : memref<2x16x5056xf32, #tpu.memory_space<hbm>> -> memref<1x1x5056xf32, #tpu.memory_space<hbm>>
      %dma_start3A_19 = tpu.memref_squeeze %dma_start3A_18 : memref<1x1x5056xf32, #tpu.memory_space<hbm>> -> memref<5056xf32, #tpu.memory_space<hbm>>
      %dma_start3A_20 = arith.constant 0 : i32
      %dma_start3A_21 = tpu.memref_slice %arg3[%arg0, %arg1, %dma_start3A_20] : memref<2x16x5056xf32, #tpu.memory_space<hbm>> -> memref<1x1x5056xf32, #tpu.memory_space<hbm>>
      %dma_start3A_22 = tpu.memref_squeeze %dma_start3A_21 : memref<1x1x5056xf32, #tpu.memory_space<hbm>> -> memref<5056xf32, #tpu.memory_space<hbm>>
      tpu.enqueue_dma source(%arg6 : memref<5056xf32, #tpu.memory_space<vmem>>) target(%dma_start3A_22 : memref<5056xf32, #tpu.memory_space<hbm>>) target_semaphore(%run_scoped3A : memref<!tpu.dma_semaphore, #tpu.memory_space<semaphore_mem>>)
      %dma_wait3A = arith.constant 0 : i32
      %dma_wait3A_23 = tpu.memref_slice %arg3[%arg0, %arg1, %dma_wait3A] : memref<2x16x5056xf32, #tpu.memory_space<hbm>> -> memref<1x1x5056xf32, #tpu.memory_space<hbm>>
      %dma_wait3A_24 = tpu.memref_squeeze %dma_wait3A_23 : memref<1x1x5056xf32, #tpu.memory_space<hbm>> -> memref<5056xf32, #tpu.memory_space<hbm>>
      %dma_wait3A_25 = arith.constant 0 : i32
      %dma_wait3A_26 = tpu.memref_slice %arg3[%arg0, %arg1, %dma_wait3A_25] : memref<2x16x5056xf32, #tpu.memory_space<hbm>> -> memref<1x1x5056xf32, #tpu.memory_space<hbm>>
      %dma_wait3A_27 = tpu.memref_squeeze %dma_wait3A_26 : memref<1x1x5056xf32, #tpu.memory_space<hbm>> -> memref<5056xf32, #tpu.memory_space<hbm>>
      tpu.wait_dma2 semaphore(%run_scoped3A : memref<!tpu.dma_semaphore, #tpu.memory_space<semaphore_mem>>) src(%arg6 : memref<5056xf32, #tpu.memory_space<vmem>>) dst(%dma_wait3A_27 : memref<5056xf32, #tpu.memory_space<hbm>>)
      tpu.yield
    }) : () -> ()
    return
  }
}

#map = affine_map<(d0, d1) -> (0, 0)>
#map1 = affine_map<(d0, d1) -> (0, 0, 0)>
module attributes {stable_mosaic.version = 14 : i64} {
  func.func @k(%arg0: i32, %arg1: i32, %arg2: memref<10112x128xf32, #tpu.memory_space<hbm>>, %arg3: memref<16x157x128xi32, #tpu.memory_space<hbm>>, %arg4: memref<16x157x128xi32, #tpu.memory_space<hbm>>, %arg5: memref<2x5056x128xf32, #tpu.memory_space<hbm>>, %arg6: memref<157x128xi32, #tpu.memory_space<vmem>>, %arg7: memref<157x128xi32, #tpu.memory_space<vmem>>, %arg8: memref<2x128x128xf32, #tpu.memory_space<vmem>>, %arg9: memref<128x128xf32, #tpu.memory_space<vmem>>, %arg10: memref<2x128xi32, #tpu.memory_space<vmem>>, %arg11: memref<5056x128xf32, #tpu.memory_space<vmem_shared>>, %arg12: memref<!tpu.dma_semaphore, #tpu.memory_space<semaphore_mem>>, %arg13: memref<!tpu.dma_semaphore, #tpu.memory_space<semaphore_mem>>) attributes {dimension_semantics = [#tpu.dimension_semantics<core_parallel>, #tpu.dimension_semantics<subcore_parallel>], iteration_bounds = array<i64: 2, 16>, scalar_prefetch = 0 : i64, scratch_operands = 8 : i64, tpu.core_type = #tpu.core_type<sc_vector_subcore>, window_params = [{transform_indices = #map}, {transform_indices = #map1}, {transform_indices = #map1}, {transform_indices = #map1}]} {
    %mul3A = arith.constant 5056 : i32
    %mul3A_0 = arith.muli %arg0, %mul3A : i32
    "tpu.region"() ({
      %run_scoped3A_234 = tpu.sem_alloc : memref<!tpu.dma_semaphore, #tpu.memory_space<semaphore_mem>>
      %dma_start3A_235 = arith.constant 0 : i32
      %dma_start3A_236 = arith.constant 0 : i32
      %dma_start3A_237 = tpu.memref_slice %arg3[%arg1, %dma_start3A_235, %dma_start3A_236] : memref<16x157x128xi32, #tpu.memory_space<hbm>> -> memref<1x157x128xi32, #tpu.memory_space<hbm>>
      %dma_start3A_238 = tpu.memref_squeeze %dma_start3A_237 : memref<1x157x128xi32, #tpu.memory_space<hbm>> -> memref<157x128xi32, #tpu.memory_space<hbm>>
      %dma_start3A_239 = arith.constant 0 : i32
      %dma_start3A_240 = arith.constant 0 : i32
      %dma_start3A_241 = tpu.memref_slice %arg3[%arg1, %dma_start3A_239, %dma_start3A_240] : memref<16x157x128xi32, #tpu.memory_space<hbm>> -> memref<1x157x128xi32, #tpu.memory_space<hbm>>
      %dma_start3A_242 = tpu.memref_squeeze %dma_start3A_241 : memref<1x157x128xi32, #tpu.memory_space<hbm>> -> memref<157x128xi32, #tpu.memory_space<hbm>>
      tpu.enqueue_dma source(%dma_start3A_242 : memref<157x128xi32, #tpu.memory_space<hbm>>) target(%arg6 : memref<157x128xi32, #tpu.memory_space<vmem>>) target_semaphore(%run_scoped3A_234 : memref<!tpu.dma_semaphore, #tpu.memory_space<semaphore_mem>>)
      %dma_wait3A_243 = arith.constant 0 : i32
      %dma_wait3A_244 = arith.constant 0 : i32
      %dma_wait3A_245 = tpu.memref_slice %arg3[%arg1, %dma_wait3A_243, %dma_wait3A_244] : memref<16x157x128xi32, #tpu.memory_space<hbm>> -> memref<1x157x128xi32, #tpu.memory_space<hbm>>
      %dma_wait3A_246 = tpu.memref_squeeze %dma_wait3A_245 : memref<1x157x128xi32, #tpu.memory_space<hbm>> -> memref<157x128xi32, #tpu.memory_space<hbm>>
      %dma_wait3A_247 = arith.constant 0 : i32
      %dma_wait3A_248 = arith.constant 0 : i32
      %dma_wait3A_249 = tpu.memref_slice %arg3[%arg1, %dma_wait3A_247, %dma_wait3A_248] : memref<16x157x128xi32, #tpu.memory_space<hbm>> -> memref<1x157x128xi32, #tpu.memory_space<hbm>>
      %dma_wait3A_250 = tpu.memref_squeeze %dma_wait3A_249 : memref<1x157x128xi32, #tpu.memory_space<hbm>> -> memref<157x128xi32, #tpu.memory_space<hbm>>
      tpu.wait_dma2 semaphore(%run_scoped3A_234 : memref<!tpu.dma_semaphore, #tpu.memory_space<semaphore_mem>>) src(%dma_wait3A_250 : memref<157x128xi32, #tpu.memory_space<hbm>>) dst(%arg6 : memref<157x128xi32, #tpu.memory_space<vmem>>)
      tpu.yield
    }) : () -> ()
    "tpu.region"() ({
      %run_scoped3A_234 = tpu.sem_alloc : memref<!tpu.dma_semaphore, #tpu.memory_space<semaphore_mem>>
      %dma_start3A_235 = arith.constant 0 : i32
      %dma_start3A_236 = arith.constant 0 : i32
      %dma_start3A_237 = tpu.memref_slice %arg4[%arg1, %dma_start3A_235, %dma_start3A_236] : memref<16x157x128xi32, #tpu.memory_space<hbm>> -> memref<1x157x128xi32, #tpu.memory_space<hbm>>
      %dma_start3A_238 = tpu.memref_squeeze %dma_start3A_237 : memref<1x157x128xi32, #tpu.memory_space<hbm>> -> memref<157x128xi32, #tpu.memory_space<hbm>>
      %dma_start3A_239 = arith.constant 0 : i32
      %dma_start3A_240 = arith.constant 0 : i32
      %dma_start3A_241 = tpu.memref_slice %arg4[%arg1, %dma_start3A_239, %dma_start3A_240] : memref<16x157x128xi32, #tpu.memory_space<hbm>> -> memref<1x157x128xi32, #tpu.memory_space<hbm>>
      %dma_start3A_242 = tpu.memref_squeeze %dma_start3A_241 : memref<1x157x128xi32, #tpu.memory_space<hbm>> -> memref<157x128xi32, #tpu.memory_space<hbm>>
      tpu.enqueue_dma source(%dma_start3A_242 : memref<157x128xi32, #tpu.memory_space<hbm>>) target(%arg7 : memref<157x128xi32, #tpu.memory_space<vmem>>) target_semaphore(%run_scoped3A_234 : memref<!tpu.dma_semaphore, #tpu.memory_space<semaphore_mem>>)
      %dma_wait3A_243 = arith.constant 0 : i32
      %dma_wait3A_244 = arith.constant 0 : i32
      %dma_wait3A_245 = tpu.memref_slice %arg4[%arg1, %dma_wait3A_243, %dma_wait3A_244] : memref<16x157x128xi32, #tpu.memory_space<hbm>> -> memref<1x157x128xi32, #tpu.memory_space<hbm>>
      %dma_wait3A_246 = tpu.memref_squeeze %dma_wait3A_245 : memref<1x157x128xi32, #tpu.memory_space<hbm>> -> memref<157x128xi32, #tpu.memory_space<hbm>>
      %dma_wait3A_247 = arith.constant 0 : i32
      %dma_wait3A_248 = arith.constant 0 : i32
      %dma_wait3A_249 = tpu.memref_slice %arg4[%arg1, %dma_wait3A_247, %dma_wait3A_248] : memref<16x157x128xi32, #tpu.memory_space<hbm>> -> memref<1x157x128xi32, #tpu.memory_space<hbm>>
      %dma_wait3A_250 = tpu.memref_squeeze %dma_wait3A_249 : memref<1x157x128xi32, #tpu.memory_space<hbm>> -> memref<157x128xi32, #tpu.memory_space<hbm>>
      tpu.wait_dma2 semaphore(%run_scoped3A_234 : memref<!tpu.dma_semaphore, #tpu.memory_space<semaphore_mem>>) src(%dma_wait3A_250 : memref<157x128xi32, #tpu.memory_space<hbm>>) dst(%arg7 : memref<157x128xi32, #tpu.memory_space<vmem>>)
      tpu.yield
    }) : () -> ()
    %broadcast_in_dim3A = arith.constant 0.000000e+00 : f32
    %broadcast_in_dim3A_1 = vector.broadcast %broadcast_in_dim3A : f32 to vector<16xf32>
    %scan3A = arith.constant 0 : i32
    %scan3A_2 = arith.constant 128 : i32
    %scan3A_3 = arith.addi %scan3A, %scan3A_2 : i32
    %scan3A_4 = arith.constant 1 : i32
    scf.for %scan3A_234 = %scan3A to %scan3A_3 step %scan3A_4  : i32 {
      %mul3A_235 = arith.constant 1 : i32
      %mul3A_236 = arith.muli %scan3A_234, %mul3A_235 : i32
      %add3A_237 = arith.constant 0 : i32
      %add3A_238 = arith.addi %add3A_237, %mul3A_236 : i32
      %swap3A_239 = arith.index_cast %add3A_238 : i32 to index
      %swap3A_240 = arith.constant 0 : index
      %swap3A_241 = tpu.vector_load %arg9[%swap3A_239, %swap3A_240] {strides = array<i32>} : memref<128x128xf32, #tpu.memory_space<vmem>>, vector<16xf32>,
      tpu.vector_store %arg9[%swap3A_239, %swap3A_240], %broadcast_in_dim3A_1 {strides = array<i32>} : memref<128x128xf32, #tpu.memory_space<vmem>>, vector<16xf32>,
      %swap3A_242 = arith.index_cast %add3A_238 : i32 to index
      %swap3A_243 = arith.constant 16 : index
      %swap3A_244 = tpu.vector_load %arg9[%swap3A_242, %swap3A_243] {strides = array<i32>} : memref<128x128xf32, #tpu.memory_space<vmem>>, vector<16xf32>,
      tpu.vector_store %arg9[%swap3A_242, %swap3A_243], %broadcast_in_dim3A_1 {strides = array<i32>} : memref<128x128xf32, #tpu.memory_space<vmem>>, vector<16xf32>,
      %swap3A_245 = arith.index_cast %add3A_238 : i32 to index
      %swap3A_246 = arith.constant 32 : index
      %swap3A_247 = tpu.vector_load %arg9[%swap3A_245, %swap3A_246] {strides = array<i32>} : memref<128x128xf32, #tpu.memory_space<vmem>>, vector<16xf32>,
      tpu.vector_store %arg9[%swap3A_245, %swap3A_246], %broadcast_in_dim3A_1 {strides = array<i32>} : memref<128x128xf32, #tpu.memory_space<vmem>>, vector<16xf32>,
      %swap3A_248 = arith.index_cast %add3A_238 : i32 to index
      %swap3A_249 = arith.constant 48 : index
      %swap3A_250 = tpu.vector_load %arg9[%swap3A_248, %swap3A_249] {strides = array<i32>} : memref<128x128xf32, #tpu.memory_space<vmem>>, vector<16xf32>,
      tpu.vector_store %arg9[%swap3A_248, %swap3A_249], %broadcast_in_dim3A_1 {strides = array<i32>} : memref<128x128xf32, #tpu.memory_space<vmem>>, vector<16xf32>,
      %swap3A_251 = arith.index_cast %add3A_238 : i32 to index
      %swap3A_252 = arith.constant 64 : index
      %swap3A_253 = tpu.vector_load %arg9[%swap3A_251, %swap3A_252] {strides = array<i32>} : memref<128x128xf32, #tpu.memory_space<vmem>>, vector<16xf32>,
      tpu.vector_store %arg9[%swap3A_251, %swap3A_252], %broadcast_in_dim3A_1 {strides = array<i32>} : memref<128x128xf32, #tpu.memory_space<vmem>>, vector<16xf32>,
      %swap3A_254 = arith.index_cast %add3A_238 : i32 to index
      %swap3A_255 = arith.constant 80 : index
      %swap3A_256 = tpu.vector_load %arg9[%swap3A_254, %swap3A_255] {strides = array<i32>} : memref<128x128xf32, #tpu.memory_space<vmem>>, vector<16xf32>,
      tpu.vector_store %arg9[%swap3A_254, %swap3A_255], %broadcast_in_dim3A_1 {strides = array<i32>} : memref<128x128xf32, #tpu.memory_space<vmem>>, vector<16xf32>,
      %swap3A_257 = arith.index_cast %add3A_238 : i32 to index
      %swap3A_258 = arith.constant 96 : index
      %swap3A_259 = tpu.vector_load %arg9[%swap3A_257, %swap3A_258] {strides = array<i32>} : memref<128x128xf32, #tpu.memory_space<vmem>>, vector<16xf32>,
      tpu.vector_store %arg9[%swap3A_257, %swap3A_258], %broadcast_in_dim3A_1 {strides = array<i32>} : memref<128x128xf32, #tpu.memory_space<vmem>>, vector<16xf32>,
      %swap3A_260 = arith.index_cast %add3A_238 : i32 to index
      %swap3A_261 = arith.constant 112 : index
      %swap3A_262 = tpu.vector_load %arg9[%swap3A_260, %swap3A_261] {strides = array<i32>} : memref<128x128xf32, #tpu.memory_space<vmem>>, vector<16xf32>,
      tpu.vector_store %arg9[%swap3A_260, %swap3A_261], %broadcast_in_dim3A_1 {strides = array<i32>} : memref<128x128xf32, #tpu.memory_space<vmem>>, vector<16xf32>,
    }
    %scan3A_5 = arith.constant 128 : i32
    %mul3A_6 = arith.constant 320 : i32
    %mul3A_7 = arith.muli %arg1, %mul3A_6 : i32
    %sub3A = arith.constant 8 : i32
    %sub3A_8 = arith.subi %arg1, %sub3A : i32
    %mul3A_9 = arith.constant 312 : i32
    %mul3A_10 = arith.muli %sub3A_8, %mul3A_9 : i32
    %add3A = arith.constant 2560 : i32
    %add3A_11 = arith.addi %add3A, %mul3A_10 : i32
    %lt3A = arith.constant 8 : i32
    %lt3A_12 = arith.cmpi slt, %arg1, %lt3A : i32
    %ge3A = arith.constant 8 : i32
    %ge3A_13 = arith.cmpi sge, %arg1, %ge3A : i32
    %convert_element_type3A = arith.extui %lt3A_12 : i1 to i32
    %cond3A = arith.constant 0 : i32
    %cond3A_14 = arith.cmpi ne, %convert_element_type3A, %cond3A : i32
    scf.if %cond3A_14 {
      %add3A_234 = arith.constant 0 : i32
      %add3A_235 = arith.addi %mul3A_7, %add3A_234 : i32
      "tpu.region"() ({
        %run_scoped3A_240 = tpu.sem_alloc : memref<!tpu.dma_semaphore, #tpu.memory_space<semaphore_mem>>
        %dma_start3A_241 = arith.constant 0 : i32
        %dma_start3A_242 = arith.constant 0 : i32
        %dma_start3A_243 = tpu.memref_slice %arg9[%dma_start3A_241, %dma_start3A_242] : memref<128x128xf32, #tpu.memory_space<vmem>> -> memref<128x128xf32, #tpu.memory_space<vmem>>
        %dma_start3A_244 = arith.constant 0 : i32
        %dma_start3A_245 = tpu.memref_slice %arg11[%add3A_235, %dma_start3A_244] : memref<5056x128xf32, #tpu.memory_space<vmem_shared>> -> memref<128x128xf32, #tpu.memory_space<vmem_shared>>
        %dma_start3A_246 = arith.constant 0 : i32
        %dma_start3A_247 = tpu.memref_slice %arg11[%add3A_235, %dma_start3A_246] : memref<5056x128xf32, #tpu.memory_space<vmem_shared>> -> memref<128x128xf32, #tpu.memory_space<vmem_shared>>
        %dma_start3A_248 = arith.constant 0 : i32
        %dma_start3A_249 = arith.constant 0 : i32
        %dma_start3A_250 = tpu.memref_slice %arg9[%dma_start3A_248, %dma_start3A_249] : memref<128x128xf32, #tpu.memory_space<vmem>> -> memref<128x128xf32, #tpu.memory_space<vmem>>
        tpu.enqueue_dma source(%dma_start3A_250 : memref<128x128xf32, #tpu.memory_space<vmem>>) target(%dma_start3A_247 : memref<128x128xf32, #tpu.memory_space<vmem_shared>>) target_semaphore(%run_scoped3A_240 : memref<!tpu.dma_semaphore, #tpu.memory_space<semaphore_mem>>)
        %dma_wait3A_251 = arith.constant 0 : i32
        %dma_wait3A_252 = arith.constant 0 : i32
        %dma_wait3A_253 = tpu.memref_slice %arg9[%dma_wait3A_251, %dma_wait3A_252] : memref<128x128xf32, #tpu.memory_space<vmem>> -> memref<128x128xf32, #tpu.memory_space<vmem>>
        %dma_wait3A_254 = arith.constant 0 : i32
        %dma_wait3A_255 = tpu.memref_slice %arg11[%add3A_235, %dma_wait3A_254] : memref<5056x128xf32, #tpu.memory_space<vmem_shared>> -> memref<128x128xf32, #tpu.memory_space<vmem_shared>>
        %dma_wait3A_256 = arith.constant 0 : i32
        %dma_wait3A_257 = tpu.memref_slice %arg11[%add3A_235, %dma_wait3A_256] : memref<5056x128xf32, #tpu.memory_space<vmem_shared>> -> memref<128x128xf32, #tpu.memory_space<vmem_shared>>
        %dma_wait3A_258 = arith.constant 0 : i32
        %dma_wait3A_259 = arith.constant 0 : i32
        %dma_wait3A_260 = tpu.memref_slice %arg9[%dma_wait3A_258, %dma_wait3A_259] : memref<128x128xf32, #tpu.memory_space<vmem>> -> memref<128x128xf32, #tpu.memory_space<vmem>>
        tpu.wait_dma2 semaphore(%run_scoped3A_240 : memref<!tpu.dma_semaphore, #tpu.memory_space<semaphore_mem>>) src(%dma_wait3A_260 : memref<128x128xf32, #tpu.memory_space<vmem>>) dst(%dma_wait3A_257 : memref<128x128xf32, #tpu.memory_space<vmem_shared>>)
        tpu.yield
      }) : () -> ()
      %add3A_236 = arith.constant 128 : i32
      %add3A_237 = arith.addi %mul3A_7, %add3A_236 : i32
      "tpu.region"() ({
        %run_scoped3A_240 = tpu.sem_alloc : memref<!tpu.dma_semaphore, #tpu.memory_space<semaphore_mem>>
        %dma_start3A_241 = arith.constant 0 : i32
        %dma_start3A_242 = arith.constant 0 : i32
        %dma_start3A_243 = tpu.memref_slice %arg9[%dma_start3A_241, %dma_start3A_242] : memref<128x128xf32, #tpu.memory_space<vmem>> -> memref<128x128xf32, #tpu.memory_space<vmem>>
        %dma_start3A_244 = arith.constant 0 : i32
        %dma_start3A_245 = tpu.memref_slice %arg11[%add3A_237, %dma_start3A_244] : memref<5056x128xf32, #tpu.memory_space<vmem_shared>> -> memref<128x128xf32, #tpu.memory_space<vmem_shared>>
        %dma_start3A_246 = arith.constant 0 : i32
        %dma_start3A_247 = tpu.memref_slice %arg11[%add3A_237, %dma_start3A_246] : memref<5056x128xf32, #tpu.memory_space<vmem_shared>> -> memref<128x128xf32, #tpu.memory_space<vmem_shared>>
        %dma_start3A_248 = arith.constant 0 : i32
        %dma_start3A_249 = arith.constant 0 : i32
        %dma_start3A_250 = tpu.memref_slice %arg9[%dma_start3A_248, %dma_start3A_249] : memref<128x128xf32, #tpu.memory_space<vmem>> -> memref<128x128xf32, #tpu.memory_space<vmem>>
        tpu.enqueue_dma source(%dma_start3A_250 : memref<128x128xf32, #tpu.memory_space<vmem>>) target(%dma_start3A_247 : memref<128x128xf32, #tpu.memory_space<vmem_shared>>) target_semaphore(%run_scoped3A_240 : memref<!tpu.dma_semaphore, #tpu.memory_space<semaphore_mem>>)
        %dma_wait3A_251 = arith.constant 0 : i32
        %dma_wait3A_252 = arith.constant 0 : i32
        %dma_wait3A_253 = tpu.memref_slice %arg9[%dma_wait3A_251, %dma_wait3A_252] : memref<128x128xf32, #tpu.memory_space<vmem>> -> memref<128x128xf32, #tpu.memory_space<vmem>>
        %dma_wait3A_254 = arith.constant 0 : i32
        %dma_wait3A_255 = tpu.memref_slice %arg11[%add3A_237, %dma_wait3A_254] : memref<5056x128xf32, #tpu.memory_space<vmem_shared>> -> memref<128x128xf32, #tpu.memory_space<vmem_shared>>
        %dma_wait3A_256 = arith.constant 0 : i32
        %dma_wait3A_257 = tpu.memref_slice %arg11[%add3A_237, %dma_wait3A_256] : memref<5056x128xf32, #tpu.memory_space<vmem_shared>> -> memref<128x128xf32, #tpu.memory_space<vmem_shared>>
        %dma_wait3A_258 = arith.constant 0 : i32
        %dma_wait3A_259 = arith.constant 0 : i32
        %dma_wait3A_260 = tpu.memref_slice %arg9[%dma_wait3A_258, %dma_wait3A_259] : memref<128x128xf32, #tpu.memory_space<vmem>> -> memref<128x128xf32, #tpu.memory_space<vmem>>
        tpu.wait_dma2 semaphore(%run_scoped3A_240 : memref<!tpu.dma_semaphore, #tpu.memory_space<semaphore_mem>>) src(%dma_wait3A_260 : memref<128x128xf32, #tpu.memory_space<vmem>>) dst(%dma_wait3A_257 : memref<128x128xf32, #tpu.memory_space<vmem_shared>>)
        tpu.yield
      }) : () -> ()
      %add3A_238 = arith.constant 256 : i32
      %add3A_239 = arith.addi %mul3A_7, %add3A_238 : i32
      "tpu.region"() ({
        %run_scoped3A_240 = tpu.sem_alloc : memref<!tpu.dma_semaphore, #tpu.memory_space<semaphore_mem>>
        %dma_start3A_241 = arith.constant 0 : i32
        %dma_start3A_242 = arith.constant 0 : i32
        %dma_start3A_243 = tpu.memref_slice %arg9[%dma_start3A_241, %dma_start3A_242] : memref<128x128xf32, #tpu.memory_space<vmem>> -> memref<64x128xf32, #tpu.memory_space<vmem>>
        %dma_start3A_244 = arith.constant 0 : i32
        %dma_start3A_245 = tpu.memref_slice %arg11[%add3A_239, %dma_start3A_244] : memref<5056x128xf32, #tpu.memory_space<vmem_shared>> -> memref<64x128xf32, #tpu.memory_space<vmem_shared>>
        %dma_start3A_246 = arith.constant 0 : i32
        %dma_start3A_247 = tpu.memref_slice %arg11[%add3A_239, %dma_start3A_246] : memref<5056x128xf32, #tpu.memory_space<vmem_shared>> -> memref<64x128xf32, #tpu.memory_space<vmem_shared>>
        %dma_start3A_248 = arith.constant 0 : i32
        %dma_start3A_249 = arith.constant 0 : i32
        %dma_start3A_250 = tpu.memref_slice %arg9[%dma_start3A_248, %dma_start3A_249] : memref<128x128xf32, #tpu.memory_space<vmem>> -> memref<64x128xf32, #tpu.memory_space<vmem>>
        tpu.enqueue_dma source(%dma_start3A_250 : memref<64x128xf32, #tpu.memory_space<vmem>>) target(%dma_start3A_247 : memref<64x128xf32, #tpu.memory_space<vmem_shared>>) target_semaphore(%run_scoped3A_240 : memref<!tpu.dma_semaphore, #tpu.memory_space<semaphore_mem>>)
        %dma_wait3A_251 = arith.constant 0 : i32
        %dma_wait3A_252 = arith.constant 0 : i32
        %dma_wait3A_253 = tpu.memref_slice %arg9[%dma_wait3A_251, %dma_wait3A_252] : memref<128x128xf32, #tpu.memory_space<vmem>> -> memref<64x128xf32, #tpu.memory_space<vmem>>
        %dma_wait3A_254 = arith.constant 0 : i32
        %dma_wait3A_255 = tpu.memref_slice %arg11[%add3A_239, %dma_wait3A_254] : memref<5056x128xf32, #tpu.memory_space<vmem_shared>> -> memref<64x128xf32, #tpu.memory_space<vmem_shared>>
        %dma_wait3A_256 = arith.constant 0 : i32
        %dma_wait3A_257 = tpu.memref_slice %arg11[%add3A_239, %dma_wait3A_256] : memref<5056x128xf32, #tpu.memory_space<vmem_shared>> -> memref<64x128xf32, #tpu.memory_space<vmem_shared>>
        %dma_wait3A_258 = arith.constant 0 : i32
        %dma_wait3A_259 = arith.constant 0 : i32
        %dma_wait3A_260 = tpu.memref_slice %arg9[%dma_wait3A_258, %dma_wait3A_259] : memref<128x128xf32, #tpu.memory_space<vmem>> -> memref<64x128xf32, #tpu.memory_space<vmem>>
        tpu.wait_dma2 semaphore(%run_scoped3A_240 : memref<!tpu.dma_semaphore, #tpu.memory_space<semaphore_mem>>) src(%dma_wait3A_260 : memref<64x128xf32, #tpu.memory_space<vmem>>) dst(%dma_wait3A_257 : memref<64x128xf32, #tpu.memory_space<vmem_shared>>)
        tpu.yield
      }) : () -> ()
    } else {
    }
    %convert_element_type3A_15 = arith.extui %ge3A_13 : i1 to i32
    %cond3A_16 = arith.constant 0 : i32
    %cond3A_17 = arith.cmpi ne, %convert_element_type3A_15, %cond3A_16 : i32
    scf.if %cond3A_17 {
      %add3A_234 = arith.constant 0 : i32
      %add3A_235 = arith.addi %add3A_11, %add3A_234 : i32
      "tpu.region"() ({
        %run_scoped3A_240 = tpu.sem_alloc : memref<!tpu.dma_semaphore, #tpu.memory_space<semaphore_mem>>
        %dma_start3A_241 = arith.constant 0 : i32
        %dma_start3A_242 = arith.constant 0 : i32
        %dma_start3A_243 = tpu.memref_slice %arg9[%dma_start3A_241, %dma_start3A_242] : memref<128x128xf32, #tpu.memory_space<vmem>> -> memref<128x128xf32, #tpu.memory_space<vmem>>
        %dma_start3A_244 = arith.constant 0 : i32
        %dma_start3A_245 = tpu.memref_slice %arg11[%add3A_235, %dma_start3A_244] : memref<5056x128xf32, #tpu.memory_space<vmem_shared>> -> memref<128x128xf32, #tpu.memory_space<vmem_shared>>
        %dma_start3A_246 = arith.constant 0 : i32
        %dma_start3A_247 = tpu.memref_slice %arg11[%add3A_235, %dma_start3A_246] : memref<5056x128xf32, #tpu.memory_space<vmem_shared>> -> memref<128x128xf32, #tpu.memory_space<vmem_shared>>
        %dma_start3A_248 = arith.constant 0 : i32
        %dma_start3A_249 = arith.constant 0 : i32
        %dma_start3A_250 = tpu.memref_slice %arg9[%dma_start3A_248, %dma_start3A_249] : memref<128x128xf32, #tpu.memory_space<vmem>> -> memref<128x128xf32, #tpu.memory_space<vmem>>
        tpu.enqueue_dma source(%dma_start3A_250 : memref<128x128xf32, #tpu.memory_space<vmem>>) target(%dma_start3A_247 : memref<128x128xf32, #tpu.memory_space<vmem_shared>>) target_semaphore(%run_scoped3A_240 : memref<!tpu.dma_semaphore, #tpu.memory_space<semaphore_mem>>)
        %dma_wait3A_251 = arith.constant 0 : i32
        %dma_wait3A_252 = arith.constant 0 : i32
        %dma_wait3A_253 = tpu.memref_slice %arg9[%dma_wait3A_251, %dma_wait3A_252] : memref<128x128xf32, #tpu.memory_space<vmem>> -> memref<128x128xf32, #tpu.memory_space<vmem>>
        %dma_wait3A_254 = arith.constant 0 : i32
        %dma_wait3A_255 = tpu.memref_slice %arg11[%add3A_235, %dma_wait3A_254] : memref<5056x128xf32, #tpu.memory_space<vmem_shared>> -> memref<128x128xf32, #tpu.memory_space<vmem_shared>>
        %dma_wait3A_256 = arith.constant 0 : i32
        %dma_wait3A_257 = tpu.memref_slice %arg11[%add3A_235, %dma_wait3A_256] : memref<5056x128xf32, #tpu.memory_space<vmem_shared>> -> memref<128x128xf32, #tpu.memory_space<vmem_shared>>
        %dma_wait3A_258 = arith.constant 0 : i32
        %dma_wait3A_259 = arith.constant 0 : i32
        %dma_wait3A_260 = tpu.memref_slice %arg9[%dma_wait3A_258, %dma_wait3A_259] : memref<128x128xf32, #tpu.memory_space<vmem>> -> memref<128x128xf32, #tpu.memory_space<vmem>>
        tpu.wait_dma2 semaphore(%run_scoped3A_240 : memref<!tpu.dma_semaphore, #tpu.memory_space<semaphore_mem>>) src(%dma_wait3A_260 : memref<128x128xf32, #tpu.memory_space<vmem>>) dst(%dma_wait3A_257 : memref<128x128xf32, #tpu.memory_space<vmem_shared>>)
        tpu.yield
      }) : () -> ()
      %add3A_236 = arith.constant 128 : i32
      %add3A_237 = arith.addi %add3A_11, %add3A_236 : i32
      "tpu.region"() ({
        %run_scoped3A_240 = tpu.sem_alloc : memref<!tpu.dma_semaphore, #tpu.memory_space<semaphore_mem>>
        %dma_start3A_241 = arith.constant 0 : i32
        %dma_start3A_242 = arith.constant 0 : i32
        %dma_start3A_243 = tpu.memref_slice %arg9[%dma_start3A_241, %dma_start3A_242] : memref<128x128xf32, #tpu.memory_space<vmem>> -> memref<128x128xf32, #tpu.memory_space<vmem>>
        %dma_start3A_244 = arith.constant 0 : i32
        %dma_start3A_245 = tpu.memref_slice %arg11[%add3A_237, %dma_start3A_244] : memref<5056x128xf32, #tpu.memory_space<vmem_shared>> -> memref<128x128xf32, #tpu.memory_space<vmem_shared>>
        %dma_start3A_246 = arith.constant 0 : i32
        %dma_start3A_247 = tpu.memref_slice %arg11[%add3A_237, %dma_start3A_246] : memref<5056x128xf32, #tpu.memory_space<vmem_shared>> -> memref<128x128xf32, #tpu.memory_space<vmem_shared>>
        %dma_start3A_248 = arith.constant 0 : i32
        %dma_start3A_249 = arith.constant 0 : i32
        %dma_start3A_250 = tpu.memref_slice %arg9[%dma_start3A_248, %dma_start3A_249] : memref<128x128xf32, #tpu.memory_space<vmem>> -> memref<128x128xf32, #tpu.memory_space<vmem>>
        tpu.enqueue_dma source(%dma_start3A_250 : memref<128x128xf32, #tpu.memory_space<vmem>>) target(%dma_start3A_247 : memref<128x128xf32, #tpu.memory_space<vmem_shared>>) target_semaphore(%run_scoped3A_240 : memref<!tpu.dma_semaphore, #tpu.memory_space<semaphore_mem>>)
        %dma_wait3A_251 = arith.constant 0 : i32
        %dma_wait3A_252 = arith.constant 0 : i32
        %dma_wait3A_253 = tpu.memref_slice %arg9[%dma_wait3A_251, %dma_wait3A_252] : memref<128x128xf32, #tpu.memory_space<vmem>> -> memref<128x128xf32, #tpu.memory_space<vmem>>
        %dma_wait3A_254 = arith.constant 0 : i32
        %dma_wait3A_255 = tpu.memref_slice %arg11[%add3A_237, %dma_wait3A_254] : memref<5056x128xf32, #tpu.memory_space<vmem_shared>> -> memref<128x128xf32, #tpu.memory_space<vmem_shared>>
        %dma_wait3A_256 = arith.constant 0 : i32
        %dma_wait3A_257 = tpu.memref_slice %arg11[%add3A_237, %dma_wait3A_256] : memref<5056x128xf32, #tpu.memory_space<vmem_shared>> -> memref<128x128xf32, #tpu.memory_space<vmem_shared>>
        %dma_wait3A_258 = arith.constant 0 : i32
        %dma_wait3A_259 = arith.constant 0 : i32
        %dma_wait3A_260 = tpu.memref_slice %arg9[%dma_wait3A_258, %dma_wait3A_259] : memref<128x128xf32, #tpu.memory_space<vmem>> -> memref<128x128xf32, #tpu.memory_space<vmem>>
        tpu.wait_dma2 semaphore(%run_scoped3A_240 : memref<!tpu.dma_semaphore, #tpu.memory_space<semaphore_mem>>) src(%dma_wait3A_260 : memref<128x128xf32, #tpu.memory_space<vmem>>) dst(%dma_wait3A_257 : memref<128x128xf32, #tpu.memory_space<vmem_shared>>)
        tpu.yield
      }) : () -> ()
      %add3A_238 = arith.constant 256 : i32
      %add3A_239 = arith.addi %add3A_11, %add3A_238 : i32
      "tpu.region"() ({
        %run_scoped3A_240 = tpu.sem_alloc : memref<!tpu.dma_semaphore, #tpu.memory_space<semaphore_mem>>
        %dma_start3A_241 = arith.constant 0 : i32
        %dma_start3A_242 = arith.constant 0 : i32
        %dma_start3A_243 = tpu.memref_slice %arg9[%dma_start3A_241, %dma_start3A_242] : memref<128x128xf32, #tpu.memory_space<vmem>> -> memref<56x128xf32, #tpu.memory_space<vmem>>
        %dma_start3A_244 = arith.constant 0 : i32
        %dma_start3A_245 = tpu.memref_slice %arg11[%add3A_239, %dma_start3A_244] : memref<5056x128xf32, #tpu.memory_space<vmem_shared>> -> memref<56x128xf32, #tpu.memory_space<vmem_shared>>
        %dma_start3A_246 = arith.constant 0 : i32
        %dma_start3A_247 = tpu.memref_slice %arg11[%add3A_239, %dma_start3A_246] : memref<5056x128xf32, #tpu.memory_space<vmem_shared>> -> memref<56x128xf32, #tpu.memory_space<vmem_shared>>
        %dma_start3A_248 = arith.constant 0 : i32
        %dma_start3A_249 = arith.constant 0 : i32
        %dma_start3A_250 = tpu.memref_slice %arg9[%dma_start3A_248, %dma_start3A_249] : memref<128x128xf32, #tpu.memory_space<vmem>> -> memref<56x128xf32, #tpu.memory_space<vmem>>
        tpu.enqueue_dma source(%dma_start3A_250 : memref<56x128xf32, #tpu.memory_space<vmem>>) target(%dma_start3A_247 : memref<56x128xf32, #tpu.memory_space<vmem_shared>>) target_semaphore(%run_scoped3A_240 : memref<!tpu.dma_semaphore, #tpu.memory_space<semaphore_mem>>)
        %dma_wait3A_251 = arith.constant 0 : i32
        %dma_wait3A_252 = arith.constant 0 : i32
        %dma_wait3A_253 = tpu.memref_slice %arg9[%dma_wait3A_251, %dma_wait3A_252] : memref<128x128xf32, #tpu.memory_space<vmem>> -> memref<56x128xf32, #tpu.memory_space<vmem>>
        %dma_wait3A_254 = arith.constant 0 : i32
        %dma_wait3A_255 = tpu.memref_slice %arg11[%add3A_239, %dma_wait3A_254] : memref<5056x128xf32, #tpu.memory_space<vmem_shared>> -> memref<56x128xf32, #tpu.memory_space<vmem_shared>>
        %dma_wait3A_256 = arith.constant 0 : i32
        %dma_wait3A_257 = tpu.memref_slice %arg11[%add3A_239, %dma_wait3A_256] : memref<5056x128xf32, #tpu.memory_space<vmem_shared>> -> memref<56x128xf32, #tpu.memory_space<vmem_shared>>
        %dma_wait3A_258 = arith.constant 0 : i32
        %dma_wait3A_259 = arith.constant 0 : i32
        %dma_wait3A_260 = tpu.memref_slice %arg9[%dma_wait3A_258, %dma_wait3A_259] : memref<128x128xf32, #tpu.memory_space<vmem>> -> memref<56x128xf32, #tpu.memory_space<vmem>>
        tpu.wait_dma2 semaphore(%run_scoped3A_240 : memref<!tpu.dma_semaphore, #tpu.memory_space<semaphore_mem>>) src(%dma_wait3A_260 : memref<56x128xf32, #tpu.memory_space<vmem>>) dst(%dma_wait3A_257 : memref<56x128xf32, #tpu.memory_space<vmem_shared>>)
        tpu.yield
      }) : () -> ()
    } else {
    }
    %barrier3A = arith.constant 0 : index
    tpu.barrier barrier_id(%barrier3A)
    %mul3A_18 = arith.constant 5055 : i32
    %mul3A_19 = arith.muli %arg0, %mul3A_18 : i32
    %dma_start3A = arith.constant 0 : i32
    %dma_start3A_20 = arith.constant 0 : i32
    %dma_start3A_21 = arith.constant 0 : i32
    %dma_start3A_22 = arith.constant 0 : i32
    %dma_start3A_23 = tpu.memref_slice %arg8[%dma_start3A_20, %dma_start3A_21, %dma_start3A_22] : memref<2x128x128xf32, #tpu.memory_space<vmem>> -> memref<1x128x128xf32, #tpu.memory_space<vmem>>
    %dma_start3A_24 = tpu.memref_squeeze %dma_start3A_23 : memref<1x128x128xf32, #tpu.memory_space<vmem>> -> memref<128x128xf32, #tpu.memory_space<vmem>>
    %dma_start3A_25 = arith.constant 0 : i32
    %dma_start3A_26 = tpu.memref_slice %arg6[%dma_start3A, %dma_start3A_25] : memref<157x128xi32, #tpu.memory_space<vmem>> -> memref<1x128xi32, #tpu.memory_space<vmem>>
    %dma_start3A_27 = tpu.memref_squeeze %dma_start3A_26 : memref<1x128xi32, #tpu.memory_space<vmem>> -> memref<128xi32, #tpu.memory_space<vmem>>
    %dma_start3A_28 = arith.constant 0 : i32
    %dma_start3A_29 = arith.constant 0 : i32
    %dma_start3A_30 = tpu.memref_slice %arg2[%dma_start3A_28, %dma_start3A_29] : memref<10112x128xf32, #tpu.memory_space<hbm>> -> memref<10112x128xf32, #tpu.memory_space<hbm>>
    tpu.enqueue_indirect_dma source(%dma_start3A_30 : memref<10112x128xf32, #tpu.memory_space<hbm>>) target(%dma_start3A_24 : memref<128x128xf32, #tpu.memory_space<vmem>>) offsets(%dma_start3A_27 : memref<128xi32, #tpu.memory_space<vmem>>) semaphore(%arg12 : memref<!tpu.dma_semaphore, #tpu.memory_space<semaphore_mem>>)
    %scan3A_31 = arith.constant 0 : i32
    %scan3A_32 = arith.constant 78 : i32
    %scan3A_33 = arith.addi %scan3A_31, %scan3A_32 : i32
    %scan3A_34 = arith.constant 1 : i32
    scf.for %scan3A_234 = %scan3A_31 to %scan3A_33 step %scan3A_34  : i32 {
      %mul3A_235 = arith.constant 1 : i32
      %mul3A_236 = arith.muli %scan3A_234, %mul3A_235 : i32
      %add3A_237 = arith.constant 0 : i32
      %add3A_238 = arith.addi %add3A_237, %mul3A_236 : i32
      %mul3A_239 = arith.constant 2 : i32
      %mul3A_240 = arith.muli %add3A_238, %mul3A_239 : i32
      %add3A_241 = arith.constant 1 : i32
      %add3A_242 = arith.addi %mul3A_240, %add3A_241 : i32
      %dma_start3A_243 = arith.constant 1 : i32
      %dma_start3A_244 = arith.constant 0 : i32
      %dma_start3A_245 = arith.constant 0 : i32
      %dma_start3A_246 = tpu.memref_slice %arg8[%dma_start3A_243, %dma_start3A_244, %dma_start3A_245] : memref<2x128x128xf32, #tpu.memory_space<vmem>> -> memref<1x128x128xf32, #tpu.memory_space<vmem>>
      %dma_start3A_247 = tpu.memref_squeeze %dma_start3A_246 : memref<1x128x128xf32, #tpu.memory_space<vmem>> -> memref<128x128xf32, #tpu.memory_space<vmem>>
      %dma_start3A_248 = arith.constant 0 : i32
      %dma_start3A_249 = tpu.memref_slice %arg6[%add3A_242, %dma_start3A_248] : memref<157x128xi32, #tpu.memory_space<vmem>> -> memref<1x128xi32, #tpu.memory_space<vmem>>
      %dma_start3A_250 = tpu.memref_squeeze %dma_start3A_249 : memref<1x128xi32, #tpu.memory_space<vmem>> -> memref<128xi32, #tpu.memory_space<vmem>>
      %dma_start3A_251 = arith.constant 0 : i32
      %dma_start3A_252 = arith.constant 0 : i32
      %dma_start3A_253 = tpu.memref_slice %arg2[%dma_start3A_251, %dma_start3A_252] : memref<10112x128xf32, #tpu.memory_space<hbm>> -> memref<10112x128xf32, #tpu.memory_space<hbm>>
      tpu.enqueue_indirect_dma source(%dma_start3A_253 : memref<10112x128xf32, #tpu.memory_space<hbm>>) target(%dma_start3A_247 : memref<128x128xf32, #tpu.memory_space<vmem>>) offsets(%dma_start3A_250 : memref<128xi32, #tpu.memory_space<vmem>>) semaphore(%arg13 : memref<!tpu.dma_semaphore, #tpu.memory_space<semaphore_mem>>)
      %get3A_254 = arith.index_cast %mul3A_240 : i32 to index
      %get3A_255 = arith.constant 0 : index
      %get3A_256 = tpu.vector_load %arg7[%get3A_254, %get3A_255] {strides = array<i32>} : memref<157x128xi32, #tpu.memory_space<vmem>>, vector<16xi32>,
      %sub3A_257 = vector.broadcast %mul3A_0 : i32 to vector<16xi32>
      %sub3A_258 = arith.subi %get3A_256, %sub3A_257 : vector<16xi32>
      %ge3A_259 = arith.constant 0 : i32
      %ge3A_260 = vector.broadcast %ge3A_259 : i32 to vector<16xi32>
      %ge3A_261 = arith.cmpi sge, %sub3A_258, %ge3A_260 : vector<16xi32>
      %lt3A_262 = arith.constant 5056 : i32
      %lt3A_263 = vector.broadcast %lt3A_262 : i32 to vector<16xi32>
      %lt3A_264 = arith.cmpi slt, %sub3A_258, %lt3A_263 : vector<16xi32>
      %and3A_265 = arith.andi %ge3A_261, %lt3A_264 : vector<16xi1>
      %broadcast_in_dim3A_266 = vector.broadcast %mul3A_19 : i32 to vector<16xi32>
      %select_n3A_267 = arith.select %and3A_265, %sub3A_258, %broadcast_in_dim3A_266 : vector<16xi1>, vector<16xi32>
      %swap3A_268 = arith.constant 0 : i32
      %swap3A_269 = arith.constant 0 : i32
      %swap3A_270 = tpu.memref_slice %arg10[%swap3A_268, %swap3A_269] : memref<2x128xi32, #tpu.memory_space<vmem>> -> memref<1x128xi32, #tpu.memory_space<vmem>>
      %swap3A_271 = tpu.memref_squeeze %swap3A_270 : memref<1x128xi32, #tpu.memory_space<vmem>> -> memref<128xi32, #tpu.memory_space<vmem>>
      %swap3A_272 = arith.constant 0 : index
      %swap3A_273 = tpu.vector_load %swap3A_271[%swap3A_272] {strides = array<i32>} : memref<128xi32, #tpu.memory_space<vmem>>, vector<16xi32>,
      tpu.vector_store %swap3A_271[%swap3A_272], %select_n3A_267 {strides = array<i32>} : memref<128xi32, #tpu.memory_space<vmem>>, vector<16xi32>,
      %get3A_274 = arith.index_cast %mul3A_240 : i32 to index
      %get3A_275 = arith.constant 16 : index
      %get3A_276 = tpu.vector_load %arg7[%get3A_274, %get3A_275] {strides = array<i32>} : memref<157x128xi32, #tpu.memory_space<vmem>>, vector<16xi32>,
      %sub3A_277 = vector.broadcast %mul3A_0 : i32 to vector<16xi32>
      %sub3A_278 = arith.subi %get3A_276, %sub3A_277 : vector<16xi32>
      %ge3A_279 = arith.constant 0 : i32
      %ge3A_280 = vector.broadcast %ge3A_279 : i32 to vector<16xi32>
      %ge3A_281 = arith.cmpi sge, %sub3A_278, %ge3A_280 : vector<16xi32>
      %lt3A_282 = arith.constant 5056 : i32
      %lt3A_283 = vector.broadcast %lt3A_282 : i32 to vector<16xi32>
      %lt3A_284 = arith.cmpi slt, %sub3A_278, %lt3A_283 : vector<16xi32>
      %and3A_285 = arith.andi %ge3A_281, %lt3A_284 : vector<16xi1>
      %broadcast_in_dim3A_286 = vector.broadcast %mul3A_19 : i32 to vector<16xi32>
      %select_n3A_287 = arith.select %and3A_285, %sub3A_278, %broadcast_in_dim3A_286 : vector<16xi1>, vector<16xi32>
      %swap3A_288 = arith.constant 0 : i32
      %swap3A_289 = arith.constant 0 : i32
      %swap3A_290 = tpu.memref_slice %arg10[%swap3A_288, %swap3A_289] : memref<2x128xi32, #tpu.memory_space<vmem>> -> memref<1x128xi32, #tpu.memory_space<vmem>>
      %swap3A_291 = tpu.memref_squeeze %swap3A_290 : memref<1x128xi32, #tpu.memory_space<vmem>> -> memref<128xi32, #tpu.memory_space<vmem>>
      %swap3A_292 = arith.constant 16 : index
      %swap3A_293 = tpu.vector_load %swap3A_291[%swap3A_292] {strides = array<i32>} : memref<128xi32, #tpu.memory_space<vmem>>, vector<16xi32>,
      tpu.vector_store %swap3A_291[%swap3A_292], %select_n3A_287 {strides = array<i32>} : memref<128xi32, #tpu.memory_space<vmem>>, vector<16xi32>,
      %get3A_294 = arith.index_cast %mul3A_240 : i32 to index
      %get3A_295 = arith.constant 32 : index
      %get3A_296 = tpu.vector_load %arg7[%get3A_294, %get3A_295] {strides = array<i32>} : memref<157x128xi32, #tpu.memory_space<vmem>>, vector<16xi32>,
      %sub3A_297 = vector.broadcast %mul3A_0 : i32 to vector<16xi32>
      %sub3A_298 = arith.subi %get3A_296, %sub3A_297 : vector<16xi32>
      %ge3A_299 = arith.constant 0 : i32
      %ge3A_300 = vector.broadcast %ge3A_299 : i32 to vector<16xi32>
      %ge3A_301 = arith.cmpi sge, %sub3A_298, %ge3A_300 : vector<16xi32>
      %lt3A_302 = arith.constant 5056 : i32
      %lt3A_303 = vector.broadcast %lt3A_302 : i32 to vector<16xi32>
      %lt3A_304 = arith.cmpi slt, %sub3A_298, %lt3A_303 : vector<16xi32>
      %and3A_305 = arith.andi %ge3A_301, %lt3A_304 : vector<16xi1>
      %broadcast_in_dim3A_306 = vector.broadcast %mul3A_19 : i32 to vector<16xi32>
      %select_n3A_307 = arith.select %and3A_305, %sub3A_298, %broadcast_in_dim3A_306 : vector<16xi1>, vector<16xi32>
      %swap3A_308 = arith.constant 0 : i32
      %swap3A_309 = arith.constant 0 : i32
      %swap3A_310 = tpu.memref_slice %arg10[%swap3A_308, %swap3A_309] : memref<2x128xi32, #tpu.memory_space<vmem>> -> memref<1x128xi32, #tpu.memory_space<vmem>>
      %swap3A_311 = tpu.memref_squeeze %swap3A_310 : memref<1x128xi32, #tpu.memory_space<vmem>> -> memref<128xi32, #tpu.memory_space<vmem>>
      %swap3A_312 = arith.constant 32 : index
      %swap3A_313 = tpu.vector_load %swap3A_311[%swap3A_312] {strides = array<i32>} : memref<128xi32, #tpu.memory_space<vmem>>, vector<16xi32>,
      tpu.vector_store %swap3A_311[%swap3A_312], %select_n3A_307 {strides = array<i32>} : memref<128xi32, #tpu.memory_space<vmem>>, vector<16xi32>,
      %get3A_314 = arith.index_cast %mul3A_240 : i32 to index
      %get3A_315 = arith.constant 48 : index
      %get3A_316 = tpu.vector_load %arg7[%get3A_314, %get3A_315] {strides = array<i32>} : memref<157x128xi32, #tpu.memory_space<vmem>>, vector<16xi32>,
      %sub3A_317 = vector.broadcast %mul3A_0 : i32 to vector<16xi32>
      %sub3A_318 = arith.subi %get3A_316, %sub3A_317 : vector<16xi32>
      %ge3A_319 = arith.constant 0 : i32
      %ge3A_320 = vector.broadcast %ge3A_319 : i32 to vector<16xi32>
      %ge3A_321 = arith.cmpi sge, %sub3A_318, %ge3A_320 : vector<16xi32>
      %lt3A_322 = arith.constant 5056 : i32
      %lt3A_323 = vector.broadcast %lt3A_322 : i32 to vector<16xi32>
      %lt3A_324 = arith.cmpi slt, %sub3A_318, %lt3A_323 : vector<16xi32>
      %and3A_325 = arith.andi %ge3A_321, %lt3A_324 : vector<16xi1>
      %broadcast_in_dim3A_326 = vector.broadcast %mul3A_19 : i32 to vector<16xi32>
      %select_n3A_327 = arith.select %and3A_325, %sub3A_318, %broadcast_in_dim3A_326 : vector<16xi1>, vector<16xi32>
      %swap3A_328 = arith.constant 0 : i32
      %swap3A_329 = arith.constant 0 : i32
      %swap3A_330 = tpu.memref_slice %arg10[%swap3A_328, %swap3A_329] : memref<2x128xi32, #tpu.memory_space<vmem>> -> memref<1x128xi32, #tpu.memory_space<vmem>>
      %swap3A_331 = tpu.memref_squeeze %swap3A_330 : memref<1x128xi32, #tpu.memory_space<vmem>> -> memref<128xi32, #tpu.memory_space<vmem>>
      %swap3A_332 = arith.constant 48 : index
      %swap3A_333 = tpu.vector_load %swap3A_331[%swap3A_332] {strides = array<i32>} : memref<128xi32, #tpu.memory_space<vmem>>, vector<16xi32>,
      tpu.vector_store %swap3A_331[%swap3A_332], %select_n3A_327 {strides = array<i32>} : memref<128xi32, #tpu.memory_space<vmem>>, vector<16xi32>,
      %get3A_334 = arith.index_cast %mul3A_240 : i32 to index
      %get3A_335 = arith.constant 64 : index
      %get3A_336 = tpu.vector_load %arg7[%get3A_334, %get3A_335] {strides = array<i32>} : memref<157x128xi32, #tpu.memory_space<vmem>>, vector<16xi32>,
      %sub3A_337 = vector.broadcast %mul3A_0 : i32 to vector<16xi32>
      %sub3A_338 = arith.subi %get3A_336, %sub3A_337 : vector<16xi32>
      %ge3A_339 = arith.constant 0 : i32
      %ge3A_340 = vector.broadcast %ge3A_339 : i32 to vector<16xi32>
      %ge3A_341 = arith.cmpi sge, %sub3A_338, %ge3A_340 : vector<16xi32>
      %lt3A_342 = arith.constant 5056 : i32
      %lt3A_343 = vector.broadcast %lt3A_342 : i32 to vector<16xi32>
      %lt3A_344 = arith.cmpi slt, %sub3A_338, %lt3A_343 : vector<16xi32>
      %and3A_345 = arith.andi %ge3A_341, %lt3A_344 : vector<16xi1>
      %broadcast_in_dim3A_346 = vector.broadcast %mul3A_19 : i32 to vector<16xi32>
      %select_n3A_347 = arith.select %and3A_345, %sub3A_338, %broadcast_in_dim3A_346 : vector<16xi1>, vector<16xi32>
      %swap3A_348 = arith.constant 0 : i32
      %swap3A_349 = arith.constant 0 : i32
      %swap3A_350 = tpu.memref_slice %arg10[%swap3A_348, %swap3A_349] : memref<2x128xi32, #tpu.memory_space<vmem>> -> memref<1x128xi32, #tpu.memory_space<vmem>>
      %swap3A_351 = tpu.memref_squeeze %swap3A_350 : memref<1x128xi32, #tpu.memory_space<vmem>> -> memref<128xi32, #tpu.memory_space<vmem>>
      %swap3A_352 = arith.constant 64 : index
      %swap3A_353 = tpu.vector_load %swap3A_351[%swap3A_352] {strides = array<i32>} : memref<128xi32, #tpu.memory_space<vmem>>, vector<16xi32>,
      tpu.vector_store %swap3A_351[%swap3A_352], %select_n3A_347 {strides = array<i32>} : memref<128xi32, #tpu.memory_space<vmem>>, vector<16xi32>,
      %get3A_354 = arith.index_cast %mul3A_240 : i32 to index
      %get3A_355 = arith.constant 80 : index
      %get3A_356 = tpu.vector_load %arg7[%get3A_354, %get3A_355] {strides = array<i32>} : memref<157x128xi32, #tpu.memory_space<vmem>>, vector<16xi32>,
      %sub3A_357 = vector.broadcast %mul3A_0 : i32 to vector<16xi32>
      %sub3A_358 = arith.subi %get3A_356, %sub3A_357 : vector<16xi32>
      %ge3A_359 = arith.constant 0 : i32
      %ge3A_360 = vector.broadcast %ge3A_359 : i32 to vector<16xi32>
      %ge3A_361 = arith.cmpi sge, %sub3A_358, %ge3A_360 : vector<16xi32>
      %lt3A_362 = arith.constant 5056 : i32
      %lt3A_363 = vector.broadcast %lt3A_362 : i32 to vector<16xi32>
      %lt3A_364 = arith.cmpi slt, %sub3A_358, %lt3A_363 : vector<16xi32>
      %and3A_365 = arith.andi %ge3A_361, %lt3A_364 : vector<16xi1>
      %broadcast_in_dim3A_366 = vector.broadcast %mul3A_19 : i32 to vector<16xi32>
      %select_n3A_367 = arith.select %and3A_365, %sub3A_358, %broadcast_in_dim3A_366 : vector<16xi1>, vector<16xi32>
      %swap3A_368 = arith.constant 0 : i32
      %swap3A_369 = arith.constant 0 : i32
      %swap3A_370 = tpu.memref_slice %arg10[%swap3A_368, %swap3A_369] : memref<2x128xi32, #tpu.memory_space<vmem>> -> memref<1x128xi32, #tpu.memory_space<vmem>>
      %swap3A_371 = tpu.memref_squeeze %swap3A_370 : memref<1x128xi32, #tpu.memory_space<vmem>> -> memref<128xi32, #tpu.memory_space<vmem>>
      %swap3A_372 = arith.constant 80 : index
      %swap3A_373 = tpu.vector_load %swap3A_371[%swap3A_372] {strides = array<i32>} : memref<128xi32, #tpu.memory_space<vmem>>, vector<16xi32>,
      tpu.vector_store %swap3A_371[%swap3A_372], %select_n3A_367 {strides = array<i32>} : memref<128xi32, #tpu.memory_space<vmem>>, vector<16xi32>,
      %get3A_374 = arith.index_cast %mul3A_240 : i32 to index
      %get3A_375 = arith.constant 96 : index
      %get3A_376 = tpu.vector_load %arg7[%get3A_374, %get3A_375] {strides = array<i32>} : memref<157x128xi32, #tpu.memory_space<vmem>>, vector<16xi32>,
      %sub3A_377 = vector.broadcast %mul3A_0 : i32 to vector<16xi32>
      %sub3A_378 = arith.subi %get3A_376, %sub3A_377 : vector<16xi32>
      %ge3A_379 = arith.constant 0 : i32
      %ge3A_380 = vector.broadcast %ge3A_379 : i32 to vector<16xi32>
      %ge3A_381 = arith.cmpi sge, %sub3A_378, %ge3A_380 : vector<16xi32>
      %lt3A_382 = arith.constant 5056 : i32
      %lt3A_383 = vector.broadcast %lt3A_382 : i32 to vector<16xi32>
      %lt3A_384 = arith.cmpi slt, %sub3A_378, %lt3A_383 : vector<16xi32>
      %and3A_385 = arith.andi %ge3A_381, %lt3A_384 : vector<16xi1>
      %broadcast_in_dim3A_386 = vector.broadcast %mul3A_19 : i32 to vector<16xi32>
      %select_n3A_387 = arith.select %and3A_385, %sub3A_378, %broadcast_in_dim3A_386 : vector<16xi1>, vector<16xi32>
      %swap3A_388 = arith.constant 0 : i32
      %swap3A_389 = arith.constant 0 : i32
      %swap3A_390 = tpu.memref_slice %arg10[%swap3A_388, %swap3A_389] : memref<2x128xi32, #tpu.memory_space<vmem>> -> memref<1x128xi32, #tpu.memory_space<vmem>>
      %swap3A_391 = tpu.memref_squeeze %swap3A_390 : memref<1x128xi32, #tpu.memory_space<vmem>> -> memref<128xi32, #tpu.memory_space<vmem>>
      %swap3A_392 = arith.constant 96 : index
      %swap3A_393 = tpu.vector_load %swap3A_391[%swap3A_392] {strides = array<i32>} : memref<128xi32, #tpu.memory_space<vmem>>, vector<16xi32>,
      tpu.vector_store %swap3A_391[%swap3A_392], %select_n3A_387 {strides = array<i32>} : memref<128xi32, #tpu.memory_space<vmem>>, vector<16xi32>,
      %get3A_394 = arith.index_cast %mul3A_240 : i32 to index
      %get3A_395 = arith.constant 112 : index
      %get3A_396 = tpu.vector_load %arg7[%get3A_394, %get3A_395] {strides = array<i32>} : memref<157x128xi32, #tpu.memory_space<vmem>>, vector<16xi32>,
      %sub3A_397 = vector.broadcast %mul3A_0 : i32 to vector<16xi32>
      %sub3A_398 = arith.subi %get3A_396, %sub3A_397 : vector<16xi32>
      %ge3A_399 = arith.constant 0 : i32
      %ge3A_400 = vector.broadcast %ge3A_399 : i32 to vector<16xi32>
      %ge3A_401 = arith.cmpi sge, %sub3A_398, %ge3A_400 : vector<16xi32>
      %lt3A_402 = arith.constant 5056 : i32
      %lt3A_403 = vector.broadcast %lt3A_402 : i32 to vector<16xi32>
      %lt3A_404 = arith.cmpi slt, %sub3A_398, %lt3A_403 : vector<16xi32>
      %and3A_405 = arith.andi %ge3A_401, %lt3A_404 : vector<16xi1>
      %broadcast_in_dim3A_406 = vector.broadcast %mul3A_19 : i32 to vector<16xi32>
      %select_n3A_407 = arith.select %and3A_405, %sub3A_398, %broadcast_in_dim3A_406 : vector<16xi1>, vector<16xi32>
      %swap3A_408 = arith.constant 0 : i32
      %swap3A_409 = arith.constant 0 : i32
      %swap3A_410 = tpu.memref_slice %arg10[%swap3A_408, %swap3A_409] : memref<2x128xi32, #tpu.memory_space<vmem>> -> memref<1x128xi32, #tpu.memory_space<vmem>>
      %swap3A_411 = tpu.memref_squeeze %swap3A_410 : memref<1x128xi32, #tpu.memory_space<vmem>> -> memref<128xi32, #tpu.memory_space<vmem>>
      %swap3A_412 = arith.constant 112 : index
      %swap3A_413 = tpu.vector_load %swap3A_411[%swap3A_412] {strides = array<i32>} : memref<128xi32, #tpu.memory_space<vmem>>, vector<16xi32>,
      tpu.vector_store %swap3A_411[%swap3A_412], %select_n3A_407 {strides = array<i32>} : memref<128xi32, #tpu.memory_space<vmem>>, vector<16xi32>,
      %dma_wait3A_414 = arith.constant 0 : i32
      %dma_wait3A_415 = arith.constant 0 : i32
      %dma_wait3A_416 = arith.constant 0 : i32
      %dma_wait3A_417 = tpu.memref_slice %arg8[%dma_wait3A_414, %dma_wait3A_415, %dma_wait3A_416] : memref<2x128x128xf32, #tpu.memory_space<vmem>> -> memref<1x128x128xf32, #tpu.memory_space<vmem>>
      %dma_wait3A_418 = tpu.memref_squeeze %dma_wait3A_417 : memref<1x128x128xf32, #tpu.memory_space<vmem>> -> memref<128x128xf32, #tpu.memory_space<vmem>>
      %dma_wait3A_419 = arith.constant 0 : i32
      %dma_wait3A_420 = arith.constant 0 : i32
      %dma_wait3A_421 = tpu.memref_slice %arg2[%dma_wait3A_419, %dma_wait3A_420] : memref<10112x128xf32, #tpu.memory_space<hbm>> -> memref<128x128xf32, #tpu.memory_space<hbm>>
      %dma_wait3A_422 = arith.constant 0 : i32
      %dma_wait3A_423 = arith.constant 0 : i32
      %dma_wait3A_424 = tpu.memref_slice %arg8[%dma_wait3A_414, %dma_wait3A_422, %dma_wait3A_423] : memref<2x128x128xf32, #tpu.memory_space<vmem>> -> memref<1x128x128xf32, #tpu.memory_space<vmem>>
      %dma_wait3A_425 = tpu.memref_squeeze %dma_wait3A_424 : memref<1x128x128xf32, #tpu.memory_space<vmem>> -> memref<128x128xf32, #tpu.memory_space<vmem>>
      %dma_wait3A_426 = arith.constant 0 : i32
      %dma_wait3A_427 = arith.constant 0 : i32
      %dma_wait3A_428 = tpu.memref_slice %arg2[%dma_wait3A_426, %dma_wait3A_427] : memref<10112x128xf32, #tpu.memory_space<hbm>> -> memref<128x128xf32, #tpu.memory_space<hbm>>
      tpu.wait_dma2 semaphore(%arg12 : memref<!tpu.dma_semaphore, #tpu.memory_space<semaphore_mem>>) src(%dma_wait3A_428 : memref<128x128xf32, #tpu.memory_space<hbm>>) dst(%dma_wait3A_425 : memref<128x128xf32, #tpu.memory_space<vmem>>)
      %run_scoped3A_429 = arith.constant 0 : i32
      %run_scoped3A_430 = arith.constant 0 : i32
      "tpu.region"() ({
        %run_scoped3A_623 = tpu.sem_alloc : memref<!tpu.dma_semaphore, #tpu.memory_space<semaphore_mem>>
        %dma_start3A_624 = arith.constant 0 : i32
        %dma_start3A_625 = arith.constant 0 : i32
        %dma_start3A_626 = tpu.memref_slice %arg8[%run_scoped3A_429, %dma_start3A_624, %dma_start3A_625] : memref<2x128x128xf32, #tpu.memory_space<vmem>> -> memref<1x128x128xf32, #tpu.memory_space<vmem>>
        %dma_start3A_627 = tpu.memref_squeeze %dma_start3A_626 : memref<1x128x128xf32, #tpu.memory_space<vmem>> -> memref<128x128xf32, #tpu.memory_space<vmem>>
        %dma_start3A_628 = arith.constant 0 : i32
        %dma_start3A_629 = tpu.memref_slice %arg10[%run_scoped3A_430, %dma_start3A_628] : memref<2x128xi32, #tpu.memory_space<vmem>> -> memref<1x128xi32, #tpu.memory_space<vmem>>
        %dma_start3A_630 = tpu.memref_squeeze %dma_start3A_629 : memref<1x128xi32, #tpu.memory_space<vmem>> -> memref<128xi32, #tpu.memory_space<vmem>>
        %dma_start3A_631 = arith.constant 0 : i32
        %dma_start3A_632 = arith.constant 0 : i32
        %dma_start3A_633 = tpu.memref_slice %arg11[%dma_start3A_631, %dma_start3A_632] : memref<5056x128xf32, #tpu.memory_space<vmem_shared>> -> memref<5056x128xf32, #tpu.memory_space<vmem_shared>>
        tpu.enqueue_indirect_dma source(%dma_start3A_627 : memref<128x128xf32, #tpu.memory_space<vmem>>) target(%dma_start3A_633 : memref<5056x128xf32, #tpu.memory_space<vmem_shared>>) offsets(%dma_start3A_630 : memref<128xi32, #tpu.memory_space<vmem>>) semaphore(%run_scoped3A_623 : memref<!tpu.dma_semaphore, #tpu.memory_space<semaphore_mem>>) {add = true}
        %dma_wait3A_634 = arith.constant 0 : i32
        %dma_wait3A_635 = arith.constant 0 : i32
        %dma_wait3A_636 = tpu.memref_slice %arg8[%run_scoped3A_429, %dma_wait3A_634, %dma_wait3A_635] : memref<2x128x128xf32, #tpu.memory_space<vmem>> -> memref<1x128x128xf32, #tpu.memory_space<vmem>>
        %dma_wait3A_637 = tpu.memref_squeeze %dma_wait3A_636 : memref<1x128x128xf32, #tpu.memory_space<vmem>> -> memref<128x128xf32, #tpu.memory_space<vmem>>
        %dma_wait3A_638 = arith.constant 0 : i32
        %dma_wait3A_639 = tpu.memref_slice %arg10[%run_scoped3A_430, %dma_wait3A_638] : memref<2x128xi32, #tpu.memory_space<vmem>> -> memref<1x128xi32, #tpu.memory_space<vmem>>
        %dma_wait3A_640 = tpu.memref_squeeze %dma_wait3A_639 : memref<1x128xi32, #tpu.memory_space<vmem>> -> memref<128xi32, #tpu.memory_space<vmem>>
        %dma_wait3A_641 = arith.constant 0 : i32
        %dma_wait3A_642 = arith.constant 0 : i32
        %dma_wait3A_643 = tpu.memref_slice %arg11[%dma_wait3A_641, %dma_wait3A_642] : memref<5056x128xf32, #tpu.memory_space<vmem_shared>> -> memref<5056x128xf32, #tpu.memory_space<vmem_shared>>
        tpu.wait_indirect_dma semaphore(%run_scoped3A_623 : memref<!tpu.dma_semaphore, #tpu.memory_space<semaphore_mem>>) src(%dma_wait3A_637 : memref<128x128xf32, #tpu.memory_space<vmem>>) dst(%dma_wait3A_643 : memref<5056x128xf32, #tpu.memory_space<vmem_shared>>)
        tpu.yield
      }) : () -> ()
      %add3A_431 = arith.constant 2 : i32
      %add3A_432 = arith.addi %mul3A_240, %add3A_431 : i32
      %dma_start3A_433 = arith.constant 0 : i32
      %dma_start3A_434 = arith.constant 0 : i32
      %dma_start3A_435 = arith.constant 0 : i32
      %dma_start3A_436 = tpu.memref_slice %arg8[%dma_start3A_433, %dma_start3A_434, %dma_start3A_435] : memref<2x128x128xf32, #tpu.memory_space<vmem>> -> memref<1x128x128xf32, #tpu.memory_space<vmem>>
      %dma_start3A_437 = tpu.memref_squeeze %dma_start3A_436 : memref<1x128x128xf32, #tpu.memory_space<vmem>> -> memref<128x128xf32, #tpu.memory_space<vmem>>
      %dma_start3A_438 = arith.constant 0 : i32
      %dma_start3A_439 = tpu.memref_slice %arg6[%add3A_432, %dma_start3A_438] : memref<157x128xi32, #tpu.memory_space<vmem>> -> memref<1x128xi32, #tpu.memory_space<vmem>>
      %dma_start3A_440 = tpu.memref_squeeze %dma_start3A_439 : memref<1x128xi32, #tpu.memory_space<vmem>> -> memref<128xi32, #tpu.memory_space<vmem>>
      %dma_start3A_441 = arith.constant 0 : i32
      %dma_start3A_442 = arith.constant 0 : i32
      %dma_start3A_443 = tpu.memref_slice %arg2[%dma_start3A_441, %dma_start3A_442] : memref<10112x128xf32, #tpu.memory_space<hbm>> -> memref<10112x128xf32, #tpu.memory_space<hbm>>
      tpu.enqueue_indirect_dma source(%dma_start3A_443 : memref<10112x128xf32, #tpu.memory_space<hbm>>) target(%dma_start3A_437 : memref<128x128xf32, #tpu.memory_space<vmem>>) offsets(%dma_start3A_440 : memref<128xi32, #tpu.memory_space<vmem>>) semaphore(%arg12 : memref<!tpu.dma_semaphore, #tpu.memory_space<semaphore_mem>>)
      %add3A_444 = arith.constant 1 : i32
      %add3A_445 = arith.addi %mul3A_240, %add3A_444 : i32
      %get3A_446 = arith.index_cast %add3A_445 : i32 to index
      %get3A_447 = arith.constant 0 : index
      %get3A_448 = tpu.vector_load %arg7[%get3A_446, %get3A_447] {strides = array<i32>} : memref<157x128xi32, #tpu.memory_space<vmem>>, vector<16xi32>,
      %sub3A_449 = vector.broadcast %mul3A_0 : i32 to vector<16xi32>
      %sub3A_450 = arith.subi %get3A_448, %sub3A_449 : vector<16xi32>
      %ge3A_451 = arith.constant 0 : i32
      %ge3A_452 = vector.broadcast %ge3A_451 : i32 to vector<16xi32>
      %ge3A_453 = arith.cmpi sge, %sub3A_450, %ge3A_452 : vector<16xi32>
      %lt3A_454 = arith.constant 5056 : i32
      %lt3A_455 = vector.broadcast %lt3A_454 : i32 to vector<16xi32>
      %lt3A_456 = arith.cmpi slt, %sub3A_450, %lt3A_455 : vector<16xi32>
      %and3A_457 = arith.andi %ge3A_453, %lt3A_456 : vector<16xi1>
      %broadcast_in_dim3A_458 = vector.broadcast %mul3A_19 : i32 to vector<16xi32>
      %select_n3A_459 = arith.select %and3A_457, %sub3A_450, %broadcast_in_dim3A_458 : vector<16xi1>, vector<16xi32>
      %swap3A_460 = arith.constant 1 : i32
      %swap3A_461 = arith.constant 0 : i32
      %swap3A_462 = tpu.memref_slice %arg10[%swap3A_460, %swap3A_461] : memref<2x128xi32, #tpu.memory_space<vmem>> -> memref<1x128xi32, #tpu.memory_space<vmem>>
      %swap3A_463 = tpu.memref_squeeze %swap3A_462 : memref<1x128xi32, #tpu.memory_space<vmem>> -> memref<128xi32, #tpu.memory_space<vmem>>
      %swap3A_464 = arith.constant 0 : index
      %swap3A_465 = tpu.vector_load %swap3A_463[%swap3A_464] {strides = array<i32>} : memref<128xi32, #tpu.memory_space<vmem>>, vector<16xi32>,
      tpu.vector_store %swap3A_463[%swap3A_464], %select_n3A_459 {strides = array<i32>} : memref<128xi32, #tpu.memory_space<vmem>>, vector<16xi32>,
      %get3A_466 = arith.index_cast %add3A_445 : i32 to index
      %get3A_467 = arith.constant 16 : index
      %get3A_468 = tpu.vector_load %arg7[%get3A_466, %get3A_467] {strides = array<i32>} : memref<157x128xi32, #tpu.memory_space<vmem>>, vector<16xi32>,
      %sub3A_469 = vector.broadcast %mul3A_0 : i32 to vector<16xi32>
      %sub3A_470 = arith.subi %get3A_468, %sub3A_469 : vector<16xi32>
      %ge3A_471 = arith.constant 0 : i32
      %ge3A_472 = vector.broadcast %ge3A_471 : i32 to vector<16xi32>
      %ge3A_473 = arith.cmpi sge, %sub3A_470, %ge3A_472 : vector<16xi32>
      %lt3A_474 = arith.constant 5056 : i32
      %lt3A_475 = vector.broadcast %lt3A_474 : i32 to vector<16xi32>
      %lt3A_476 = arith.cmpi slt, %sub3A_470, %lt3A_475 : vector<16xi32>
      %and3A_477 = arith.andi %ge3A_473, %lt3A_476 : vector<16xi1>
      %broadcast_in_dim3A_478 = vector.broadcast %mul3A_19 : i32 to vector<16xi32>
      %select_n3A_479 = arith.select %and3A_477, %sub3A_470, %broadcast_in_dim3A_478 : vector<16xi1>, vector<16xi32>
      %swap3A_480 = arith.constant 1 : i32
      %swap3A_481 = arith.constant 0 : i32
      %swap3A_482 = tpu.memref_slice %arg10[%swap3A_480, %swap3A_481] : memref<2x128xi32, #tpu.memory_space<vmem>> -> memref<1x128xi32, #tpu.memory_space<vmem>>
      %swap3A_483 = tpu.memref_squeeze %swap3A_482 : memref<1x128xi32, #tpu.memory_space<vmem>> -> memref<128xi32, #tpu.memory_space<vmem>>
      %swap3A_484 = arith.constant 16 : index
      %swap3A_485 = tpu.vector_load %swap3A_483[%swap3A_484] {strides = array<i32>} : memref<128xi32, #tpu.memory_space<vmem>>, vector<16xi32>,
      tpu.vector_store %swap3A_483[%swap3A_484], %select_n3A_479 {strides = array<i32>} : memref<128xi32, #tpu.memory_space<vmem>>, vector<16xi32>,
      %get3A_486 = arith.index_cast %add3A_445 : i32 to index
      %get3A_487 = arith.constant 32 : index
      %get3A_488 = tpu.vector_load %arg7[%get3A_486, %get3A_487] {strides = array<i32>} : memref<157x128xi32, #tpu.memory_space<vmem>>, vector<16xi32>,
      %sub3A_489 = vector.broadcast %mul3A_0 : i32 to vector<16xi32>
      %sub3A_490 = arith.subi %get3A_488, %sub3A_489 : vector<16xi32>
      %ge3A_491 = arith.constant 0 : i32
      %ge3A_492 = vector.broadcast %ge3A_491 : i32 to vector<16xi32>
      %ge3A_493 = arith.cmpi sge, %sub3A_490, %ge3A_492 : vector<16xi32>
      %lt3A_494 = arith.constant 5056 : i32
      %lt3A_495 = vector.broadcast %lt3A_494 : i32 to vector<16xi32>
      %lt3A_496 = arith.cmpi slt, %sub3A_490, %lt3A_495 : vector<16xi32>
      %and3A_497 = arith.andi %ge3A_493, %lt3A_496 : vector<16xi1>
      %broadcast_in_dim3A_498 = vector.broadcast %mul3A_19 : i32 to vector<16xi32>
      %select_n3A_499 = arith.select %and3A_497, %sub3A_490, %broadcast_in_dim3A_498 : vector<16xi1>, vector<16xi32>
      %swap3A_500 = arith.constant 1 : i32
      %swap3A_501 = arith.constant 0 : i32
      %swap3A_502 = tpu.memref_slice %arg10[%swap3A_500, %swap3A_501] : memref<2x128xi32, #tpu.memory_space<vmem>> -> memref<1x128xi32, #tpu.memory_space<vmem>>
      %swap3A_503 = tpu.memref_squeeze %swap3A_502 : memref<1x128xi32, #tpu.memory_space<vmem>> -> memref<128xi32, #tpu.memory_space<vmem>>
      %swap3A_504 = arith.constant 32 : index
      %swap3A_505 = tpu.vector_load %swap3A_503[%swap3A_504] {strides = array<i32>} : memref<128xi32, #tpu.memory_space<vmem>>, vector<16xi32>,
      tpu.vector_store %swap3A_503[%swap3A_504], %select_n3A_499 {strides = array<i32>} : memref<128xi32, #tpu.memory_space<vmem>>, vector<16xi32>,
      %get3A_506 = arith.index_cast %add3A_445 : i32 to index
      %get3A_507 = arith.constant 48 : index
      %get3A_508 = tpu.vector_load %arg7[%get3A_506, %get3A_507] {strides = array<i32>} : memref<157x128xi32, #tpu.memory_space<vmem>>, vector<16xi32>,
      %sub3A_509 = vector.broadcast %mul3A_0 : i32 to vector<16xi32>
      %sub3A_510 = arith.subi %get3A_508, %sub3A_509 : vector<16xi32>
      %ge3A_511 = arith.constant 0 : i32
      %ge3A_512 = vector.broadcast %ge3A_511 : i32 to vector<16xi32>
      %ge3A_513 = arith.cmpi sge, %sub3A_510, %ge3A_512 : vector<16xi32>
      %lt3A_514 = arith.constant 5056 : i32
      %lt3A_515 = vector.broadcast %lt3A_514 : i32 to vector<16xi32>
      %lt3A_516 = arith.cmpi slt, %sub3A_510, %lt3A_515 : vector<16xi32>
      %and3A_517 = arith.andi %ge3A_513, %lt3A_516 : vector<16xi1>
      %broadcast_in_dim3A_518 = vector.broadcast %mul3A_19 : i32 to vector<16xi32>
      %select_n3A_519 = arith.select %and3A_517, %sub3A_510, %broadcast_in_dim3A_518 : vector<16xi1>, vector<16xi32>
      %swap3A_520 = arith.constant 1 : i32
      %swap3A_521 = arith.constant 0 : i32
      %swap3A_522 = tpu.memref_slice %arg10[%swap3A_520, %swap3A_521] : memref<2x128xi32, #tpu.memory_space<vmem>> -> memref<1x128xi32, #tpu.memory_space<vmem>>
      %swap3A_523 = tpu.memref_squeeze %swap3A_522 : memref<1x128xi32, #tpu.memory_space<vmem>> -> memref<128xi32, #tpu.memory_space<vmem>>
      %swap3A_524 = arith.constant 48 : index
      %swap3A_525 = tpu.vector_load %swap3A_523[%swap3A_524] {strides = array<i32>} : memref<128xi32, #tpu.memory_space<vmem>>, vector<16xi32>,
      tpu.vector_store %swap3A_523[%swap3A_524], %select_n3A_519 {strides = array<i32>} : memref<128xi32, #tpu.memory_space<vmem>>, vector<16xi32>,
      %get3A_526 = arith.index_cast %add3A_445 : i32 to index
      %get3A_527 = arith.constant 64 : index
      %get3A_528 = tpu.vector_load %arg7[%get3A_526, %get3A_527] {strides = array<i32>} : memref<157x128xi32, #tpu.memory_space<vmem>>, vector<16xi32>,
      %sub3A_529 = vector.broadcast %mul3A_0 : i32 to vector<16xi32>
      %sub3A_530 = arith.subi %get3A_528, %sub3A_529 : vector<16xi32>
      %ge3A_531 = arith.constant 0 : i32
      %ge3A_532 = vector.broadcast %ge3A_531 : i32 to vector<16xi32>
      %ge3A_533 = arith.cmpi sge, %sub3A_530, %ge3A_532 : vector<16xi32>
      %lt3A_534 = arith.constant 5056 : i32
      %lt3A_535 = vector.broadcast %lt3A_534 : i32 to vector<16xi32>
      %lt3A_536 = arith.cmpi slt, %sub3A_530, %lt3A_535 : vector<16xi32>
      %and3A_537 = arith.andi %ge3A_533, %lt3A_536 : vector<16xi1>
      %broadcast_in_dim3A_538 = vector.broadcast %mul3A_19 : i32 to vector<16xi32>
      %select_n3A_539 = arith.select %and3A_537, %sub3A_530, %broadcast_in_dim3A_538 : vector<16xi1>, vector<16xi32>
      %swap3A_540 = arith.constant 1 : i32
      %swap3A_541 = arith.constant 0 : i32
      %swap3A_542 = tpu.memref_slice %arg10[%swap3A_540, %swap3A_541] : memref<2x128xi32, #tpu.memory_space<vmem>> -> memref<1x128xi32, #tpu.memory_space<vmem>>
      %swap3A_543 = tpu.memref_squeeze %swap3A_542 : memref<1x128xi32, #tpu.memory_space<vmem>> -> memref<128xi32, #tpu.memory_space<vmem>>
      %swap3A_544 = arith.constant 64 : index
      %swap3A_545 = tpu.vector_load %swap3A_543[%swap3A_544] {strides = array<i32>} : memref<128xi32, #tpu.memory_space<vmem>>, vector<16xi32>,
      tpu.vector_store %swap3A_543[%swap3A_544], %select_n3A_539 {strides = array<i32>} : memref<128xi32, #tpu.memory_space<vmem>>, vector<16xi32>,
      %get3A_546 = arith.index_cast %add3A_445 : i32 to index
      %get3A_547 = arith.constant 80 : index
      %get3A_548 = tpu.vector_load %arg7[%get3A_546, %get3A_547] {strides = array<i32>} : memref<157x128xi32, #tpu.memory_space<vmem>>, vector<16xi32>,
      %sub3A_549 = vector.broadcast %mul3A_0 : i32 to vector<16xi32>
      %sub3A_550 = arith.subi %get3A_548, %sub3A_549 : vector<16xi32>
      %ge3A_551 = arith.constant 0 : i32
      %ge3A_552 = vector.broadcast %ge3A_551 : i32 to vector<16xi32>
      %ge3A_553 = arith.cmpi sge, %sub3A_550, %ge3A_552 : vector<16xi32>
      %lt3A_554 = arith.constant 5056 : i32
      %lt3A_555 = vector.broadcast %lt3A_554 : i32 to vector<16xi32>
      %lt3A_556 = arith.cmpi slt, %sub3A_550, %lt3A_555 : vector<16xi32>
      %and3A_557 = arith.andi %ge3A_553, %lt3A_556 : vector<16xi1>
      %broadcast_in_dim3A_558 = vector.broadcast %mul3A_19 : i32 to vector<16xi32>
      %select_n3A_559 = arith.select %and3A_557, %sub3A_550, %broadcast_in_dim3A_558 : vector<16xi1>, vector<16xi32>
      %swap3A_560 = arith.constant 1 : i32
      %swap3A_561 = arith.constant 0 : i32
      %swap3A_562 = tpu.memref_slice %arg10[%swap3A_560, %swap3A_561] : memref<2x128xi32, #tpu.memory_space<vmem>> -> memref<1x128xi32, #tpu.memory_space<vmem>>
      %swap3A_563 = tpu.memref_squeeze %swap3A_562 : memref<1x128xi32, #tpu.memory_space<vmem>> -> memref<128xi32, #tpu.memory_space<vmem>>
      %swap3A_564 = arith.constant 80 : index
      %swap3A_565 = tpu.vector_load %swap3A_563[%swap3A_564] {strides = array<i32>} : memref<128xi32, #tpu.memory_space<vmem>>, vector<16xi32>,
      tpu.vector_store %swap3A_563[%swap3A_564], %select_n3A_559 {strides = array<i32>} : memref<128xi32, #tpu.memory_space<vmem>>, vector<16xi32>,
      %get3A_566 = arith.index_cast %add3A_445 : i32 to index
      %get3A_567 = arith.constant 96 : index
      %get3A_568 = tpu.vector_load %arg7[%get3A_566, %get3A_567] {strides = array<i32>} : memref<157x128xi32, #tpu.memory_space<vmem>>, vector<16xi32>,
      %sub3A_569 = vector.broadcast %mul3A_0 : i32 to vector<16xi32>
      %sub3A_570 = arith.subi %get3A_568, %sub3A_569 : vector<16xi32>
      %ge3A_571 = arith.constant 0 : i32
      %ge3A_572 = vector.broadcast %ge3A_571 : i32 to vector<16xi32>
      %ge3A_573 = arith.cmpi sge, %sub3A_570, %ge3A_572 : vector<16xi32>
      %lt3A_574 = arith.constant 5056 : i32
      %lt3A_575 = vector.broadcast %lt3A_574 : i32 to vector<16xi32>
      %lt3A_576 = arith.cmpi slt, %sub3A_570, %lt3A_575 : vector<16xi32>
      %and3A_577 = arith.andi %ge3A_573, %lt3A_576 : vector<16xi1>
      %broadcast_in_dim3A_578 = vector.broadcast %mul3A_19 : i32 to vector<16xi32>
      %select_n3A_579 = arith.select %and3A_577, %sub3A_570, %broadcast_in_dim3A_578 : vector<16xi1>, vector<16xi32>
      %swap3A_580 = arith.constant 1 : i32
      %swap3A_581 = arith.constant 0 : i32
      %swap3A_582 = tpu.memref_slice %arg10[%swap3A_580, %swap3A_581] : memref<2x128xi32, #tpu.memory_space<vmem>> -> memref<1x128xi32, #tpu.memory_space<vmem>>
      %swap3A_583 = tpu.memref_squeeze %swap3A_582 : memref<1x128xi32, #tpu.memory_space<vmem>> -> memref<128xi32, #tpu.memory_space<vmem>>
      %swap3A_584 = arith.constant 96 : index
      %swap3A_585 = tpu.vector_load %swap3A_583[%swap3A_584] {strides = array<i32>} : memref<128xi32, #tpu.memory_space<vmem>>, vector<16xi32>,
      tpu.vector_store %swap3A_583[%swap3A_584], %select_n3A_579 {strides = array<i32>} : memref<128xi32, #tpu.memory_space<vmem>>, vector<16xi32>,
      %get3A_586 = arith.index_cast %add3A_445 : i32 to index
      %get3A_587 = arith.constant 112 : index
      %get3A_588 = tpu.vector_load %arg7[%get3A_586, %get3A_587] {strides = array<i32>} : memref<157x128xi32, #tpu.memory_space<vmem>>, vector<16xi32>,
      %sub3A_589 = vector.broadcast %mul3A_0 : i32 to vector<16xi32>
      %sub3A_590 = arith.subi %get3A_588, %sub3A_589 : vector<16xi32>
      %ge3A_591 = arith.constant 0 : i32
      %ge3A_592 = vector.broadcast %ge3A_591 : i32 to vector<16xi32>
      %ge3A_593 = arith.cmpi sge, %sub3A_590, %ge3A_592 : vector<16xi32>
      %lt3A_594 = arith.constant 5056 : i32
      %lt3A_595 = vector.broadcast %lt3A_594 : i32 to vector<16xi32>
      %lt3A_596 = arith.cmpi slt, %sub3A_590, %lt3A_595 : vector<16xi32>
      %and3A_597 = arith.andi %ge3A_593, %lt3A_596 : vector<16xi1>
      %broadcast_in_dim3A_598 = vector.broadcast %mul3A_19 : i32 to vector<16xi32>
      %select_n3A_599 = arith.select %and3A_597, %sub3A_590, %broadcast_in_dim3A_598 : vector<16xi1>, vector<16xi32>
      %swap3A_600 = arith.constant 1 : i32
      %swap3A_601 = arith.constant 0 : i32
      %swap3A_602 = tpu.memref_slice %arg10[%swap3A_600, %swap3A_601] : memref<2x128xi32, #tpu.memory_space<vmem>> -> memref<1x128xi32, #tpu.memory_space<vmem>>
      %swap3A_603 = tpu.memref_squeeze %swap3A_602 : memref<1x128xi32, #tpu.memory_space<vmem>> -> memref<128xi32, #tpu.memory_space<vmem>>
      %swap3A_604 = arith.constant 112 : index
      %swap3A_605 = tpu.vector_load %swap3A_603[%swap3A_604] {strides = array<i32>} : memref<128xi32, #tpu.memory_space<vmem>>, vector<16xi32>,
      tpu.vector_store %swap3A_603[%swap3A_604], %select_n3A_599 {strides = array<i32>} : memref<128xi32, #tpu.memory_space<vmem>>, vector<16xi32>,
      %dma_wait3A_606 = arith.constant 1 : i32
      %dma_wait3A_607 = arith.constant 0 : i32
      %dma_wait3A_608 = arith.constant 0 : i32
      %dma_wait3A_609 = tpu.memref_slice %arg8[%dma_wait3A_606, %dma_wait3A_607, %dma_wait3A_608] : memref<2x128x128xf32, #tpu.memory_space<vmem>> -> memref<1x128x128xf32, #tpu.memory_space<vmem>>
      %dma_wait3A_610 = tpu.memref_squeeze %dma_wait3A_609 : memref<1x128x128xf32, #tpu.memory_space<vmem>> -> memref<128x128xf32, #tpu.memory_space<vmem>>
      %dma_wait3A_611 = arith.constant 0 : i32
      %dma_wait3A_612 = arith.constant 0 : i32
      %dma_wait3A_613 = tpu.memref_slice %arg2[%dma_wait3A_611, %dma_wait3A_612] : memref<10112x128xf32, #tpu.memory_space<hbm>> -> memref<128x128xf32, #tpu.memory_space<hbm>>
      %dma_wait3A_614 = arith.constant 0 : i32
      %dma_wait3A_615 = arith.constant 0 : i32
      %dma_wait3A_616 = tpu.memref_slice %arg8[%dma_wait3A_606, %dma_wait3A_614, %dma_wait3A_615] : memref<2x128x128xf32, #tpu.memory_space<vmem>> -> memref<1x128x128xf32, #tpu.memory_space<vmem>>
      %dma_wait3A_617 = tpu.memref_squeeze %dma_wait3A_616 : memref<1x128x128xf32, #tpu.memory_space<vmem>> -> memref<128x128xf32, #tpu.memory_space<vmem>>
      %dma_wait3A_618 = arith.constant 0 : i32
      %dma_wait3A_619 = arith.constant 0 : i32
      %dma_wait3A_620 = tpu.memref_slice %arg2[%dma_wait3A_618, %dma_wait3A_619] : memref<10112x128xf32, #tpu.memory_space<hbm>> -> memref<128x128xf32, #tpu.memory_space<hbm>>
      tpu.wait_dma2 semaphore(%arg13 : memref<!tpu.dma_semaphore, #tpu.memory_space<semaphore_mem>>) src(%dma_wait3A_620 : memref<128x128xf32, #tpu.memory_space<hbm>>) dst(%dma_wait3A_617 : memref<128x128xf32, #tpu.memory_space<vmem>>)
      %run_scoped3A_621 = arith.constant 1 : i32
      %run_scoped3A_622 = arith.constant 1 : i32
      "tpu.region"() ({
        %run_scoped3A_623 = tpu.sem_alloc : memref<!tpu.dma_semaphore, #tpu.memory_space<semaphore_mem>>
        %dma_start3A_624 = arith.constant 0 : i32
        %dma_start3A_625 = arith.constant 0 : i32
        %dma_start3A_626 = tpu.memref_slice %arg8[%run_scoped3A_621, %dma_start3A_624, %dma_start3A_625] : memref<2x128x128xf32, #tpu.memory_space<vmem>> -> memref<1x128x128xf32, #tpu.memory_space<vmem>>
        %dma_start3A_627 = tpu.memref_squeeze %dma_start3A_626 : memref<1x128x128xf32, #tpu.memory_space<vmem>> -> memref<128x128xf32, #tpu.memory_space<vmem>>
        %dma_start3A_628 = arith.constant 0 : i32
        %dma_start3A_629 = tpu.memref_slice %arg10[%run_scoped3A_622, %dma_start3A_628] : memref<2x128xi32, #tpu.memory_space<vmem>> -> memref<1x128xi32, #tpu.memory_space<vmem>>
        %dma_start3A_630 = tpu.memref_squeeze %dma_start3A_629 : memref<1x128xi32, #tpu.memory_space<vmem>> -> memref<128xi32, #tpu.memory_space<vmem>>
        %dma_start3A_631 = arith.constant 0 : i32
        %dma_start3A_632 = arith.constant 0 : i32
        %dma_start3A_633 = tpu.memref_slice %arg11[%dma_start3A_631, %dma_start3A_632] : memref<5056x128xf32, #tpu.memory_space<vmem_shared>> -> memref<5056x128xf32, #tpu.memory_space<vmem_shared>>
        tpu.enqueue_indirect_dma source(%dma_start3A_627 : memref<128x128xf32, #tpu.memory_space<vmem>>) target(%dma_start3A_633 : memref<5056x128xf32, #tpu.memory_space<vmem_shared>>) offsets(%dma_start3A_630 : memref<128xi32, #tpu.memory_space<vmem>>) semaphore(%run_scoped3A_623 : memref<!tpu.dma_semaphore, #tpu.memory_space<semaphore_mem>>) {add = true}
        %dma_wait3A_634 = arith.constant 0 : i32
        %dma_wait3A_635 = arith.constant 0 : i32
        %dma_wait3A_636 = tpu.memref_slice %arg8[%run_scoped3A_621, %dma_wait3A_634, %dma_wait3A_635] : memref<2x128x128xf32, #tpu.memory_space<vmem>> -> memref<1x128x128xf32, #tpu.memory_space<vmem>>
        %dma_wait3A_637 = tpu.memref_squeeze %dma_wait3A_636 : memref<1x128x128xf32, #tpu.memory_space<vmem>> -> memref<128x128xf32, #tpu.memory_space<vmem>>
        %dma_wait3A_638 = arith.constant 0 : i32
        %dma_wait3A_639 = tpu.memref_slice %arg10[%run_scoped3A_622, %dma_wait3A_638] : memref<2x128xi32, #tpu.memory_space<vmem>> -> memref<1x128xi32, #tpu.memory_space<vmem>>
        %dma_wait3A_640 = tpu.memref_squeeze %dma_wait3A_639 : memref<1x128xi32, #tpu.memory_space<vmem>> -> memref<128xi32, #tpu.memory_space<vmem>>
        %dma_wait3A_641 = arith.constant 0 : i32
        %dma_wait3A_642 = arith.constant 0 : i32
        %dma_wait3A_643 = tpu.memref_slice %arg11[%dma_wait3A_641, %dma_wait3A_642] : memref<5056x128xf32, #tpu.memory_space<vmem_shared>> -> memref<5056x128xf32, #tpu.memory_space<vmem_shared>>
        tpu.wait_indirect_dma semaphore(%run_scoped3A_623 : memref<!tpu.dma_semaphore, #tpu.memory_space<semaphore_mem>>) src(%dma_wait3A_637 : memref<128x128xf32, #tpu.memory_space<vmem>>) dst(%dma_wait3A_643 : memref<5056x128xf32, #tpu.memory_space<vmem_shared>>)
        tpu.yield
      }) : () -> ()
    }
    %scan3A_35 = arith.constant 78 : i32
    %get3A = arith.constant 156 : i32
    %get3A_36 = arith.index_cast %get3A : i32 to index
    %get3A_37 = arith.constant 0 : index
    %get3A_38 = tpu.vector_load %arg7[%get3A_36, %get3A_37] {strides = array<i32>} : memref<157x128xi32, #tpu.memory_space<vmem>>, vector<16xi32>,
    %sub3A_39 = vector.broadcast %mul3A_0 : i32 to vector<16xi32>
    %sub3A_40 = arith.subi %get3A_38, %sub3A_39 : vector<16xi32>
    %ge3A_41 = arith.constant 0 : i32
    %ge3A_42 = vector.broadcast %ge3A_41 : i32 to vector<16xi32>
    %ge3A_43 = arith.cmpi sge, %sub3A_40, %ge3A_42 : vector<16xi32>
    %lt3A_44 = arith.constant 5056 : i32
    %lt3A_45 = vector.broadcast %lt3A_44 : i32 to vector<16xi32>
    %lt3A_46 = arith.cmpi slt, %sub3A_40, %lt3A_45 : vector<16xi32>
    %and3A = arith.andi %ge3A_43, %lt3A_46 : vector<16xi1>
    %broadcast_in_dim3A_47 = vector.broadcast %mul3A_19 : i32 to vector<16xi32>
    %select_n3A = arith.select %and3A, %sub3A_40, %broadcast_in_dim3A_47 : vector<16xi1>, vector<16xi32>
    %swap3A = arith.constant 0 : i32
    %swap3A_48 = arith.constant 0 : i32
    %swap3A_49 = tpu.memref_slice %arg10[%swap3A, %swap3A_48] : memref<2x128xi32, #tpu.memory_space<vmem>> -> memref<1x128xi32, #tpu.memory_space<vmem>>
    %swap3A_50 = tpu.memref_squeeze %swap3A_49 : memref<1x128xi32, #tpu.memory_space<vmem>> -> memref<128xi32, #tpu.memory_space<vmem>>
    %swap3A_51 = arith.constant 0 : index
    %swap3A_52 = tpu.vector_load %swap3A_50[%swap3A_51] {strides = array<i32>} : memref<128xi32, #tpu.memory_space<vmem>>, vector<16xi32>,
    tpu.vector_store %swap3A_50[%swap3A_51], %select_n3A {strides = array<i32>} : memref<128xi32, #tpu.memory_space<vmem>>, vector<16xi32>,
    %get3A_53 = arith.constant 156 : i32
    %get3A_54 = arith.index_cast %get3A_53 : i32 to index
    %get3A_55 = arith.constant 16 : index
    %get3A_56 = tpu.vector_load %arg7[%get3A_54, %get3A_55] {strides = array<i32>} : memref<157x128xi32, #tpu.memory_space<vmem>>, vector<16xi32>,
    %sub3A_57 = vector.broadcast %mul3A_0 : i32 to vector<16xi32>
    %sub3A_58 = arith.subi %get3A_56, %sub3A_57 : vector<16xi32>
    %ge3A_59 = arith.constant 0 : i32
    %ge3A_60 = vector.broadcast %ge3A_59 : i32 to vector<16xi32>
    %ge3A_61 = arith.cmpi sge, %sub3A_58, %ge3A_60 : vector<16xi32>
    %lt3A_62 = arith.constant 5056 : i32
    %lt3A_63 = vector.broadcast %lt3A_62 : i32 to vector<16xi32>
    %lt3A_64 = arith.cmpi slt, %sub3A_58, %lt3A_63 : vector<16xi32>
    %and3A_65 = arith.andi %ge3A_61, %lt3A_64 : vector<16xi1>
    %broadcast_in_dim3A_66 = vector.broadcast %mul3A_19 : i32 to vector<16xi32>
    %select_n3A_67 = arith.select %and3A_65, %sub3A_58, %broadcast_in_dim3A_66 : vector<16xi1>, vector<16xi32>
    %swap3A_68 = arith.constant 0 : i32
    %swap3A_69 = arith.constant 0 : i32
    %swap3A_70 = tpu.memref_slice %arg10[%swap3A_68, %swap3A_69] : memref<2x128xi32, #tpu.memory_space<vmem>> -> memref<1x128xi32, #tpu.memory_space<vmem>>
    %swap3A_71 = tpu.memref_squeeze %swap3A_70 : memref<1x128xi32, #tpu.memory_space<vmem>> -> memref<128xi32, #tpu.memory_space<vmem>>
    %swap3A_72 = arith.constant 16 : index
    %swap3A_73 = tpu.vector_load %swap3A_71[%swap3A_72] {strides = array<i32>} : memref<128xi32, #tpu.memory_space<vmem>>, vector<16xi32>,
    tpu.vector_store %swap3A_71[%swap3A_72], %select_n3A_67 {strides = array<i32>} : memref<128xi32, #tpu.memory_space<vmem>>, vector<16xi32>,
    %get3A_74 = arith.constant 156 : i32
    %get3A_75 = arith.index_cast %get3A_74 : i32 to index
    %get3A_76 = arith.constant 32 : index
    %get3A_77 = tpu.vector_load %arg7[%get3A_75, %get3A_76] {strides = array<i32>} : memref<157x128xi32, #tpu.memory_space<vmem>>, vector<16xi32>,
    %sub3A_78 = vector.broadcast %mul3A_0 : i32 to vector<16xi32>
    %sub3A_79 = arith.subi %get3A_77, %sub3A_78 : vector<16xi32>
    %ge3A_80 = arith.constant 0 : i32
    %ge3A_81 = vector.broadcast %ge3A_80 : i32 to vector<16xi32>
    %ge3A_82 = arith.cmpi sge, %sub3A_79, %ge3A_81 : vector<16xi32>
    %lt3A_83 = arith.constant 5056 : i32
    %lt3A_84 = vector.broadcast %lt3A_83 : i32 to vector<16xi32>
    %lt3A_85 = arith.cmpi slt, %sub3A_79, %lt3A_84 : vector<16xi32>
    %and3A_86 = arith.andi %ge3A_82, %lt3A_85 : vector<16xi1>
    %broadcast_in_dim3A_87 = vector.broadcast %mul3A_19 : i32 to vector<16xi32>
    %select_n3A_88 = arith.select %and3A_86, %sub3A_79, %broadcast_in_dim3A_87 : vector<16xi1>, vector<16xi32>
    %swap3A_89 = arith.constant 0 : i32
    %swap3A_90 = arith.constant 0 : i32
    %swap3A_91 = tpu.memref_slice %arg10[%swap3A_89, %swap3A_90] : memref<2x128xi32, #tpu.memory_space<vmem>> -> memref<1x128xi32, #tpu.memory_space<vmem>>
    %swap3A_92 = tpu.memref_squeeze %swap3A_91 : memref<1x128xi32, #tpu.memory_space<vmem>> -> memref<128xi32, #tpu.memory_space<vmem>>
    %swap3A_93 = arith.constant 32 : index
    %swap3A_94 = tpu.vector_load %swap3A_92[%swap3A_93] {strides = array<i32>} : memref<128xi32, #tpu.memory_space<vmem>>, vector<16xi32>,
    tpu.vector_store %swap3A_92[%swap3A_93], %select_n3A_88 {strides = array<i32>} : memref<128xi32, #tpu.memory_space<vmem>>, vector<16xi32>,
    %get3A_95 = arith.constant 156 : i32
    %get3A_96 = arith.index_cast %get3A_95 : i32 to index
    %get3A_97 = arith.constant 48 : index
    %get3A_98 = tpu.vector_load %arg7[%get3A_96, %get3A_97] {strides = array<i32>} : memref<157x128xi32, #tpu.memory_space<vmem>>, vector<16xi32>,
    %sub3A_99 = vector.broadcast %mul3A_0 : i32 to vector<16xi32>
    %sub3A_100 = arith.subi %get3A_98, %sub3A_99 : vector<16xi32>
    %ge3A_101 = arith.constant 0 : i32
    %ge3A_102 = vector.broadcast %ge3A_101 : i32 to vector<16xi32>
    %ge3A_103 = arith.cmpi sge, %sub3A_100, %ge3A_102 : vector<16xi32>
    %lt3A_104 = arith.constant 5056 : i32
    %lt3A_105 = vector.broadcast %lt3A_104 : i32 to vector<16xi32>
    %lt3A_106 = arith.cmpi slt, %sub3A_100, %lt3A_105 : vector<16xi32>
    %and3A_107 = arith.andi %ge3A_103, %lt3A_106 : vector<16xi1>
    %broadcast_in_dim3A_108 = vector.broadcast %mul3A_19 : i32 to vector<16xi32>
    %select_n3A_109 = arith.select %and3A_107, %sub3A_100, %broadcast_in_dim3A_108 : vector<16xi1>, vector<16xi32>
    %swap3A_110 = arith.constant 0 : i32
    %swap3A_111 = arith.constant 0 : i32
    %swap3A_112 = tpu.memref_slice %arg10[%swap3A_110, %swap3A_111] : memref<2x128xi32, #tpu.memory_space<vmem>> -> memref<1x128xi32, #tpu.memory_space<vmem>>
    %swap3A_113 = tpu.memref_squeeze %swap3A_112 : memref<1x128xi32, #tpu.memory_space<vmem>> -> memref<128xi32, #tpu.memory_space<vmem>>
    %swap3A_114 = arith.constant 48 : index
    %swap3A_115 = tpu.vector_load %swap3A_113[%swap3A_114] {strides = array<i32>} : memref<128xi32, #tpu.memory_space<vmem>>, vector<16xi32>,
    tpu.vector_store %swap3A_113[%swap3A_114], %select_n3A_109 {strides = array<i32>} : memref<128xi32, #tpu.memory_space<vmem>>, vector<16xi32>,
    %get3A_116 = arith.constant 156 : i32
    %get3A_117 = arith.index_cast %get3A_116 : i32 to index
    %get3A_118 = arith.constant 64 : index
    %get3A_119 = tpu.vector_load %arg7[%get3A_117, %get3A_118] {strides = array<i32>} : memref<157x128xi32, #tpu.memory_space<vmem>>, vector<16xi32>,
    %sub3A_120 = vector.broadcast %mul3A_0 : i32 to vector<16xi32>
    %sub3A_121 = arith.subi %get3A_119, %sub3A_120 : vector<16xi32>
    %ge3A_122 = arith.constant 0 : i32
    %ge3A_123 = vector.broadcast %ge3A_122 : i32 to vector<16xi32>
    %ge3A_124 = arith.cmpi sge, %sub3A_121, %ge3A_123 : vector<16xi32>
    %lt3A_125 = arith.constant 5056 : i32
    %lt3A_126 = vector.broadcast %lt3A_125 : i32 to vector<16xi32>
    %lt3A_127 = arith.cmpi slt, %sub3A_121, %lt3A_126 : vector<16xi32>
    %and3A_128 = arith.andi %ge3A_124, %lt3A_127 : vector<16xi1>
    %broadcast_in_dim3A_129 = vector.broadcast %mul3A_19 : i32 to vector<16xi32>
    %select_n3A_130 = arith.select %and3A_128, %sub3A_121, %broadcast_in_dim3A_129 : vector<16xi1>, vector<16xi32>
    %swap3A_131 = arith.constant 0 : i32
    %swap3A_132 = arith.constant 0 : i32
    %swap3A_133 = tpu.memref_slice %arg10[%swap3A_131, %swap3A_132] : memref<2x128xi32, #tpu.memory_space<vmem>> -> memref<1x128xi32, #tpu.memory_space<vmem>>
    %swap3A_134 = tpu.memref_squeeze %swap3A_133 : memref<1x128xi32, #tpu.memory_space<vmem>> -> memref<128xi32, #tpu.memory_space<vmem>>
    %swap3A_135 = arith.constant 64 : index
    %swap3A_136 = tpu.vector_load %swap3A_134[%swap3A_135] {strides = array<i32>} : memref<128xi32, #tpu.memory_space<vmem>>, vector<16xi32>,
    tpu.vector_store %swap3A_134[%swap3A_135], %select_n3A_130 {strides = array<i32>} : memref<128xi32, #tpu.memory_space<vmem>>, vector<16xi32>,
    %get3A_137 = arith.constant 156 : i32
    %get3A_138 = arith.index_cast %get3A_137 : i32 to index
    %get3A_139 = arith.constant 80 : index
    %get3A_140 = tpu.vector_load %arg7[%get3A_138, %get3A_139] {strides = array<i32>} : memref<157x128xi32, #tpu.memory_space<vmem>>, vector<16xi32>,
    %sub3A_141 = vector.broadcast %mul3A_0 : i32 to vector<16xi32>
    %sub3A_142 = arith.subi %get3A_140, %sub3A_141 : vector<16xi32>
    %ge3A_143 = arith.constant 0 : i32
    %ge3A_144 = vector.broadcast %ge3A_143 : i32 to vector<16xi32>
    %ge3A_145 = arith.cmpi sge, %sub3A_142, %ge3A_144 : vector<16xi32>
    %lt3A_146 = arith.constant 5056 : i32
    %lt3A_147 = vector.broadcast %lt3A_146 : i32 to vector<16xi32>
    %lt3A_148 = arith.cmpi slt, %sub3A_142, %lt3A_147 : vector<16xi32>
    %and3A_149 = arith.andi %ge3A_145, %lt3A_148 : vector<16xi1>
    %broadcast_in_dim3A_150 = vector.broadcast %mul3A_19 : i32 to vector<16xi32>
    %select_n3A_151 = arith.select %and3A_149, %sub3A_142, %broadcast_in_dim3A_150 : vector<16xi1>, vector<16xi32>
    %swap3A_152 = arith.constant 0 : i32
    %swap3A_153 = arith.constant 0 : i32
    %swap3A_154 = tpu.memref_slice %arg10[%swap3A_152, %swap3A_153] : memref<2x128xi32, #tpu.memory_space<vmem>> -> memref<1x128xi32, #tpu.memory_space<vmem>>
    %swap3A_155 = tpu.memref_squeeze %swap3A_154 : memref<1x128xi32, #tpu.memory_space<vmem>> -> memref<128xi32, #tpu.memory_space<vmem>>
    %swap3A_156 = arith.constant 80 : index
    %swap3A_157 = tpu.vector_load %swap3A_155[%swap3A_156] {strides = array<i32>} : memref<128xi32, #tpu.memory_space<vmem>>, vector<16xi32>,
    tpu.vector_store %swap3A_155[%swap3A_156], %select_n3A_151 {strides = array<i32>} : memref<128xi32, #tpu.memory_space<vmem>>, vector<16xi32>,
    %get3A_158 = arith.constant 156 : i32
    %get3A_159 = arith.index_cast %get3A_158 : i32 to index
    %get3A_160 = arith.constant 96 : index
    %get3A_161 = tpu.vector_load %arg7[%get3A_159, %get3A_160] {strides = array<i32>} : memref<157x128xi32, #tpu.memory_space<vmem>>, vector<16xi32>,
    %sub3A_162 = vector.broadcast %mul3A_0 : i32 to vector<16xi32>
    %sub3A_163 = arith.subi %get3A_161, %sub3A_162 : vector<16xi32>
    %ge3A_164 = arith.constant 0 : i32
    %ge3A_165 = vector.broadcast %ge3A_164 : i32 to vector<16xi32>
    %ge3A_166 = arith.cmpi sge, %sub3A_163, %ge3A_165 : vector<16xi32>
    %lt3A_167 = arith.constant 5056 : i32
    %lt3A_168 = vector.broadcast %lt3A_167 : i32 to vector<16xi32>
    %lt3A_169 = arith.cmpi slt, %sub3A_163, %lt3A_168 : vector<16xi32>
    %and3A_170 = arith.andi %ge3A_166, %lt3A_169 : vector<16xi1>
    %broadcast_in_dim3A_171 = vector.broadcast %mul3A_19 : i32 to vector<16xi32>
    %select_n3A_172 = arith.select %and3A_170, %sub3A_163, %broadcast_in_dim3A_171 : vector<16xi1>, vector<16xi32>
    %swap3A_173 = arith.constant 0 : i32
    %swap3A_174 = arith.constant 0 : i32
    %swap3A_175 = tpu.memref_slice %arg10[%swap3A_173, %swap3A_174] : memref<2x128xi32, #tpu.memory_space<vmem>> -> memref<1x128xi32, #tpu.memory_space<vmem>>
    %swap3A_176 = tpu.memref_squeeze %swap3A_175 : memref<1x128xi32, #tpu.memory_space<vmem>> -> memref<128xi32, #tpu.memory_space<vmem>>
    %swap3A_177 = arith.constant 96 : index
    %swap3A_178 = tpu.vector_load %swap3A_176[%swap3A_177] {strides = array<i32>} : memref<128xi32, #tpu.memory_space<vmem>>, vector<16xi32>,
    tpu.vector_store %swap3A_176[%swap3A_177], %select_n3A_172 {strides = array<i32>} : memref<128xi32, #tpu.memory_space<vmem>>, vector<16xi32>,
    %get3A_179 = arith.constant 156 : i32
    %get3A_180 = arith.index_cast %get3A_179 : i32 to index
    %get3A_181 = arith.constant 112 : index
    %get3A_182 = tpu.vector_load %arg7[%get3A_180, %get3A_181] {strides = array<i32>} : memref<157x128xi32, #tpu.memory_space<vmem>>, vector<16xi32>,
    %sub3A_183 = vector.broadcast %mul3A_0 : i32 to vector<16xi32>
    %sub3A_184 = arith.subi %get3A_182, %sub3A_183 : vector<16xi32>
    %ge3A_185 = arith.constant 0 : i32
    %ge3A_186 = vector.broadcast %ge3A_185 : i32 to vector<16xi32>
    %ge3A_187 = arith.cmpi sge, %sub3A_184, %ge3A_186 : vector<16xi32>
    %lt3A_188 = arith.constant 5056 : i32
    %lt3A_189 = vector.broadcast %lt3A_188 : i32 to vector<16xi32>
    %lt3A_190 = arith.cmpi slt, %sub3A_184, %lt3A_189 : vector<16xi32>
    %and3A_191 = arith.andi %ge3A_187, %lt3A_190 : vector<16xi1>
    %broadcast_in_dim3A_192 = vector.broadcast %mul3A_19 : i32 to vector<16xi32>
    %select_n3A_193 = arith.select %and3A_191, %sub3A_184, %broadcast_in_dim3A_192 : vector<16xi1>, vector<16xi32>
    %swap3A_194 = arith.constant 0 : i32
    %swap3A_195 = arith.constant 0 : i32
    %swap3A_196 = tpu.memref_slice %arg10[%swap3A_194, %swap3A_195] : memref<2x128xi32, #tpu.memory_space<vmem>> -> memref<1x128xi32, #tpu.memory_space<vmem>>
    %swap3A_197 = tpu.memref_squeeze %swap3A_196 : memref<1x128xi32, #tpu.memory_space<vmem>> -> memref<128xi32, #tpu.memory_space<vmem>>
    %swap3A_198 = arith.constant 112 : index
    %swap3A_199 = tpu.vector_load %swap3A_197[%swap3A_198] {strides = array<i32>} : memref<128xi32, #tpu.memory_space<vmem>>, vector<16xi32>,
    tpu.vector_store %swap3A_197[%swap3A_198], %select_n3A_193 {strides = array<i32>} : memref<128xi32, #tpu.memory_space<vmem>>, vector<16xi32>,
    %dma_wait3A = arith.constant 0 : i32
    %dma_wait3A_200 = arith.constant 0 : i32
    %dma_wait3A_201 = arith.constant 0 : i32
    %dma_wait3A_202 = tpu.memref_slice %arg8[%dma_wait3A, %dma_wait3A_200, %dma_wait3A_201] : memref<2x128x128xf32, #tpu.memory_space<vmem>> -> memref<1x128x128xf32, #tpu.memory_space<vmem>>
    %dma_wait3A_203 = tpu.memref_squeeze %dma_wait3A_202 : memref<1x128x128xf32, #tpu.memory_space<vmem>> -> memref<128x128xf32, #tpu.memory_space<vmem>>
    %dma_wait3A_204 = arith.constant 0 : i32
    %dma_wait3A_205 = arith.constant 0 : i32
    %dma_wait3A_206 = tpu.memref_slice %arg2[%dma_wait3A_204, %dma_wait3A_205] : memref<10112x128xf32, #tpu.memory_space<hbm>> -> memref<128x128xf32, #tpu.memory_space<hbm>>
    %dma_wait3A_207 = arith.constant 0 : i32
    %dma_wait3A_208 = arith.constant 0 : i32
    %dma_wait3A_209 = tpu.memref_slice %arg8[%dma_wait3A, %dma_wait3A_207, %dma_wait3A_208] : memref<2x128x128xf32, #tpu.memory_space<vmem>> -> memref<1x128x128xf32, #tpu.memory_space<vmem>>
    %dma_wait3A_210 = tpu.memref_squeeze %dma_wait3A_209 : memref<1x128x128xf32, #tpu.memory_space<vmem>> -> memref<128x128xf32, #tpu.memory_space<vmem>>
    %dma_wait3A_211 = arith.constant 0 : i32
    %dma_wait3A_212 = arith.constant 0 : i32
    %dma_wait3A_213 = tpu.memref_slice %arg2[%dma_wait3A_211, %dma_wait3A_212] : memref<10112x128xf32, #tpu.memory_space<hbm>> -> memref<128x128xf32, #tpu.memory_space<hbm>>
    tpu.wait_dma2 semaphore(%arg12 : memref<!tpu.dma_semaphore, #tpu.memory_space<semaphore_mem>>) src(%dma_wait3A_213 : memref<128x128xf32, #tpu.memory_space<hbm>>) dst(%dma_wait3A_210 : memref<128x128xf32, #tpu.memory_space<vmem>>)
    %run_scoped3A = arith.constant 0 : i32
    %run_scoped3A_214 = arith.constant 0 : i32
    "tpu.region"() ({
      %run_scoped3A_234 = tpu.sem_alloc : memref<!tpu.dma_semaphore, #tpu.memory_space<semaphore_mem>>
      %dma_start3A_235 = arith.constant 0 : i32
      %dma_start3A_236 = arith.constant 0 : i32
      %dma_start3A_237 = tpu.memref_slice %arg8[%run_scoped3A, %dma_start3A_235, %dma_start3A_236] : memref<2x128x128xf32, #tpu.memory_space<vmem>> -> memref<1x128x128xf32, #tpu.memory_space<vmem>>
      %dma_start3A_238 = tpu.memref_squeeze %dma_start3A_237 : memref<1x128x128xf32, #tpu.memory_space<vmem>> -> memref<128x128xf32, #tpu.memory_space<vmem>>
      %dma_start3A_239 = arith.constant 0 : i32
      %dma_start3A_240 = tpu.memref_slice %arg10[%run_scoped3A_214, %dma_start3A_239] : memref<2x128xi32, #tpu.memory_space<vmem>> -> memref<1x128xi32, #tpu.memory_space<vmem>>
      %dma_start3A_241 = tpu.memref_squeeze %dma_start3A_240 : memref<1x128xi32, #tpu.memory_space<vmem>> -> memref<128xi32, #tpu.memory_space<vmem>>
      %dma_start3A_242 = arith.constant 0 : i32
      %dma_start3A_243 = arith.constant 0 : i32
      %dma_start3A_244 = tpu.memref_slice %arg11[%dma_start3A_242, %dma_start3A_243] : memref<5056x128xf32, #tpu.memory_space<vmem_shared>> -> memref<5056x128xf32, #tpu.memory_space<vmem_shared>>
      tpu.enqueue_indirect_dma source(%dma_start3A_238 : memref<128x128xf32, #tpu.memory_space<vmem>>) target(%dma_start3A_244 : memref<5056x128xf32, #tpu.memory_space<vmem_shared>>) offsets(%dma_start3A_241 : memref<128xi32, #tpu.memory_space<vmem>>) semaphore(%run_scoped3A_234 : memref<!tpu.dma_semaphore, #tpu.memory_space<semaphore_mem>>) {add = true}
      %dma_wait3A_245 = arith.constant 0 : i32
      %dma_wait3A_246 = arith.constant 0 : i32
      %dma_wait3A_247 = tpu.memref_slice %arg8[%run_scoped3A, %dma_wait3A_245, %dma_wait3A_246] : memref<2x128x128xf32, #tpu.memory_space<vmem>> -> memref<1x128x128xf32, #tpu.memory_space<vmem>>
      %dma_wait3A_248 = tpu.memref_squeeze %dma_wait3A_247 : memref<1x128x128xf32, #tpu.memory_space<vmem>> -> memref<128x128xf32, #tpu.memory_space<vmem>>
      %dma_wait3A_249 = arith.constant 0 : i32
      %dma_wait3A_250 = tpu.memref_slice %arg10[%run_scoped3A_214, %dma_wait3A_249] : memref<2x128xi32, #tpu.memory_space<vmem>> -> memref<1x128xi32, #tpu.memory_space<vmem>>
      %dma_wait3A_251 = tpu.memref_squeeze %dma_wait3A_250 : memref<1x128xi32, #tpu.memory_space<vmem>> -> memref<128xi32, #tpu.memory_space<vmem>>
      %dma_wait3A_252 = arith.constant 0 : i32
      %dma_wait3A_253 = arith.constant 0 : i32
      %dma_wait3A_254 = tpu.memref_slice %arg11[%dma_wait3A_252, %dma_wait3A_253] : memref<5056x128xf32, #tpu.memory_space<vmem_shared>> -> memref<5056x128xf32, #tpu.memory_space<vmem_shared>>
      tpu.wait_indirect_dma semaphore(%run_scoped3A_234 : memref<!tpu.dma_semaphore, #tpu.memory_space<semaphore_mem>>) src(%dma_wait3A_248 : memref<128x128xf32, #tpu.memory_space<vmem>>) dst(%dma_wait3A_254 : memref<5056x128xf32, #tpu.memory_space<vmem_shared>>)
      tpu.yield
    }) : () -> ()
    %barrier3A_215 = arith.constant 0 : index
    tpu.barrier barrier_id(%barrier3A_215)
    %mul3A_216 = arith.constant 320 : i32
    %mul3A_217 = arith.muli %arg1, %mul3A_216 : i32
    %sub3A_218 = arith.constant 8 : i32
    %sub3A_219 = arith.subi %arg1, %sub3A_218 : i32
    %mul3A_220 = arith.constant 312 : i32
    %mul3A_221 = arith.muli %sub3A_219, %mul3A_220 : i32
    %add3A_222 = arith.constant 2560 : i32
    %add3A_223 = arith.addi %add3A_222, %mul3A_221 : i32
    %lt3A_224 = arith.constant 8 : i32
    %lt3A_225 = arith.cmpi slt, %arg1, %lt3A_224 : i32
    %ge3A_226 = arith.constant 8 : i32
    %ge3A_227 = arith.cmpi sge, %arg1, %ge3A_226 : i32
    %convert_element_type3A_228 = arith.extui %lt3A_225 : i1 to i32
    %cond3A_229 = arith.constant 0 : i32
    %cond3A_230 = arith.cmpi ne, %convert_element_type3A_228, %cond3A_229 : i32
    scf.if %cond3A_230 {
      "tpu.region"() ({
        %run_scoped3A_234 = tpu.sem_alloc : memref<!tpu.dma_semaphore, #tpu.memory_space<semaphore_mem>>
        %dma_start3A_235 = arith.constant 0 : i32
        %dma_start3A_236 = tpu.memref_slice %arg5[%arg0, %mul3A_217, %dma_start3A_235] : memref<2x5056x128xf32, #tpu.memory_space<hbm>> -> memref<1x320x128xf32, #tpu.memory_space<hbm>>
        %dma_start3A_237 = tpu.memref_squeeze %dma_start3A_236 : memref<1x320x128xf32, #tpu.memory_space<hbm>> -> memref<320x128xf32, #tpu.memory_space<hbm>>
        %dma_start3A_238 = arith.constant 0 : i32
        %dma_start3A_239 = tpu.memref_slice %arg11[%mul3A_217, %dma_start3A_238] : memref<5056x128xf32, #tpu.memory_space<vmem_shared>> -> memref<320x128xf32, #tpu.memory_space<vmem_shared>>
        tpu.enqueue_dma source(%dma_start3A_239 : memref<320x128xf32, #tpu.memory_space<vmem_shared>>) target(%dma_start3A_237 : memref<320x128xf32, #tpu.memory_space<hbm>>) target_semaphore(%run_scoped3A_234 : memref<!tpu.dma_semaphore, #tpu.memory_space<semaphore_mem>>)
        %dma_wait3A_240 = arith.constant 0 : i32
        %dma_wait3A_241 = tpu.memref_slice %arg5[%arg0, %mul3A_217, %dma_wait3A_240] : memref<2x5056x128xf32, #tpu.memory_space<hbm>> -> memref<1x320x128xf32, #tpu.memory_space<hbm>>
        %dma_wait3A_242 = tpu.memref_squeeze %dma_wait3A_241 : memref<1x320x128xf32, #tpu.memory_space<hbm>> -> memref<320x128xf32, #tpu.memory_space<hbm>>
        %dma_wait3A_243 = arith.constant 0 : i32
        %dma_wait3A_244 = tpu.memref_slice %arg11[%mul3A_217, %dma_wait3A_243] : memref<5056x128xf32, #tpu.memory_space<vmem_shared>> -> memref<320x128xf32, #tpu.memory_space<vmem_shared>>
        tpu.wait_dma2 semaphore(%run_scoped3A_234 : memref<!tpu.dma_semaphore, #tpu.memory_space<semaphore_mem>>) src(%dma_wait3A_244 : memref<320x128xf32, #tpu.memory_space<vmem_shared>>) dst(%dma_wait3A_242 : memref<320x128xf32, #tpu.memory_space<hbm>>)
        tpu.yield
      }) : () -> ()
    } else {
    }
    %convert_element_type3A_231 = arith.extui %ge3A_227 : i1 to i32
    %cond3A_232 = arith.constant 0 : i32
    %cond3A_233 = arith.cmpi ne, %convert_element_type3A_231, %cond3A_232 : i32
    scf.if %cond3A_233 {
      "tpu.region"() ({
        %run_scoped3A_234 = tpu.sem_alloc : memref<!tpu.dma_semaphore, #tpu.memory_space<semaphore_mem>>
        %dma_start3A_235 = arith.constant 0 : i32
        %dma_start3A_236 = tpu.memref_slice %arg5[%arg0, %add3A_223, %dma_start3A_235] : memref<2x5056x128xf32, #tpu.memory_space<hbm>> -> memref<1x312x128xf32, #tpu.memory_space<hbm>>
        %dma_start3A_237 = tpu.memref_squeeze %dma_start3A_236 : memref<1x312x128xf32, #tpu.memory_space<hbm>> -> memref<312x128xf32, #tpu.memory_space<hbm>>
        %dma_start3A_238 = arith.constant 0 : i32
        %dma_start3A_239 = tpu.memref_slice %arg11[%add3A_223, %dma_start3A_238] : memref<5056x128xf32, #tpu.memory_space<vmem_shared>> -> memref<312x128xf32, #tpu.memory_space<vmem_shared>>
        tpu.enqueue_dma source(%dma_start3A_239 : memref<312x128xf32, #tpu.memory_space<vmem_shared>>) target(%dma_start3A_237 : memref<312x128xf32, #tpu.memory_space<hbm>>) target_semaphore(%run_scoped3A_234 : memref<!tpu.dma_semaphore, #tpu.memory_space<semaphore_mem>>)
        %dma_wait3A_240 = arith.constant 0 : i32
        %dma_wait3A_241 = tpu.memref_slice %arg5[%arg0, %add3A_223, %dma_wait3A_240] : memref<2x5056x128xf32, #tpu.memory_space<hbm>> -> memref<1x312x128xf32, #tpu.memory_space<hbm>>
        %dma_wait3A_242 = tpu.memref_squeeze %dma_wait3A_241 : memref<1x312x128xf32, #tpu.memory_space<hbm>> -> memref<312x128xf32, #tpu.memory_space<hbm>>
        %dma_wait3A_243 = arith.constant 0 : i32
        %dma_wait3A_244 = tpu.memref_slice %arg11[%add3A_223, %dma_wait3A_243] : memref<5056x128xf32, #tpu.memory_space<vmem_shared>> -> memref<312x128xf32, #tpu.memory_space<vmem_shared>>
        tpu.wait_dma2 semaphore(%run_scoped3A_234 : memref<!tpu.dma_semaphore, #tpu.memory_space<semaphore_mem>>) src(%dma_wait3A_244 : memref<312x128xf32, #tpu.memory_space<vmem_shared>>) dst(%dma_wait3A_242 : memref<312x128xf32, #tpu.memory_space<hbm>>)
        tpu.yield
      }) : () -> ()
    } else {
    }
    return
  }
}

#map = affine_map<(d0, d1) -> (0, 0)>
#map1 = affine_map<(d0, d1) -> (0, 0, 0)>
module attributes {stable_mosaic.version = 14 : i64} {
  func.func @k(%arg0: i32, %arg1: i32, %arg2: memref<10112x128xf32, #tpu.memory_space<hbm>>, %arg3: memref<16x157x128xi32, #tpu.memory_space<hbm>>, %arg4: memref<16x157x128xi32, #tpu.memory_space<hbm>>, %arg5: memref<2x5056x128xf32, #tpu.memory_space<hbm>>, %arg6: memref<157x128xi32, #tpu.memory_space<vmem>>, %arg7: memref<157x128xi32, #tpu.memory_space<vmem>>, %arg8: memref<2x128x128xf32, #tpu.memory_space<vmem>>, %arg9: memref<128x128xf32, #tpu.memory_space<vmem>>, %arg10: memref<2x128xi32, #tpu.memory_space<vmem>>, %arg11: memref<5056x128xf32, #tpu.memory_space<vmem_shared>>, %arg12: memref<!tpu.dma_semaphore, #tpu.memory_space<semaphore_mem>>, %arg13: memref<!tpu.dma_semaphore, #tpu.memory_space<semaphore_mem>>) attributes {dimension_semantics = [#tpu.dimension_semantics<core_parallel>, #tpu.dimension_semantics<subcore_parallel>], iteration_bounds = array<i64: 2, 16>, scalar_prefetch = 0 : i64, scratch_operands = 8 : i64, tpu.core_type = #tpu.core_type<sc_vector_subcore>, window_params = [{transform_indices = #map}, {transform_indices = #map1}, {transform_indices = #map1}, {transform_indices = #map1}]} {
    %mul3A = arith.constant 5056 : i32
    %mul3A_0 = arith.muli %arg0, %mul3A : i32
    "tpu.region"() ({
      %run_scoped3A_234 = tpu.sem_alloc : memref<!tpu.dma_semaphore, #tpu.memory_space<semaphore_mem>>
      %dma_start3A_235 = arith.constant 0 : i32
      %dma_start3A_236 = arith.constant 0 : i32
      %dma_start3A_237 = tpu.memref_slice %arg3[%arg1, %dma_start3A_235, %dma_start3A_236] : memref<16x157x128xi32, #tpu.memory_space<hbm>> -> memref<1x157x128xi32, #tpu.memory_space<hbm>>
      %dma_start3A_238 = tpu.memref_squeeze %dma_start3A_237 : memref<1x157x128xi32, #tpu.memory_space<hbm>> -> memref<157x128xi32, #tpu.memory_space<hbm>>
      %dma_start3A_239 = arith.constant 0 : i32
      %dma_start3A_240 = arith.constant 0 : i32
      %dma_start3A_241 = tpu.memref_slice %arg3[%arg1, %dma_start3A_239, %dma_start3A_240] : memref<16x157x128xi32, #tpu.memory_space<hbm>> -> memref<1x157x128xi32, #tpu.memory_space<hbm>>
      %dma_start3A_242 = tpu.memref_squeeze %dma_start3A_241 : memref<1x157x128xi32, #tpu.memory_space<hbm>> -> memref<157x128xi32, #tpu.memory_space<hbm>>
      tpu.enqueue_dma source(%dma_start3A_242 : memref<157x128xi32, #tpu.memory_space<hbm>>) target(%arg6 : memref<157x128xi32, #tpu.memory_space<vmem>>) target_semaphore(%run_scoped3A_234 : memref<!tpu.dma_semaphore, #tpu.memory_space<semaphore_mem>>)
      %dma_wait3A_243 = arith.constant 0 : i32
      %dma_wait3A_244 = arith.constant 0 : i32
      %dma_wait3A_245 = tpu.memref_slice %arg3[%arg1, %dma_wait3A_243, %dma_wait3A_244] : memref<16x157x128xi32, #tpu.memory_space<hbm>> -> memref<1x157x128xi32, #tpu.memory_space<hbm>>
      %dma_wait3A_246 = tpu.memref_squeeze %dma_wait3A_245 : memref<1x157x128xi32, #tpu.memory_space<hbm>> -> memref<157x128xi32, #tpu.memory_space<hbm>>
      %dma_wait3A_247 = arith.constant 0 : i32
      %dma_wait3A_248 = arith.constant 0 : i32
      %dma_wait3A_249 = tpu.memref_slice %arg3[%arg1, %dma_wait3A_247, %dma_wait3A_248] : memref<16x157x128xi32, #tpu.memory_space<hbm>> -> memref<1x157x128xi32, #tpu.memory_space<hbm>>
      %dma_wait3A_250 = tpu.memref_squeeze %dma_wait3A_249 : memref<1x157x128xi32, #tpu.memory_space<hbm>> -> memref<157x128xi32, #tpu.memory_space<hbm>>
      tpu.wait_dma2 semaphore(%run_scoped3A_234 : memref<!tpu.dma_semaphore, #tpu.memory_space<semaphore_mem>>) src(%dma_wait3A_250 : memref<157x128xi32, #tpu.memory_space<hbm>>) dst(%arg6 : memref<157x128xi32, #tpu.memory_space<vmem>>)
      tpu.yield
    }) : () -> ()
    "tpu.region"() ({
      %run_scoped3A_234 = tpu.sem_alloc : memref<!tpu.dma_semaphore, #tpu.memory_space<semaphore_mem>>
      %dma_start3A_235 = arith.constant 0 : i32
      %dma_start3A_236 = arith.constant 0 : i32
      %dma_start3A_237 = tpu.memref_slice %arg4[%arg1, %dma_start3A_235, %dma_start3A_236] : memref<16x157x128xi32, #tpu.memory_space<hbm>> -> memref<1x157x128xi32, #tpu.memory_space<hbm>>
      %dma_start3A_238 = tpu.memref_squeeze %dma_start3A_237 : memref<1x157x128xi32, #tpu.memory_space<hbm>> -> memref<157x128xi32, #tpu.memory_space<hbm>>
      %dma_start3A_239 = arith.constant 0 : i32
      %dma_start3A_240 = arith.constant 0 : i32
      %dma_start3A_241 = tpu.memref_slice %arg4[%arg1, %dma_start3A_239, %dma_start3A_240] : memref<16x157x128xi32, #tpu.memory_space<hbm>> -> memref<1x157x128xi32, #tpu.memory_space<hbm>>
      %dma_start3A_242 = tpu.memref_squeeze %dma_start3A_241 : memref<1x157x128xi32, #tpu.memory_space<hbm>> -> memref<157x128xi32, #tpu.memory_space<hbm>>
      tpu.enqueue_dma source(%dma_start3A_242 : memref<157x128xi32, #tpu.memory_space<hbm>>) target(%arg7 : memref<157x128xi32, #tpu.memory_space<vmem>>) target_semaphore(%run_scoped3A_234 : memref<!tpu.dma_semaphore, #tpu.memory_space<semaphore_mem>>)
      %dma_wait3A_243 = arith.constant 0 : i32
      %dma_wait3A_244 = arith.constant 0 : i32
      %dma_wait3A_245 = tpu.memref_slice %arg4[%arg1, %dma_wait3A_243, %dma_wait3A_244] : memref<16x157x128xi32, #tpu.memory_space<hbm>> -> memref<1x157x128xi32, #tpu.memory_space<hbm>>
      %dma_wait3A_246 = tpu.memref_squeeze %dma_wait3A_245 : memref<1x157x128xi32, #tpu.memory_space<hbm>> -> memref<157x128xi32, #tpu.memory_space<hbm>>
      %dma_wait3A_247 = arith.constant 0 : i32
      %dma_wait3A_248 = arith.constant 0 : i32
      %dma_wait3A_249 = tpu.memref_slice %arg4[%arg1, %dma_wait3A_247, %dma_wait3A_248] : memref<16x157x128xi32, #tpu.memory_space<hbm>> -> memref<1x157x128xi32, #tpu.memory_space<hbm>>
      %dma_wait3A_250 = tpu.memref_squeeze %dma_wait3A_249 : memref<1x157x128xi32, #tpu.memory_space<hbm>> -> memref<157x128xi32, #tpu.memory_space<hbm>>
      tpu.wait_dma2 semaphore(%run_scoped3A_234 : memref<!tpu.dma_semaphore, #tpu.memory_space<semaphore_mem>>) src(%dma_wait3A_250 : memref<157x128xi32, #tpu.memory_space<hbm>>) dst(%arg7 : memref<157x128xi32, #tpu.memory_space<vmem>>)
      tpu.yield
    }) : () -> ()
    %broadcast_in_dim3A = arith.constant 0.000000e+00 : f32
    %broadcast_in_dim3A_1 = vector.broadcast %broadcast_in_dim3A : f32 to vector<16xf32>
    %scan3A = arith.constant 0 : i32
    %scan3A_2 = arith.constant 128 : i32
    %scan3A_3 = arith.addi %scan3A, %scan3A_2 : i32
    %scan3A_4 = arith.constant 1 : i32
    scf.for %scan3A_234 = %scan3A to %scan3A_3 step %scan3A_4  : i32 {
      %mul3A_235 = arith.constant 1 : i32
      %mul3A_236 = arith.muli %scan3A_234, %mul3A_235 : i32
      %add3A_237 = arith.constant 0 : i32
      %add3A_238 = arith.addi %add3A_237, %mul3A_236 : i32
      %swap3A_239 = arith.index_cast %add3A_238 : i32 to index
      %swap3A_240 = arith.constant 0 : index
      %swap3A_241 = tpu.vector_load %arg9[%swap3A_239, %swap3A_240] {strides = array<i32>} : memref<128x128xf32, #tpu.memory_space<vmem>>, vector<16xf32>,
      tpu.vector_store %arg9[%swap3A_239, %swap3A_240], %broadcast_in_dim3A_1 {strides = array<i32>} : memref<128x128xf32, #tpu.memory_space<vmem>>, vector<16xf32>,
      %swap3A_242 = arith.index_cast %add3A_238 : i32 to index
      %swap3A_243 = arith.constant 16 : index
      %swap3A_244 = tpu.vector_load %arg9[%swap3A_242, %swap3A_243] {strides = array<i32>} : memref<128x128xf32, #tpu.memory_space<vmem>>, vector<16xf32>,
      tpu.vector_store %arg9[%swap3A_242, %swap3A_243], %broadcast_in_dim3A_1 {strides = array<i32>} : memref<128x128xf32, #tpu.memory_space<vmem>>, vector<16xf32>,
      %swap3A_245 = arith.index_cast %add3A_238 : i32 to index
      %swap3A_246 = arith.constant 32 : index
      %swap3A_247 = tpu.vector_load %arg9[%swap3A_245, %swap3A_246] {strides = array<i32>} : memref<128x128xf32, #tpu.memory_space<vmem>>, vector<16xf32>,
      tpu.vector_store %arg9[%swap3A_245, %swap3A_246], %broadcast_in_dim3A_1 {strides = array<i32>} : memref<128x128xf32, #tpu.memory_space<vmem>>, vector<16xf32>,
      %swap3A_248 = arith.index_cast %add3A_238 : i32 to index
      %swap3A_249 = arith.constant 48 : index
      %swap3A_250 = tpu.vector_load %arg9[%swap3A_248, %swap3A_249] {strides = array<i32>} : memref<128x128xf32, #tpu.memory_space<vmem>>, vector<16xf32>,
      tpu.vector_store %arg9[%swap3A_248, %swap3A_249], %broadcast_in_dim3A_1 {strides = array<i32>} : memref<128x128xf32, #tpu.memory_space<vmem>>, vector<16xf32>,
      %swap3A_251 = arith.index_cast %add3A_238 : i32 to index
      %swap3A_252 = arith.constant 64 : index
      %swap3A_253 = tpu.vector_load %arg9[%swap3A_251, %swap3A_252] {strides = array<i32>} : memref<128x128xf32, #tpu.memory_space<vmem>>, vector<16xf32>,
      tpu.vector_store %arg9[%swap3A_251, %swap3A_252], %broadcast_in_dim3A_1 {strides = array<i32>} : memref<128x128xf32, #tpu.memory_space<vmem>>, vector<16xf32>,
      %swap3A_254 = arith.index_cast %add3A_238 : i32 to index
      %swap3A_255 = arith.constant 80 : index
      %swap3A_256 = tpu.vector_load %arg9[%swap3A_254, %swap3A_255] {strides = array<i32>} : memref<128x128xf32, #tpu.memory_space<vmem>>, vector<16xf32>,
      tpu.vector_store %arg9[%swap3A_254, %swap3A_255], %broadcast_in_dim3A_1 {strides = array<i32>} : memref<128x128xf32, #tpu.memory_space<vmem>>, vector<16xf32>,
      %swap3A_257 = arith.index_cast %add3A_238 : i32 to index
      %swap3A_258 = arith.constant 96 : index
      %swap3A_259 = tpu.vector_load %arg9[%swap3A_257, %swap3A_258] {strides = array<i32>} : memref<128x128xf32, #tpu.memory_space<vmem>>, vector<16xf32>,
      tpu.vector_store %arg9[%swap3A_257, %swap3A_258], %broadcast_in_dim3A_1 {strides = array<i32>} : memref<128x128xf32, #tpu.memory_space<vmem>>, vector<16xf32>,
      %swap3A_260 = arith.index_cast %add3A_238 : i32 to index
      %swap3A_261 = arith.constant 112 : index
      %swap3A_262 = tpu.vector_load %arg9[%swap3A_260, %swap3A_261] {strides = array<i32>} : memref<128x128xf32, #tpu.memory_space<vmem>>, vector<16xf32>,
      tpu.vector_store %arg9[%swap3A_260, %swap3A_261], %broadcast_in_dim3A_1 {strides = array<i32>} : memref<128x128xf32, #tpu.memory_space<vmem>>, vector<16xf32>,
    }
    %scan3A_5 = arith.constant 128 : i32
    %mul3A_6 = arith.constant 320 : i32
    %mul3A_7 = arith.muli %arg1, %mul3A_6 : i32
    %sub3A = arith.constant 8 : i32
    %sub3A_8 = arith.subi %arg1, %sub3A : i32
    %mul3A_9 = arith.constant 312 : i32
    %mul3A_10 = arith.muli %sub3A_8, %mul3A_9 : i32
    %add3A = arith.constant 2560 : i32
    %add3A_11 = arith.addi %add3A, %mul3A_10 : i32
    %lt3A = arith.constant 8 : i32
    %lt3A_12 = arith.cmpi slt, %arg1, %lt3A : i32
    %ge3A = arith.constant 8 : i32
    %ge3A_13 = arith.cmpi sge, %arg1, %ge3A : i32
    %convert_element_type3A = arith.extui %lt3A_12 : i1 to i32
    %cond3A = arith.constant 0 : i32
    %cond3A_14 = arith.cmpi ne, %convert_element_type3A, %cond3A : i32
    scf.if %cond3A_14 {
      %add3A_234 = arith.constant 0 : i32
      %add3A_235 = arith.addi %mul3A_7, %add3A_234 : i32
      "tpu.region"() ({
        %run_scoped3A_240 = tpu.sem_alloc : memref<!tpu.dma_semaphore, #tpu.memory_space<semaphore_mem>>
        %dma_start3A_241 = arith.constant 0 : i32
        %dma_start3A_242 = arith.constant 0 : i32
        %dma_start3A_243 = tpu.memref_slice %arg9[%dma_start3A_241, %dma_start3A_242] : memref<128x128xf32, #tpu.memory_space<vmem>> -> memref<128x128xf32, #tpu.memory_space<vmem>>
        %dma_start3A_244 = arith.constant 0 : i32
        %dma_start3A_245 = tpu.memref_slice %arg11[%add3A_235, %dma_start3A_244] : memref<5056x128xf32, #tpu.memory_space<vmem_shared>> -> memref<128x128xf32, #tpu.memory_space<vmem_shared>>
        %dma_start3A_246 = arith.constant 0 : i32
        %dma_start3A_247 = tpu.memref_slice %arg11[%add3A_235, %dma_start3A_246] : memref<5056x128xf32, #tpu.memory_space<vmem_shared>> -> memref<128x128xf32, #tpu.memory_space<vmem_shared>>
        %dma_start3A_248 = arith.constant 0 : i32
        %dma_start3A_249 = arith.constant 0 : i32
        %dma_start3A_250 = tpu.memref_slice %arg9[%dma_start3A_248, %dma_start3A_249] : memref<128x128xf32, #tpu.memory_space<vmem>> -> memref<128x128xf32, #tpu.memory_space<vmem>>
        tpu.enqueue_dma source(%dma_start3A_250 : memref<128x128xf32, #tpu.memory_space<vmem>>) target(%dma_start3A_247 : memref<128x128xf32, #tpu.memory_space<vmem_shared>>) target_semaphore(%run_scoped3A_240 : memref<!tpu.dma_semaphore, #tpu.memory_space<semaphore_mem>>)
        %dma_wait3A_251 = arith.constant 0 : i32
        %dma_wait3A_252 = arith.constant 0 : i32
        %dma_wait3A_253 = tpu.memref_slice %arg9[%dma_wait3A_251, %dma_wait3A_252] : memref<128x128xf32, #tpu.memory_space<vmem>> -> memref<128x128xf32, #tpu.memory_space<vmem>>
        %dma_wait3A_254 = arith.constant 0 : i32
        %dma_wait3A_255 = tpu.memref_slice %arg11[%add3A_235, %dma_wait3A_254] : memref<5056x128xf32, #tpu.memory_space<vmem_shared>> -> memref<128x128xf32, #tpu.memory_space<vmem_shared>>
        %dma_wait3A_256 = arith.constant 0 : i32
        %dma_wait3A_257 = tpu.memref_slice %arg11[%add3A_235, %dma_wait3A_256] : memref<5056x128xf32, #tpu.memory_space<vmem_shared>> -> memref<128x128xf32, #tpu.memory_space<vmem_shared>>
        %dma_wait3A_258 = arith.constant 0 : i32
        %dma_wait3A_259 = arith.constant 0 : i32
        %dma_wait3A_260 = tpu.memref_slice %arg9[%dma_wait3A_258, %dma_wait3A_259] : memref<128x128xf32, #tpu.memory_space<vmem>> -> memref<128x128xf32, #tpu.memory_space<vmem>>
        tpu.wait_dma2 semaphore(%run_scoped3A_240 : memref<!tpu.dma_semaphore, #tpu.memory_space<semaphore_mem>>) src(%dma_wait3A_260 : memref<128x128xf32, #tpu.memory_space<vmem>>) dst(%dma_wait3A_257 : memref<128x128xf32, #tpu.memory_space<vmem_shared>>)
        tpu.yield
      }) : () -> ()
      %add3A_236 = arith.constant 128 : i32
      %add3A_237 = arith.addi %mul3A_7, %add3A_236 : i32
      "tpu.region"() ({
        %run_scoped3A_240 = tpu.sem_alloc : memref<!tpu.dma_semaphore, #tpu.memory_space<semaphore_mem>>
        %dma_start3A_241 = arith.constant 0 : i32
        %dma_start3A_242 = arith.constant 0 : i32
        %dma_start3A_243 = tpu.memref_slice %arg9[%dma_start3A_241, %dma_start3A_242] : memref<128x128xf32, #tpu.memory_space<vmem>> -> memref<128x128xf32, #tpu.memory_space<vmem>>
        %dma_start3A_244 = arith.constant 0 : i32
        %dma_start3A_245 = tpu.memref_slice %arg11[%add3A_237, %dma_start3A_244] : memref<5056x128xf32, #tpu.memory_space<vmem_shared>> -> memref<128x128xf32, #tpu.memory_space<vmem_shared>>
        %dma_start3A_246 = arith.constant 0 : i32
        %dma_start3A_247 = tpu.memref_slice %arg11[%add3A_237, %dma_start3A_246] : memref<5056x128xf32, #tpu.memory_space<vmem_shared>> -> memref<128x128xf32, #tpu.memory_space<vmem_shared>>
        %dma_start3A_248 = arith.constant 0 : i32
        %dma_start3A_249 = arith.constant 0 : i32
        %dma_start3A_250 = tpu.memref_slice %arg9[%dma_start3A_248, %dma_start3A_249] : memref<128x128xf32, #tpu.memory_space<vmem>> -> memref<128x128xf32, #tpu.memory_space<vmem>>
        tpu.enqueue_dma source(%dma_start3A_250 : memref<128x128xf32, #tpu.memory_space<vmem>>) target(%dma_start3A_247 : memref<128x128xf32, #tpu.memory_space<vmem_shared>>) target_semaphore(%run_scoped3A_240 : memref<!tpu.dma_semaphore, #tpu.memory_space<semaphore_mem>>)
        %dma_wait3A_251 = arith.constant 0 : i32
        %dma_wait3A_252 = arith.constant 0 : i32
        %dma_wait3A_253 = tpu.memref_slice %arg9[%dma_wait3A_251, %dma_wait3A_252] : memref<128x128xf32, #tpu.memory_space<vmem>> -> memref<128x128xf32, #tpu.memory_space<vmem>>
        %dma_wait3A_254 = arith.constant 0 : i32
        %dma_wait3A_255 = tpu.memref_slice %arg11[%add3A_237, %dma_wait3A_254] : memref<5056x128xf32, #tpu.memory_space<vmem_shared>> -> memref<128x128xf32, #tpu.memory_space<vmem_shared>>
        %dma_wait3A_256 = arith.constant 0 : i32
        %dma_wait3A_257 = tpu.memref_slice %arg11[%add3A_237, %dma_wait3A_256] : memref<5056x128xf32, #tpu.memory_space<vmem_shared>> -> memref<128x128xf32, #tpu.memory_space<vmem_shared>>
        %dma_wait3A_258 = arith.constant 0 : i32
        %dma_wait3A_259 = arith.constant 0 : i32
        %dma_wait3A_260 = tpu.memref_slice %arg9[%dma_wait3A_258, %dma_wait3A_259] : memref<128x128xf32, #tpu.memory_space<vmem>> -> memref<128x128xf32, #tpu.memory_space<vmem>>
        tpu.wait_dma2 semaphore(%run_scoped3A_240 : memref<!tpu.dma_semaphore, #tpu.memory_space<semaphore_mem>>) src(%dma_wait3A_260 : memref<128x128xf32, #tpu.memory_space<vmem>>) dst(%dma_wait3A_257 : memref<128x128xf32, #tpu.memory_space<vmem_shared>>)
        tpu.yield
      }) : () -> ()
      %add3A_238 = arith.constant 256 : i32
      %add3A_239 = arith.addi %mul3A_7, %add3A_238 : i32
      "tpu.region"() ({
        %run_scoped3A_240 = tpu.sem_alloc : memref<!tpu.dma_semaphore, #tpu.memory_space<semaphore_mem>>
        %dma_start3A_241 = arith.constant 0 : i32
        %dma_start3A_242 = arith.constant 0 : i32
        %dma_start3A_243 = tpu.memref_slice %arg9[%dma_start3A_241, %dma_start3A_242] : memref<128x128xf32, #tpu.memory_space<vmem>> -> memref<64x128xf32, #tpu.memory_space<vmem>>
        %dma_start3A_244 = arith.constant 0 : i32
        %dma_start3A_245 = tpu.memref_slice %arg11[%add3A_239, %dma_start3A_244] : memref<5056x128xf32, #tpu.memory_space<vmem_shared>> -> memref<64x128xf32, #tpu.memory_space<vmem_shared>>
        %dma_start3A_246 = arith.constant 0 : i32
        %dma_start3A_247 = tpu.memref_slice %arg11[%add3A_239, %dma_start3A_246] : memref<5056x128xf32, #tpu.memory_space<vmem_shared>> -> memref<64x128xf32, #tpu.memory_space<vmem_shared>>
        %dma_start3A_248 = arith.constant 0 : i32
        %dma_start3A_249 = arith.constant 0 : i32
        %dma_start3A_250 = tpu.memref_slice %arg9[%dma_start3A_248, %dma_start3A_249] : memref<128x128xf32, #tpu.memory_space<vmem>> -> memref<64x128xf32, #tpu.memory_space<vmem>>
        tpu.enqueue_dma source(%dma_start3A_250 : memref<64x128xf32, #tpu.memory_space<vmem>>) target(%dma_start3A_247 : memref<64x128xf32, #tpu.memory_space<vmem_shared>>) target_semaphore(%run_scoped3A_240 : memref<!tpu.dma_semaphore, #tpu.memory_space<semaphore_mem>>)
        %dma_wait3A_251 = arith.constant 0 : i32
        %dma_wait3A_252 = arith.constant 0 : i32
        %dma_wait3A_253 = tpu.memref_slice %arg9[%dma_wait3A_251, %dma_wait3A_252] : memref<128x128xf32, #tpu.memory_space<vmem>> -> memref<64x128xf32, #tpu.memory_space<vmem>>
        %dma_wait3A_254 = arith.constant 0 : i32
        %dma_wait3A_255 = tpu.memref_slice %arg11[%add3A_239, %dma_wait3A_254] : memref<5056x128xf32, #tpu.memory_space<vmem_shared>> -> memref<64x128xf32, #tpu.memory_space<vmem_shared>>
        %dma_wait3A_256 = arith.constant 0 : i32
        %dma_wait3A_257 = tpu.memref_slice %arg11[%add3A_239, %dma_wait3A_256] : memref<5056x128xf32, #tpu.memory_space<vmem_shared>> -> memref<64x128xf32, #tpu.memory_space<vmem_shared>>
        %dma_wait3A_258 = arith.constant 0 : i32
        %dma_wait3A_259 = arith.constant 0 : i32
        %dma_wait3A_260 = tpu.memref_slice %arg9[%dma_wait3A_258, %dma_wait3A_259] : memref<128x128xf32, #tpu.memory_space<vmem>> -> memref<64x128xf32, #tpu.memory_space<vmem>>
        tpu.wait_dma2 semaphore(%run_scoped3A_240 : memref<!tpu.dma_semaphore, #tpu.memory_space<semaphore_mem>>) src(%dma_wait3A_260 : memref<64x128xf32, #tpu.memory_space<vmem>>) dst(%dma_wait3A_257 : memref<64x128xf32, #tpu.memory_space<vmem_shared>>)
        tpu.yield
      }) : () -> ()
    } else {
    }
    %convert_element_type3A_15 = arith.extui %ge3A_13 : i1 to i32
    %cond3A_16 = arith.constant 0 : i32
    %cond3A_17 = arith.cmpi ne, %convert_element_type3A_15, %cond3A_16 : i32
    scf.if %cond3A_17 {
      %add3A_234 = arith.constant 0 : i32
      %add3A_235 = arith.addi %add3A_11, %add3A_234 : i32
      "tpu.region"() ({
        %run_scoped3A_240 = tpu.sem_alloc : memref<!tpu.dma_semaphore, #tpu.memory_space<semaphore_mem>>
        %dma_start3A_241 = arith.constant 0 : i32
        %dma_start3A_242 = arith.constant 0 : i32
        %dma_start3A_243 = tpu.memref_slice %arg9[%dma_start3A_241, %dma_start3A_242] : memref<128x128xf32, #tpu.memory_space<vmem>> -> memref<128x128xf32, #tpu.memory_space<vmem>>
        %dma_start3A_244 = arith.constant 0 : i32
        %dma_start3A_245 = tpu.memref_slice %arg11[%add3A_235, %dma_start3A_244] : memref<5056x128xf32, #tpu.memory_space<vmem_shared>> -> memref<128x128xf32, #tpu.memory_space<vmem_shared>>
        %dma_start3A_246 = arith.constant 0 : i32
        %dma_start3A_247 = tpu.memref_slice %arg11[%add3A_235, %dma_start3A_246] : memref<5056x128xf32, #tpu.memory_space<vmem_shared>> -> memref<128x128xf32, #tpu.memory_space<vmem_shared>>
        %dma_start3A_248 = arith.constant 0 : i32
        %dma_start3A_249 = arith.constant 0 : i32
        %dma_start3A_250 = tpu.memref_slice %arg9[%dma_start3A_248, %dma_start3A_249] : memref<128x128xf32, #tpu.memory_space<vmem>> -> memref<128x128xf32, #tpu.memory_space<vmem>>
        tpu.enqueue_dma source(%dma_start3A_250 : memref<128x128xf32, #tpu.memory_space<vmem>>) target(%dma_start3A_247 : memref<128x128xf32, #tpu.memory_space<vmem_shared>>) target_semaphore(%run_scoped3A_240 : memref<!tpu.dma_semaphore, #tpu.memory_space<semaphore_mem>>)
        %dma_wait3A_251 = arith.constant 0 : i32
        %dma_wait3A_252 = arith.constant 0 : i32
        %dma_wait3A_253 = tpu.memref_slice %arg9[%dma_wait3A_251, %dma_wait3A_252] : memref<128x128xf32, #tpu.memory_space<vmem>> -> memref<128x128xf32, #tpu.memory_space<vmem>>
        %dma_wait3A_254 = arith.constant 0 : i32
        %dma_wait3A_255 = tpu.memref_slice %arg11[%add3A_235, %dma_wait3A_254] : memref<5056x128xf32, #tpu.memory_space<vmem_shared>> -> memref<128x128xf32, #tpu.memory_space<vmem_shared>>
        %dma_wait3A_256 = arith.constant 0 : i32
        %dma_wait3A_257 = tpu.memref_slice %arg11[%add3A_235, %dma_wait3A_256] : memref<5056x128xf32, #tpu.memory_space<vmem_shared>> -> memref<128x128xf32, #tpu.memory_space<vmem_shared>>
        %dma_wait3A_258 = arith.constant 0 : i32
        %dma_wait3A_259 = arith.constant 0 : i32
        %dma_wait3A_260 = tpu.memref_slice %arg9[%dma_wait3A_258, %dma_wait3A_259] : memref<128x128xf32, #tpu.memory_space<vmem>> -> memref<128x128xf32, #tpu.memory_space<vmem>>
        tpu.wait_dma2 semaphore(%run_scoped3A_240 : memref<!tpu.dma_semaphore, #tpu.memory_space<semaphore_mem>>) src(%dma_wait3A_260 : memref<128x128xf32, #tpu.memory_space<vmem>>) dst(%dma_wait3A_257 : memref<128x128xf32, #tpu.memory_space<vmem_shared>>)
        tpu.yield
      }) : () -> ()
      %add3A_236 = arith.constant 128 : i32
      %add3A_237 = arith.addi %add3A_11, %add3A_236 : i32
      "tpu.region"() ({
        %run_scoped3A_240 = tpu.sem_alloc : memref<!tpu.dma_semaphore, #tpu.memory_space<semaphore_mem>>
        %dma_start3A_241 = arith.constant 0 : i32
        %dma_start3A_242 = arith.constant 0 : i32
        %dma_start3A_243 = tpu.memref_slice %arg9[%dma_start3A_241, %dma_start3A_242] : memref<128x128xf32, #tpu.memory_space<vmem>> -> memref<128x128xf32, #tpu.memory_space<vmem>>
        %dma_start3A_244 = arith.constant 0 : i32
        %dma_start3A_245 = tpu.memref_slice %arg11[%add3A_237, %dma_start3A_244] : memref<5056x128xf32, #tpu.memory_space<vmem_shared>> -> memref<128x128xf32, #tpu.memory_space<vmem_shared>>
        %dma_start3A_246 = arith.constant 0 : i32
        %dma_start3A_247 = tpu.memref_slice %arg11[%add3A_237, %dma_start3A_246] : memref<5056x128xf32, #tpu.memory_space<vmem_shared>> -> memref<128x128xf32, #tpu.memory_space<vmem_shared>>
        %dma_start3A_248 = arith.constant 0 : i32
        %dma_start3A_249 = arith.constant 0 : i32
        %dma_start3A_250 = tpu.memref_slice %arg9[%dma_start3A_248, %dma_start3A_249] : memref<128x128xf32, #tpu.memory_space<vmem>> -> memref<128x128xf32, #tpu.memory_space<vmem>>
        tpu.enqueue_dma source(%dma_start3A_250 : memref<128x128xf32, #tpu.memory_space<vmem>>) target(%dma_start3A_247 : memref<128x128xf32, #tpu.memory_space<vmem_shared>>) target_semaphore(%run_scoped3A_240 : memref<!tpu.dma_semaphore, #tpu.memory_space<semaphore_mem>>)
        %dma_wait3A_251 = arith.constant 0 : i32
        %dma_wait3A_252 = arith.constant 0 : i32
        %dma_wait3A_253 = tpu.memref_slice %arg9[%dma_wait3A_251, %dma_wait3A_252] : memref<128x128xf32, #tpu.memory_space<vmem>> -> memref<128x128xf32, #tpu.memory_space<vmem>>
        %dma_wait3A_254 = arith.constant 0 : i32
        %dma_wait3A_255 = tpu.memref_slice %arg11[%add3A_237, %dma_wait3A_254] : memref<5056x128xf32, #tpu.memory_space<vmem_shared>> -> memref<128x128xf32, #tpu.memory_space<vmem_shared>>
        %dma_wait3A_256 = arith.constant 0 : i32
        %dma_wait3A_257 = tpu.memref_slice %arg11[%add3A_237, %dma_wait3A_256] : memref<5056x128xf32, #tpu.memory_space<vmem_shared>> -> memref<128x128xf32, #tpu.memory_space<vmem_shared>>
        %dma_wait3A_258 = arith.constant 0 : i32
        %dma_wait3A_259 = arith.constant 0 : i32
        %dma_wait3A_260 = tpu.memref_slice %arg9[%dma_wait3A_258, %dma_wait3A_259] : memref<128x128xf32, #tpu.memory_space<vmem>> -> memref<128x128xf32, #tpu.memory_space<vmem>>
        tpu.wait_dma2 semaphore(%run_scoped3A_240 : memref<!tpu.dma_semaphore, #tpu.memory_space<semaphore_mem>>) src(%dma_wait3A_260 : memref<128x128xf32, #tpu.memory_space<vmem>>) dst(%dma_wait3A_257 : memref<128x128xf32, #tpu.memory_space<vmem_shared>>)
        tpu.yield
      }) : () -> ()
      %add3A_238 = arith.constant 256 : i32
      %add3A_239 = arith.addi %add3A_11, %add3A_238 : i32
      "tpu.region"() ({
        %run_scoped3A_240 = tpu.sem_alloc : memref<!tpu.dma_semaphore, #tpu.memory_space<semaphore_mem>>
        %dma_start3A_241 = arith.constant 0 : i32
        %dma_start3A_242 = arith.constant 0 : i32
        %dma_start3A_243 = tpu.memref_slice %arg9[%dma_start3A_241, %dma_start3A_242] : memref<128x128xf32, #tpu.memory_space<vmem>> -> memref<56x128xf32, #tpu.memory_space<vmem>>
        %dma_start3A_244 = arith.constant 0 : i32
        %dma_start3A_245 = tpu.memref_slice %arg11[%add3A_239, %dma_start3A_244] : memref<5056x128xf32, #tpu.memory_space<vmem_shared>> -> memref<56x128xf32, #tpu.memory_space<vmem_shared>>
        %dma_start3A_246 = arith.constant 0 : i32
        %dma_start3A_247 = tpu.memref_slice %arg11[%add3A_239, %dma_start3A_246] : memref<5056x128xf32, #tpu.memory_space<vmem_shared>> -> memref<56x128xf32, #tpu.memory_space<vmem_shared>>
        %dma_start3A_248 = arith.constant 0 : i32
        %dma_start3A_249 = arith.constant 0 : i32
        %dma_start3A_250 = tpu.memref_slice %arg9[%dma_start3A_248, %dma_start3A_249] : memref<128x128xf32, #tpu.memory_space<vmem>> -> memref<56x128xf32, #tpu.memory_space<vmem>>
        tpu.enqueue_dma source(%dma_start3A_250 : memref<56x128xf32, #tpu.memory_space<vmem>>) target(%dma_start3A_247 : memref<56x128xf32, #tpu.memory_space<vmem_shared>>) target_semaphore(%run_scoped3A_240 : memref<!tpu.dma_semaphore, #tpu.memory_space<semaphore_mem>>)
        %dma_wait3A_251 = arith.constant 0 : i32
        %dma_wait3A_252 = arith.constant 0 : i32
        %dma_wait3A_253 = tpu.memref_slice %arg9[%dma_wait3A_251, %dma_wait3A_252] : memref<128x128xf32, #tpu.memory_space<vmem>> -> memref<56x128xf32, #tpu.memory_space<vmem>>
        %dma_wait3A_254 = arith.constant 0 : i32
        %dma_wait3A_255 = tpu.memref_slice %arg11[%add3A_239, %dma_wait3A_254] : memref<5056x128xf32, #tpu.memory_space<vmem_shared>> -> memref<56x128xf32, #tpu.memory_space<vmem_shared>>
        %dma_wait3A_256 = arith.constant 0 : i32
        %dma_wait3A_257 = tpu.memref_slice %arg11[%add3A_239, %dma_wait3A_256] : memref<5056x128xf32, #tpu.memory_space<vmem_shared>> -> memref<56x128xf32, #tpu.memory_space<vmem_shared>>
        %dma_wait3A_258 = arith.constant 0 : i32
        %dma_wait3A_259 = arith.constant 0 : i32
        %dma_wait3A_260 = tpu.memref_slice %arg9[%dma_wait3A_258, %dma_wait3A_259] : memref<128x128xf32, #tpu.memory_space<vmem>> -> memref<56x128xf32, #tpu.memory_space<vmem>>
        tpu.wait_dma2 semaphore(%run_scoped3A_240 : memref<!tpu.dma_semaphore, #tpu.memory_space<semaphore_mem>>) src(%dma_wait3A_260 : memref<56x128xf32, #tpu.memory_space<vmem>>) dst(%dma_wait3A_257 : memref<56x128xf32, #tpu.memory_space<vmem_shared>>)
        tpu.yield
      }) : () -> ()
    } else {
    }
    %barrier3A = arith.constant 0 : index
    tpu.barrier barrier_id(%barrier3A)
    %mul3A_18 = arith.constant 5055 : i32
    %mul3A_19 = arith.muli %arg0, %mul3A_18 : i32
    %dma_start3A = arith.constant 0 : i32
    %dma_start3A_20 = arith.constant 0 : i32
    %dma_start3A_21 = arith.constant 0 : i32
    %dma_start3A_22 = arith.constant 0 : i32
    %dma_start3A_23 = tpu.memref_slice %arg8[%dma_start3A_20, %dma_start3A_21, %dma_start3A_22] : memref<2x128x128xf32, #tpu.memory_space<vmem>> -> memref<1x128x128xf32, #tpu.memory_space<vmem>>
    %dma_start3A_24 = tpu.memref_squeeze %dma_start3A_23 : memref<1x128x128xf32, #tpu.memory_space<vmem>> -> memref<128x128xf32, #tpu.memory_space<vmem>>
    %dma_start3A_25 = arith.constant 0 : i32
    %dma_start3A_26 = tpu.memref_slice %arg6[%dma_start3A, %dma_start3A_25] : memref<157x128xi32, #tpu.memory_space<vmem>> -> memref<1x128xi32, #tpu.memory_space<vmem>>
    %dma_start3A_27 = tpu.memref_squeeze %dma_start3A_26 : memref<1x128xi32, #tpu.memory_space<vmem>> -> memref<128xi32, #tpu.memory_space<vmem>>
    %dma_start3A_28 = arith.constant 0 : i32
    %dma_start3A_29 = arith.constant 0 : i32
    %dma_start3A_30 = tpu.memref_slice %arg2[%dma_start3A_28, %dma_start3A_29] : memref<10112x128xf32, #tpu.memory_space<hbm>> -> memref<10112x128xf32, #tpu.memory_space<hbm>>
    tpu.enqueue_indirect_dma source(%dma_start3A_30 : memref<10112x128xf32, #tpu.memory_space<hbm>>) target(%dma_start3A_24 : memref<128x128xf32, #tpu.memory_space<vmem>>) offsets(%dma_start3A_27 : memref<128xi32, #tpu.memory_space<vmem>>) semaphore(%arg12 : memref<!tpu.dma_semaphore, #tpu.memory_space<semaphore_mem>>)
    %scan3A_31 = arith.constant 0 : i32
    %scan3A_32 = arith.constant 78 : i32
    %scan3A_33 = arith.addi %scan3A_31, %scan3A_32 : i32
    %scan3A_34 = arith.constant 1 : i32
    scf.for %scan3A_234 = %scan3A_31 to %scan3A_33 step %scan3A_34  : i32 {
      %mul3A_235 = arith.constant 1 : i32
      %mul3A_236 = arith.muli %scan3A_234, %mul3A_235 : i32
      %add3A_237 = arith.constant 0 : i32
      %add3A_238 = arith.addi %add3A_237, %mul3A_236 : i32
      %mul3A_239 = arith.constant 2 : i32
      %mul3A_240 = arith.muli %add3A_238, %mul3A_239 : i32
      %add3A_241 = arith.constant 1 : i32
      %add3A_242 = arith.addi %mul3A_240, %add3A_241 : i32
      %dma_start3A_243 = arith.constant 1 : i32
      %dma_start3A_244 = arith.constant 0 : i32
      %dma_start3A_245 = arith.constant 0 : i32
      %dma_start3A_246 = tpu.memref_slice %arg8[%dma_start3A_243, %dma_start3A_244, %dma_start3A_245] : memref<2x128x128xf32, #tpu.memory_space<vmem>> -> memref<1x128x128xf32, #tpu.memory_space<vmem>>
      %dma_start3A_247 = tpu.memref_squeeze %dma_start3A_246 : memref<1x128x128xf32, #tpu.memory_space<vmem>> -> memref<128x128xf32, #tpu.memory_space<vmem>>
      %dma_start3A_248 = arith.constant 0 : i32
      %dma_start3A_249 = tpu.memref_slice %arg6[%add3A_242, %dma_start3A_248] : memref<157x128xi32, #tpu.memory_space<vmem>> -> memref<1x128xi32, #tpu.memory_space<vmem>>
      %dma_start3A_250 = tpu.memref_squeeze %dma_start3A_249 : memref<1x128xi32, #tpu.memory_space<vmem>> -> memref<128xi32, #tpu.memory_space<vmem>>
      %dma_start3A_251 = arith.constant 0 : i32
      %dma_start3A_252 = arith.constant 0 : i32
      %dma_start3A_253 = tpu.memref_slice %arg2[%dma_start3A_251, %dma_start3A_252] : memref<10112x128xf32, #tpu.memory_space<hbm>> -> memref<10112x128xf32, #tpu.memory_space<hbm>>
      tpu.enqueue_indirect_dma source(%dma_start3A_253 : memref<10112x128xf32, #tpu.memory_space<hbm>>) target(%dma_start3A_247 : memref<128x128xf32, #tpu.memory_space<vmem>>) offsets(%dma_start3A_250 : memref<128xi32, #tpu.memory_space<vmem>>) semaphore(%arg13 : memref<!tpu.dma_semaphore, #tpu.memory_space<semaphore_mem>>)
      %get3A_254 = arith.index_cast %mul3A_240 : i32 to index
      %get3A_255 = arith.constant 0 : index
      %get3A_256 = tpu.vector_load %arg7[%get3A_254, %get3A_255] {strides = array<i32>} : memref<157x128xi32, #tpu.memory_space<vmem>>, vector<16xi32>,
      %sub3A_257 = vector.broadcast %mul3A_0 : i32 to vector<16xi32>
      %sub3A_258 = arith.subi %get3A_256, %sub3A_257 : vector<16xi32>
      %ge3A_259 = arith.constant 0 : i32
      %ge3A_260 = vector.broadcast %ge3A_259 : i32 to vector<16xi32>
      %ge3A_261 = arith.cmpi sge, %sub3A_258, %ge3A_260 : vector<16xi32>
      %lt3A_262 = arith.constant 5056 : i32
      %lt3A_263 = vector.broadcast %lt3A_262 : i32 to vector<16xi32>
      %lt3A_264 = arith.cmpi slt, %sub3A_258, %lt3A_263 : vector<16xi32>
      %and3A_265 = arith.andi %ge3A_261, %lt3A_264 : vector<16xi1>
      %broadcast_in_dim3A_266 = vector.broadcast %mul3A_19 : i32 to vector<16xi32>
      %select_n3A_267 = arith.select %and3A_265, %sub3A_258, %broadcast_in_dim3A_266 : vector<16xi1>, vector<16xi32>
      %swap3A_268 = arith.constant 0 : i32
      %swap3A_269 = arith.constant 0 : i32
      %swap3A_270 = tpu.memref_slice %arg10[%swap3A_268, %swap3A_269] : memref<2x128xi32, #tpu.memory_space<vmem>> -> memref<1x128xi32, #tpu.memory_space<vmem>>
      %swap3A_271 = tpu.memref_squeeze %swap3A_270 : memref<1x128xi32, #tpu.memory_space<vmem>> -> memref<128xi32, #tpu.memory_space<vmem>>
      %swap3A_272 = arith.constant 0 : index
      %swap3A_273 = tpu.vector_load %swap3A_271[%swap3A_272] {strides = array<i32>} : memref<128xi32, #tpu.memory_space<vmem>>, vector<16xi32>,
      tpu.vector_store %swap3A_271[%swap3A_272], %select_n3A_267 {strides = array<i32>} : memref<128xi32, #tpu.memory_space<vmem>>, vector<16xi32>,
      %get3A_274 = arith.index_cast %mul3A_240 : i32 to index
      %get3A_275 = arith.constant 16 : index
      %get3A_276 = tpu.vector_load %arg7[%get3A_274, %get3A_275] {strides = array<i32>} : memref<157x128xi32, #tpu.memory_space<vmem>>, vector<16xi32>,
      %sub3A_277 = vector.broadcast %mul3A_0 : i32 to vector<16xi32>
      %sub3A_278 = arith.subi %get3A_276, %sub3A_277 : vector<16xi32>
      %ge3A_279 = arith.constant 0 : i32
      %ge3A_280 = vector.broadcast %ge3A_279 : i32 to vector<16xi32>
      %ge3A_281 = arith.cmpi sge, %sub3A_278, %ge3A_280 : vector<16xi32>
      %lt3A_282 = arith.constant 5056 : i32
      %lt3A_283 = vector.broadcast %lt3A_282 : i32 to vector<16xi32>
      %lt3A_284 = arith.cmpi slt, %sub3A_278, %lt3A_283 : vector<16xi32>
      %and3A_285 = arith.andi %ge3A_281, %lt3A_284 : vector<16xi1>
      %broadcast_in_dim3A_286 = vector.broadcast %mul3A_19 : i32 to vector<16xi32>
      %select_n3A_287 = arith.select %and3A_285, %sub3A_278, %broadcast_in_dim3A_286 : vector<16xi1>, vector<16xi32>
      %swap3A_288 = arith.constant 0 : i32
      %swap3A_289 = arith.constant 0 : i32
      %swap3A_290 = tpu.memref_slice %arg10[%swap3A_288, %swap3A_289] : memref<2x128xi32, #tpu.memory_space<vmem>> -> memref<1x128xi32, #tpu.memory_space<vmem>>
      %swap3A_291 = tpu.memref_squeeze %swap3A_290 : memref<1x128xi32, #tpu.memory_space<vmem>> -> memref<128xi32, #tpu.memory_space<vmem>>
      %swap3A_292 = arith.constant 16 : index
      %swap3A_293 = tpu.vector_load %swap3A_291[%swap3A_292] {strides = array<i32>} : memref<128xi32, #tpu.memory_space<vmem>>, vector<16xi32>,
      tpu.vector_store %swap3A_291[%swap3A_292], %select_n3A_287 {strides = array<i32>} : memref<128xi32, #tpu.memory_space<vmem>>, vector<16xi32>,
      %get3A_294 = arith.index_cast %mul3A_240 : i32 to index
      %get3A_295 = arith.constant 32 : index
      %get3A_296 = tpu.vector_load %arg7[%get3A_294, %get3A_295] {strides = array<i32>} : memref<157x128xi32, #tpu.memory_space<vmem>>, vector<16xi32>,
      %sub3A_297 = vector.broadcast %mul3A_0 : i32 to vector<16xi32>
      %sub3A_298 = arith.subi %get3A_296, %sub3A_297 : vector<16xi32>
      %ge3A_299 = arith.constant 0 : i32
      %ge3A_300 = vector.broadcast %ge3A_299 : i32 to vector<16xi32>
      %ge3A_301 = arith.cmpi sge, %sub3A_298, %ge3A_300 : vector<16xi32>
      %lt3A_302 = arith.constant 5056 : i32
      %lt3A_303 = vector.broadcast %lt3A_302 : i32 to vector<16xi32>
      %lt3A_304 = arith.cmpi slt, %sub3A_298, %lt3A_303 : vector<16xi32>
      %and3A_305 = arith.andi %ge3A_301, %lt3A_304 : vector<16xi1>
      %broadcast_in_dim3A_306 = vector.broadcast %mul3A_19 : i32 to vector<16xi32>
      %select_n3A_307 = arith.select %and3A_305, %sub3A_298, %broadcast_in_dim3A_306 : vector<16xi1>, vector<16xi32>
      %swap3A_308 = arith.constant 0 : i32
      %swap3A_309 = arith.constant 0 : i32
      %swap3A_310 = tpu.memref_slice %arg10[%swap3A_308, %swap3A_309] : memref<2x128xi32, #tpu.memory_space<vmem>> -> memref<1x128xi32, #tpu.memory_space<vmem>>
      %swap3A_311 = tpu.memref_squeeze %swap3A_310 : memref<1x128xi32, #tpu.memory_space<vmem>> -> memref<128xi32, #tpu.memory_space<vmem>>
      %swap3A_312 = arith.constant 32 : index
      %swap3A_313 = tpu.vector_load %swap3A_311[%swap3A_312] {strides = array<i32>} : memref<128xi32, #tpu.memory_space<vmem>>, vector<16xi32>,
      tpu.vector_store %swap3A_311[%swap3A_312], %select_n3A_307 {strides = array<i32>} : memref<128xi32, #tpu.memory_space<vmem>>, vector<16xi32>,
      %get3A_314 = arith.index_cast %mul3A_240 : i32 to index
      %get3A_315 = arith.constant 48 : index
      %get3A_316 = tpu.vector_load %arg7[%get3A_314, %get3A_315] {strides = array<i32>} : memref<157x128xi32, #tpu.memory_space<vmem>>, vector<16xi32>,
      %sub3A_317 = vector.broadcast %mul3A_0 : i32 to vector<16xi32>
      %sub3A_318 = arith.subi %get3A_316, %sub3A_317 : vector<16xi32>
      %ge3A_319 = arith.constant 0 : i32
      %ge3A_320 = vector.broadcast %ge3A_319 : i32 to vector<16xi32>
      %ge3A_321 = arith.cmpi sge, %sub3A_318, %ge3A_320 : vector<16xi32>
      %lt3A_322 = arith.constant 5056 : i32
      %lt3A_323 = vector.broadcast %lt3A_322 : i32 to vector<16xi32>
      %lt3A_324 = arith.cmpi slt, %sub3A_318, %lt3A_323 : vector<16xi32>
      %and3A_325 = arith.andi %ge3A_321, %lt3A_324 : vector<16xi1>
      %broadcast_in_dim3A_326 = vector.broadcast %mul3A_19 : i32 to vector<16xi32>
      %select_n3A_327 = arith.select %and3A_325, %sub3A_318, %broadcast_in_dim3A_326 : vector<16xi1>, vector<16xi32>
      %swap3A_328 = arith.constant 0 : i32
      %swap3A_329 = arith.constant 0 : i32
      %swap3A_330 = tpu.memref_slice %arg10[%swap3A_328, %swap3A_329] : memref<2x128xi32, #tpu.memory_space<vmem>> -> memref<1x128xi32, #tpu.memory_space<vmem>>
      %swap3A_331 = tpu.memref_squeeze %swap3A_330 : memref<1x128xi32, #tpu.memory_space<vmem>> -> memref<128xi32, #tpu.memory_space<vmem>>
      %swap3A_332 = arith.constant 48 : index
      %swap3A_333 = tpu.vector_load %swap3A_331[%swap3A_332] {strides = array<i32>} : memref<128xi32, #tpu.memory_space<vmem>>, vector<16xi32>,
      tpu.vector_store %swap3A_331[%swap3A_332], %select_n3A_327 {strides = array<i32>} : memref<128xi32, #tpu.memory_space<vmem>>, vector<16xi32>,
      %get3A_334 = arith.index_cast %mul3A_240 : i32 to index
      %get3A_335 = arith.constant 64 : index
      %get3A_336 = tpu.vector_load %arg7[%get3A_334, %get3A_335] {strides = array<i32>} : memref<157x128xi32, #tpu.memory_space<vmem>>, vector<16xi32>,
      %sub3A_337 = vector.broadcast %mul3A_0 : i32 to vector<16xi32>
      %sub3A_338 = arith.subi %get3A_336, %sub3A_337 : vector<16xi32>
      %ge3A_339 = arith.constant 0 : i32
      %ge3A_340 = vector.broadcast %ge3A_339 : i32 to vector<16xi32>
      %ge3A_341 = arith.cmpi sge, %sub3A_338, %ge3A_340 : vector<16xi32>
      %lt3A_342 = arith.constant 5056 : i32
      %lt3A_343 = vector.broadcast %lt3A_342 : i32 to vector<16xi32>
      %lt3A_344 = arith.cmpi slt, %sub3A_338, %lt3A_343 : vector<16xi32>
      %and3A_345 = arith.andi %ge3A_341, %lt3A_344 : vector<16xi1>
      %broadcast_in_dim3A_346 = vector.broadcast %mul3A_19 : i32 to vector<16xi32>
      %select_n3A_347 = arith.select %and3A_345, %sub3A_338, %broadcast_in_dim3A_346 : vector<16xi1>, vector<16xi32>
      %swap3A_348 = arith.constant 0 : i32
      %swap3A_349 = arith.constant 0 : i32
      %swap3A_350 = tpu.memref_slice %arg10[%swap3A_348, %swap3A_349] : memref<2x128xi32, #tpu.memory_space<vmem>> -> memref<1x128xi32, #tpu.memory_space<vmem>>
      %swap3A_351 = tpu.memref_squeeze %swap3A_350 : memref<1x128xi32, #tpu.memory_space<vmem>> -> memref<128xi32, #tpu.memory_space<vmem>>
      %swap3A_352 = arith.constant 64 : index
      %swap3A_353 = tpu.vector_load %swap3A_351[%swap3A_352] {strides = array<i32>} : memref<128xi32, #tpu.memory_space<vmem>>, vector<16xi32>,
      tpu.vector_store %swap3A_351[%swap3A_352], %select_n3A_347 {strides = array<i32>} : memref<128xi32, #tpu.memory_space<vmem>>, vector<16xi32>,
      %get3A_354 = arith.index_cast %mul3A_240 : i32 to index
      %get3A_355 = arith.constant 80 : index
      %get3A_356 = tpu.vector_load %arg7[%get3A_354, %get3A_355] {strides = array<i32>} : memref<157x128xi32, #tpu.memory_space<vmem>>, vector<16xi32>,
      %sub3A_357 = vector.broadcast %mul3A_0 : i32 to vector<16xi32>
      %sub3A_358 = arith.subi %get3A_356, %sub3A_357 : vector<16xi32>
      %ge3A_359 = arith.constant 0 : i32
      %ge3A_360 = vector.broadcast %ge3A_359 : i32 to vector<16xi32>
      %ge3A_361 = arith.cmpi sge, %sub3A_358, %ge3A_360 : vector<16xi32>
      %lt3A_362 = arith.constant 5056 : i32
      %lt3A_363 = vector.broadcast %lt3A_362 : i32 to vector<16xi32>
      %lt3A_364 = arith.cmpi slt, %sub3A_358, %lt3A_363 : vector<16xi32>
      %and3A_365 = arith.andi %ge3A_361, %lt3A_364 : vector<16xi1>
      %broadcast_in_dim3A_366 = vector.broadcast %mul3A_19 : i32 to vector<16xi32>
      %select_n3A_367 = arith.select %and3A_365, %sub3A_358, %broadcast_in_dim3A_366 : vector<16xi1>, vector<16xi32>
      %swap3A_368 = arith.constant 0 : i32
      %swap3A_369 = arith.constant 0 : i32
      %swap3A_370 = tpu.memref_slice %arg10[%swap3A_368, %swap3A_369] : memref<2x128xi32, #tpu.memory_space<vmem>> -> memref<1x128xi32, #tpu.memory_space<vmem>>
      %swap3A_371 = tpu.memref_squeeze %swap3A_370 : memref<1x128xi32, #tpu.memory_space<vmem>> -> memref<128xi32, #tpu.memory_space<vmem>>
      %swap3A_372 = arith.constant 80 : index
      %swap3A_373 = tpu.vector_load %swap3A_371[%swap3A_372] {strides = array<i32>} : memref<128xi32, #tpu.memory_space<vmem>>, vector<16xi32>,
      tpu.vector_store %swap3A_371[%swap3A_372], %select_n3A_367 {strides = array<i32>} : memref<128xi32, #tpu.memory_space<vmem>>, vector<16xi32>,
      %get3A_374 = arith.index_cast %mul3A_240 : i32 to index
      %get3A_375 = arith.constant 96 : index
      %get3A_376 = tpu.vector_load %arg7[%get3A_374, %get3A_375] {strides = array<i32>} : memref<157x128xi32, #tpu.memory_space<vmem>>, vector<16xi32>,
      %sub3A_377 = vector.broadcast %mul3A_0 : i32 to vector<16xi32>
      %sub3A_378 = arith.subi %get3A_376, %sub3A_377 : vector<16xi32>
      %ge3A_379 = arith.constant 0 : i32
      %ge3A_380 = vector.broadcast %ge3A_379 : i32 to vector<16xi32>
      %ge3A_381 = arith.cmpi sge, %sub3A_378, %ge3A_380 : vector<16xi32>
      %lt3A_382 = arith.constant 5056 : i32
      %lt3A_383 = vector.broadcast %lt3A_382 : i32 to vector<16xi32>
      %lt3A_384 = arith.cmpi slt, %sub3A_378, %lt3A_383 : vector<16xi32>
      %and3A_385 = arith.andi %ge3A_381, %lt3A_384 : vector<16xi1>
      %broadcast_in_dim3A_386 = vector.broadcast %mul3A_19 : i32 to vector<16xi32>
      %select_n3A_387 = arith.select %and3A_385, %sub3A_378, %broadcast_in_dim3A_386 : vector<16xi1>, vector<16xi32>
      %swap3A_388 = arith.constant 0 : i32
      %swap3A_389 = arith.constant 0 : i32
      %swap3A_390 = tpu.memref_slice %arg10[%swap3A_388, %swap3A_389] : memref<2x128xi32, #tpu.memory_space<vmem>> -> memref<1x128xi32, #tpu.memory_space<vmem>>
      %swap3A_391 = tpu.memref_squeeze %swap3A_390 : memref<1x128xi32, #tpu.memory_space<vmem>> -> memref<128xi32, #tpu.memory_space<vmem>>
      %swap3A_392 = arith.constant 96 : index
      %swap3A_393 = tpu.vector_load %swap3A_391[%swap3A_392] {strides = array<i32>} : memref<128xi32, #tpu.memory_space<vmem>>, vector<16xi32>,
      tpu.vector_store %swap3A_391[%swap3A_392], %select_n3A_387 {strides = array<i32>} : memref<128xi32, #tpu.memory_space<vmem>>, vector<16xi32>,
      %get3A_394 = arith.index_cast %mul3A_240 : i32 to index
      %get3A_395 = arith.constant 112 : index
      %get3A_396 = tpu.vector_load %arg7[%get3A_394, %get3A_395] {strides = array<i32>} : memref<157x128xi32, #tpu.memory_space<vmem>>, vector<16xi32>,
      %sub3A_397 = vector.broadcast %mul3A_0 : i32 to vector<16xi32>
      %sub3A_398 = arith.subi %get3A_396, %sub3A_397 : vector<16xi32>
      %ge3A_399 = arith.constant 0 : i32
      %ge3A_400 = vector.broadcast %ge3A_399 : i32 to vector<16xi32>
      %ge3A_401 = arith.cmpi sge, %sub3A_398, %ge3A_400 : vector<16xi32>
      %lt3A_402 = arith.constant 5056 : i32
      %lt3A_403 = vector.broadcast %lt3A_402 : i32 to vector<16xi32>
      %lt3A_404 = arith.cmpi slt, %sub3A_398, %lt3A_403 : vector<16xi32>
      %and3A_405 = arith.andi %ge3A_401, %lt3A_404 : vector<16xi1>
      %broadcast_in_dim3A_406 = vector.broadcast %mul3A_19 : i32 to vector<16xi32>
      %select_n3A_407 = arith.select %and3A_405, %sub3A_398, %broadcast_in_dim3A_406 : vector<16xi1>, vector<16xi32>
      %swap3A_408 = arith.constant 0 : i32
      %swap3A_409 = arith.constant 0 : i32
      %swap3A_410 = tpu.memref_slice %arg10[%swap3A_408, %swap3A_409] : memref<2x128xi32, #tpu.memory_space<vmem>> -> memref<1x128xi32, #tpu.memory_space<vmem>>
      %swap3A_411 = tpu.memref_squeeze %swap3A_410 : memref<1x128xi32, #tpu.memory_space<vmem>> -> memref<128xi32, #tpu.memory_space<vmem>>
      %swap3A_412 = arith.constant 112 : index
      %swap3A_413 = tpu.vector_load %swap3A_411[%swap3A_412] {strides = array<i32>} : memref<128xi32, #tpu.memory_space<vmem>>, vector<16xi32>,
      tpu.vector_store %swap3A_411[%swap3A_412], %select_n3A_407 {strides = array<i32>} : memref<128xi32, #tpu.memory_space<vmem>>, vector<16xi32>,
      %dma_wait3A_414 = arith.constant 0 : i32
      %dma_wait3A_415 = arith.constant 0 : i32
      %dma_wait3A_416 = arith.constant 0 : i32
      %dma_wait3A_417 = tpu.memref_slice %arg8[%dma_wait3A_414, %dma_wait3A_415, %dma_wait3A_416] : memref<2x128x128xf32, #tpu.memory_space<vmem>> -> memref<1x128x128xf32, #tpu.memory_space<vmem>>
      %dma_wait3A_418 = tpu.memref_squeeze %dma_wait3A_417 : memref<1x128x128xf32, #tpu.memory_space<vmem>> -> memref<128x128xf32, #tpu.memory_space<vmem>>
      %dma_wait3A_419 = arith.constant 0 : i32
      %dma_wait3A_420 = arith.constant 0 : i32
      %dma_wait3A_421 = tpu.memref_slice %arg2[%dma_wait3A_419, %dma_wait3A_420] : memref<10112x128xf32, #tpu.memory_space<hbm>> -> memref<128x128xf32, #tpu.memory_space<hbm>>
      %dma_wait3A_422 = arith.constant 0 : i32
      %dma_wait3A_423 = arith.constant 0 : i32
      %dma_wait3A_424 = tpu.memref_slice %arg8[%dma_wait3A_414, %dma_wait3A_422, %dma_wait3A_423] : memref<2x128x128xf32, #tpu.memory_space<vmem>> -> memref<1x128x128xf32, #tpu.memory_space<vmem>>
      %dma_wait3A_425 = tpu.memref_squeeze %dma_wait3A_424 : memref<1x128x128xf32, #tpu.memory_space<vmem>> -> memref<128x128xf32, #tpu.memory_space<vmem>>
      %dma_wait3A_426 = arith.constant 0 : i32
      %dma_wait3A_427 = arith.constant 0 : i32
      %dma_wait3A_428 = tpu.memref_slice %arg2[%dma_wait3A_426, %dma_wait3A_427] : memref<10112x128xf32, #tpu.memory_space<hbm>> -> memref<128x128xf32, #tpu.memory_space<hbm>>
      tpu.wait_dma2 semaphore(%arg12 : memref<!tpu.dma_semaphore, #tpu.memory_space<semaphore_mem>>) src(%dma_wait3A_428 : memref<128x128xf32, #tpu.memory_space<hbm>>) dst(%dma_wait3A_425 : memref<128x128xf32, #tpu.memory_space<vmem>>)
      %run_scoped3A_429 = arith.constant 0 : i32
      %run_scoped3A_430 = arith.constant 0 : i32
      "tpu.region"() ({
        %run_scoped3A_623 = tpu.sem_alloc : memref<!tpu.dma_semaphore, #tpu.memory_space<semaphore_mem>>
        %dma_start3A_624 = arith.constant 0 : i32
        %dma_start3A_625 = arith.constant 0 : i32
        %dma_start3A_626 = tpu.memref_slice %arg8[%run_scoped3A_429, %dma_start3A_624, %dma_start3A_625] : memref<2x128x128xf32, #tpu.memory_space<vmem>> -> memref<1x128x128xf32, #tpu.memory_space<vmem>>
        %dma_start3A_627 = tpu.memref_squeeze %dma_start3A_626 : memref<1x128x128xf32, #tpu.memory_space<vmem>> -> memref<128x128xf32, #tpu.memory_space<vmem>>
        %dma_start3A_628 = arith.constant 0 : i32
        %dma_start3A_629 = tpu.memref_slice %arg10[%run_scoped3A_430, %dma_start3A_628] : memref<2x128xi32, #tpu.memory_space<vmem>> -> memref<1x128xi32, #tpu.memory_space<vmem>>
        %dma_start3A_630 = tpu.memref_squeeze %dma_start3A_629 : memref<1x128xi32, #tpu.memory_space<vmem>> -> memref<128xi32, #tpu.memory_space<vmem>>
        %dma_start3A_631 = arith.constant 0 : i32
        %dma_start3A_632 = arith.constant 0 : i32
        %dma_start3A_633 = tpu.memref_slice %arg11[%dma_start3A_631, %dma_start3A_632] : memref<5056x128xf32, #tpu.memory_space<vmem_shared>> -> memref<5056x128xf32, #tpu.memory_space<vmem_shared>>
        tpu.enqueue_indirect_dma source(%dma_start3A_627 : memref<128x128xf32, #tpu.memory_space<vmem>>) target(%dma_start3A_633 : memref<5056x128xf32, #tpu.memory_space<vmem_shared>>) offsets(%dma_start3A_630 : memref<128xi32, #tpu.memory_space<vmem>>) semaphore(%run_scoped3A_623 : memref<!tpu.dma_semaphore, #tpu.memory_space<semaphore_mem>>) {add = true}
        %dma_wait3A_634 = arith.constant 0 : i32
        %dma_wait3A_635 = arith.constant 0 : i32
        %dma_wait3A_636 = tpu.memref_slice %arg8[%run_scoped3A_429, %dma_wait3A_634, %dma_wait3A_635] : memref<2x128x128xf32, #tpu.memory_space<vmem>> -> memref<1x128x128xf32, #tpu.memory_space<vmem>>
        %dma_wait3A_637 = tpu.memref_squeeze %dma_wait3A_636 : memref<1x128x128xf32, #tpu.memory_space<vmem>> -> memref<128x128xf32, #tpu.memory_space<vmem>>
        %dma_wait3A_638 = arith.constant 0 : i32
        %dma_wait3A_639 = tpu.memref_slice %arg10[%run_scoped3A_430, %dma_wait3A_638] : memref<2x128xi32, #tpu.memory_space<vmem>> -> memref<1x128xi32, #tpu.memory_space<vmem>>
        %dma_wait3A_640 = tpu.memref_squeeze %dma_wait3A_639 : memref<1x128xi32, #tpu.memory_space<vmem>> -> memref<128xi32, #tpu.memory_space<vmem>>
        %dma_wait3A_641 = arith.constant 0 : i32
        %dma_wait3A_642 = arith.constant 0 : i32
        %dma_wait3A_643 = tpu.memref_slice %arg11[%dma_wait3A_641, %dma_wait3A_642] : memref<5056x128xf32, #tpu.memory_space<vmem_shared>> -> memref<5056x128xf32, #tpu.memory_space<vmem_shared>>
        tpu.wait_indirect_dma semaphore(%run_scoped3A_623 : memref<!tpu.dma_semaphore, #tpu.memory_space<semaphore_mem>>) src(%dma_wait3A_637 : memref<128x128xf32, #tpu.memory_space<vmem>>) dst(%dma_wait3A_643 : memref<5056x128xf32, #tpu.memory_space<vmem_shared>>)
        tpu.yield
      }) : () -> ()
      %add3A_431 = arith.constant 2 : i32
      %add3A_432 = arith.addi %mul3A_240, %add3A_431 : i32
      %dma_start3A_433 = arith.constant 0 : i32
      %dma_start3A_434 = arith.constant 0 : i32
      %dma_start3A_435 = arith.constant 0 : i32
      %dma_start3A_436 = tpu.memref_slice %arg8[%dma_start3A_433, %dma_start3A_434, %dma_start3A_435] : memref<2x128x128xf32, #tpu.memory_space<vmem>> -> memref<1x128x128xf32, #tpu.memory_space<vmem>>
      %dma_start3A_437 = tpu.memref_squeeze %dma_start3A_436 : memref<1x128x128xf32, #tpu.memory_space<vmem>> -> memref<128x128xf32, #tpu.memory_space<vmem>>
      %dma_start3A_438 = arith.constant 0 : i32
      %dma_start3A_439 = tpu.memref_slice %arg6[%add3A_432, %dma_start3A_438] : memref<157x128xi32, #tpu.memory_space<vmem>> -> memref<1x128xi32, #tpu.memory_space<vmem>>
      %dma_start3A_440 = tpu.memref_squeeze %dma_start3A_439 : memref<1x128xi32, #tpu.memory_space<vmem>> -> memref<128xi32, #tpu.memory_space<vmem>>
      %dma_start3A_441 = arith.constant 0 : i32
      %dma_start3A_442 = arith.constant 0 : i32
      %dma_start3A_443 = tpu.memref_slice %arg2[%dma_start3A_441, %dma_start3A_442] : memref<10112x128xf32, #tpu.memory_space<hbm>> -> memref<10112x128xf32, #tpu.memory_space<hbm>>
      tpu.enqueue_indirect_dma source(%dma_start3A_443 : memref<10112x128xf32, #tpu.memory_space<hbm>>) target(%dma_start3A_437 : memref<128x128xf32, #tpu.memory_space<vmem>>) offsets(%dma_start3A_440 : memref<128xi32, #tpu.memory_space<vmem>>) semaphore(%arg12 : memref<!tpu.dma_semaphore, #tpu.memory_space<semaphore_mem>>)
      %add3A_444 = arith.constant 1 : i32
      %add3A_445 = arith.addi %mul3A_240, %add3A_444 : i32
      %get3A_446 = arith.index_cast %add3A_445 : i32 to index
      %get3A_447 = arith.constant 0 : index
      %get3A_448 = tpu.vector_load %arg7[%get3A_446, %get3A_447] {strides = array<i32>} : memref<157x128xi32, #tpu.memory_space<vmem>>, vector<16xi32>,
      %sub3A_449 = vector.broadcast %mul3A_0 : i32 to vector<16xi32>
      %sub3A_450 = arith.subi %get3A_448, %sub3A_449 : vector<16xi32>
      %ge3A_451 = arith.constant 0 : i32
      %ge3A_452 = vector.broadcast %ge3A_451 : i32 to vector<16xi32>
      %ge3A_453 = arith.cmpi sge, %sub3A_450, %ge3A_452 : vector<16xi32>
      %lt3A_454 = arith.constant 5056 : i32
      %lt3A_455 = vector.broadcast %lt3A_454 : i32 to vector<16xi32>
      %lt3A_456 = arith.cmpi slt, %sub3A_450, %lt3A_455 : vector<16xi32>
      %and3A_457 = arith.andi %ge3A_453, %lt3A_456 : vector<16xi1>
      %broadcast_in_dim3A_458 = vector.broadcast %mul3A_19 : i32 to vector<16xi32>
      %select_n3A_459 = arith.select %and3A_457, %sub3A_450, %broadcast_in_dim3A_458 : vector<16xi1>, vector<16xi32>
      %swap3A_460 = arith.constant 1 : i32
      %swap3A_461 = arith.constant 0 : i32
      %swap3A_462 = tpu.memref_slice %arg10[%swap3A_460, %swap3A_461] : memref<2x128xi32, #tpu.memory_space<vmem>> -> memref<1x128xi32, #tpu.memory_space<vmem>>
      %swap3A_463 = tpu.memref_squeeze %swap3A_462 : memref<1x128xi32, #tpu.memory_space<vmem>> -> memref<128xi32, #tpu.memory_space<vmem>>
      %swap3A_464 = arith.constant 0 : index
      %swap3A_465 = tpu.vector_load %swap3A_463[%swap3A_464] {strides = array<i32>} : memref<128xi32, #tpu.memory_space<vmem>>, vector<16xi32>,
      tpu.vector_store %swap3A_463[%swap3A_464], %select_n3A_459 {strides = array<i32>} : memref<128xi32, #tpu.memory_space<vmem>>, vector<16xi32>,
      %get3A_466 = arith.index_cast %add3A_445 : i32 to index
      %get3A_467 = arith.constant 16 : index
      %get3A_468 = tpu.vector_load %arg7[%get3A_466, %get3A_467] {strides = array<i32>} : memref<157x128xi32, #tpu.memory_space<vmem>>, vector<16xi32>,
      %sub3A_469 = vector.broadcast %mul3A_0 : i32 to vector<16xi32>
      %sub3A_470 = arith.subi %get3A_468, %sub3A_469 : vector<16xi32>
      %ge3A_471 = arith.constant 0 : i32
      %ge3A_472 = vector.broadcast %ge3A_471 : i32 to vector<16xi32>
      %ge3A_473 = arith.cmpi sge, %sub3A_470, %ge3A_472 : vector<16xi32>
      %lt3A_474 = arith.constant 5056 : i32
      %lt3A_475 = vector.broadcast %lt3A_474 : i32 to vector<16xi32>
      %lt3A_476 = arith.cmpi slt, %sub3A_470, %lt3A_475 : vector<16xi32>
      %and3A_477 = arith.andi %ge3A_473, %lt3A_476 : vector<16xi1>
      %broadcast_in_dim3A_478 = vector.broadcast %mul3A_19 : i32 to vector<16xi32>
      %select_n3A_479 = arith.select %and3A_477, %sub3A_470, %broadcast_in_dim3A_478 : vector<16xi1>, vector<16xi32>
      %swap3A_480 = arith.constant 1 : i32
      %swap3A_481 = arith.constant 0 : i32
      %swap3A_482 = tpu.memref_slice %arg10[%swap3A_480, %swap3A_481] : memref<2x128xi32, #tpu.memory_space<vmem>> -> memref<1x128xi32, #tpu.memory_space<vmem>>
      %swap3A_483 = tpu.memref_squeeze %swap3A_482 : memref<1x128xi32, #tpu.memory_space<vmem>> -> memref<128xi32, #tpu.memory_space<vmem>>
      %swap3A_484 = arith.constant 16 : index
      %swap3A_485 = tpu.vector_load %swap3A_483[%swap3A_484] {strides = array<i32>} : memref<128xi32, #tpu.memory_space<vmem>>, vector<16xi32>,
      tpu.vector_store %swap3A_483[%swap3A_484], %select_n3A_479 {strides = array<i32>} : memref<128xi32, #tpu.memory_space<vmem>>, vector<16xi32>,
      %get3A_486 = arith.index_cast %add3A_445 : i32 to index
      %get3A_487 = arith.constant 32 : index
      %get3A_488 = tpu.vector_load %arg7[%get3A_486, %get3A_487] {strides = array<i32>} : memref<157x128xi32, #tpu.memory_space<vmem>>, vector<16xi32>,
      %sub3A_489 = vector.broadcast %mul3A_0 : i32 to vector<16xi32>
      %sub3A_490 = arith.subi %get3A_488, %sub3A_489 : vector<16xi32>
      %ge3A_491 = arith.constant 0 : i32
      %ge3A_492 = vector.broadcast %ge3A_491 : i32 to vector<16xi32>
      %ge3A_493 = arith.cmpi sge, %sub3A_490, %ge3A_492 : vector<16xi32>
      %lt3A_494 = arith.constant 5056 : i32
      %lt3A_495 = vector.broadcast %lt3A_494 : i32 to vector<16xi32>
      %lt3A_496 = arith.cmpi slt, %sub3A_490, %lt3A_495 : vector<16xi32>
      %and3A_497 = arith.andi %ge3A_493, %lt3A_496 : vector<16xi1>
      %broadcast_in_dim3A_498 = vector.broadcast %mul3A_19 : i32 to vector<16xi32>
      %select_n3A_499 = arith.select %and3A_497, %sub3A_490, %broadcast_in_dim3A_498 : vector<16xi1>, vector<16xi32>
      %swap3A_500 = arith.constant 1 : i32
      %swap3A_501 = arith.constant 0 : i32
      %swap3A_502 = tpu.memref_slice %arg10[%swap3A_500, %swap3A_501] : memref<2x128xi32, #tpu.memory_space<vmem>> -> memref<1x128xi32, #tpu.memory_space<vmem>>
      %swap3A_503 = tpu.memref_squeeze %swap3A_502 : memref<1x128xi32, #tpu.memory_space<vmem>> -> memref<128xi32, #tpu.memory_space<vmem>>
      %swap3A_504 = arith.constant 32 : index
      %swap3A_505 = tpu.vector_load %swap3A_503[%swap3A_504] {strides = array<i32>} : memref<128xi32, #tpu.memory_space<vmem>>, vector<16xi32>,
      tpu.vector_store %swap3A_503[%swap3A_504], %select_n3A_499 {strides = array<i32>} : memref<128xi32, #tpu.memory_space<vmem>>, vector<16xi32>,
      %get3A_506 = arith.index_cast %add3A_445 : i32 to index
      %get3A_507 = arith.constant 48 : index
      %get3A_508 = tpu.vector_load %arg7[%get3A_506, %get3A_507] {strides = array<i32>} : memref<157x128xi32, #tpu.memory_space<vmem>>, vector<16xi32>,
      %sub3A_509 = vector.broadcast %mul3A_0 : i32 to vector<16xi32>
      %sub3A_510 = arith.subi %get3A_508, %sub3A_509 : vector<16xi32>
      %ge3A_511 = arith.constant 0 : i32
      %ge3A_512 = vector.broadcast %ge3A_511 : i32 to vector<16xi32>
      %ge3A_513 = arith.cmpi sge, %sub3A_510, %ge3A_512 : vector<16xi32>
      %lt3A_514 = arith.constant 5056 : i32
      %lt3A_515 = vector.broadcast %lt3A_514 : i32 to vector<16xi32>
      %lt3A_516 = arith.cmpi slt, %sub3A_510, %lt3A_515 : vector<16xi32>
      %and3A_517 = arith.andi %ge3A_513, %lt3A_516 : vector<16xi1>
      %broadcast_in_dim3A_518 = vector.broadcast %mul3A_19 : i32 to vector<16xi32>
      %select_n3A_519 = arith.select %and3A_517, %sub3A_510, %broadcast_in_dim3A_518 : vector<16xi1>, vector<16xi32>
      %swap3A_520 = arith.constant 1 : i32
      %swap3A_521 = arith.constant 0 : i32
      %swap3A_522 = tpu.memref_slice %arg10[%swap3A_520, %swap3A_521] : memref<2x128xi32, #tpu.memory_space<vmem>> -> memref<1x128xi32, #tpu.memory_space<vmem>>
      %swap3A_523 = tpu.memref_squeeze %swap3A_522 : memref<1x128xi32, #tpu.memory_space<vmem>> -> memref<128xi32, #tpu.memory_space<vmem>>
      %swap3A_524 = arith.constant 48 : index
      %swap3A_525 = tpu.vector_load %swap3A_523[%swap3A_524] {strides = array<i32>} : memref<128xi32, #tpu.memory_space<vmem>>, vector<16xi32>,
      tpu.vector_store %swap3A_523[%swap3A_524], %select_n3A_519 {strides = array<i32>} : memref<128xi32, #tpu.memory_space<vmem>>, vector<16xi32>,
      %get3A_526 = arith.index_cast %add3A_445 : i32 to index
      %get3A_527 = arith.constant 64 : index
      %get3A_528 = tpu.vector_load %arg7[%get3A_526, %get3A_527] {strides = array<i32>} : memref<157x128xi32, #tpu.memory_space<vmem>>, vector<16xi32>,
      %sub3A_529 = vector.broadcast %mul3A_0 : i32 to vector<16xi32>
      %sub3A_530 = arith.subi %get3A_528, %sub3A_529 : vector<16xi32>
      %ge3A_531 = arith.constant 0 : i32
      %ge3A_532 = vector.broadcast %ge3A_531 : i32 to vector<16xi32>
      %ge3A_533 = arith.cmpi sge, %sub3A_530, %ge3A_532 : vector<16xi32>
      %lt3A_534 = arith.constant 5056 : i32
      %lt3A_535 = vector.broadcast %lt3A_534 : i32 to vector<16xi32>
      %lt3A_536 = arith.cmpi slt, %sub3A_530, %lt3A_535 : vector<16xi32>
      %and3A_537 = arith.andi %ge3A_533, %lt3A_536 : vector<16xi1>
      %broadcast_in_dim3A_538 = vector.broadcast %mul3A_19 : i32 to vector<16xi32>
      %select_n3A_539 = arith.select %and3A_537, %sub3A_530, %broadcast_in_dim3A_538 : vector<16xi1>, vector<16xi32>
      %swap3A_540 = arith.constant 1 : i32
      %swap3A_541 = arith.constant 0 : i32
      %swap3A_542 = tpu.memref_slice %arg10[%swap3A_540, %swap3A_541] : memref<2x128xi32, #tpu.memory_space<vmem>> -> memref<1x128xi32, #tpu.memory_space<vmem>>
      %swap3A_543 = tpu.memref_squeeze %swap3A_542 : memref<1x128xi32, #tpu.memory_space<vmem>> -> memref<128xi32, #tpu.memory_space<vmem>>
      %swap3A_544 = arith.constant 64 : index
      %swap3A_545 = tpu.vector_load %swap3A_543[%swap3A_544] {strides = array<i32>} : memref<128xi32, #tpu.memory_space<vmem>>, vector<16xi32>,
      tpu.vector_store %swap3A_543[%swap3A_544], %select_n3A_539 {strides = array<i32>} : memref<128xi32, #tpu.memory_space<vmem>>, vector<16xi32>,
      %get3A_546 = arith.index_cast %add3A_445 : i32 to index
      %get3A_547 = arith.constant 80 : index
      %get3A_548 = tpu.vector_load %arg7[%get3A_546, %get3A_547] {strides = array<i32>} : memref<157x128xi32, #tpu.memory_space<vmem>>, vector<16xi32>,
      %sub3A_549 = vector.broadcast %mul3A_0 : i32 to vector<16xi32>
      %sub3A_550 = arith.subi %get3A_548, %sub3A_549 : vector<16xi32>
      %ge3A_551 = arith.constant 0 : i32
      %ge3A_552 = vector.broadcast %ge3A_551 : i32 to vector<16xi32>
      %ge3A_553 = arith.cmpi sge, %sub3A_550, %ge3A_552 : vector<16xi32>
      %lt3A_554 = arith.constant 5056 : i32
      %lt3A_555 = vector.broadcast %lt3A_554 : i32 to vector<16xi32>
      %lt3A_556 = arith.cmpi slt, %sub3A_550, %lt3A_555 : vector<16xi32>
      %and3A_557 = arith.andi %ge3A_553, %lt3A_556 : vector<16xi1>
      %broadcast_in_dim3A_558 = vector.broadcast %mul3A_19 : i32 to vector<16xi32>
      %select_n3A_559 = arith.select %and3A_557, %sub3A_550, %broadcast_in_dim3A_558 : vector<16xi1>, vector<16xi32>
      %swap3A_560 = arith.constant 1 : i32
      %swap3A_561 = arith.constant 0 : i32
      %swap3A_562 = tpu.memref_slice %arg10[%swap3A_560, %swap3A_561] : memref<2x128xi32, #tpu.memory_space<vmem>> -> memref<1x128xi32, #tpu.memory_space<vmem>>
      %swap3A_563 = tpu.memref_squeeze %swap3A_562 : memref<1x128xi32, #tpu.memory_space<vmem>> -> memref<128xi32, #tpu.memory_space<vmem>>
      %swap3A_564 = arith.constant 80 : index
      %swap3A_565 = tpu.vector_load %swap3A_563[%swap3A_564] {strides = array<i32>} : memref<128xi32, #tpu.memory_space<vmem>>, vector<16xi32>,
      tpu.vector_store %swap3A_563[%swap3A_564], %select_n3A_559 {strides = array<i32>} : memref<128xi32, #tpu.memory_space<vmem>>, vector<16xi32>,
      %get3A_566 = arith.index_cast %add3A_445 : i32 to index
      %get3A_567 = arith.constant 96 : index
      %get3A_568 = tpu.vector_load %arg7[%get3A_566, %get3A_567] {strides = array<i32>} : memref<157x128xi32, #tpu.memory_space<vmem>>, vector<16xi32>,
      %sub3A_569 = vector.broadcast %mul3A_0 : i32 to vector<16xi32>
      %sub3A_570 = arith.subi %get3A_568, %sub3A_569 : vector<16xi32>
      %ge3A_571 = arith.constant 0 : i32
      %ge3A_572 = vector.broadcast %ge3A_571 : i32 to vector<16xi32>
      %ge3A_573 = arith.cmpi sge, %sub3A_570, %ge3A_572 : vector<16xi32>
      %lt3A_574 = arith.constant 5056 : i32
      %lt3A_575 = vector.broadcast %lt3A_574 : i32 to vector<16xi32>
      %lt3A_576 = arith.cmpi slt, %sub3A_570, %lt3A_575 : vector<16xi32>
      %and3A_577 = arith.andi %ge3A_573, %lt3A_576 : vector<16xi1>
      %broadcast_in_dim3A_578 = vector.broadcast %mul3A_19 : i32 to vector<16xi32>
      %select_n3A_579 = arith.select %and3A_577, %sub3A_570, %broadcast_in_dim3A_578 : vector<16xi1>, vector<16xi32>
      %swap3A_580 = arith.constant 1 : i32
      %swap3A_581 = arith.constant 0 : i32
      %swap3A_582 = tpu.memref_slice %arg10[%swap3A_580, %swap3A_581] : memref<2x128xi32, #tpu.memory_space<vmem>> -> memref<1x128xi32, #tpu.memory_space<vmem>>
      %swap3A_583 = tpu.memref_squeeze %swap3A_582 : memref<1x128xi32, #tpu.memory_space<vmem>> -> memref<128xi32, #tpu.memory_space<vmem>>
      %swap3A_584 = arith.constant 96 : index
      %swap3A_585 = tpu.vector_load %swap3A_583[%swap3A_584] {strides = array<i32>} : memref<128xi32, #tpu.memory_space<vmem>>, vector<16xi32>,
      tpu.vector_store %swap3A_583[%swap3A_584], %select_n3A_579 {strides = array<i32>} : memref<128xi32, #tpu.memory_space<vmem>>, vector<16xi32>,
      %get3A_586 = arith.index_cast %add3A_445 : i32 to index
      %get3A_587 = arith.constant 112 : index
      %get3A_588 = tpu.vector_load %arg7[%get3A_586, %get3A_587] {strides = array<i32>} : memref<157x128xi32, #tpu.memory_space<vmem>>, vector<16xi32>,
      %sub3A_589 = vector.broadcast %mul3A_0 : i32 to vector<16xi32>
      %sub3A_590 = arith.subi %get3A_588, %sub3A_589 : vector<16xi32>
      %ge3A_591 = arith.constant 0 : i32
      %ge3A_592 = vector.broadcast %ge3A_591 : i32 to vector<16xi32>
      %ge3A_593 = arith.cmpi sge, %sub3A_590, %ge3A_592 : vector<16xi32>
      %lt3A_594 = arith.constant 5056 : i32
      %lt3A_595 = vector.broadcast %lt3A_594 : i32 to vector<16xi32>
      %lt3A_596 = arith.cmpi slt, %sub3A_590, %lt3A_595 : vector<16xi32>
      %and3A_597 = arith.andi %ge3A_593, %lt3A_596 : vector<16xi1>
      %broadcast_in_dim3A_598 = vector.broadcast %mul3A_19 : i32 to vector<16xi32>
      %select_n3A_599 = arith.select %and3A_597, %sub3A_590, %broadcast_in_dim3A_598 : vector<16xi1>, vector<16xi32>
      %swap3A_600 = arith.constant 1 : i32
      %swap3A_601 = arith.constant 0 : i32
      %swap3A_602 = tpu.memref_slice %arg10[%swap3A_600, %swap3A_601] : memref<2x128xi32, #tpu.memory_space<vmem>> -> memref<1x128xi32, #tpu.memory_space<vmem>>
      %swap3A_603 = tpu.memref_squeeze %swap3A_602 : memref<1x128xi32, #tpu.memory_space<vmem>> -> memref<128xi32, #tpu.memory_space<vmem>>
      %swap3A_604 = arith.constant 112 : index
      %swap3A_605 = tpu.vector_load %swap3A_603[%swap3A_604] {strides = array<i32>} : memref<128xi32, #tpu.memory_space<vmem>>, vector<16xi32>,
      tpu.vector_store %swap3A_603[%swap3A_604], %select_n3A_599 {strides = array<i32>} : memref<128xi32, #tpu.memory_space<vmem>>, vector<16xi32>,
      %dma_wait3A_606 = arith.constant 1 : i32
      %dma_wait3A_607 = arith.constant 0 : i32
      %dma_wait3A_608 = arith.constant 0 : i32
      %dma_wait3A_609 = tpu.memref_slice %arg8[%dma_wait3A_606, %dma_wait3A_607, %dma_wait3A_608] : memref<2x128x128xf32, #tpu.memory_space<vmem>> -> memref<1x128x128xf32, #tpu.memory_space<vmem>>
      %dma_wait3A_610 = tpu.memref_squeeze %dma_wait3A_609 : memref<1x128x128xf32, #tpu.memory_space<vmem>> -> memref<128x128xf32, #tpu.memory_space<vmem>>
      %dma_wait3A_611 = arith.constant 0 : i32
      %dma_wait3A_612 = arith.constant 0 : i32
      %dma_wait3A_613 = tpu.memref_slice %arg2[%dma_wait3A_611, %dma_wait3A_612] : memref<10112x128xf32, #tpu.memory_space<hbm>> -> memref<128x128xf32, #tpu.memory_space<hbm>>
      %dma_wait3A_614 = arith.constant 0 : i32
      %dma_wait3A_615 = arith.constant 0 : i32
      %dma_wait3A_616 = tpu.memref_slice %arg8[%dma_wait3A_606, %dma_wait3A_614, %dma_wait3A_615] : memref<2x128x128xf32, #tpu.memory_space<vmem>> -> memref<1x128x128xf32, #tpu.memory_space<vmem>>
      %dma_wait3A_617 = tpu.memref_squeeze %dma_wait3A_616 : memref<1x128x128xf32, #tpu.memory_space<vmem>> -> memref<128x128xf32, #tpu.memory_space<vmem>>
      %dma_wait3A_618 = arith.constant 0 : i32
      %dma_wait3A_619 = arith.constant 0 : i32
      %dma_wait3A_620 = tpu.memref_slice %arg2[%dma_wait3A_618, %dma_wait3A_619] : memref<10112x128xf32, #tpu.memory_space<hbm>> -> memref<128x128xf32, #tpu.memory_space<hbm>>
      tpu.wait_dma2 semaphore(%arg13 : memref<!tpu.dma_semaphore, #tpu.memory_space<semaphore_mem>>) src(%dma_wait3A_620 : memref<128x128xf32, #tpu.memory_space<hbm>>) dst(%dma_wait3A_617 : memref<128x128xf32, #tpu.memory_space<vmem>>)
      %run_scoped3A_621 = arith.constant 1 : i32
      %run_scoped3A_622 = arith.constant 1 : i32
      "tpu.region"() ({
        %run_scoped3A_623 = tpu.sem_alloc : memref<!tpu.dma_semaphore, #tpu.memory_space<semaphore_mem>>
        %dma_start3A_624 = arith.constant 0 : i32
        %dma_start3A_625 = arith.constant 0 : i32
        %dma_start3A_626 = tpu.memref_slice %arg8[%run_scoped3A_621, %dma_start3A_624, %dma_start3A_625] : memref<2x128x128xf32, #tpu.memory_space<vmem>> -> memref<1x128x128xf32, #tpu.memory_space<vmem>>
        %dma_start3A_627 = tpu.memref_squeeze %dma_start3A_626 : memref<1x128x128xf32, #tpu.memory_space<vmem>> -> memref<128x128xf32, #tpu.memory_space<vmem>>
        %dma_start3A_628 = arith.constant 0 : i32
        %dma_start3A_629 = tpu.memref_slice %arg10[%run_scoped3A_622, %dma_start3A_628] : memref<2x128xi32, #tpu.memory_space<vmem>> -> memref<1x128xi32, #tpu.memory_space<vmem>>
        %dma_start3A_630 = tpu.memref_squeeze %dma_start3A_629 : memref<1x128xi32, #tpu.memory_space<vmem>> -> memref<128xi32, #tpu.memory_space<vmem>>
        %dma_start3A_631 = arith.constant 0 : i32
        %dma_start3A_632 = arith.constant 0 : i32
        %dma_start3A_633 = tpu.memref_slice %arg11[%dma_start3A_631, %dma_start3A_632] : memref<5056x128xf32, #tpu.memory_space<vmem_shared>> -> memref<5056x128xf32, #tpu.memory_space<vmem_shared>>
        tpu.enqueue_indirect_dma source(%dma_start3A_627 : memref<128x128xf32, #tpu.memory_space<vmem>>) target(%dma_start3A_633 : memref<5056x128xf32, #tpu.memory_space<vmem_shared>>) offsets(%dma_start3A_630 : memref<128xi32, #tpu.memory_space<vmem>>) semaphore(%run_scoped3A_623 : memref<!tpu.dma_semaphore, #tpu.memory_space<semaphore_mem>>) {add = true}
        %dma_wait3A_634 = arith.constant 0 : i32
        %dma_wait3A_635 = arith.constant 0 : i32
        %dma_wait3A_636 = tpu.memref_slice %arg8[%run_scoped3A_621, %dma_wait3A_634, %dma_wait3A_635] : memref<2x128x128xf32, #tpu.memory_space<vmem>> -> memref<1x128x128xf32, #tpu.memory_space<vmem>>
        %dma_wait3A_637 = tpu.memref_squeeze %dma_wait3A_636 : memref<1x128x128xf32, #tpu.memory_space<vmem>> -> memref<128x128xf32, #tpu.memory_space<vmem>>
        %dma_wait3A_638 = arith.constant 0 : i32
        %dma_wait3A_639 = tpu.memref_slice %arg10[%run_scoped3A_622, %dma_wait3A_638] : memref<2x128xi32, #tpu.memory_space<vmem>> -> memref<1x128xi32, #tpu.memory_space<vmem>>
        %dma_wait3A_640 = tpu.memref_squeeze %dma_wait3A_639 : memref<1x128xi32, #tpu.memory_space<vmem>> -> memref<128xi32, #tpu.memory_space<vmem>>
        %dma_wait3A_641 = arith.constant 0 : i32
        %dma_wait3A_642 = arith.constant 0 : i32
        %dma_wait3A_643 = tpu.memref_slice %arg11[%dma_wait3A_641, %dma_wait3A_642] : memref<5056x128xf32, #tpu.memory_space<vmem_shared>> -> memref<5056x128xf32, #tpu.memory_space<vmem_shared>>
        tpu.wait_indirect_dma semaphore(%run_scoped3A_623 : memref<!tpu.dma_semaphore, #tpu.memory_space<semaphore_mem>>) src(%dma_wait3A_637 : memref<128x128xf32, #tpu.memory_space<vmem>>) dst(%dma_wait3A_643 : memref<5056x128xf32, #tpu.memory_space<vmem_shared>>)
        tpu.yield
      }) : () -> ()
    }
    %scan3A_35 = arith.constant 78 : i32
    %get3A = arith.constant 156 : i32
    %get3A_36 = arith.index_cast %get3A : i32 to index
    %get3A_37 = arith.constant 0 : index
    %get3A_38 = tpu.vector_load %arg7[%get3A_36, %get3A_37] {strides = array<i32>} : memref<157x128xi32, #tpu.memory_space<vmem>>, vector<16xi32>,
    %sub3A_39 = vector.broadcast %mul3A_0 : i32 to vector<16xi32>
    %sub3A_40 = arith.subi %get3A_38, %sub3A_39 : vector<16xi32>
    %ge3A_41 = arith.constant 0 : i32
    %ge3A_42 = vector.broadcast %ge3A_41 : i32 to vector<16xi32>
    %ge3A_43 = arith.cmpi sge, %sub3A_40, %ge3A_42 : vector<16xi32>
    %lt3A_44 = arith.constant 5056 : i32
    %lt3A_45 = vector.broadcast %lt3A_44 : i32 to vector<16xi32>
    %lt3A_46 = arith.cmpi slt, %sub3A_40, %lt3A_45 : vector<16xi32>
    %and3A = arith.andi %ge3A_43, %lt3A_46 : vector<16xi1>
    %broadcast_in_dim3A_47 = vector.broadcast %mul3A_19 : i32 to vector<16xi32>
    %select_n3A = arith.select %and3A, %sub3A_40, %broadcast_in_dim3A_47 : vector<16xi1>, vector<16xi32>
    %swap3A = arith.constant 0 : i32
    %swap3A_48 = arith.constant 0 : i32
    %swap3A_49 = tpu.memref_slice %arg10[%swap3A, %swap3A_48] : memref<2x128xi32, #tpu.memory_space<vmem>> -> memref<1x128xi32, #tpu.memory_space<vmem>>
    %swap3A_50 = tpu.memref_squeeze %swap3A_49 : memref<1x128xi32, #tpu.memory_space<vmem>> -> memref<128xi32, #tpu.memory_space<vmem>>
    %swap3A_51 = arith.constant 0 : index
    %swap3A_52 = tpu.vector_load %swap3A_50[%swap3A_51] {strides = array<i32>} : memref<128xi32, #tpu.memory_space<vmem>>, vector<16xi32>,
    tpu.vector_store %swap3A_50[%swap3A_51], %select_n3A {strides = array<i32>} : memref<128xi32, #tpu.memory_space<vmem>>, vector<16xi32>,
    %get3A_53 = arith.constant 156 : i32
    %get3A_54 = arith.index_cast %get3A_53 : i32 to index
    %get3A_55 = arith.constant 16 : index
    %get3A_56 = tpu.vector_load %arg7[%get3A_54, %get3A_55] {strides = array<i32>} : memref<157x128xi32, #tpu.memory_space<vmem>>, vector<16xi32>,
    %sub3A_57 = vector.broadcast %mul3A_0 : i32 to vector<16xi32>
    %sub3A_58 = arith.subi %get3A_56, %sub3A_57 : vector<16xi32>
    %ge3A_59 = arith.constant 0 : i32
    %ge3A_60 = vector.broadcast %ge3A_59 : i32 to vector<16xi32>
    %ge3A_61 = arith.cmpi sge, %sub3A_58, %ge3A_60 : vector<16xi32>
    %lt3A_62 = arith.constant 5056 : i32
    %lt3A_63 = vector.broadcast %lt3A_62 : i32 to vector<16xi32>
    %lt3A_64 = arith.cmpi slt, %sub3A_58, %lt3A_63 : vector<16xi32>
    %and3A_65 = arith.andi %ge3A_61, %lt3A_64 : vector<16xi1>
    %broadcast_in_dim3A_66 = vector.broadcast %mul3A_19 : i32 to vector<16xi32>
    %select_n3A_67 = arith.select %and3A_65, %sub3A_58, %broadcast_in_dim3A_66 : vector<16xi1>, vector<16xi32>
    %swap3A_68 = arith.constant 0 : i32
    %swap3A_69 = arith.constant 0 : i32
    %swap3A_70 = tpu.memref_slice %arg10[%swap3A_68, %swap3A_69] : memref<2x128xi32, #tpu.memory_space<vmem>> -> memref<1x128xi32, #tpu.memory_space<vmem>>
    %swap3A_71 = tpu.memref_squeeze %swap3A_70 : memref<1x128xi32, #tpu.memory_space<vmem>> -> memref<128xi32, #tpu.memory_space<vmem>>
    %swap3A_72 = arith.constant 16 : index
    %swap3A_73 = tpu.vector_load %swap3A_71[%swap3A_72] {strides = array<i32>} : memref<128xi32, #tpu.memory_space<vmem>>, vector<16xi32>,
    tpu.vector_store %swap3A_71[%swap3A_72], %select_n3A_67 {strides = array<i32>} : memref<128xi32, #tpu.memory_space<vmem>>, vector<16xi32>,
    %get3A_74 = arith.constant 156 : i32
    %get3A_75 = arith.index_cast %get3A_74 : i32 to index
    %get3A_76 = arith.constant 32 : index
    %get3A_77 = tpu.vector_load %arg7[%get3A_75, %get3A_76] {strides = array<i32>} : memref<157x128xi32, #tpu.memory_space<vmem>>, vector<16xi32>,
    %sub3A_78 = vector.broadcast %mul3A_0 : i32 to vector<16xi32>
    %sub3A_79 = arith.subi %get3A_77, %sub3A_78 : vector<16xi32>
    %ge3A_80 = arith.constant 0 : i32
    %ge3A_81 = vector.broadcast %ge3A_80 : i32 to vector<16xi32>
    %ge3A_82 = arith.cmpi sge, %sub3A_79, %ge3A_81 : vector<16xi32>
    %lt3A_83 = arith.constant 5056 : i32
    %lt3A_84 = vector.broadcast %lt3A_83 : i32 to vector<16xi32>
    %lt3A_85 = arith.cmpi slt, %sub3A_79, %lt3A_84 : vector<16xi32>
    %and3A_86 = arith.andi %ge3A_82, %lt3A_85 : vector<16xi1>
    %broadcast_in_dim3A_87 = vector.broadcast %mul3A_19 : i32 to vector<16xi32>
    %select_n3A_88 = arith.select %and3A_86, %sub3A_79, %broadcast_in_dim3A_87 : vector<16xi1>, vector<16xi32>
    %swap3A_89 = arith.constant 0 : i32
    %swap3A_90 = arith.constant 0 : i32
    %swap3A_91 = tpu.memref_slice %arg10[%swap3A_89, %swap3A_90] : memref<2x128xi32, #tpu.memory_space<vmem>> -> memref<1x128xi32, #tpu.memory_space<vmem>>
    %swap3A_92 = tpu.memref_squeeze %swap3A_91 : memref<1x128xi32, #tpu.memory_space<vmem>> -> memref<128xi32, #tpu.memory_space<vmem>>
    %swap3A_93 = arith.constant 32 : index
    %swap3A_94 = tpu.vector_load %swap3A_92[%swap3A_93] {strides = array<i32>} : memref<128xi32, #tpu.memory_space<vmem>>, vector<16xi32>,
    tpu.vector_store %swap3A_92[%swap3A_93], %select_n3A_88 {strides = array<i32>} : memref<128xi32, #tpu.memory_space<vmem>>, vector<16xi32>,
    %get3A_95 = arith.constant 156 : i32
    %get3A_96 = arith.index_cast %get3A_95 : i32 to index
    %get3A_97 = arith.constant 48 : index
    %get3A_98 = tpu.vector_load %arg7[%get3A_96, %get3A_97] {strides = array<i32>} : memref<157x128xi32, #tpu.memory_space<vmem>>, vector<16xi32>,
    %sub3A_99 = vector.broadcast %mul3A_0 : i32 to vector<16xi32>
    %sub3A_100 = arith.subi %get3A_98, %sub3A_99 : vector<16xi32>
    %ge3A_101 = arith.constant 0 : i32
    %ge3A_102 = vector.broadcast %ge3A_101 : i32 to vector<16xi32>
    %ge3A_103 = arith.cmpi sge, %sub3A_100, %ge3A_102 : vector<16xi32>
    %lt3A_104 = arith.constant 5056 : i32
    %lt3A_105 = vector.broadcast %lt3A_104 : i32 to vector<16xi32>
    %lt3A_106 = arith.cmpi slt, %sub3A_100, %lt3A_105 : vector<16xi32>
    %and3A_107 = arith.andi %ge3A_103, %lt3A_106 : vector<16xi1>
    %broadcast_in_dim3A_108 = vector.broadcast %mul3A_19 : i32 to vector<16xi32>
    %select_n3A_109 = arith.select %and3A_107, %sub3A_100, %broadcast_in_dim3A_108 : vector<16xi1>, vector<16xi32>
    %swap3A_110 = arith.constant 0 : i32
    %swap3A_111 = arith.constant 0 : i32
    %swap3A_112 = tpu.memref_slice %arg10[%swap3A_110, %swap3A_111] : memref<2x128xi32, #tpu.memory_space<vmem>> -> memref<1x128xi32, #tpu.memory_space<vmem>>
    %swap3A_113 = tpu.memref_squeeze %swap3A_112 : memref<1x128xi32, #tpu.memory_space<vmem>> -> memref<128xi32, #tpu.memory_space<vmem>>
    %swap3A_114 = arith.constant 48 : index
    %swap3A_115 = tpu.vector_load %swap3A_113[%swap3A_114] {strides = array<i32>} : memref<128xi32, #tpu.memory_space<vmem>>, vector<16xi32>,
    tpu.vector_store %swap3A_113[%swap3A_114], %select_n3A_109 {strides = array<i32>} : memref<128xi32, #tpu.memory_space<vmem>>, vector<16xi32>,
    %get3A_116 = arith.constant 156 : i32
    %get3A_117 = arith.index_cast %get3A_116 : i32 to index
    %get3A_118 = arith.constant 64 : index
    %get3A_119 = tpu.vector_load %arg7[%get3A_117, %get3A_118] {strides = array<i32>} : memref<157x128xi32, #tpu.memory_space<vmem>>, vector<16xi32>,
    %sub3A_120 = vector.broadcast %mul3A_0 : i32 to vector<16xi32>
    %sub3A_121 = arith.subi %get3A_119, %sub3A_120 : vector<16xi32>
    %ge3A_122 = arith.constant 0 : i32
    %ge3A_123 = vector.broadcast %ge3A_122 : i32 to vector<16xi32>
    %ge3A_124 = arith.cmpi sge, %sub3A_121, %ge3A_123 : vector<16xi32>
    %lt3A_125 = arith.constant 5056 : i32
    %lt3A_126 = vector.broadcast %lt3A_125 : i32 to vector<16xi32>
    %lt3A_127 = arith.cmpi slt, %sub3A_121, %lt3A_126 : vector<16xi32>
    %and3A_128 = arith.andi %ge3A_124, %lt3A_127 : vector<16xi1>
    %broadcast_in_dim3A_129 = vector.broadcast %mul3A_19 : i32 to vector<16xi32>
    %select_n3A_130 = arith.select %and3A_128, %sub3A_121, %broadcast_in_dim3A_129 : vector<16xi1>, vector<16xi32>
    %swap3A_131 = arith.constant 0 : i32
    %swap3A_132 = arith.constant 0 : i32
    %swap3A_133 = tpu.memref_slice %arg10[%swap3A_131, %swap3A_132] : memref<2x128xi32, #tpu.memory_space<vmem>> -> memref<1x128xi32, #tpu.memory_space<vmem>>
    %swap3A_134 = tpu.memref_squeeze %swap3A_133 : memref<1x128xi32, #tpu.memory_space<vmem>> -> memref<128xi32, #tpu.memory_space<vmem>>
    %swap3A_135 = arith.constant 64 : index
    %swap3A_136 = tpu.vector_load %swap3A_134[%swap3A_135] {strides = array<i32>} : memref<128xi32, #tpu.memory_space<vmem>>, vector<16xi32>,
    tpu.vector_store %swap3A_134[%swap3A_135], %select_n3A_130 {strides = array<i32>} : memref<128xi32, #tpu.memory_space<vmem>>, vector<16xi32>,
    %get3A_137 = arith.constant 156 : i32
    %get3A_138 = arith.index_cast %get3A_137 : i32 to index
    %get3A_139 = arith.constant 80 : index
    %get3A_140 = tpu.vector_load %arg7[%get3A_138, %get3A_139] {strides = array<i32>} : memref<157x128xi32, #tpu.memory_space<vmem>>, vector<16xi32>,
    %sub3A_141 = vector.broadcast %mul3A_0 : i32 to vector<16xi32>
    %sub3A_142 = arith.subi %get3A_140, %sub3A_141 : vector<16xi32>
    %ge3A_143 = arith.constant 0 : i32
    %ge3A_144 = vector.broadcast %ge3A_143 : i32 to vector<16xi32>
    %ge3A_145 = arith.cmpi sge, %sub3A_142, %ge3A_144 : vector<16xi32>
    %lt3A_146 = arith.constant 5056 : i32
    %lt3A_147 = vector.broadcast %lt3A_146 : i32 to vector<16xi32>
    %lt3A_148 = arith.cmpi slt, %sub3A_142, %lt3A_147 : vector<16xi32>
    %and3A_149 = arith.andi %ge3A_145, %lt3A_148 : vector<16xi1>
    %broadcast_in_dim3A_150 = vector.broadcast %mul3A_19 : i32 to vector<16xi32>
    %select_n3A_151 = arith.select %and3A_149, %sub3A_142, %broadcast_in_dim3A_150 : vector<16xi1>, vector<16xi32>
    %swap3A_152 = arith.constant 0 : i32
    %swap3A_153 = arith.constant 0 : i32
    %swap3A_154 = tpu.memref_slice %arg10[%swap3A_152, %swap3A_153] : memref<2x128xi32, #tpu.memory_space<vmem>> -> memref<1x128xi32, #tpu.memory_space<vmem>>
    %swap3A_155 = tpu.memref_squeeze %swap3A_154 : memref<1x128xi32, #tpu.memory_space<vmem>> -> memref<128xi32, #tpu.memory_space<vmem>>
    %swap3A_156 = arith.constant 80 : index
    %swap3A_157 = tpu.vector_load %swap3A_155[%swap3A_156] {strides = array<i32>} : memref<128xi32, #tpu.memory_space<vmem>>, vector<16xi32>,
    tpu.vector_store %swap3A_155[%swap3A_156], %select_n3A_151 {strides = array<i32>} : memref<128xi32, #tpu.memory_space<vmem>>, vector<16xi32>,
    %get3A_158 = arith.constant 156 : i32
    %get3A_159 = arith.index_cast %get3A_158 : i32 to index
    %get3A_160 = arith.constant 96 : index
    %get3A_161 = tpu.vector_load %arg7[%get3A_159, %get3A_160] {strides = array<i32>} : memref<157x128xi32, #tpu.memory_space<vmem>>, vector<16xi32>,
    %sub3A_162 = vector.broadcast %mul3A_0 : i32 to vector<16xi32>
    %sub3A_163 = arith.subi %get3A_161, %sub3A_162 : vector<16xi32>
    %ge3A_164 = arith.constant 0 : i32
    %ge3A_165 = vector.broadcast %ge3A_164 : i32 to vector<16xi32>
    %ge3A_166 = arith.cmpi sge, %sub3A_163, %ge3A_165 : vector<16xi32>
    %lt3A_167 = arith.constant 5056 : i32
    %lt3A_168 = vector.broadcast %lt3A_167 : i32 to vector<16xi32>
    %lt3A_169 = arith.cmpi slt, %sub3A_163, %lt3A_168 : vector<16xi32>
    %and3A_170 = arith.andi %ge3A_166, %lt3A_169 : vector<16xi1>
    %broadcast_in_dim3A_171 = vector.broadcast %mul3A_19 : i32 to vector<16xi32>
    %select_n3A_172 = arith.select %and3A_170, %sub3A_163, %broadcast_in_dim3A_171 : vector<16xi1>, vector<16xi32>
    %swap3A_173 = arith.constant 0 : i32
    %swap3A_174 = arith.constant 0 : i32
    %swap3A_175 = tpu.memref_slice %arg10[%swap3A_173, %swap3A_174] : memref<2x128xi32, #tpu.memory_space<vmem>> -> memref<1x128xi32, #tpu.memory_space<vmem>>
    %swap3A_176 = tpu.memref_squeeze %swap3A_175 : memref<1x128xi32, #tpu.memory_space<vmem>> -> memref<128xi32, #tpu.memory_space<vmem>>
    %swap3A_177 = arith.constant 96 : index
    %swap3A_178 = tpu.vector_load %swap3A_176[%swap3A_177] {strides = array<i32>} : memref<128xi32, #tpu.memory_space<vmem>>, vector<16xi32>,
    tpu.vector_store %swap3A_176[%swap3A_177], %select_n3A_172 {strides = array<i32>} : memref<128xi32, #tpu.memory_space<vmem>>, vector<16xi32>,
    %get3A_179 = arith.constant 156 : i32
    %get3A_180 = arith.index_cast %get3A_179 : i32 to index
    %get3A_181 = arith.constant 112 : index
    %get3A_182 = tpu.vector_load %arg7[%get3A_180, %get3A_181] {strides = array<i32>} : memref<157x128xi32, #tpu.memory_space<vmem>>, vector<16xi32>,
    %sub3A_183 = vector.broadcast %mul3A_0 : i32 to vector<16xi32>
    %sub3A_184 = arith.subi %get3A_182, %sub3A_183 : vector<16xi32>
    %ge3A_185 = arith.constant 0 : i32
    %ge3A_186 = vector.broadcast %ge3A_185 : i32 to vector<16xi32>
    %ge3A_187 = arith.cmpi sge, %sub3A_184, %ge3A_186 : vector<16xi32>
    %lt3A_188 = arith.constant 5056 : i32
    %lt3A_189 = vector.broadcast %lt3A_188 : i32 to vector<16xi32>
    %lt3A_190 = arith.cmpi slt, %sub3A_184, %lt3A_189 : vector<16xi32>
    %and3A_191 = arith.andi %ge3A_187, %lt3A_190 : vector<16xi1>
    %broadcast_in_dim3A_192 = vector.broadcast %mul3A_19 : i32 to vector<16xi32>
    %select_n3A_193 = arith.select %and3A_191, %sub3A_184, %broadcast_in_dim3A_192 : vector<16xi1>, vector<16xi32>
    %swap3A_194 = arith.constant 0 : i32
    %swap3A_195 = arith.constant 0 : i32
    %swap3A_196 = tpu.memref_slice %arg10[%swap3A_194, %swap3A_195] : memref<2x128xi32, #tpu.memory_space<vmem>> -> memref<1x128xi32, #tpu.memory_space<vmem>>
    %swap3A_197 = tpu.memref_squeeze %swap3A_196 : memref<1x128xi32, #tpu.memory_space<vmem>> -> memref<128xi32, #tpu.memory_space<vmem>>
    %swap3A_198 = arith.constant 112 : index
    %swap3A_199 = tpu.vector_load %swap3A_197[%swap3A_198] {strides = array<i32>} : memref<128xi32, #tpu.memory_space<vmem>>, vector<16xi32>,
    tpu.vector_store %swap3A_197[%swap3A_198], %select_n3A_193 {strides = array<i32>} : memref<128xi32, #tpu.memory_space<vmem>>, vector<16xi32>,
    %dma_wait3A = arith.constant 0 : i32
    %dma_wait3A_200 = arith.constant 0 : i32
    %dma_wait3A_201 = arith.constant 0 : i32
    %dma_wait3A_202 = tpu.memref_slice %arg8[%dma_wait3A, %dma_wait3A_200, %dma_wait3A_201] : memref<2x128x128xf32, #tpu.memory_space<vmem>> -> memref<1x128x128xf32, #tpu.memory_space<vmem>>
    %dma_wait3A_203 = tpu.memref_squeeze %dma_wait3A_202 : memref<1x128x128xf32, #tpu.memory_space<vmem>> -> memref<128x128xf32, #tpu.memory_space<vmem>>
    %dma_wait3A_204 = arith.constant 0 : i32
    %dma_wait3A_205 = arith.constant 0 : i32
    %dma_wait3A_206 = tpu.memref_slice %arg2[%dma_wait3A_204, %dma_wait3A_205] : memref<10112x128xf32, #tpu.memory_space<hbm>> -> memref<128x128xf32, #tpu.memory_space<hbm>>
    %dma_wait3A_207 = arith.constant 0 : i32
    %dma_wait3A_208 = arith.constant 0 : i32
    %dma_wait3A_209 = tpu.memref_slice %arg8[%dma_wait3A, %dma_wait3A_207, %dma_wait3A_208] : memref<2x128x128xf32, #tpu.memory_space<vmem>> -> memref<1x128x128xf32, #tpu.memory_space<vmem>>
    %dma_wait3A_210 = tpu.memref_squeeze %dma_wait3A_209 : memref<1x128x128xf32, #tpu.memory_space<vmem>> -> memref<128x128xf32, #tpu.memory_space<vmem>>
    %dma_wait3A_211 = arith.constant 0 : i32
    %dma_wait3A_212 = arith.constant 0 : i32
    %dma_wait3A_213 = tpu.memref_slice %arg2[%dma_wait3A_211, %dma_wait3A_212] : memref<10112x128xf32, #tpu.memory_space<hbm>> -> memref<128x128xf32, #tpu.memory_space<hbm>>
    tpu.wait_dma2 semaphore(%arg12 : memref<!tpu.dma_semaphore, #tpu.memory_space<semaphore_mem>>) src(%dma_wait3A_213 : memref<128x128xf32, #tpu.memory_space<hbm>>) dst(%dma_wait3A_210 : memref<128x128xf32, #tpu.memory_space<vmem>>)
    %run_scoped3A = arith.constant 0 : i32
    %run_scoped3A_214 = arith.constant 0 : i32
    "tpu.region"() ({
      %run_scoped3A_234 = tpu.sem_alloc : memref<!tpu.dma_semaphore, #tpu.memory_space<semaphore_mem>>
      %dma_start3A_235 = arith.constant 0 : i32
      %dma_start3A_236 = arith.constant 0 : i32
      %dma_start3A_237 = tpu.memref_slice %arg8[%run_scoped3A, %dma_start3A_235, %dma_start3A_236] : memref<2x128x128xf32, #tpu.memory_space<vmem>> -> memref<1x128x128xf32, #tpu.memory_space<vmem>>
      %dma_start3A_238 = tpu.memref_squeeze %dma_start3A_237 : memref<1x128x128xf32, #tpu.memory_space<vmem>> -> memref<128x128xf32, #tpu.memory_space<vmem>>
      %dma_start3A_239 = arith.constant 0 : i32
      %dma_start3A_240 = tpu.memref_slice %arg10[%run_scoped3A_214, %dma_start3A_239] : memref<2x128xi32, #tpu.memory_space<vmem>> -> memref<1x128xi32, #tpu.memory_space<vmem>>
      %dma_start3A_241 = tpu.memref_squeeze %dma_start3A_240 : memref<1x128xi32, #tpu.memory_space<vmem>> -> memref<128xi32, #tpu.memory_space<vmem>>
      %dma_start3A_242 = arith.constant 0 : i32
      %dma_start3A_243 = arith.constant 0 : i32
      %dma_start3A_244 = tpu.memref_slice %arg11[%dma_start3A_242, %dma_start3A_243] : memref<5056x128xf32, #tpu.memory_space<vmem_shared>> -> memref<5056x128xf32, #tpu.memory_space<vmem_shared>>
      tpu.enqueue_indirect_dma source(%dma_start3A_238 : memref<128x128xf32, #tpu.memory_space<vmem>>) target(%dma_start3A_244 : memref<5056x128xf32, #tpu.memory_space<vmem_shared>>) offsets(%dma_start3A_241 : memref<128xi32, #tpu.memory_space<vmem>>) semaphore(%run_scoped3A_234 : memref<!tpu.dma_semaphore, #tpu.memory_space<semaphore_mem>>) {add = true}
      %dma_wait3A_245 = arith.constant 0 : i32
      %dma_wait3A_246 = arith.constant 0 : i32
      %dma_wait3A_247 = tpu.memref_slice %arg8[%run_scoped3A, %dma_wait3A_245, %dma_wait3A_246] : memref<2x128x128xf32, #tpu.memory_space<vmem>> -> memref<1x128x128xf32, #tpu.memory_space<vmem>>
      %dma_wait3A_248 = tpu.memref_squeeze %dma_wait3A_247 : memref<1x128x128xf32, #tpu.memory_space<vmem>> -> memref<128x128xf32, #tpu.memory_space<vmem>>
      %dma_wait3A_249 = arith.constant 0 : i32
      %dma_wait3A_250 = tpu.memref_slice %arg10[%run_scoped3A_214, %dma_wait3A_249] : memref<2x128xi32, #tpu.memory_space<vmem>> -> memref<1x128xi32, #tpu.memory_space<vmem>>
      %dma_wait3A_251 = tpu.memref_squeeze %dma_wait3A_250 : memref<1x128xi32, #tpu.memory_space<vmem>> -> memref<128xi32, #tpu.memory_space<vmem>>
      %dma_wait3A_252 = arith.constant 0 : i32
      %dma_wait3A_253 = arith.constant 0 : i32
      %dma_wait3A_254 = tpu.memref_slice %arg11[%dma_wait3A_252, %dma_wait3A_253] : memref<5056x128xf32, #tpu.memory_space<vmem_shared>> -> memref<5056x128xf32, #tpu.memory_space<vmem_shared>>
      tpu.wait_indirect_dma semaphore(%run_scoped3A_234 : memref<!tpu.dma_semaphore, #tpu.memory_space<semaphore_mem>>) src(%dma_wait3A_248 : memref<128x128xf32, #tpu.memory_space<vmem>>) dst(%dma_wait3A_254 : memref<5056x128xf32, #tpu.memory_space<vmem_shared>>)
      tpu.yield
    }) : () -> ()
    %barrier3A_215 = arith.constant 0 : index
    tpu.barrier barrier_id(%barrier3A_215)
    %mul3A_216 = arith.constant 320 : i32
    %mul3A_217 = arith.muli %arg1, %mul3A_216 : i32
    %sub3A_218 = arith.constant 8 : i32
    %sub3A_219 = arith.subi %arg1, %sub3A_218 : i32
    %mul3A_220 = arith.constant 312 : i32
    %mul3A_221 = arith.muli %sub3A_219, %mul3A_220 : i32
    %add3A_222 = arith.constant 2560 : i32
    %add3A_223 = arith.addi %add3A_222, %mul3A_221 : i32
    %lt3A_224 = arith.constant 8 : i32
    %lt3A_225 = arith.cmpi slt, %arg1, %lt3A_224 : i32
    %ge3A_226 = arith.constant 8 : i32
    %ge3A_227 = arith.cmpi sge, %arg1, %ge3A_226 : i32
    %convert_element_type3A_228 = arith.extui %lt3A_225 : i1 to i32
    %cond3A_229 = arith.constant 0 : i32
    %cond3A_230 = arith.cmpi ne, %convert_element_type3A_228, %cond3A_229 : i32
    scf.if %cond3A_230 {
      "tpu.region"() ({
        %run_scoped3A_234 = tpu.sem_alloc : memref<!tpu.dma_semaphore, #tpu.memory_space<semaphore_mem>>
        %dma_start3A_235 = arith.constant 0 : i32
        %dma_start3A_236 = tpu.memref_slice %arg5[%arg0, %mul3A_217, %dma_start3A_235] : memref<2x5056x128xf32, #tpu.memory_space<hbm>> -> memref<1x320x128xf32, #tpu.memory_space<hbm>>
        %dma_start3A_237 = tpu.memref_squeeze %dma_start3A_236 : memref<1x320x128xf32, #tpu.memory_space<hbm>> -> memref<320x128xf32, #tpu.memory_space<hbm>>
        %dma_start3A_238 = arith.constant 0 : i32
        %dma_start3A_239 = tpu.memref_slice %arg11[%mul3A_217, %dma_start3A_238] : memref<5056x128xf32, #tpu.memory_space<vmem_shared>> -> memref<320x128xf32, #tpu.memory_space<vmem_shared>>
        tpu.enqueue_dma source(%dma_start3A_239 : memref<320x128xf32, #tpu.memory_space<vmem_shared>>) target(%dma_start3A_237 : memref<320x128xf32, #tpu.memory_space<hbm>>) target_semaphore(%run_scoped3A_234 : memref<!tpu.dma_semaphore, #tpu.memory_space<semaphore_mem>>)
        %dma_wait3A_240 = arith.constant 0 : i32
        %dma_wait3A_241 = tpu.memref_slice %arg5[%arg0, %mul3A_217, %dma_wait3A_240] : memref<2x5056x128xf32, #tpu.memory_space<hbm>> -> memref<1x320x128xf32, #tpu.memory_space<hbm>>
        %dma_wait3A_242 = tpu.memref_squeeze %dma_wait3A_241 : memref<1x320x128xf32, #tpu.memory_space<hbm>> -> memref<320x128xf32, #tpu.memory_space<hbm>>
        %dma_wait3A_243 = arith.constant 0 : i32
        %dma_wait3A_244 = tpu.memref_slice %arg11[%mul3A_217, %dma_wait3A_243] : memref<5056x128xf32, #tpu.memory_space<vmem_shared>> -> memref<320x128xf32, #tpu.memory_space<vmem_shared>>
        tpu.wait_dma2 semaphore(%run_scoped3A_234 : memref<!tpu.dma_semaphore, #tpu.memory_space<semaphore_mem>>) src(%dma_wait3A_244 : memref<320x128xf32, #tpu.memory_space<vmem_shared>>) dst(%dma_wait3A_242 : memref<320x128xf32, #tpu.memory_space<hbm>>)
        tpu.yield
      }) : () -> ()
    } else {
    }
    %convert_element_type3A_231 = arith.extui %ge3A_227 : i1 to i32
    %cond3A_232 = arith.constant 0 : i32
    %cond3A_233 = arith.cmpi ne, %convert_element_type3A_231, %cond3A_232 : i32
    scf.if %cond3A_233 {
      "tpu.region"() ({
        %run_scoped3A_234 = tpu.sem_alloc : memref<!tpu.dma_semaphore, #tpu.memory_space<semaphore_mem>>
        %dma_start3A_235 = arith.constant 0 : i32
        %dma_start3A_236 = tpu.memref_slice %arg5[%arg0, %add3A_223, %dma_start3A_235] : memref<2x5056x128xf32, #tpu.memory_space<hbm>> -> memref<1x312x128xf32, #tpu.memory_space<hbm>>
        %dma_start3A_237 = tpu.memref_squeeze %dma_start3A_236 : memref<1x312x128xf32, #tpu.memory_space<hbm>> -> memref<312x128xf32, #tpu.memory_space<hbm>>
        %dma_start3A_238 = arith.constant 0 : i32
        %dma_start3A_239 = tpu.memref_slice %arg11[%add3A_223, %dma_start3A_238] : memref<5056x128xf32, #tpu.memory_space<vmem_shared>> -> memref<312x128xf32, #tpu.memory_space<vmem_shared>>
        tpu.enqueue_dma source(%dma_start3A_239 : memref<312x128xf32, #tpu.memory_space<vmem_shared>>) target(%dma_start3A_237 : memref<312x128xf32, #tpu.memory_space<hbm>>) target_semaphore(%run_scoped3A_234 : memref<!tpu.dma_semaphore, #tpu.memory_space<semaphore_mem>>)
        %dma_wait3A_240 = arith.constant 0 : i32
        %dma_wait3A_241 = tpu.memref_slice %arg5[%arg0, %add3A_223, %dma_wait3A_240] : memref<2x5056x128xf32, #tpu.memory_space<hbm>> -> memref<1x312x128xf32, #tpu.memory_space<hbm>>
        %dma_wait3A_242 = tpu.memref_squeeze %dma_wait3A_241 : memref<1x312x128xf32, #tpu.memory_space<hbm>> -> memref<312x128xf32, #tpu.memory_space<hbm>>
        %dma_wait3A_243 = arith.constant 0 : i32
        %dma_wait3A_244 = tpu.memref_slice %arg11[%add3A_223, %dma_wait3A_243] : memref<5056x128xf32, #tpu.memory_space<vmem_shared>> -> memref<312x128xf32, #tpu.memory_space<vmem_shared>>
        tpu.wait_dma2 semaphore(%run_scoped3A_234 : memref<!tpu.dma_semaphore, #tpu.memory_space<semaphore_mem>>) src(%dma_wait3A_244 : memref<312x128xf32, #tpu.memory_space<vmem_shared>>) dst(%dma_wait3A_242 : memref<312x128xf32, #tpu.memory_space<hbm>>)
        tpu.yield
      }) : () -> ()
    } else {
    }
    return
  }
}

module attributes {stable_mosaic.version = 14 : i64} {
  func.func @body(%arg0: memref<10112x128xf32, #tpu.memory_space<vmem>>, %arg1: memref<128x128xf32, #tpu.memory_space<vmem>>, %arg2: memref<1x128xf32, #tpu.memory_space<vmem>>, %arg3: memref<10112x16xf32, #tpu.memory_space<vmem>>, %arg4: memref<10112x128xf32, #tpu.memory_space<vmem>>) attributes {dimension_semantics = [], scalar_prefetch = 0 : i64, scratch_operands = 0 : i64, tpu.core_type = #tpu.core_type<tc>} {
    %get3A = arith.constant 0 : index
    %get3A_0 = arith.constant 0 : index
    %get3A_1 = vector.load %arg0[%get3A, %get3A_0] : memref<10112x128xf32, #tpu.memory_space<vmem>>, vector<10112x128xf32>
    %get3A_2 = arith.constant 0 : index
    %get3A_3 = arith.constant 0 : index
    %get3A_4 = vector.load %arg1[%get3A_2, %get3A_3] : memref<128x128xf32, #tpu.memory_space<vmem>>, vector<128x128xf32>
    %dot_general3A = arith.constant dense<0.000000e+00> : vector<10112x128xf32>
    %dot_general3A_5 = tpu.matmul %get3A_1, %get3A_4, %dot_general3A {dimension_numbers = #tpu.dot_dimension_numbers<[1], [0], [0], [1], [0, 0, 1, 1], [], []>, transpose_lhs_hint = false} : vector<10112x128xf32>, vector<128x128xf32>, vector<10112x128xf32> -> vector<10112x128xf32>
    %get3A_6 = arith.constant 0 : index
    %get3A_7 = arith.constant 0 : index
    %get3A_8 = vector.load %arg2[%get3A_6, %get3A_7] : memref<1x128xf32, #tpu.memory_space<vmem>>, vector<1x128xf32>
    %add3A = vector.broadcast %get3A_8 : vector<1x128xf32> to vector<10112x128xf32>
    %add3A_9 = arith.addf %dot_general3A_5, %add3A : vector<10112x128xf32>
    %get3A_10 = arith.constant 0 : index
    %get3A_11 = arith.constant 0 : index
    %get3A_12 = vector.load %arg3[%get3A_10, %get3A_11] : memref<10112x16xf32, #tpu.memory_space<vmem>>, vector<10112x16xf32>
    %reduce_sum3A = arith.constant dense<0.000000e+00> : vector<10112xf32>
    %reduce_sum3A_13 = vector.multi_reduction <add>, %get3A_12, %reduce_sum3A [1] : vector<10112x16xf32> to vector<10112xf32>
    %broadcast_in_dim3A = vector.shape_cast %reduce_sum3A_13 : vector<10112xf32> to vector<10112x1xf32>
    %add3A_14 = arith.constant 1.000000e+00 : f32
    %add3A_15 = vector.broadcast %add3A_14 : f32 to vector<10112x1xf32>
    %add3A_16 = arith.addf %broadcast_in_dim3A, %add3A_15 : vector<10112x1xf32>
    %rsqrt3A = math.rsqrt %add3A_16 : vector<10112x1xf32>
    %mul3A = vector.broadcast %rsqrt3A : vector<10112x1xf32> to vector<10112x128xf32>
    %mul3A_17 = arith.mulf %add3A_9, %mul3A : vector<10112x128xf32>
    %swap3A = arith.constant 0 : index
    %swap3A_18 = arith.constant 0 : index
    %swap3A_19 = vector.load %arg4[%swap3A, %swap3A_18] : memref<10112x128xf32, #tpu.memory_space<vmem>>, vector<10112x128xf32>
    tpu.vector_store %arg4[%swap3A, %swap3A_18], %mul3A_17 {strides = array<i32>} : memref<10112x128xf32, #tpu.memory_space<vmem>>, vector<10112x128xf32>,
    return
  }
}

module attributes {stable_mosaic.version = 14 : i64} {
  func.func @body(%arg0: memref<10112x128xf32, #tpu.memory_space<vmem>>, %arg1: memref<10112x128xf32, #tpu.memory_space<vmem>>, %arg2: memref<10112x16xf32, #tpu.memory_space<vmem>>, %arg3: memref<10112x128xf32, #tpu.memory_space<vmem>>) attributes {dimension_semantics = [], scalar_prefetch = 0 : i64, scratch_operands = 0 : i64, tpu.core_type = #tpu.core_type<tc>} {
    %get3A = arith.constant 0 : index
    %get3A_0 = arith.constant 0 : index
    %get3A_1 = vector.load %arg2[%get3A, %get3A_0] : memref<10112x16xf32, #tpu.memory_space<vmem>>, vector<10112x16xf32>
    %reduce_sum3A = arith.constant dense<0.000000e+00> : vector<10112xf32>
    %reduce_sum3A_2 = vector.multi_reduction <add>, %get3A_1, %reduce_sum3A [1] : vector<10112x16xf32> to vector<10112xf32>
    %broadcast_in_dim3A = vector.shape_cast %reduce_sum3A_2 : vector<10112xf32> to vector<10112x1xf32>
    %add3A = arith.constant 1.000000e+00 : f32
    %add3A_3 = vector.broadcast %add3A : f32 to vector<10112x1xf32>
    %add3A_4 = arith.addf %broadcast_in_dim3A, %add3A_3 : vector<10112x1xf32>
    %rsqrt3A = math.rsqrt %add3A_4 : vector<10112x1xf32>
    %mul3A = arith.mulf %rsqrt3A, %rsqrt3A : vector<10112x1xf32>
    %get3A_5 = arith.constant 0 : index
    %get3A_6 = arith.constant 0 : index
    %get3A_7 = vector.load %arg0[%get3A_5, %get3A_6] : memref<10112x128xf32, #tpu.memory_space<vmem>>, vector<10112x128xf32>
    %get3A_8 = arith.constant 0 : index
    %get3A_9 = arith.constant 0 : index
    %get3A_10 = vector.load %arg1[%get3A_8, %get3A_9] : memref<10112x128xf32, #tpu.memory_space<vmem>>, vector<10112x128xf32>
    %add3A_11 = arith.addf %get3A_7, %get3A_10 : vector<10112x128xf32>
    %mul3A_12 = vector.broadcast %mul3A : vector<10112x1xf32> to vector<10112x128xf32>
    %mul3A_13 = arith.mulf %add3A_11, %mul3A_12 : vector<10112x128xf32>
    %swap3A = arith.constant 0 : index
    %swap3A_14 = arith.constant 0 : index
    %swap3A_15 = vector.load %arg3[%swap3A, %swap3A_14] : memref<10112x128xf32, #tpu.memory_space<vmem>>, vector<10112x128xf32>
    tpu.vector_store %arg3[%swap3A, %swap3A_14], %mul3A_13 {strides = array<i32>} : memref<10112x128xf32, #tpu.memory_space<vmem>>, vector<10112x128xf32>,
    return
  }
}

module attributes {stable_mosaic.version = 14 : i64} {
  func.func @body(%arg0: memref<10112x128xf32, #tpu.memory_space<vmem>>, %arg1: memref<10112x128xf32, #tpu.memory_space<vmem>>, %arg2: memref<10112x16xf32, #tpu.memory_space<vmem>>, %arg3: memref<10112x128xf32, #tpu.memory_space<vmem>>) attributes {dimension_semantics = [], scalar_prefetch = 0 : i64, scratch_operands = 0 : i64, tpu.core_type = #tpu.core_type<tc>} {
    %get3A = arith.constant 0 : index
    %get3A_0 = arith.constant 0 : index
    %get3A_1 = vector.load %arg2[%get3A, %get3A_0] : memref<10112x16xf32, #tpu.memory_space<vmem>>, vector<10112x16xf32>
    %reduce_sum3A = arith.constant dense<0.000000e+00> : vector<10112xf32>
    %reduce_sum3A_2 = vector.multi_reduction <add>, %get3A_1, %reduce_sum3A [1] : vector<10112x16xf32> to vector<10112xf32>
    %broadcast_in_dim3A = vector.shape_cast %reduce_sum3A_2 : vector<10112xf32> to vector<10112x1xf32>
    %add3A = arith.constant 1.000000e+00 : f32
    %add3A_3 = vector.broadcast %add3A : f32 to vector<10112x1xf32>
    %add3A_4 = arith.addf %broadcast_in_dim3A, %add3A_3 : vector<10112x1xf32>
    %rsqrt3A = math.rsqrt %add3A_4 : vector<10112x1xf32>
    %get3A_5 = arith.constant 0 : index
    %get3A_6 = arith.constant 0 : index
    %get3A_7 = vector.load %arg0[%get3A_5, %get3A_6] : memref<10112x128xf32, #tpu.memory_space<vmem>>, vector<10112x128xf32>
    %get3A_8 = arith.constant 0 : index
    %get3A_9 = arith.constant 0 : index
    %get3A_10 = vector.load %arg1[%get3A_8, %get3A_9] : memref<10112x128xf32, #tpu.memory_space<vmem>>, vector<10112x128xf32>
    %add3A_11 = arith.addf %get3A_7, %get3A_10 : vector<10112x128xf32>
    %mul3A = vector.broadcast %rsqrt3A : vector<10112x1xf32> to vector<10112x128xf32>
    %mul3A_12 = arith.mulf %add3A_11, %mul3A : vector<10112x128xf32>
    %swap3A = arith.constant 0 : index
    %swap3A_13 = arith.constant 0 : index
    %swap3A_14 = vector.load %arg3[%swap3A, %swap3A_13] : memref<10112x128xf32, #tpu.memory_space<vmem>>, vector<10112x128xf32>
    tpu.vector_store %arg3[%swap3A, %swap3A_13], %mul3A_12 {strides = array<i32>} : memref<10112x128xf32, #tpu.memory_space<vmem>>, vector<10112x128xf32>,
    return
  }
}

</mosaic_0001>

<sc_bundles>
// kernel: kernel.11.cloned.1.call-start
scs
__scs_entry_jumppad:
0x0: {  	(pc) =	sbr.rel $0x88, $3  }
0x1: {  	(tag) =	ssettag $0x0;
	lr =	simm.s32 $0x1  }
0x2: {  	[smem:$0x3F9D] =	sst lr;
	_ =	strace $0xD0000000  }
0x3: {  	_ = 	snop  }
0x4: {  	_ = 	snop  }
0x5: {  	_ = 	snop  }
0x6: {  	_ = 	snop  }
0x7: {  	_ = 	snop  }
__scs_overlays_trampoline_lowered:
0x8: {  	[smem:$0x3FAC] =	sst s0  }
0x9: {  	[smem:$0x3FAD] =	sst s1  }
0xa: {  	[smem:$0x3FAE] =	sst s2  }
0xb: {  	[smem:$0x3FAF] =	sst s3  }
0xc: {  	[smem:$0x3FB0] =	sst s4  }
0xd: {  	[smem:$0x3FB1] =	sst s5  }
0xe: {  	[smem:$0x3FB2] =	sst s6  }
0xf: {  	[smem:$0x3FB3] =	sst s7  }
0x10: {  	[smem:$0x3FB4] =	sst s8  }
0x11: {  	[smem:$0x3FB5] =	sst s9;
	s0 =	simm.s32 @!p0 $0x0  }
0x12: {  	s1 =	sld [smem:$0x3F9B];
	s0 =	simm.s32 @p0 $0x1  }
0x13: {  	[smem:$0x3FB6] =	sst s0;
	s0 =	simm.s32 @!p1 $0x0  }
0x14: {  	s2 =	sld [smem:$0x3F9A];
	s0 =	simm.s32 @p1 $0x1  }
0x15: {  	[smem:$0x3FB7] =	sst s0;
	s0 =	simm.s32 @!p2 $0x0  }
0x16: {  	s3 =	sld [smem:$0x3FDB];
	s0 =	simm.s32 @p2 $0x1  }
0x17: {  	s4 =	simm.s32 $0x1BF5;
	[smem:$0x3FB9] =	sst s0  }
0x18: {  	s0 =	sld [smem:$0x3F9C];
	_ =	swait.ge [sflag:s4], $0x0  }
0x19: {  	s7 =	sld [smem:$0x3F9D]  }
0x1a: {  	s8 =	sadd.s32 $0xFFFFE003, lr  }
0x1b: {  	s9 =	sadd.s32 $0xFFFFFEF7, lr;
	s5 =	simm.s32 $0xFFFFFFFF;
	p2 =	slt.u32 s8, $0xFFFFF086  }
0x1c: {  	p1 =	slt.u32 s9, $0xF7A;
	s5 =	simm.s32 @!p2 $0x0  }
0x1d: {  	s5 =	simm.s32 @p1 $0x1;
	p0 =	seq.s32 s7, s2  }
0x1e: {  	s7 =	smul.u32 @!p0 $0xF7A, s2;
	p2 =	seq.s32 @!p0 s5, $0x0  }
0x1f: {  	s9 =	smul.u32 $0xF7A, s1;
	s8 =	simm.s32 @!p0 $0x1BF5;
	p2 =	por !p2, p0  }
0x20: {  	[sflag:s8] =	ssyncset.s32 @!p0 $0xFFFFF086;
	s6 =	sadd.s32 @!p0 s3, s7;
	s7 =	simm.s32 @!p0 $0x108  }
0x21: {  	s3 =	sadd.s32 s3, s9;
	s6 =	sadd.s32 @!p0 $0x88, s6;
	s7 =	simm.s32 @p2 $0x1082  }
0x22: {  	[simem:s7], [sflag:s8] =	dma.local @!p0 [hbm:s6], $0xF7A  }
0x23: {  	s9 =	sor.u32 $0xD0000000, s2;
	s6 =	simm.s32 $0x108;
	_ =	swait.ge @!p0 [sflag:s8], $0x0  }
0x24: {  	s3 =	sadd.s32 $0x88, s3;
	s6 =	simm.s32 @!p1 $0x1082;
	[sflag:s4] =	ssyncset.s32 $0xFFFFF086  }
0x25: {  	[simem:s6], [sflag:s4] =	dma.local [hbm:s3], $0xF7A  }
0x26: {  	[smem:$0x3F9D] =	sst s1;
	(tag) =	ssettag s2;
	_ =	strace s9  }
0x27: {  	s1 =	sld [smem:$0x3FAD]  }
0x28: {  	s2 =	sld [smem:$0x3FAE]  }
0x29: {  	s4 =	sld [smem:$0x3FB0]  }
0x2a: {  	p0 =	seq.s32 s5, $0x0;
	s5 =	sld [smem:$0x3FB1]  }
0x2b: {  	s6 =	sld [smem:$0x3FB2]  }
0x2c: {  	s7 =	sld [smem:$0x3FB3]  }
0x2d: {  	s3 =	simm.s32 $0x108;
	s8 =	sld [smem:$0x3FB4]  }
0x2e: {  	s3 =	simm.s32 @!p0 $0x1082;
	s9 =	sld [smem:$0x3FB5]  }
0x2f: {  	lr =	sadd.s32 s0, s3;
	s0 =	sld [smem:$0x3FAC]  }
0x30: {  	s3 =	sld [smem:$0x3FAF]  }
0x31: {  	[smem:$0x3FB8] =	sst s10  }
0x32: {  	s10 =	sld [smem:$0x3FB6];
	_ =	sdelay $0x3  }
0x33: {  	p0 =	seq.s32 s10, $0x1;
	s10 =	sld [smem:$0x3FB8];
	_ =	sdelay $0x3  }
0x34: {  	[smem:$0x3FB8] =	sst s10  }
0x35: {  	s10 =	sld [smem:$0x3FB7];
	_ =	sdelay $0x3  }
0x36: {  	p1 =	seq.s32 s10, $0x1;
	s10 =	sld [smem:$0x3FB8];
	_ =	sdelay $0x3  }
0x37: {  	[smem:$0x3FB8] =	sst s10  }
0x38: {  	s10 =	sld [smem:$0x3FB9]  }
0x39: {  	_ = 	snop;
	(pc) =	sbr.ind lr, $3  }
0x3a: {  	_ = 	snop  }
0x3b: {  	_ = 	snop  }
0x3c: {  	p2 =	seq.s32 s10, $0x1;
	s10 =	sld [smem:$0x3FB8]  }
0x3d: {  	_ =	shalt  }
0x3e: {  	_ =	shalt  }
0x3f: {  	_ =	shalt  }
0x40: {  	_ =	shalt  }
0x41: {  	_ =	shalt  }
0x42: {  	_ =	shalt  }
0x43: {  	_ =	shalt  }
0x44: {  	_ =	shalt  }
0x45: {  	_ =	shalt  }
0x46: {  	_ =	shalt  }
0x47: {  	_ =	shalt  }
0x48: {  	_ =	shalt  }
0x49: {  	_ =	shalt  }
0x4a: {  	_ =	shalt  }
0x4b: {  	_ =	shalt  }
0x4c: {  	_ =	shalt  }
0x4d: {  	_ =	shalt  }
0x4e: {  	_ =	shalt  }
0x4f: {  	_ =	shalt  }
0x50: {  	_ =	shalt  }
0x51: {  	_ =	shalt  }
0x52: {  	_ =	shalt  }
0x53: {  	_ =	shalt  }
0x54: {  	_ =	shalt  }
0x55: {  	_ =	shalt  }
0x56: {  	_ =	shalt  }
0x57: {  	_ =	shalt  }
0x58: {  	_ =	shalt  }
0x59: {  	_ =	shalt  }
0x5a: {  	_ =	shalt  }
0x5b: {  	_ =	shalt  }
0x5c: {  	_ =	shalt  }
0x5d: {  	_ =	shalt  }
0x5e: {  	_ =	shalt  }
0x5f: {  	_ =	shalt  }
0x60: {  	_ =	shalt  }
0x61: {  	_ =	shalt  }
0x62: {  	_ =	shalt  }
0x63: {  	_ =	shalt  }
0x64: {  	_ =	shalt  }
0x65: {  	_ =	shalt  }
0x66: {  	_ =	shalt  }
0x67: {  	_ =	shalt  }
0x68: {  	_ =	shalt  }
0x69: {  	_ =	shalt  }
0x6a: {  	_ =	shalt  }
0x6b: {  	_ =	shalt  }
0x6c: {  	_ =	shalt  }
0x6d: {  	_ =	shalt  }
0x6e: {  	_ =	shalt  }
0x6f: {  	_ =	shalt  }
0x70: {  	_ =	shalt  }
0x71: {  	_ =	shalt  }
0x72: {  	_ =	shalt  }
0x73: {  	_ =	shalt  }
0x74: {  	_ =	shalt  }
0x75: {  	_ =	shalt  }
0x76: {  	_ =	shalt  }
0x77: {  	_ =	shalt  }
0x78: {  	_ =	shalt  }
0x79: {  	_ =	shalt  }
0x7a: {  	_ =	shalt  }
0x7b: {  	_ =	shalt  }
0x7c: {  	_ =	shalt  }
0x7d: {  	_ =	shalt  }
0x7e: {  	_ =	shalt  }
0x7f: {  	_ =	shalt  }
0x80: {  	_ =	shalt  }
0x81: {  	_ =	shalt  }
0x82: {  	_ =	shalt  }
0x83: {  	_ =	shalt  }
0x84: {  	_ =	shalt  }
0x85: {  	_ =	shalt  }
0x86: {  	_ =	shalt  }
0x87: {  	_ =	shalt  }
.Lfunc_end0:
.L_simem_size_0:
called_computation.1_lowered:
.L_overlay_start_0:
0x88: {  	s2 =	sld [smem:$0x3FD9]  }
0x89: {  	s3 =	sld [smem:$0x3FFE];
	_ =	sdelay $0x1  }
0x8a: {  	s1 =	srdreg.scid  }
0x8b: {  	s0 =	sand.u32 $0x1, s1  }
0x8c: {  	s17 =	sshll.u32 s0, $0xA;
	s2 =	sadd.s32 s3, s2  }
0x8d: {  	s2 =	sadd.s32 s2, s17  }
0x8e: {  	[smem:$0x3FC4] =	sst s2  }
0x8f: {  	_ = 	snop  }
0x90: {  	s2 =	sld [smem:$0x3FD0];
	(tm) =	ssettm $0x1  }
0x91: {  	s18 =	sld [smem:$0x3FFB];
	_ =	sdelay $0x3  }
0x92: {  	_ =	strace s18  }
0x93: {  	s3 =	sld [smem:$0x3FFC];
	_ =	sdelay $0x3  }
0x94: {  	_ =	strace s3  }
0x95: {  	s3 =	sld [smem:$0x3FFD];
	_ =	sdelay $0x3  }
0x96: {  	_ =	strace s3  }
0x97: {  	_ =	strace $0x8FFFFFFF  }
0x98: {  	s19 =	sld [smem:$0x3FDB];
	_ =	sdelay $0x1  }
0x99: {  	s4 =	simm.s32 $_scs_section_size  }
0x9a: {  	s5 =	simm.s32 $_size__tile_overlayer_lowered;
	s6 =	simm.s32 $_tile_overlayer_lowered  }
0x9b: {  	s22 =	simm.s32 $0x1BFF;
	s21 =	sshll.u32 s6, $0x1;
	s3 =	sadd.s32 s4, s19  }
0x9c: {  	s7 =	simm.s32 $0x0;
	s20 =	sshll.u32 s5, $0x1;
	s5 =	sadd.s32 s21, s3  }
0x9d: {  	[timem:s7], [sflag:s22] =	dma.local [hbm:s5], s20  }
0x9e: {  	_ =	swait.ge [sflag:s22], s20  }
0x9f: {  	s4 =	ssub.s32 $0x0, s20;
	[sflag:s22] =	ssyncset.done $0x0  }
0xa0: {  	[sflag:s22] =	ssyncadd.s32 s4;
	_ =	sdelay $0x1  }
0xa1: {  	s23 =	simm.s32 $0x1B8B  }
0xa2: {  	_ =	swait.ge [sflag:s23], $0x1  }
0xa3: {  	[sflag:s23] =	ssyncset.done $0x0  }
0xa4: {  	s25 =	simm.s32 $0x1B8E;
	s24 =	sld [smem:$0x3FFE];
	[sflag:s23] =	ssyncadd.s32 $0xFFFFFFFF  }
0xa5: {  	s26 =	simm.s32 $execute0_lowered;
	[smem:$0x3FD2] =	sst s25  }
0xa6: {  	s5 =	sshll.u32 s26, $0x1;
	_ =	strace $0x80000049;
	[dreg:$0x1] =	wrdreg $0xFFFFFFFF  }
0xa7: {  	s28 =	simm.s32 $_size_execute0_lowered;
	s3 =	sadd.s32 s3, s5;
	[dreg:$0x0] =	wrdreg $0x0  }
0xa8: {  	s5 =	sshll.u32 s28, $0x1;
	[dreg:$0x2] =	wrdreg s3  }
0xa9: {  	[dreg:$0x3] =	wrdreg s5  }
0xaa: {  	[dreg:$0x4] =	wrdreg $0xC0  }
0xab: {  	_ =	task [dreg:s7], $0x5FFFF  }
0xac: {  	[dreg:$0x1] =	wrdreg $0xFFFFFFFF  }
0xad: {  	[dreg:$0x0] =	wrdreg $0x60  }
0xae: {  	[dreg:$0x2] =	wrdreg s24  }
0xaf: {  	[dreg:$0x3] =	wrdreg s2  }
0xb0: {  	[dreg:$0x4] =	wrdreg $0x161000  }
0xb1: {  	[dreg:$0x5] =	wrdreg $0x9  }
0xb2: {  	_ =	task.clear_ibuf [dreg:s7], $0x6FFFF;
	_ =	strace $0x90000049  }
0xb3: {  	s29 =	simm.s32 $0x9;
	_ =	strace $0x8000004B  }
0xb4: {  	_ =	swait.ge [sflag:s29], $0x1  }
0xb5: {  	[sflag:s29] =	ssyncadd.s32 $0xFFFFFFFF  }
0xb6: {  	_ =	strace $0x9000004B  }
0xb7: {  	_ =	sfence  }
0xb8: {  	s30 =	sld [smem:$0x0];
	_ =	sdelay $0x2  }
0xb9: {  	s31 =	sshll.u32 s1, $0xD;
	s1 =	sshrl.u32 s1, $0x2  }
0xba: {  	s3 =	sand.u32 $0x4000, s31;
	s1 =	sadd.s32 s1, s30  }
0xbb: {  	s0 =	sor.u32 s3, s0;
	s1 =	sshll.u32 s1, $0x11  }
0xbc: {  	s0 =	sor.u32 s1, s0  }
0xbd: {  	s0 =	sadd.s32 $0x8F2B, s0  }
0xbe: {  	[sflag:s0] =	ssyncadd.remote.s32 $0x1  }
0xbf: {  	_ =	sfence.sel $0xFFFF  }
0xc0: {  	[dreg:$0x0] =	wrdreg $0xFFFFFFFF;
	(pc) =	sbr.abs _section_cstart, $3  }
0xc1: {  	[dreg:$0x1] =	wrdreg $0xFFFFFFFF  }
0xc2: {  	_ =	task.clear_ibuf [dreg:s7], $0x2FFFF;
	_ =	strace $0x9FFFFFFF  }
0xc3: {  	(tm) =	ssettm $0x7FFFFFFF  }
tec
execute0_lowered:
.L_overlay_start_1:
0x0: {  	(tag) =	ssettag $0x1  }
0x1: {  	s5 =	rddreg [dreg:$0x0]  }
0x2: {  	s6 =	rddreg [dreg:$0x1]  }
0x3: {  	s2 =	rddreg [dreg:$0x2];
	s1 =	stileid.u32  }
0x4: {  	s0 =	rddreg [dreg:$0x3];
	s7 =	smul.u32 $0xA00, s1  }
0x5: {  	s3 =	simm.s32 $0x0;
	s8 =	srdreg.scid;
	s10 =	smul.u32 $0x9C00, s1  }
0x6: {  	s19 =	simm.s32 $0xA000;
	s20 =	simm.s32 $0xE000;
	s28 =	smul.u32 $0x27000, s1  }
0x7: {  	s21 =	simm.s32 $0x1;
	s22 =	simm.s32 $0x16000;
	s29 =	smul.u32 $0x28000, s1  }
0x8: {  	[smem:$0x7FF] =	sst s3;
	s13 =	sand.u32 $0x1, s8;
	s17 =	smul.u32 $0xA000, s1  }
0x9: {  	s4 =	sadd.s32 $0x10C00, s5;
	s14 =	sadd.s32 $0x38400, s5;
	s23 =	smul.u32 $0x13C0, s13  }
0xa: {  	p0 =	sgt.u32 s1, $0x7;
	_ =	strace $0x8000004A;
	s16 =	smul.u32 $0x9E000, s13  }
0xb: {  	s9 =	ssub.s32 $0x2, s13;
	s24 =	smul.u32 $0x13BF, s13;
	s25 =	sadd.s32 s7, s5  }
0xc: {  	s26 =	sshrl.u32 s9, $0x1;
	s6 =	sadd.s32 s6, s7;
	s12 =	sadd.s32 $0x2000, s10  }
0xd: {  	s8 =	sshrl.u32 s28, $0x2;
	s11 =	sshrl.u32 s29, $0x2;
	s15 =	ssub.s32 s9, s26  }
0xe: {  	s5 =	sadd.s32 $0x6C00, s25;
	s7 =	sadd.s32 s12, s2;
	s30 =	sadd.s32 s8, s2  }
0xf: {  	s10 =	sadd.s32 s11, s2;
	s18 =	sadd.s32 s16, s12;
	s16 =	sadd.s32 s17, s16  }
0x10: {  	s17 =	simm.s32 $0x5000;
	v0 =	vmov s23;
	v1 =	vmov s24;
	s23 =	simm.s32 $0x2;
	s24 =	simm.s32 $0x16080  }
0x11: {  	s25 =	simm.s32 $0x0;
	s8 =	sadd.s32 $0x6000, s30;
	s9 =	sadd.s32 $0xA000, s30  }
0x12: {  	s11 =	sadd.s32 $0x4000, s10;
	s12 =	sadd.s32 $0x8000, s10;
	s31 =	sshrl.u32 s18, $0x3  }
0x13: {  	s16 =	sshrl.u32 s16, $0x3;
	s15 =	smax.u32 s15, $0x1;
	s18 =	simm.s32 $0x80  }
0x14: {  	v2 =	vimm.f32 $0.0e+00;
	s13 =	sadd.s32 s14, s31;
	s14 =	sadd.s32 s14, s16;
	s16 =	simm.s32 $0x3  }
.LBB2_1:
0x15: {  	[tilespmem:s3], [sflag:$0x3] =	stream.linear.gather [hbm4b:s5+s3], $0x4E80, $0x38;
	[tilespmem:$0x1FF00] =	vst v63  }
0x16: {  	_ =	swait.ge [sflag:s16], $0x4E80  }
0x17: {  	[sflag:s16] =	ssyncset.done $0x0  }
0x18: {  	[sflag:s16] =	ssyncadd.s32 $0xFFFFB180  }
0x19: {  	[tilespmem:s17], [sflag:$0x3] =	stream.linear.gather [hbm4b:s6+s3], $0x4E80, $0x38;
	[tilespmem:$0x1FF00] =	vst v63  }
0x1a: {  	_ =	swait.ge [sflag:s16], $0x4E80  }
0x1b: {  	[sflag:s16] =	ssyncset.done $0x0  }
0x1c: {  	s26 =	simm.s32 $0x0;
	s28 =	simm.s32 $0x200;
	[sflag:s16] =	ssyncadd.s32 $0xFFFFB180  }
.LBB2_2:
0x1d: {  	p1 =	sne.s32 s28, $0xFE00;
	[tilespmem:s26+$0x12070] =	vst v2  }
0x1e: {  	[tilespmem:s26+$0x12000] =	vst v2  }
0x1f: {  	[tilespmem:s26+$0x12010] =	vst v2  }
.Ltmp0:
0x20: {  	[tilespmem:s26+$0x12020] =	vst v2;
	(pc) =	sbr.rel @p1 .LBB2_2-.Ltmp0, $4  }
0x21: {  	[tilespmem:s26+$0x12030] =	vst v2  }
0x22: {  	[tilespmem:s26+$0x12040] =	vst v2  }
0x23: {  	[tilespmem:s26+$0x12050] =	vst v2  }
0x24: {  	[tilespmem:s26+$0x12060] =	vst v2;
	s26 =	sshra.s32 s28, $0x2;
	s28 =	sadd.s32 $0x200, s28  }
0x25: {  	[tilespmem:s26+$0x12070] =	vst v2  }
0x26: {  	[tilespmem:s26+$0x12000] =	vst v2  }
0x27: {  	[tilespmem:s26+$0x12010] =	vst v2  }
0x28: {  	[tilespmem:s26+$0x12020] =	vst v2  }
0x29: {  	[tilespmem:s26+$0x12030] =	vst v2  }
0x2a: {  	[tilespmem:s26+$0x12040] =	vst v2  }
0x2b: {  	[tilespmem:s26+$0x12050] =	vst v2  }
0x2c: {  	[tilespmem:s26+$0x12060] =	vst v2;
	s26 =	simm.s32 @p0 $0x12000;
	s28 =	simm.s32 @p0 $0x3  }
0x2d: {  	[spmem:s7] =	stream.linear.scatter @p0 [tilespmem:s26], [sflag:$0x3], $0x4000, $0x38;
	[tilespmem:$0x1FF00] =	vst v63  }
0x2e: {  	_ =	swait.ge @p0 [sflag:s28], $0x4000  }
0x2f: {  	[sflag:s28] =	ssyncset.done @p0 $0x0  }
0x30: {  	[sflag:s28] =	ssyncadd.s32 @p0 $0xFFFFC000  }
0x31: {  	[spmem:s8] =	stream.linear.scatter @p0 [tilespmem:s26], [sflag:$0x3], $0x4000, $0x38;
	[tilespmem:$0x1FF00] =	vst v63  }
0x32: {  	_ =	swait.ge @p0 [sflag:s28], $0x4000  }
0x33: {  	[sflag:s28] =	ssyncset.done @p0 $0x0  }
0x34: {  	[sflag:s28] =	ssyncadd.s32 @p0 $0xFFFFC000  }
0x35: {  	[spmem:s9] =	stream.linear.scatter @p0 [tilespmem:s26], [sflag:$0x3], $0x1C00, $0x38;
	[tilespmem:$0x1FF00] =	vst v63  }
0x36: {  	_ =	swait.ge @p0 [sflag:s28], $0x1C00  }
0x37: {  	[sflag:s28] =	ssyncset.done @p0 $0x0  }
0x38: {  	s26 =	simm.s32 @!p0 $0x12000;
	[sflag:s28] =	ssyncadd.s32 @p0 $0xFFFFE400;
	s28 =	simm.s32 @!p0 $0x3  }
0x39: {  	[spmem:s10] =	stream.linear.scatter @!p0 [tilespmem:s26], [sflag:$0x3], $0x4000, $0x38;
	[tilespmem:$0x1FF00] =	vst v63  }
0x3a: {  	_ =	swait.ge @!p0 [sflag:s28], $0x4000  }
0x3b: {  	[sflag:s28] =	ssyncset.done @!p0 $0x0  }
0x3c: {  	[sflag:s28] =	ssyncadd.s32 @!p0 $0xFFFFC000  }
0x3d: {  	[spmem:s11] =	stream.linear.scatter @!p0 [tilespmem:s26], [sflag:$0x3], $0x4000, $0x38;
	[tilespmem:$0x1FF00] =	vst v63  }
0x3e: {  	_ =	swait.ge @!p0 [sflag:s28], $0x4000  }
0x3f: {  	[sflag:s28] =	ssyncset.done @!p0 $0x0  }
0x40: {  	[sflag:s28] =	ssyncadd.s32 @!p0 $0xFFFFC000  }
0x41: {  	[spmem:s12] =	stream.linear.scatter @!p0 [tilespmem:s26], [sflag:$0x3], $0x2000, $0x38;
	[tilespmem:$0x1FF00] =	vst v63  }
0x42: {  	_ =	swait.ge @!p0 [sflag:s28], $0x2000  }
0x43: {  	[sflag:s28] =	ssyncset.done @!p0 $0x0  }
0x44: {  	[sflag:s28] =	ssyncadd.s32 @!p0 $0xFFFFE000  }
0x45: {  	s28 =	simm.s32 $0x0;
	[bflag:$0x0] =	sbarrier.arrive $0xFFFF  }
0x46: {  	[tilespmem:s19], [sflag:$0x1] =	stream.indirect.gather [hbm4b:s4+s18], $0x80, s28, s18, $0xb8;
	[tilespmem:$0x1FF00] =	vst v63  }
0x47: {  	s29 =	simm.s32 $0x80;
	s26 =	simm.s32 $0x0  }
0x48: {  	[tilespmem:s20], [sflag:$0x2] =	stream.indirect.gather [hbm4b:s4+s18], $0x80, s29, s18, $0xb8;
	[tilespmem:$0x1FF00] =	vst v63  }
0x49: {  	v3 =	vld [tilespmem:s26+$0x5000];
	_ =	sdelay $0x4  }
0x4a: {  	v3 =	vsub.s32 v3, v0  }
0x4b: {  	vm0 =	vlt.u32 v3, $0x13C0  }
0x4c: {  	v3 =	vsel vm0, v3, v1  }
0x4d: {  	[tilespmem:$0x16000] =	vst v3  }
0x4e: {  	v3 =	vld [tilespmem:s26+$0x5010];
	_ =	sdelay $0x4  }
0x4f: {  	v3 =	vsub.s32 v3, v0  }
0x50: {  	vm13 =	vlt.u32 v3, $0x13C0  }
0x51: {  	v3 =	vsel vm13, v3, v1  }
0x52: {  	[tilespmem:$0x16010] =	vst v3  }
0x53: {  	v3 =	vld [tilespmem:s26+$0x5020];
	_ =	sdelay $0x4  }
0x54: {  	v3 =	vsub.s32 v3, v0  }
0x55: {  	vm14 =	vlt.u32 v3, $0x13C0  }
0x56: {  	v3 =	vsel vm14, v3, v1  }
0x57: {  	[tilespmem:$0x16020] =	vst v3  }
0x58: {  	v3 =	vld [tilespmem:s26+$0x5030];
	_ =	sdelay $0x4  }
0x59: {  	v3 =	vsub.s32 v3, v0  }
0x5a: {  	vm15 =	vlt.u32 v3, $0x13C0  }
0x5b: {  	v3 =	vsel vm15, v3, v1  }
0x5c: {  	[tilespmem:$0x16030] =	vst v3  }
0x5d: {  	v3 =	vld [tilespmem:s26+$0x5040];
	_ =	sdelay $0x4  }
0x5e: {  	v3 =	vsub.s32 v3, v0  }
0x5f: {  	vm4 =	vlt.u32 v3, $0x13C0  }
0x60: {  	v3 =	vsel vm4, v3, v1  }
0x61: {  	[tilespmem:$0x16040] =	vst v3  }
0x62: {  	v3 =	vld [tilespmem:s26+$0x5050];
	_ =	sdelay $0x4  }
0x63: {  	v3 =	vsub.s32 v3, v0  }
0x64: {  	vm5 =	vlt.u32 v3, $0x13C0  }
0x65: {  	v3 =	vsel vm5, v3, v1  }
0x66: {  	[tilespmem:$0x16050] =	vst v3  }
0x67: {  	v3 =	vld [tilespmem:s26+$0x5060];
	_ =	sdelay $0x4  }
0x68: {  	v3 =	vsub.s32 v3, v0  }
0x69: {  	vm6 =	vlt.u32 v3, $0x13C0  }
0x6a: {  	v3 =	vsel vm6, v3, v1  }
0x6b: {  	[tilespmem:$0x16060] =	vst v3  }
0x6c: {  	v3 =	vld [tilespmem:s26+$0x5070];
	_ =	sdelay $0x4  }
0x6d: {  	v3 =	vsub.s32 v3, v0  }
0x6e: {  	vm7 =	vlt.u32 v3, $0x13C0  }
0x6f: {  	v3 =	vsel vm7, v3, v1  }
0x70: {  	[tilespmem:$0x16070] =	vst v3  }
0x71: {  	_ =	swait.ge [sflag:s21], $0x4000  }
0x72: {  	[sflag:s21] =	ssyncset.done $0x0  }
0x73: {  	[sflag:s21] =	ssyncadd.s32 $0xFFFFC000  }
0x74: {  	[spmem:s2] =	stream.indirect.scatter.add.f32 [tilespmem:s19], [sflag:$0x3], $0x80, s22, s18, $0xb8;
	[tilespmem:$0x1FF00] =	vst v63  }
0x75: {  	_ =	swait.ge [sflag:s16], $0x4000  }
0x76: {  	[sflag:s16] =	ssyncset.done $0x0  }
0x77: {  	s31 =	simm.s32 $0x100;
	[sflag:s16] =	ssyncadd.s32 $0xFFFFC000  }
0x78: {  	[tilespmem:s19], [sflag:$0x1] =	stream.indirect.gather [hbm4b:s4+s18], $0x80, s31, s18, $0xb8;
	[tilespmem:$0x1FF00] =	vst v63  }
0x79: {  	v3 =	vld [tilespmem:s26+$0x5080];
	_ =	sdelay $0x4  }
0x7a: {  	v3 =	vsub.s32 v3, v0  }
0x7b: {  	vm8 =	vlt.u32 v3, $0x13C0  }
0x7c: {  	v3 =	vsel vm8, v3, v1  }
0x7d: {  	[tilespmem:$0x16080] =	vst v3  }
0x7e: {  	v3 =	vld [tilespmem:s26+$0x5090];
	_ =	sdelay $0x4  }
0x7f: {  	v3 =	vsub.s32 v3, v0  }
0x80: {  	vm9 =	vlt.u32 v3, $0x13C0  }
0x81: {  	v3 =	vsel vm9, v3, v1  }
0x82: {  	[tilespmem:$0x16090] =	vst v3  }
0x83: {  	v3 =	vld [tilespmem:s26+$0x50A0];
	_ =	sdelay $0x4  }
0x84: {  	v3 =	vsub.s32 v3, v0  }
0x85: {  	vm10 =	vlt.u32 v3, $0x13C0  }
0x86: {  	v3 =	vsel vm10, v3, v1  }
0x87: {  	[tilespmem:$0x160A0] =	vst v3  }
0x88: {  	v3 =	vld [tilespmem:s26+$0x50B0];
	_ =	sdelay $0x4  }
0x89: {  	v3 =	vsub.s32 v3, v0  }
0x8a: {  	vm11 =	vlt.u32 v3, $0x13C0  }
0x8b: {  	v3 =	vsel vm11, v3, v1  }
0x8c: {  	[tilespmem:$0x160B0] =	vst v3  }
0x8d: {  	v3 =	vld [tilespmem:s26+$0x50C0];
	_ =	sdelay $0x4  }
0x8e: {  	v3 =	vsub.s32 v3, v0  }
0x8f: {  	vm12 =	vlt.u32 v3, $0x13C0  }
0x90: {  	v3 =	vsel vm12, v3, v1  }
0x91: {  	[tilespmem:$0x160C0] =	vst v3  }
0x92: {  	v3 =	vld [tilespmem:s26+$0x50D0];
	_ =	sdelay $0x4  }
0x93: {  	v3 =	vsub.s32 v3, v0  }
0x94: {  	vm13 =	vlt.u32 v3, $0x13C0  }
0x95: {  	v3 =	vsel vm13, v3, v1  }
0x96: {  	[tilespmem:$0x160D0] =	vst v3  }
0x97: {  	v3 =	vld [tilespmem:s26+$0x50E0];
	_ =	sdelay $0x4  }
0x98: {  	v3 =	vsub.s32 v3, v0  }
0x99: {  	vm14 =	vlt.u32 v3, $0x13C0  }
0x9a: {  	v3 =	vsel vm14, v3, v1  }
0x9b: {  	[tilespmem:$0x160E0] =	vst v3  }
0x9c: {  	v3 =	vld [tilespmem:s26+$0x50F0];
	_ =	sdelay $0x4  }
0x9d: {  	v3 =	vsub.s32 v3, v0  }
0x9e: {  	vm15 =	vlt.u32 v3, $0x13C0  }
0x9f: {  	v3 =	vsel vm15, v3, v1  }
0xa0: {  	[tilespmem:$0x160F0] =	vst v3  }
0xa1: {  	_ =	swait.ge [sflag:s23], $0x4000  }
0xa2: {  	[sflag:s23] =	ssyncset.done $0x0  }
0xa3: {  	[sflag:s23] =	ssyncadd.s32 $0xFFFFC000  }
0xa4: {  	[spmem:s2] =	stream.indirect.scatter.add.f32 [tilespmem:s20], [sflag:$0x3], $0x80, s24, s18, $0xb8;
	[tilespmem:$0x1FF00] =	vst v63  }
0xa5: {  	_ =	swait.ge [sflag:s16], $0x4000  }
0xa6: {  	s30 =	simm.s32 $0x800;
	s26 =	simm.s32 $0x100;
	[sflag:s16] =	ssyncset.done $0x0  }
.LBB2_4:
0xa7: {  	s31 =	sadd.s32 $0x80, s26  }
0xa8: {  	[sflag:s16] =	ssyncadd.s32 $0xFFFFC000;
	s29 =	smov.u32 s30;
	s28 =	sadd.s32 $0x400, s30  }
0xa9: {  	[tilespmem:s20], [sflag:$0x2] =	stream.indirect.gather [hbm4b:s4+s18], $0x80, s31, s18, $0xb8;
	[tilespmem:$0x1FF00] =	vst v63  }
0xaa: {  	p1 =	sne.s32 s30, $0x13400;
	v3 =	vld [tilespmem:s26+$0x5000];
	_ =	sdelay $0x4  }
0xab: {  	v3 =	vsub.s32 v3, v0  }
0xac: {  	vm0 =	vlt.u32 v3, $0x13C0  }
0xad: {  	v3 =	vsel vm0, v3, v1  }
0xae: {  	[tilespmem:$0x16000] =	vst v3  }
0xaf: {  	v3 =	vld [tilespmem:s26+$0x5010];
	_ =	sdelay $0x4  }
0xb0: {  	v3 =	vsub.s32 v3, v0  }
0xb1: {  	vm0 =	vlt.u32 v3, $0x13C0  }
0xb2: {  	v3 =	vsel vm0, v3, v1  }
0xb3: {  	[tilespmem:$0x16010] =	vst v3  }
0xb4: {  	v3 =	vld [tilespmem:s26+$0x5020];
	_ =	sdelay $0x4  }
0xb5: {  	v3 =	vsub.s32 v3, v0  }
0xb6: {  	vm0 =	vlt.u32 v3, $0x13C0  }
0xb7: {  	v3 =	vsel vm0, v3, v1  }
0xb8: {  	[tilespmem:$0x16020] =	vst v3  }
0xb9: {  	v3 =	vld [tilespmem:s26+$0x5030];
	_ =	sdelay $0x4  }
0xba: {  	v3 =	vsub.s32 v3, v0  }
0xbb: {  	vm0 =	vlt.u32 v3, $0x13C0  }
0xbc: {  	v3 =	vsel vm0, v3, v1  }
0xbd: {  	[tilespmem:$0x16030] =	vst v3  }
0xbe: {  	v3 =	vld [tilespmem:s26+$0x5040];
	_ =	sdelay $0x4  }
0xbf: {  	v3 =	vsub.s32 v3, v0  }
0xc0: {  	vm0 =	vlt.u32 v3, $0x13C0  }
0xc1: {  	v3 =	vsel vm0, v3, v1  }
0xc2: {  	[tilespmem:$0x16040] =	vst v3  }
0xc3: {  	v3 =	vld [tilespmem:s26+$0x5050];
	_ =	sdelay $0x4  }
0xc4: {  	v3 =	vsub.s32 v3, v0  }
0xc5: {  	vm0 =	vlt.u32 v3, $0x13C0  }
0xc6: {  	v3 =	vsel vm0, v3, v1  }
0xc7: {  	[tilespmem:$0x16050] =	vst v3  }
0xc8: {  	v3 =	vld [tilespmem:s26+$0x5060];
	_ =	sdelay $0x4  }
0xc9: {  	v3 =	vsub.s32 v3, v0  }
0xca: {  	vm0 =	vlt.u32 v3, $0x13C0  }
0xcb: {  	v3 =	vsel vm0, v3, v1  }
0xcc: {  	[tilespmem:$0x16060] =	vst v3  }
0xcd: {  	v3 =	vld [tilespmem:s26+$0x5070];
	_ =	sdelay $0x4  }
0xce: {  	v3 =	vsub.s32 v3, v0  }
0xcf: {  	vm0 =	vlt.u32 v3, $0x13C0  }
0xd0: {  	v3 =	vsel vm0, v3, v1  }
0xd1: {  	[tilespmem:$0x16070] =	vst v3  }
0xd2: {  	_ =	swait.ge [sflag:s21], $0x4000  }
0xd3: {  	[sflag:s21] =	ssyncset.done $0x0  }
0xd4: {  	[sflag:s21] =	ssyncadd.s32 $0xFFFFC000  }
0xd5: {  	[spmem:s2] =	stream.indirect.scatter.add.f32 [tilespmem:s19], [sflag:$0x3], $0x80, s22, s18, $0xb8;
	[tilespmem:$0x1FF00] =	vst v63  }
0xd6: {  	_ =	swait.ge [sflag:s16], $0x4000  }
0xd7: {  	[sflag:s16] =	ssyncset.done $0x0  }
0xd8: {  	s30 =	sadd.s32 $0x100, s26;
	[sflag:s16] =	ssyncadd.s32 $0xFFFFC000  }
0xd9: {  	[tilespmem:s19], [sflag:$0x1] =	stream.indirect.gather [hbm4b:s4+s18], $0x80, s30, s18, $0xb8;
	[tilespmem:$0x1FF00] =	vst v63  }
0xda: {  	v3 =	vld [tilespmem:s26+$0x5080];
	_ =	sdelay $0x4  }
0xdb: {  	v3 =	vsub.s32 v3, v0  }
0xdc: {  	vm0 =	vlt.u32 v3, $0x13C0  }
0xdd: {  	v3 =	vsel vm0, v3, v1  }
0xde: {  	[tilespmem:$0x16080] =	vst v3  }
0xdf: {  	v3 =	vld [tilespmem:s26+$0x5090];
	_ =	sdelay $0x4  }
0xe0: {  	v3 =	vsub.s32 v3, v0  }
0xe1: {  	vm0 =	vlt.u32 v3, $0x13C0  }
0xe2: {  	v3 =	vsel vm0, v3, v1  }
0xe3: {  	[tilespmem:$0x16090] =	vst v3  }
0xe4: {  	v3 =	vld [tilespmem:s26+$0x50A0];
	_ =	sdelay $0x4  }
0xe5: {  	v3 =	vsub.s32 v3, v0  }
0xe6: {  	vm0 =	vlt.u32 v3, $0x13C0  }
0xe7: {  	v3 =	vsel vm0, v3, v1  }
0xe8: {  	[tilespmem:$0x160A0] =	vst v3  }
0xe9: {  	v3 =	vld [tilespmem:s26+$0x50B0];
	_ =	sdelay $0x4  }
0xea: {  	v3 =	vsub.s32 v3, v0  }
0xeb: {  	vm0 =	vlt.u32 v3, $0x13C0  }
0xec: {  	v3 =	vsel vm0, v3, v1  }
0xed: {  	[tilespmem:$0x160B0] =	vst v3  }
0xee: {  	v3 =	vld [tilespmem:s26+$0x50C0];
	_ =	sdelay $0x4  }
0xef: {  	v3 =	vsub.s32 v3, v0  }
0xf0: {  	vm0 =	vlt.u32 v3, $0x13C0  }
0xf1: {  	v3 =	vsel vm0, v3, v1  }
0xf2: {  	[tilespmem:$0x160C0] =	vst v3  }
0xf3: {  	v3 =	vld [tilespmem:s26+$0x50D0];
	_ =	sdelay $0x4  }
0xf4: {  	v3 =	vsub.s32 v3, v0  }
0xf5: {  	vm0 =	vlt.u32 v3, $0x13C0  }
0xf6: {  	v3 =	vsel vm0, v3, v1  }
0xf7: {  	[tilespmem:$0x160D0] =	vst v3  }
0xf8: {  	v3 =	vld [tilespmem:s26+$0x50E0];
	_ =	sdelay $0x4  }
0xf9: {  	v3 =	vsub.s32 v3, v0  }
0xfa: {  	vm0 =	vlt.u32 v3, $0x13C0  }
0xfb: {  	v3 =	vsel vm0, v3, v1  }
0xfc: {  	[tilespmem:$0x160E0] =	vst v3  }
0xfd: {  	v3 =	vld [tilespmem:s26+$0x50F0];
	_ =	sdelay $0x4  }
0xfe: {  	v3 =	vsub.s32 v3, v0  }
0xff: {  	vm0 =	vlt.u32 v3, $0x13C0  }
0x100: {  	v3 =	vsel vm0, v3, v1  }
0x101: {  	[tilespmem:$0x160F0] =	vst v3  }
0x102: {  	_ =	swait.ge [sflag:s23], $0x4000  }
.Ltmp1:
0x103: {  	[sflag:s23] =	ssyncset.done $0x0;
	(pc) =	sbr.rel @p1 .LBB2_4-.Ltmp1, $4  }
0x104: {  	[sflag:s23] =	ssyncadd.s32 $0xFFFFC000  }
0x105: {  	[spmem:s2] =	stream.indirect.scatter.add.f32 [tilespmem:s20], [sflag:$0x3], $0x80, s24, s18, $0xb8;
	[tilespmem:$0x1FF00] =	vst v63  }
0x106: {  	_ =	swait.ge [sflag:s16], $0x4000  }
0x107: {  	s30 =	smov.u32 s28;
	s26 =	sshra.s32 s29, $0x2;
	[sflag:s16] =	ssyncset.done $0x0  }
0x108: {  	s28 =	sadd.s32 $0x80, s26;
	[sflag:s16] =	ssyncadd.s32 $0xFFFFC000  }
0x109: {  	[tilespmem:s20], [sflag:$0x2] =	stream.indirect.gather [hbm4b:s4+s18], $0x80, s28, s18, $0xb8;
	[tilespmem:$0x1FF00] =	vst v63  }
0x10a: {  	v3 =	vld [tilespmem:s26+$0x5000];
	_ =	sdelay $0x4  }
0x10b: {  	v3 =	vsub.s32 v3, v0  }
0x10c: {  	vm0 =	vlt.u32 v3, $0x13C0  }
0x10d: {  	v3 =	vsel vm0, v3, v1  }
0x10e: {  	[tilespmem:$0x16000] =	vst v3  }
0x10f: {  	v3 =	vld [tilespmem:s26+$0x5010];
	_ =	sdelay $0x4  }
0x110: {  	v3 =	vsub.s32 v3, v0  }
0x111: {  	vm5 =	vlt.u32 v3, $0x13C0  }
0x112: {  	v3 =	vsel vm5, v3, v1  }
0x113: {  	[tilespmem:$0x16010] =	vst v3  }
0x114: {  	v3 =	vld [tilespmem:s26+$0x5020];
	_ =	sdelay $0x4  }
0x115: {  	v3 =	vsub.s32 v3, v0  }
0x116: {  	vm6 =	vlt.u32 v3, $0x13C0  }
0x117: {  	v3 =	vsel vm6, v3, v1  }
0x118: {  	[tilespmem:$0x16020] =	vst v3  }
0x119: {  	v3 =	vld [tilespmem:s26+$0x5030];
	_ =	sdelay $0x4  }
0x11a: {  	v3 =	vsub.s32 v3, v0  }
0x11b: {  	vm7 =	vlt.u32 v3, $0x13C0  }
0x11c: {  	v3 =	vsel vm7, v3, v1  }
0x11d: {  	[tilespmem:$0x16030] =	vst v3  }
0x11e: {  	v3 =	vld [tilespmem:s26+$0x5040];
	_ =	sdelay $0x4  }
0x11f: {  	v3 =	vsub.s32 v3, v0  }
0x120: {  	vm8 =	vlt.u32 v3, $0x13C0  }
0x121: {  	v3 =	vsel vm8, v3, v1  }
0x122: {  	[tilespmem:$0x16040] =	vst v3  }
0x123: {  	v3 =	vld [tilespmem:s26+$0x5050];
	_ =	sdelay $0x4  }
0x124: {  	v3 =	vsub.s32 v3, v0  }
0x125: {  	vm9 =	vlt.u32 v3, $0x13C0  }
0x126: {  	v3 =	vsel vm9, v3, v1  }
0x127: {  	[tilespmem:$0x16050] =	vst v3  }
0x128: {  	v3 =	vld [tilespmem:s26+$0x5060];
	_ =	sdelay $0x4  }
0x129: {  	v3 =	vsub.s32 v3, v0  }
0x12a: {  	vm10 =	vlt.u32 v3, $0x13C0  }
0x12b: {  	v3 =	vsel vm10, v3, v1  }
0x12c: {  	[tilespmem:$0x16060] =	vst v3  }
0x12d: {  	v3 =	vld [tilespmem:s26+$0x5070];
	_ =	sdelay $0x4  }
0x12e: {  	v3 =	vsub.s32 v3, v0  }
0x12f: {  	vm11 =	vlt.u32 v3, $0x13C0  }
0x130: {  	v3 =	vsel vm11, v3, v1  }
0x131: {  	[tilespmem:$0x16070] =	vst v3  }
0x132: {  	_ =	swait.ge [sflag:s21], $0x4000  }
0x133: {  	[sflag:s21] =	ssyncset.done $0x0  }
0x134: {  	[sflag:s21] =	ssyncadd.s32 $0xFFFFC000  }
0x135: {  	[spmem:s2] =	stream.indirect.scatter.add.f32 [tilespmem:s19], [sflag:$0x3], $0x80, s22, s18, $0xb8;
	[tilespmem:$0x1FF00] =	vst v63  }
0x136: {  	_ =	swait.ge [sflag:s16], $0x4000  }
0x137: {  	[sflag:s16] =	ssyncset.done $0x0  }
0x138: {  	s31 =	sadd.s32 $0x100, s26;
	[sflag:s16] =	ssyncadd.s32 $0xFFFFC000  }
0x139: {  	[tilespmem:s19], [sflag:$0x1] =	stream.indirect.gather [hbm4b:s4+s18], $0x80, s31, s18, $0xb8;
	[tilespmem:$0x1FF00] =	vst v63  }
0x13a: {  	v3 =	vld [tilespmem:s26+$0x5080];
	_ =	sdelay $0x4  }
0x13b: {  	v3 =	vsub.s32 v3, v0  }
0x13c: {  	vm12 =	vlt.u32 v3, $0x13C0  }
0x13d: {  	v3 =	vsel vm12, v3, v1  }
0x13e: {  	[tilespmem:$0x16080] =	vst v3  }
0x13f: {  	v3 =	vld [tilespmem:s26+$0x5090];
	_ =	sdelay $0x4  }
0x140: {  	v3 =	vsub.s32 v3, v0  }
0x141: {  	vm13 =	vlt.u32 v3, $0x13C0  }
0x142: {  	v3 =	vsel vm13, v3, v1  }
0x143: {  	[tilespmem:$0x16090] =	vst v3  }
0x144: {  	v3 =	vld [tilespmem:s26+$0x50A0];
	_ =	sdelay $0x4  }
0x145: {  	v3 =	vsub.s32 v3, v0  }
0x146: {  	vm14 =	vlt.u32 v3, $0x13C0  }
0x147: {  	v3 =	vsel vm14, v3, v1  }
0x148: {  	[tilespmem:$0x160A0] =	vst v3  }
0x149: {  	v3 =	vld [tilespmem:s26+$0x50B0];
	_ =	sdelay $0x4  }
0x14a: {  	v3 =	vsub.s32 v3, v0  }
0x14b: {  	vm15 =	vlt.u32 v3, $0x13C0  }
0x14c: {  	v3 =	vsel vm15, v3, v1  }
0x14d: {  	[tilespmem:$0x160B0] =	vst v3  }
0x14e: {  	v3 =	vld [tilespmem:s26+$0x50C0];
	_ =	sdelay $0x4  }
0x14f: {  	v3 =	vsub.s32 v3, v0  }
0x150: {  	vm4 =	vlt.u32 v3, $0x13C0  }
0x151: {  	v3 =	vsel vm4, v3, v1  }
0x152: {  	[tilespmem:$0x160C0] =	vst v3  }
0x153: {  	v3 =	vld [tilespmem:s26+$0x50D0];
	_ =	sdelay $0x4  }
0x154: {  	v3 =	vsub.s32 v3, v0  }
0x155: {  	vm5 =	vlt.u32 v3, $0x13C0  }
0x156: {  	v3 =	vsel vm5, v3, v1  }
0x157: {  	[tilespmem:$0x160D0] =	vst v3  }
0x158: {  	v3 =	vld [tilespmem:s26+$0x50E0];
	_ =	sdelay $0x4  }
0x159: {  	v3 =	vsub.s32 v3, v0  }
0x15a: {  	vm6 =	vlt.u32 v3, $0x13C0  }
0x15b: {  	v3 =	vsel vm6, v3, v1  }
0x15c: {  	[tilespmem:$0x160E0] =	vst v3  }
0x15d: {  	v3 =	vld [tilespmem:s26+$0x50F0];
	_ =	sdelay $0x4  }
0x15e: {  	v3 =	vsub.s32 v3, v0  }
0x15f: {  	vm7 =	vlt.u32 v3, $0x13C0  }
0x160: {  	v3 =	vsel vm7, v3, v1  }
0x161: {  	[tilespmem:$0x160F0] =	vst v3  }
0x162: {  	_ =	swait.ge [sflag:s23], $0x4000  }
0x163: {  	[sflag:s23] =	ssyncset.done $0x0  }
0x164: {  	[sflag:s23] =	ssyncadd.s32 $0xFFFFC000  }
0x165: {  	[spmem:s2] =	stream.indirect.scatter.add.f32 [tilespmem:s20], [sflag:$0x3], $0x80, s24, s18, $0xb8;
	[tilespmem:$0x1FF00] =	vst v63  }
0x166: {  	_ =	swait.ge [sflag:s16], $0x4000  }
0x167: {  	[sflag:s16] =	ssyncset.done $0x0  }
0x168: {  	[sflag:s16] =	ssyncadd.s32 $0xFFFFC000  }
0x169: {  	v3 =	vld [tilespmem:$0x9E00]  }
0x16a: {  	v4 =	vld [tilespmem:$0x9E10]  }
0x16b: {  	v5 =	vld [tilespmem:$0x9E20]  }
0x16c: {  	v6 =	vld [tilespmem:$0x9E30]  }
0x16d: {  	v7 =	vld [tilespmem:$0x9E40]  }
0x16e: {  	v8 =	vld [tilespmem:$0x9E50];
	v3 =	vsub.s32 v3, v0  }
0x16f: {  	v9 =	vld [tilespmem:$0x9E60];
	v4 =	vsub.s32 v4, v0;
	vm8 =	vlt.u32 v3, $0x13C0  }
0x170: {  	v10 =	vld [tilespmem:$0x9E70];
	v5 =	vsub.s32 v5, v0;
	vm9 =	vlt.u32 v4, $0x13C0;
	v3 =	vsel vm8, v3, v1  }
0x171: {  	v59 =	vsub.s32 v6, v0;
	vm10 =	vlt.u32 v5, $0x13C0;
	[tilespmem:$0x16000] =	vst v3;
	v3 =	vsel vm9, v4, v1  }
0x172: {  	v60 =	vsub.s32 v7, v0;
	vm11 =	vlt.u32 v59, $0x13C0;
	[tilespmem:$0x16010] =	vst v3;
	v3 =	vsel vm10, v5, v1  }
0x173: {  	v61 =	vsub.s32 v8, v0;
	vm12 =	vlt.u32 v60, $0x13C0;
	[tilespmem:$0x16020] =	vst v3;
	v3 =	vsel vm11, v59, v1  }
0x174: {  	v62 =	vsub.s32 v9, v0;
	vm13 =	vlt.u32 v61, $0x13C0;
	[tilespmem:$0x16030] =	vst v3;
	v3 =	vsel vm12, v60, v1  }
0x175: {  	v63 =	vsub.s32 v10, v0;
	vm14 =	vlt.u32 v62, $0x13C0;
	[tilespmem:$0x16040] =	vst v3;
	v3 =	vsel vm13, v61, v1  }
0x176: {  	vm15 =	vlt.u32 v63, $0x13C0;
	[tilespmem:$0x16050] =	vst v3;
	v3 =	vsel vm14, v62, v1  }
0x177: {  	[tilespmem:$0x16060] =	vst v3;
	v3 =	vsel vm15, v63, v1  }
0x178: {  	[tilespmem:$0x16070] =	vst v3  }
0x179: {  	_ =	swait.ge [sflag:s21], $0x4000  }
0x17a: {  	[sflag:s21] =	ssyncset.done $0x0  }
0x17b: {  	[sflag:s21] =	ssyncadd.s32 $0xFFFFC000  }
0x17c: {  	[spmem:s2] =	stream.indirect.scatter.add.f32 [tilespmem:s19], [sflag:$0x3], $0x80, s22, s18, $0xb8;
	[tilespmem:$0x1FF00] =	vst v63  }
0x17d: {  	_ =	swait.ge [sflag:s16], $0x4000  }
0x17e: {  	[sflag:s16] =	ssyncset.done $0x0  }
0x17f: {  	s26 =	sshll.u32 @p0 s1, $0x6;
	[sflag:s16] =	ssyncadd.s32 $0xFFFFC000  }
0x180: {  	s28 =	sshrl.u32 @p0 s7, $0x3;
	s26 =	sor.u32 @p0 $0x1C03, s26;
	[bflag:$0x0] =	sbarrier.arrive $0xFFFF  }
0x181: {  	[hbm:s13], [sflag:s26] =	dma.local @p0 [spmem:s28], $0x1380  }
0x182: {  	s26 =	simm.s32 @p0 $0x3  }
0x183: {  	s25 =	sadd.s32 $0x1, s25;
	_ =	swait.ge @p0 [sflag:s26], $0x1380  }
0x184: {  	p1 =	sne.s32 s25, s15;
	s28 =	sshll.u32 @!p0 s1, $0x6;
	[sflag:s26] =	ssyncset.done @p0 $0x0  }
0x185: {  	[sflag:s26] =	ssyncadd.s32 @p0 $0xFFFFEC80;
	s26 =	sor.u32 @!p0 $0x1C03, s28;
	s28 =	sshrl.u32 @!p0 s10, $0x3  }
0x186: {  	[hbm:s14], [sflag:s26] =	dma.local @!p0 [spmem:s28], $0x1400  }
.Ltmp2:
0x187: {  	_ = 	snop;
	(pc) =	sbr.rel @p1 .LBB2_1-.Ltmp2, $4  }
0x188: {  	s26 =	simm.s32 @!p0 $0x3  }
0x189: {  	_ =	swait.ge @!p0 [sflag:s26], $0x1400  }
0x18a: {  	[sflag:s26] =	ssyncset.done @!p0 $0x0  }
0x18b: {  	[sflag:s26] =	ssyncadd.s32 @!p0 $0xFFFFEC00  }
0x18c: {  	_ =	sfence.sel $0x180000  }
0x18d: {  	[bflag:$0x0] =	sbarrier.arrive $0xFFFF  }
0x18e: {  	p0 =	sne.s32 s1, $0x0;
	_ =	strace $0x9000004A  }
0x18f: {  	s0 =	sadd.s32 @!p0 $0x100000, s0;
	[bflag:$0x2] =	sbarrier.arrive $0xFFFF  }
0x190: {  	[sflag:s0] =	ssyncadd.tile.s32 @!p0 $0x1;
	_ =	shalt  }
.Lfunc_end2:
_tile_overlayer_lowered:
.L_overlay_start_2:
0x191: {  	(tag) =	ssettag $0x2  }
0x192: {  	s0 =	rddreg [dreg:$0x0];
	s2 =	stileid.u32  }
0x193: {  	s1 =	rddreg [dreg:$0x1];
	p0 =	sne.s32 s2, $0x0  }
0x194: {  	s3 =	rddreg [dreg:$0x2];
	[bflag:$0x3] =	sbarrier.arrive $0xFFFF;
	s2 =	simm.s32 @!p0 $0x1C03  }
0x195: {  	[timem:s3], [sflag:s2] =	dma.local @!p0 [hbm:s0], s1  }
0x196: {  	s0 =	simm.s32 @!p0 $0x3  }
0x197: {  	_ =	swait.ge @!p0 [sflag:s0], s1  }
0x198: {  	s1 =	ssub.s32 @!p0 $0x0, s1;
	[sflag:s0] =	ssyncset.done @!p0 $0x0  }
0x199: {  	[sflag:s0] =	ssyncadd.s32 @!p0 s1  }
0x19a: {  	[bflag:$0x3] =	sbarrier.arrive $0xFFFF  }
0x19b: {  	_ =	shalt  }

// kernel: kernel.14.cloned.1.call-start
scs
__scs_entry_jumppad:
0x0: {  	(pc) =	sbr.rel $0x88, $3  }
0x1: {  	(tag) =	ssettag $0x0;
	lr =	simm.s32 $0x1  }
0x2: {  	[smem:$0x3F9D] =	sst lr;
	_ =	strace $0xD0000000  }
0x3: {  	_ = 	snop  }
0x4: {  	_ = 	snop  }
0x5: {  	_ = 	snop  }
0x6: {  	_ = 	snop  }
0x7: {  	_ = 	snop  }
__scs_overlays_trampoline_lowered:
0x8: {  	[smem:$0x3FAC] =	sst s0  }
0x9: {  	[smem:$0x3FAD] =	sst s1  }
0xa: {  	[smem:$0x3FAE] =	sst s2  }
0xb: {  	[smem:$0x3FAF] =	sst s3  }
0xc: {  	[smem:$0x3FB0] =	sst s4  }
0xd: {  	[smem:$0x3FB1] =	sst s5  }
0xe: {  	[smem:$0x3FB2] =	sst s6  }
0xf: {  	[smem:$0x3FB3] =	sst s7  }
0x10: {  	[smem:$0x3FB4] =	sst s8  }
0x11: {  	[smem:$0x3FB5] =	sst s9;
	s0 =	simm.s32 @!p0 $0x0  }
0x12: {  	s1 =	sld [smem:$0x3F9B];
	s0 =	simm.s32 @p0 $0x1  }
0x13: {  	[smem:$0x3FB6] =	sst s0;
	s0 =	simm.s32 @!p1 $0x0  }
0x14: {  	s2 =	sld [smem:$0x3F9A];
	s0 =	simm.s32 @p1 $0x1  }
0x15: {  	[smem:$0x3FB7] =	sst s0;
	s0 =	simm.s32 @!p2 $0x0  }
0x16: {  	s3 =	sld [smem:$0x3FDB];
	s0 =	simm.s32 @p2 $0x1  }
0x17: {  	s4 =	simm.s32 $0x1BF5;
	[smem:$0x3FB9] =	sst s0  }
0x18: {  	s0 =	sld [smem:$0x3F9C];
	_ =	swait.ge [sflag:s4], $0x0  }
0x19: {  	s7 =	sld [smem:$0x3F9D]  }
0x1a: {  	s8 =	sadd.s32 $0xFFFFE003, lr  }
0x1b: {  	s9 =	sadd.s32 $0xFFFFFEF7, lr;
	s5 =	simm.s32 $0xFFFFFFFF;
	p2 =	slt.u32 s8, $0xFFFFF086  }
0x1c: {  	p1 =	slt.u32 s9, $0xF7A;
	s5 =	simm.s32 @!p2 $0x0  }
0x1d: {  	s5 =	simm.s32 @p1 $0x1;
	p0 =	seq.s32 s7, s2  }
0x1e: {  	s7 =	smul.u32 @!p0 $0xF7A, s2;
	p2 =	seq.s32 @!p0 s5, $0x0  }
0x1f: {  	s9 =	smul.u32 $0xF7A, s1;
	s8 =	simm.s32 @!p0 $0x1BF5;
	p2 =	por !p2, p0  }
0x20: {  	[sflag:s8] =	ssyncset.s32 @!p0 $0xFFFFF086;
	s6 =	sadd.s32 @!p0 s3, s7;
	s7 =	simm.s32 @!p0 $0x108  }
0x21: {  	s3 =	sadd.s32 s3, s9;
	s6 =	sadd.s32 @!p0 $0x88, s6;
	s7 =	simm.s32 @p2 $0x1082  }
0x22: {  	[simem:s7], [sflag:s8] =	dma.local @!p0 [hbm:s6], $0xF7A  }
0x23: {  	s9 =	sor.u32 $0xD0000000, s2;
	s6 =	simm.s32 $0x108;
	_ =	swait.ge @!p0 [sflag:s8], $0x0  }
0x24: {  	s3 =	sadd.s32 $0x88, s3;
	s6 =	simm.s32 @!p1 $0x1082;
	[sflag:s4] =	ssyncset.s32 $0xFFFFF086  }
0x25: {  	[simem:s6], [sflag:s4] =	dma.local [hbm:s3], $0xF7A  }
0x26: {  	[smem:$0x3F9D] =	sst s1;
	(tag) =	ssettag s2;
	_ =	strace s9  }
0x27: {  	s1 =	sld [smem:$0x3FAD]  }
0x28: {  	s2 =	sld [smem:$0x3FAE]  }
0x29: {  	s4 =	sld [smem:$0x3FB0]  }
0x2a: {  	p0 =	seq.s32 s5, $0x0;
	s5 =	sld [smem:$0x3FB1]  }
0x2b: {  	s6 =	sld [smem:$0x3FB2]  }
0x2c: {  	s7 =	sld [smem:$0x3FB3]  }
0x2d: {  	s3 =	simm.s32 $0x108;
	s8 =	sld [smem:$0x3FB4]  }
0x2e: {  	s3 =	simm.s32 @!p0 $0x1082;
	s9 =	sld [smem:$0x3FB5]  }
0x2f: {  	lr =	sadd.s32 s0, s3;
	s0 =	sld [smem:$0x3FAC]  }
0x30: {  	s3 =	sld [smem:$0x3FAF]  }
0x31: {  	[smem:$0x3FB8] =	sst s10  }
0x32: {  	s10 =	sld [smem:$0x3FB6];
	_ =	sdelay $0x3  }
0x33: {  	p0 =	seq.s32 s10, $0x1;
	s10 =	sld [smem:$0x3FB8];
	_ =	sdelay $0x3  }
0x34: {  	[smem:$0x3FB8] =	sst s10  }
0x35: {  	s10 =	sld [smem:$0x3FB7];
	_ =	sdelay $0x3  }
0x36: {  	p1 =	seq.s32 s10, $0x1;
	s10 =	sld [smem:$0x3FB8];
	_ =	sdelay $0x3  }
0x37: {  	[smem:$0x3FB8] =	sst s10  }
0x38: {  	s10 =	sld [smem:$0x3FB9]  }
0x39: {  	_ = 	snop;
	(pc) =	sbr.ind lr, $3  }
0x3a: {  	_ = 	snop  }
0x3b: {  	_ = 	snop  }
0x3c: {  	p2 =	seq.s32 s10, $0x1;
	s10 =	sld [smem:$0x3FB8]  }
0x3d: {  	_ =	shalt  }
0x3e: {  	_ =	shalt  }
0x3f: {  	_ =	shalt  }
0x40: {  	_ =	shalt  }
0x41: {  	_ =	shalt  }
0x42: {  	_ =	shalt  }
0x43: {  	_ =	shalt  }
0x44: {  	_ =	shalt  }
0x45: {  	_ =	shalt  }
0x46: {  	_ =	shalt  }
0x47: {  	_ =	shalt  }
0x48: {  	_ =	shalt  }
0x49: {  	_ =	shalt  }
0x4a: {  	_ =	shalt  }
0x4b: {  	_ =	shalt  }
0x4c: {  	_ =	shalt  }
0x4d: {  	_ =	shalt  }
0x4e: {  	_ =	shalt  }
0x4f: {  	_ =	shalt  }
0x50: {  	_ =	shalt  }
0x51: {  	_ =	shalt  }
0x52: {  	_ =	shalt  }
0x53: {  	_ =	shalt  }
0x54: {  	_ =	shalt  }
0x55: {  	_ =	shalt  }
0x56: {  	_ =	shalt  }
0x57: {  	_ =	shalt  }
0x58: {  	_ =	shalt  }
0x59: {  	_ =	shalt  }
0x5a: {  	_ =	shalt  }
0x5b: {  	_ =	shalt  }
0x5c: {  	_ =	shalt  }
0x5d: {  	_ =	shalt  }
0x5e: {  	_ =	shalt  }
0x5f: {  	_ =	shalt  }
0x60: {  	_ =	shalt  }
0x61: {  	_ =	shalt  }
0x62: {  	_ =	shalt  }
0x63: {  	_ =	shalt  }
0x64: {  	_ =	shalt  }
0x65: {  	_ =	shalt  }
0x66: {  	_ =	shalt  }
0x67: {  	_ =	shalt  }
0x68: {  	_ =	shalt  }
0x69: {  	_ =	shalt  }
0x6a: {  	_ =	shalt  }
0x6b: {  	_ =	shalt  }
0x6c: {  	_ =	shalt  }
0x6d: {  	_ =	shalt  }
0x6e: {  	_ =	shalt  }
0x6f: {  	_ =	shalt  }
0x70: {  	_ =	shalt  }
0x71: {  	_ =	shalt  }
0x72: {  	_ =	shalt  }
0x73: {  	_ =	shalt  }
0x74: {  	_ =	shalt  }
0x75: {  	_ =	shalt  }
0x76: {  	_ =	shalt  }
0x77: {  	_ =	shalt  }
0x78: {  	_ =	shalt  }
0x79: {  	_ =	shalt  }
0x7a: {  	_ =	shalt  }
0x7b: {  	_ =	shalt  }
0x7c: {  	_ =	shalt  }
0x7d: {  	_ =	shalt  }
0x7e: {  	_ =	shalt  }
0x7f: {  	_ =	shalt  }
0x80: {  	_ =	shalt  }
0x81: {  	_ =	shalt  }
0x82: {  	_ =	shalt  }
0x83: {  	_ =	shalt  }
0x84: {  	_ =	shalt  }
0x85: {  	_ =	shalt  }
0x86: {  	_ =	shalt  }
0x87: {  	_ =	shalt  }
.Lfunc_end0:
.L_simem_size_0:
called_computation.2_lowered:
.L_overlay_start_0:
0x88: {  	s2 =	sld [smem:$0x3FD9]  }
0x89: {  	s3 =	sld [smem:$0x3FFE];
	_ =	sdelay $0x1  }
0x8a: {  	s1 =	srdreg.scid  }
0x8b: {  	s0 =	sand.u32 $0x1, s1  }
0x8c: {  	s17 =	sshll.u32 s0, $0xA;
	s2 =	sadd.s32 s3, s2  }
0x8d: {  	s2 =	sadd.s32 s2, s17  }
0x8e: {  	[smem:$0x3FC4] =	sst s2  }
0x8f: {  	_ = 	snop  }
0x90: {  	s2 =	sld [smem:$0x3FD0];
	(tm) =	ssettm $0x1  }
0x91: {  	s18 =	sld [smem:$0x3FFB];
	_ =	sdelay $0x3  }
0x92: {  	_ =	strace s18  }
0x93: {  	s3 =	sld [smem:$0x3FFC];
	_ =	sdelay $0x3  }
0x94: {  	_ =	strace s3  }
0x95: {  	s3 =	sld [smem:$0x3FFD];
	_ =	sdelay $0x3  }
0x96: {  	_ =	strace s3  }
0x97: {  	_ =	strace $0x8FFFFFFF  }
0x98: {  	s19 =	sld [smem:$0x3FDB];
	_ =	sdelay $0x1  }
0x99: {  	s4 =	simm.s32 $_scs_section_size  }
0x9a: {  	s5 =	simm.s32 $_size__tile_overlayer_lowered;
	s6 =	simm.s32 $_tile_overlayer_lowered  }
0x9b: {  	s22 =	simm.s32 $0x1BFF;
	s21 =	sshll.u32 s6, $0x1;
	s3 =	sadd.s32 s4, s19  }
0x9c: {  	s7 =	simm.s32 $0x0;
	s20 =	sshll.u32 s5, $0x1;
	s5 =	sadd.s32 s21, s3  }
0x9d: {  	[timem:s7], [sflag:s22] =	dma.local [hbm:s5], s20  }
0x9e: {  	_ =	swait.ge [sflag:s22], s20  }
0x9f: {  	s4 =	ssub.s32 $0x0, s20;
	[sflag:s22] =	ssyncset.done $0x0  }
0xa0: {  	[sflag:s22] =	ssyncadd.s32 s4;
	_ =	sdelay $0x1  }
0xa1: {  	s23 =	simm.s32 $0x1B8B  }
0xa2: {  	_ =	swait.ge [sflag:s23], $0x1  }
0xa3: {  	[sflag:s23] =	ssyncset.done $0x0  }
0xa4: {  	s25 =	simm.s32 $0x1B8E;
	s24 =	sld [smem:$0x3FFE];
	[sflag:s23] =	ssyncadd.s32 $0xFFFFFFFF  }
0xa5: {  	s26 =	simm.s32 $execute0_lowered;
	[smem:$0x3FD2] =	sst s25  }
0xa6: {  	s5 =	sshll.u32 s26, $0x1;
	_ =	strace $0x8000004C;
	[dreg:$0x1] =	wrdreg $0xFFFFFFFF  }
0xa7: {  	s28 =	simm.s32 $_size_execute0_lowered;
	s3 =	sadd.s32 s3, s5;
	[dreg:$0x0] =	wrdreg $0x0  }
0xa8: {  	s5 =	sshll.u32 s28, $0x1;
	[dreg:$0x2] =	wrdreg s3  }
0xa9: {  	[dreg:$0x3] =	wrdreg s5  }
0xaa: {  	[dreg:$0x4] =	wrdreg $0xC0  }
0xab: {  	_ =	task [dreg:s7], $0x5FFFF  }
0xac: {  	[dreg:$0x1] =	wrdreg $0xFFFFFFFF  }
0xad: {  	[dreg:$0x0] =	wrdreg $0x60  }
0xae: {  	[dreg:$0x2] =	wrdreg s24  }
0xaf: {  	[dreg:$0x3] =	wrdreg s2  }
0xb0: {  	[dreg:$0x4] =	wrdreg $0x161000  }
0xb1: {  	[dreg:$0x5] =	wrdreg $0x9  }
0xb2: {  	_ =	task.clear_ibuf [dreg:s7], $0x6FFFF;
	_ =	strace $0x9000004C  }
0xb3: {  	s29 =	simm.s32 $0x9;
	_ =	strace $0x8000004E  }
0xb4: {  	_ =	swait.ge [sflag:s29], $0x1  }
0xb5: {  	[sflag:s29] =	ssyncadd.s32 $0xFFFFFFFF  }
0xb6: {  	_ =	strace $0x9000004E  }
0xb7: {  	_ =	sfence  }
0xb8: {  	s30 =	sld [smem:$0x0];
	_ =	sdelay $0x2  }
0xb9: {  	s31 =	sshll.u32 s1, $0xD;
	s1 =	sshrl.u32 s1, $0x2  }
0xba: {  	s3 =	sand.u32 $0x4000, s31;
	s1 =	sadd.s32 s1, s30  }
0xbb: {  	s0 =	sor.u32 s3, s0;
	s1 =	sshll.u32 s1, $0x11  }
0xbc: {  	s0 =	sor.u32 s1, s0  }
0xbd: {  	s0 =	sadd.s32 $0x8F2B, s0  }
0xbe: {  	[sflag:s0] =	ssyncadd.remote.s32 $0x1  }
0xbf: {  	_ =	sfence.sel $0xFFFF  }
0xc0: {  	[dreg:$0x0] =	wrdreg $0xFFFFFFFF;
	(pc) =	sbr.abs _section_cstart, $3  }
0xc1: {  	[dreg:$0x1] =	wrdreg $0xFFFFFFFF  }
0xc2: {  	_ =	task.clear_ibuf [dreg:s7], $0x2FFFF;
	_ =	strace $0x9FFFFFFF  }
0xc3: {  	(tm) =	ssettm $0x7FFFFFFF  }
tec
execute0_lowered:
.L_overlay_start_1:
0x0: {  	(tag) =	ssettag $0x1  }
0x1: {  	s5 =	rddreg [dreg:$0x0]  }
0x2: {  	s6 =	rddreg [dreg:$0x1]  }
0x3: {  	s2 =	rddreg [dreg:$0x2];
	s1 =	stileid.u32  }
0x4: {  	s0 =	rddreg [dreg:$0x3];
	s7 =	smul.u32 $0xA00, s1  }
0x5: {  	s3 =	simm.s32 $0x0;
	s8 =	srdreg.scid;
	s10 =	smul.u32 $0x9C00, s1  }
0x6: {  	s19 =	simm.s32 $0xA000;
	s20 =	simm.s32 $0xE000;
	s28 =	smul.u32 $0x27000, s1  }
0x7: {  	s21 =	simm.s32 $0x1;
	s22 =	simm.s32 $0x16000;
	s29 =	smul.u32 $0x28000, s1  }
0x8: {  	[smem:$0x7FF] =	sst s3;
	s13 =	sand.u32 $0x1, s8;
	s17 =	smul.u32 $0xA000, s1  }
0x9: {  	s4 =	sadd.s32 $0x10C00, s5;
	s14 =	sadd.s32 $0x38400, s5;
	s23 =	smul.u32 $0x13C0, s13  }
0xa: {  	p0 =	sgt.u32 s1, $0x7;
	_ =	strace $0x8000004D;
	s16 =	smul.u32 $0x9E000, s13  }
0xb: {  	s9 =	ssub.s32 $0x2, s13;
	s24 =	smul.u32 $0x13BF, s13;
	s25 =	sadd.s32 s7, s5  }
0xc: {  	s26 =	sshrl.u32 s9, $0x1;
	s6 =	sadd.s32 s6, s7;
	s12 =	sadd.s32 $0x2000, s10  }
0xd: {  	s8 =	sshrl.u32 s28, $0x2;
	s11 =	sshrl.u32 s29, $0x2;
	s15 =	ssub.s32 s9, s26  }
0xe: {  	s5 =	sadd.s32 $0x6C00, s25;
	s7 =	sadd.s32 s12, s2;
	s30 =	sadd.s32 s8, s2  }
0xf: {  	s10 =	sadd.s32 s11, s2;
	s18 =	sadd.s32 s16, s12;
	s16 =	sadd.s32 s17, s16  }
0x10: {  	s17 =	simm.s32 $0x5000;
	v0 =	vmov s23;
	v1 =	vmov s24;
	s23 =	simm.s32 $0x2;
	s24 =	simm.s32 $0x16080  }
0x11: {  	s25 =	simm.s32 $0x0;
	s8 =	sadd.s32 $0x6000, s30;
	s9 =	sadd.s32 $0xA000, s30  }
0x12: {  	s11 =	sadd.s32 $0x4000, s10;
	s12 =	sadd.s32 $0x8000, s10;
	s31 =	sshrl.u32 s18, $0x3  }
0x13: {  	s16 =	sshrl.u32 s16, $0x3;
	s15 =	smax.u32 s15, $0x1;
	s18 =	simm.s32 $0x80  }
0x14: {  	v2 =	vimm.f32 $0.0e+00;
	s13 =	sadd.s32 s14, s31;
	s14 =	sadd.s32 s14, s16;
	s16 =	simm.s32 $0x3  }
.LBB2_1:
0x15: {  	[tilespmem:s3], [sflag:$0x3] =	stream.linear.gather [hbm4b:s5+s3], $0x4E80, $0x38;
	[tilespmem:$0x1FF00] =	vst v63  }
0x16: {  	_ =	swait.ge [sflag:s16], $0x4E80  }
0x17: {  	[sflag:s16] =	ssyncset.done $0x0  }
0x18: {  	[sflag:s16] =	ssyncadd.s32 $0xFFFFB180  }
0x19: {  	[tilespmem:s17], [sflag:$0x3] =	stream.linear.gather [hbm4b:s6+s3], $0x4E80, $0x38;
	[tilespmem:$0x1FF00] =	vst v63  }
0x1a: {  	_ =	swait.ge [sflag:s16], $0x4E80  }
0x1b: {  	[sflag:s16] =	ssyncset.done $0x0  }
0x1c: {  	s26 =	simm.s32 $0x0;
	s28 =	simm.s32 $0x200;
	[sflag:s16] =	ssyncadd.s32 $0xFFFFB180  }
.LBB2_2:
0x1d: {  	p1 =	sne.s32 s28, $0xFE00;
	[tilespmem:s26+$0x12070] =	vst v2  }
0x1e: {  	[tilespmem:s26+$0x12000] =	vst v2  }
0x1f: {  	[tilespmem:s26+$0x12010] =	vst v2  }
.Ltmp0:
0x20: {  	[tilespmem:s26+$0x12020] =	vst v2;
	(pc) =	sbr.rel @p1 .LBB2_2-.Ltmp0, $4  }
0x21: {  	[tilespmem:s26+$0x12030] =	vst v2  }
0x22: {  	[tilespmem:s26+$0x12040] =	vst v2  }
0x23: {  	[tilespmem:s26+$0x12050] =	vst v2  }
0x24: {  	[tilespmem:s26+$0x12060] =	vst v2;
	s26 =	sshra.s32 s28, $0x2;
	s28 =	sadd.s32 $0x200, s28  }
0x25: {  	[tilespmem:s26+$0x12070] =	vst v2  }
0x26: {  	[tilespmem:s26+$0x12000] =	vst v2  }
0x27: {  	[tilespmem:s26+$0x12010] =	vst v2  }
0x28: {  	[tilespmem:s26+$0x12020] =	vst v2  }
0x29: {  	[tilespmem:s26+$0x12030] =	vst v2  }
0x2a: {  	[tilespmem:s26+$0x12040] =	vst v2  }
0x2b: {  	[tilespmem:s26+$0x12050] =	vst v2  }
0x2c: {  	[tilespmem:s26+$0x12060] =	vst v2;
	s26 =	simm.s32 @p0 $0x12000;
	s28 =	simm.s32 @p0 $0x3  }
0x2d: {  	[spmem:s7] =	stream.linear.scatter @p0 [tilespmem:s26], [sflag:$0x3], $0x4000, $0x38;
	[tilespmem:$0x1FF00] =	vst v63  }
0x2e: {  	_ =	swait.ge @p0 [sflag:s28], $0x4000  }
0x2f: {  	[sflag:s28] =	ssyncset.done @p0 $0x0  }
0x30: {  	[sflag:s28] =	ssyncadd.s32 @p0 $0xFFFFC000  }
0x31: {  	[spmem:s8] =	stream.linear.scatter @p0 [tilespmem:s26], [sflag:$0x3], $0x4000, $0x38;
	[tilespmem:$0x1FF00] =	vst v63  }
0x32: {  	_ =	swait.ge @p0 [sflag:s28], $0x4000  }
0x33: {  	[sflag:s28] =	ssyncset.done @p0 $0x0  }
0x34: {  	[sflag:s28] =	ssyncadd.s32 @p0 $0xFFFFC000  }
0x35: {  	[spmem:s9] =	stream.linear.scatter @p0 [tilespmem:s26], [sflag:$0x3], $0x1C00, $0x38;
	[tilespmem:$0x1FF00] =	vst v63  }
0x36: {  	_ =	swait.ge @p0 [sflag:s28], $0x1C00  }
0x37: {  	[sflag:s28] =	ssyncset.done @p0 $0x0  }
0x38: {  	s26 =	simm.s32 @!p0 $0x12000;
	[sflag:s28] =	ssyncadd.s32 @p0 $0xFFFFE400;
	s28 =	simm.s32 @!p0 $0x3  }
0x39: {  	[spmem:s10] =	stream.linear.scatter @!p0 [tilespmem:s26], [sflag:$0x3], $0x4000, $0x38;
	[tilespmem:$0x1FF00] =	vst v63  }
0x3a: {  	_ =	swait.ge @!p0 [sflag:s28], $0x4000  }
0x3b: {  	[sflag:s28] =	ssyncset.done @!p0 $0x0  }
0x3c: {  	[sflag:s28] =	ssyncadd.s32 @!p0 $0xFFFFC000  }
0x3d: {  	[spmem:s11] =	stream.linear.scatter @!p0 [tilespmem:s26], [sflag:$0x3], $0x4000, $0x38;
	[tilespmem:$0x1FF00] =	vst v63  }
0x3e: {  	_ =	swait.ge @!p0 [sflag:s28], $0x4000  }
0x3f: {  	[sflag:s28] =	ssyncset.done @!p0 $0x0  }
0x40: {  	[sflag:s28] =	ssyncadd.s32 @!p0 $0xFFFFC000  }
0x41: {  	[spmem:s12] =	stream.linear.scatter @!p0 [tilespmem:s26], [sflag:$0x3], $0x2000, $0x38;
	[tilespmem:$0x1FF00] =	vst v63  }
0x42: {  	_ =	swait.ge @!p0 [sflag:s28], $0x2000  }
0x43: {  	[sflag:s28] =	ssyncset.done @!p0 $0x0  }
0x44: {  	[sflag:s28] =	ssyncadd.s32 @!p0 $0xFFFFE000  }
0x45: {  	s28 =	simm.s32 $0x0;
	[bflag:$0x0] =	sbarrier.arrive $0xFFFF  }
0x46: {  	[tilespmem:s19], [sflag:$0x1] =	stream.indirect.gather [hbm4b:s4+s18], $0x80, s28, s18, $0xb8;
	[tilespmem:$0x1FF00] =	vst v63  }
0x47: {  	s29 =	simm.s32 $0x80;
	s26 =	simm.s32 $0x0  }
0x48: {  	[tilespmem:s20], [sflag:$0x2] =	stream.indirect.gather [hbm4b:s4+s18], $0x80, s29, s18, $0xb8;
	[tilespmem:$0x1FF00] =	vst v63  }
0x49: {  	v3 =	vld [tilespmem:s26+$0x5000];
	_ =	sdelay $0x4  }
0x4a: {  	v3 =	vsub.s32 v3, v0  }
0x4b: {  	vm0 =	vlt.u32 v3, $0x13C0  }
0x4c: {  	v3 =	vsel vm0, v3, v1  }
0x4d: {  	[tilespmem:$0x16000] =	vst v3  }
0x4e: {  	v3 =	vld [tilespmem:s26+$0x5010];
	_ =	sdelay $0x4  }
0x4f: {  	v3 =	vsub.s32 v3, v0  }
0x50: {  	vm13 =	vlt.u32 v3, $0x13C0  }
0x51: {  	v3 =	vsel vm13, v3, v1  }
0x52: {  	[tilespmem:$0x16010] =	vst v3  }
0x53: {  	v3 =	vld [tilespmem:s26+$0x5020];
	_ =	sdelay $0x4  }
0x54: {  	v3 =	vsub.s32 v3, v0  }
0x55: {  	vm14 =	vlt.u32 v3, $0x13C0  }
0x56: {  	v3 =	vsel vm14, v3, v1  }
0x57: {  	[tilespmem:$0x16020] =	vst v3  }
0x58: {  	v3 =	vld [tilespmem:s26+$0x5030];
	_ =	sdelay $0x4  }
0x59: {  	v3 =	vsub.s32 v3, v0  }
0x5a: {  	vm15 =	vlt.u32 v3, $0x13C0  }
0x5b: {  	v3 =	vsel vm15, v3, v1  }
0x5c: {  	[tilespmem:$0x16030] =	vst v3  }
0x5d: {  	v3 =	vld [tilespmem:s26+$0x5040];
	_ =	sdelay $0x4  }
0x5e: {  	v3 =	vsub.s32 v3, v0  }
0x5f: {  	vm4 =	vlt.u32 v3, $0x13C0  }
0x60: {  	v3 =	vsel vm4, v3, v1  }
0x61: {  	[tilespmem:$0x16040] =	vst v3  }
0x62: {  	v3 =	vld [tilespmem:s26+$0x5050];
	_ =	sdelay $0x4  }
0x63: {  	v3 =	vsub.s32 v3, v0  }
0x64: {  	vm5 =	vlt.u32 v3, $0x13C0  }
0x65: {  	v3 =	vsel vm5, v3, v1  }
0x66: {  	[tilespmem:$0x16050] =	vst v3  }
0x67: {  	v3 =	vld [tilespmem:s26+$0x5060];
	_ =	sdelay $0x4  }
0x68: {  	v3 =	vsub.s32 v3, v0  }
0x69: {  	vm6 =	vlt.u32 v3, $0x13C0  }
0x6a: {  	v3 =	vsel vm6, v3, v1  }
0x6b: {  	[tilespmem:$0x16060] =	vst v3  }
0x6c: {  	v3 =	vld [tilespmem:s26+$0x5070];
	_ =	sdelay $0x4  }
0x6d: {  	v3 =	vsub.s32 v3, v0  }
0x6e: {  	vm7 =	vlt.u32 v3, $0x13C0  }
0x6f: {  	v3 =	vsel vm7, v3, v1  }
0x70: {  	[tilespmem:$0x16070] =	vst v3  }
0x71: {  	_ =	swait.ge [sflag:s21], $0x4000  }
0x72: {  	[sflag:s21] =	ssyncset.done $0x0  }
0x73: {  	[sflag:s21] =	ssyncadd.s32 $0xFFFFC000  }
0x74: {  	[spmem:s2] =	stream.indirect.scatter.add.f32 [tilespmem:s19], [sflag:$0x3], $0x80, s22, s18, $0xb8;
	[tilespmem:$0x1FF00] =	vst v63  }
0x75: {  	_ =	swait.ge [sflag:s16], $0x4000  }
0x76: {  	[sflag:s16] =	ssyncset.done $0x0  }
0x77: {  	s31 =	simm.s32 $0x100;
	[sflag:s16] =	ssyncadd.s32 $0xFFFFC000  }
0x78: {  	[tilespmem:s19], [sflag:$0x1] =	stream.indirect.gather [hbm4b:s4+s18], $0x80, s31, s18, $0xb8;
	[tilespmem:$0x1FF00] =	vst v63  }
0x79: {  	v3 =	vld [tilespmem:s26+$0x5080];
	_ =	sdelay $0x4  }
0x7a: {  	v3 =	vsub.s32 v3, v0  }
0x7b: {  	vm8 =	vlt.u32 v3, $0x13C0  }
0x7c: {  	v3 =	vsel vm8, v3, v1  }
0x7d: {  	[tilespmem:$0x16080] =	vst v3  }
0x7e: {  	v3 =	vld [tilespmem:s26+$0x5090];
	_ =	sdelay $0x4  }
0x7f: {  	v3 =	vsub.s32 v3, v0  }
0x80: {  	vm9 =	vlt.u32 v3, $0x13C0  }
0x81: {  	v3 =	vsel vm9, v3, v1  }
0x82: {  	[tilespmem:$0x16090] =	vst v3  }
0x83: {  	v3 =	vld [tilespmem:s26+$0x50A0];
	_ =	sdelay $0x4  }
0x84: {  	v3 =	vsub.s32 v3, v0  }
0x85: {  	vm10 =	vlt.u32 v3, $0x13C0  }
0x86: {  	v3 =	vsel vm10, v3, v1  }
0x87: {  	[tilespmem:$0x160A0] =	vst v3  }
0x88: {  	v3 =	vld [tilespmem:s26+$0x50B0];
	_ =	sdelay $0x4  }
0x89: {  	v3 =	vsub.s32 v3, v0  }
0x8a: {  	vm11 =	vlt.u32 v3, $0x13C0  }
0x8b: {  	v3 =	vsel vm11, v3, v1  }
0x8c: {  	[tilespmem:$0x160B0] =	vst v3  }
0x8d: {  	v3 =	vld [tilespmem:s26+$0x50C0];
	_ =	sdelay $0x4  }
0x8e: {  	v3 =	vsub.s32 v3, v0  }
0x8f: {  	vm12 =	vlt.u32 v3, $0x13C0  }
0x90: {  	v3 =	vsel vm12, v3, v1  }
0x91: {  	[tilespmem:$0x160C0] =	vst v3  }
0x92: {  	v3 =	vld [tilespmem:s26+$0x50D0];
	_ =	sdelay $0x4  }
0x93: {  	v3 =	vsub.s32 v3, v0  }
0x94: {  	vm13 =	vlt.u32 v3, $0x13C0  }
0x95: {  	v3 =	vsel vm13, v3, v1  }
0x96: {  	[tilespmem:$0x160D0] =	vst v3  }
0x97: {  	v3 =	vld [tilespmem:s26+$0x50E0];
	_ =	sdelay $0x4  }
0x98: {  	v3 =	vsub.s32 v3, v0  }
0x99: {  	vm14 =	vlt.u32 v3, $0x13C0  }
0x9a: {  	v3 =	vsel vm14, v3, v1  }
0x9b: {  	[tilespmem:$0x160E0] =	vst v3  }
0x9c: {  	v3 =	vld [tilespmem:s26+$0x50F0];
	_ =	sdelay $0x4  }
0x9d: {  	v3 =	vsub.s32 v3, v0  }
0x9e: {  	vm15 =	vlt.u32 v3, $0x13C0  }
0x9f: {  	v3 =	vsel vm15, v3, v1  }
0xa0: {  	[tilespmem:$0x160F0] =	vst v3  }
0xa1: {  	_ =	swait.ge [sflag:s23], $0x4000  }
0xa2: {  	[sflag:s23] =	ssyncset.done $0x0  }
0xa3: {  	[sflag:s23] =	ssyncadd.s32 $0xFFFFC000  }
0xa4: {  	[spmem:s2] =	stream.indirect.scatter.add.f32 [tilespmem:s20], [sflag:$0x3], $0x80, s24, s18, $0xb8;
	[tilespmem:$0x1FF00] =	vst v63  }
0xa5: {  	_ =	swait.ge [sflag:s16], $0x4000  }
0xa6: {  	s30 =	simm.s32 $0x800;
	s26 =	simm.s32 $0x100;
	[sflag:s16] =	ssyncset.done $0x0  }
.LBB2_4:
0xa7: {  	s31 =	sadd.s32 $0x80, s26  }
0xa8: {  	[sflag:s16] =	ssyncadd.s32 $0xFFFFC000;
	s29 =	smov.u32 s30;
	s28 =	sadd.s32 $0x400, s30  }
0xa9: {  	[tilespmem:s20], [sflag:$0x2] =	stream.indirect.gather [hbm4b:s4+s18], $0x80, s31, s18, $0xb8;
	[tilespmem:$0x1FF00] =	vst v63  }
0xaa: {  	p1 =	sne.s32 s30, $0x13400;
	v3 =	vld [tilespmem:s26+$0x5000];
	_ =	sdelay $0x4  }
0xab: {  	v3 =	vsub.s32 v3, v0  }
0xac: {  	vm0 =	vlt.u32 v3, $0x13C0  }
0xad: {  	v3 =	vsel vm0, v3, v1  }
0xae: {  	[tilespmem:$0x16000] =	vst v3  }
0xaf: {  	v3 =	vld [tilespmem:s26+$0x5010];
	_ =	sdelay $0x4  }
0xb0: {  	v3 =	vsub.s32 v3, v0  }
0xb1: {  	vm0 =	vlt.u32 v3, $0x13C0  }
0xb2: {  	v3 =	vsel vm0, v3, v1  }
0xb3: {  	[tilespmem:$0x16010] =	vst v3  }
0xb4: {  	v3 =	vld [tilespmem:s26+$0x5020];
	_ =	sdelay $0x4  }
0xb5: {  	v3 =	vsub.s32 v3, v0  }
0xb6: {  	vm0 =	vlt.u32 v3, $0x13C0  }
0xb7: {  	v3 =	vsel vm0, v3, v1  }
0xb8: {  	[tilespmem:$0x16020] =	vst v3  }
0xb9: {  	v3 =	vld [tilespmem:s26+$0x5030];
	_ =	sdelay $0x4  }
0xba: {  	v3 =	vsub.s32 v3, v0  }
0xbb: {  	vm0 =	vlt.u32 v3, $0x13C0  }
0xbc: {  	v3 =	vsel vm0, v3, v1  }
0xbd: {  	[tilespmem:$0x16030] =	vst v3  }
0xbe: {  	v3 =	vld [tilespmem:s26+$0x5040];
	_ =	sdelay $0x4  }
0xbf: {  	v3 =	vsub.s32 v3, v0  }
0xc0: {  	vm0 =	vlt.u32 v3, $0x13C0  }
0xc1: {  	v3 =	vsel vm0, v3, v1  }
0xc2: {  	[tilespmem:$0x16040] =	vst v3  }
0xc3: {  	v3 =	vld [tilespmem:s26+$0x5050];
	_ =	sdelay $0x4  }
0xc4: {  	v3 =	vsub.s32 v3, v0  }
0xc5: {  	vm0 =	vlt.u32 v3, $0x13C0  }
0xc6: {  	v3 =	vsel vm0, v3, v1  }
0xc7: {  	[tilespmem:$0x16050] =	vst v3  }
0xc8: {  	v3 =	vld [tilespmem:s26+$0x5060];
	_ =	sdelay $0x4  }
0xc9: {  	v3 =	vsub.s32 v3, v0  }
0xca: {  	vm0 =	vlt.u32 v3, $0x13C0  }
0xcb: {  	v3 =	vsel vm0, v3, v1  }
0xcc: {  	[tilespmem:$0x16060] =	vst v3  }
0xcd: {  	v3 =	vld [tilespmem:s26+$0x5070];
	_ =	sdelay $0x4  }
0xce: {  	v3 =	vsub.s32 v3, v0  }
0xcf: {  	vm0 =	vlt.u32 v3, $0x13C0  }
0xd0: {  	v3 =	vsel vm0, v3, v1  }
0xd1: {  	[tilespmem:$0x16070] =	vst v3  }
0xd2: {  	_ =	swait.ge [sflag:s21], $0x4000  }
0xd3: {  	[sflag:s21] =	ssyncset.done $0x0  }
0xd4: {  	[sflag:s21] =	ssyncadd.s32 $0xFFFFC000  }
0xd5: {  	[spmem:s2] =	stream.indirect.scatter.add.f32 [tilespmem:s19], [sflag:$0x3], $0x80, s22, s18, $0xb8;
	[tilespmem:$0x1FF00] =	vst v63  }
0xd6: {  	_ =	swait.ge [sflag:s16], $0x4000  }
0xd7: {  	[sflag:s16] =	ssyncset.done $0x0  }
0xd8: {  	s30 =	sadd.s32 $0x100, s26;
	[sflag:s16] =	ssyncadd.s32 $0xFFFFC000  }
0xd9: {  	[tilespmem:s19], [sflag:$0x1] =	stream.indirect.gather [hbm4b:s4+s18], $0x80, s30, s18, $0xb8;
	[tilespmem:$0x1FF00] =	vst v63  }
0xda: {  	v3 =	vld [tilespmem:s26+$0x5080];
	_ =	sdelay $0x4  }
0xdb: {  	v3 =	vsub.s32 v3, v0  }
0xdc: {  	vm0 =	vlt.u32 v3, $0x13C0  }
0xdd: {  	v3 =	vsel vm0, v3, v1  }
0xde: {  	[tilespmem:$0x16080] =	vst v3  }
0xdf: {  	v3 =	vld [tilespmem:s26+$0x5090];
	_ =	sdelay $0x4  }
0xe0: {  	v3 =	vsub.s32 v3, v0  }
0xe1: {  	vm0 =	vlt.u32 v3, $0x13C0  }
0xe2: {  	v3 =	vsel vm0, v3, v1  }
0xe3: {  	[tilespmem:$0x16090] =	vst v3  }
0xe4: {  	v3 =	vld [tilespmem:s26+$0x50A0];
	_ =	sdelay $0x4  }
0xe5: {  	v3 =	vsub.s32 v3, v0  }
0xe6: {  	vm0 =	vlt.u32 v3, $0x13C0  }
0xe7: {  	v3 =	vsel vm0, v3, v1  }
0xe8: {  	[tilespmem:$0x160A0] =	vst v3  }
0xe9: {  	v3 =	vld [tilespmem:s26+$0x50B0];
	_ =	sdelay $0x4  }
0xea: {  	v3 =	vsub.s32 v3, v0  }
0xeb: {  	vm0 =	vlt.u32 v3, $0x13C0  }
0xec: {  	v3 =	vsel vm0, v3, v1  }
0xed: {  	[tilespmem:$0x160B0] =	vst v3  }
0xee: {  	v3 =	vld [tilespmem:s26+$0x50C0];
	_ =	sdelay $0x4  }
0xef: {  	v3 =	vsub.s32 v3, v0  }
0xf0: {  	vm0 =	vlt.u32 v3, $0x13C0  }
0xf1: {  	v3 =	vsel vm0, v3, v1  }
0xf2: {  	[tilespmem:$0x160C0] =	vst v3  }
0xf3: {  	v3 =	vld [tilespmem:s26+$0x50D0];
	_ =	sdelay $0x4  }
0xf4: {  	v3 =	vsub.s32 v3, v0  }
0xf5: {  	vm0 =	vlt.u32 v3, $0x13C0  }
0xf6: {  	v3 =	vsel vm0, v3, v1  }
0xf7: {  	[tilespmem:$0x160D0] =	vst v3  }
0xf8: {  	v3 =	vld [tilespmem:s26+$0x50E0];
	_ =	sdelay $0x4  }
0xf9: {  	v3 =	vsub.s32 v3, v0  }
0xfa: {  	vm0 =	vlt.u32 v3, $0x13C0  }
0xfb: {  	v3 =	vsel vm0, v3, v1  }
0xfc: {  	[tilespmem:$0x160E0] =	vst v3  }
0xfd: {  	v3 =	vld [tilespmem:s26+$0x50F0];
	_ =	sdelay $0x4  }
0xfe: {  	v3 =	vsub.s32 v3, v0  }
0xff: {  	vm0 =	vlt.u32 v3, $0x13C0  }
0x100: {  	v3 =	vsel vm0, v3, v1  }
0x101: {  	[tilespmem:$0x160F0] =	vst v3  }
0x102: {  	_ =	swait.ge [sflag:s23], $0x4000  }
.Ltmp1:
0x103: {  	[sflag:s23] =	ssyncset.done $0x0;
	(pc) =	sbr.rel @p1 .LBB2_4-.Ltmp1, $4  }
0x104: {  	[sflag:s23] =	ssyncadd.s32 $0xFFFFC000  }
0x105: {  	[spmem:s2] =	stream.indirect.scatter.add.f32 [tilespmem:s20], [sflag:$0x3], $0x80, s24, s18, $0xb8;
	[tilespmem:$0x1FF00] =	vst v63  }
0x106: {  	_ =	swait.ge [sflag:s16], $0x4000  }
0x107: {  	s30 =	smov.u32 s28;
	s26 =	sshra.s32 s29, $0x2;
	[sflag:s16] =	ssyncset.done $0x0  }
0x108: {  	s28 =	sadd.s32 $0x80, s26;
	[sflag:s16] =	ssyncadd.s32 $0xFFFFC000  }
0x109: {  	[tilespmem:s20], [sflag:$0x2] =	stream.indirect.gather [hbm4b:s4+s18], $0x80, s28, s18, $0xb8;
	[tilespmem:$0x1FF00] =	vst v63  }
0x10a: {  	v3 =	vld [tilespmem:s26+$0x5000];
	_ =	sdelay $0x4  }
0x10b: {  	v3 =	vsub.s32 v3, v0  }
0x10c: {  	vm0 =	vlt.u32 v3, $0x13C0  }
0x10d: {  	v3 =	vsel vm0, v3, v1  }
0x10e: {  	[tilespmem:$0x16000] =	vst v3  }
0x10f: {  	v3 =	vld [tilespmem:s26+$0x5010];
	_ =	sdelay $0x4  }
0x110: {  	v3 =	vsub.s32 v3, v0  }
0x111: {  	vm5 =	vlt.u32 v3, $0x13C0  }
0x112: {  	v3 =	vsel vm5, v3, v1  }
0x113: {  	[tilespmem:$0x16010] =	vst v3  }
0x114: {  	v3 =	vld [tilespmem:s26+$0x5020];
	_ =	sdelay $0x4  }
0x115: {  	v3 =	vsub.s32 v3, v0  }
0x116: {  	vm6 =	vlt.u32 v3, $0x13C0  }
0x117: {  	v3 =	vsel vm6, v3, v1  }
0x118: {  	[tilespmem:$0x16020] =	vst v3  }
0x119: {  	v3 =	vld [tilespmem:s26+$0x5030];
	_ =	sdelay $0x4  }
0x11a: {  	v3 =	vsub.s32 v3, v0  }
0x11b: {  	vm7 =	vlt.u32 v3, $0x13C0  }
0x11c: {  	v3 =	vsel vm7, v3, v1  }
0x11d: {  	[tilespmem:$0x16030] =	vst v3  }
0x11e: {  	v3 =	vld [tilespmem:s26+$0x5040];
	_ =	sdelay $0x4  }
0x11f: {  	v3 =	vsub.s32 v3, v0  }
0x120: {  	vm8 =	vlt.u32 v3, $0x13C0  }
0x121: {  	v3 =	vsel vm8, v3, v1  }
0x122: {  	[tilespmem:$0x16040] =	vst v3  }
0x123: {  	v3 =	vld [tilespmem:s26+$0x5050];
	_ =	sdelay $0x4  }
0x124: {  	v3 =	vsub.s32 v3, v0  }
0x125: {  	vm9 =	vlt.u32 v3, $0x13C0  }
0x126: {  	v3 =	vsel vm9, v3, v1  }
0x127: {  	[tilespmem:$0x16050] =	vst v3  }
0x128: {  	v3 =	vld [tilespmem:s26+$0x5060];
	_ =	sdelay $0x4  }
0x129: {  	v3 =	vsub.s32 v3, v0  }
0x12a: {  	vm10 =	vlt.u32 v3, $0x13C0  }
0x12b: {  	v3 =	vsel vm10, v3, v1  }
0x12c: {  	[tilespmem:$0x16060] =	vst v3  }
0x12d: {  	v3 =	vld [tilespmem:s26+$0x5070];
	_ =	sdelay $0x4  }
0x12e: {  	v3 =	vsub.s32 v3, v0  }
0x12f: {  	vm11 =	vlt.u32 v3, $0x13C0  }
0x130: {  	v3 =	vsel vm11, v3, v1  }
0x131: {  	[tilespmem:$0x16070] =	vst v3  }
0x132: {  	_ =	swait.ge [sflag:s21], $0x4000  }
0x133: {  	[sflag:s21] =	ssyncset.done $0x0  }
0x134: {  	[sflag:s21] =	ssyncadd.s32 $0xFFFFC000  }
0x135: {  	[spmem:s2] =	stream.indirect.scatter.add.f32 [tilespmem:s19], [sflag:$0x3], $0x80, s22, s18, $0xb8;
	[tilespmem:$0x1FF00] =	vst v63  }
0x136: {  	_ =	swait.ge [sflag:s16], $0x4000  }
0x137: {  	[sflag:s16] =	ssyncset.done $0x0  }
0x138: {  	s31 =	sadd.s32 $0x100, s26;
	[sflag:s16] =	ssyncadd.s32 $0xFFFFC000  }
0x139: {  	[tilespmem:s19], [sflag:$0x1] =	stream.indirect.gather [hbm4b:s4+s18], $0x80, s31, s18, $0xb8;
	[tilespmem:$0x1FF00] =	vst v63  }
0x13a: {  	v3 =	vld [tilespmem:s26+$0x5080];
	_ =	sdelay $0x4  }
0x13b: {  	v3 =	vsub.s32 v3, v0  }
0x13c: {  	vm12 =	vlt.u32 v3, $0x13C0  }
0x13d: {  	v3 =	vsel vm12, v3, v1  }
0x13e: {  	[tilespmem:$0x16080] =	vst v3  }
0x13f: {  	v3 =	vld [tilespmem:s26+$0x5090];
	_ =	sdelay $0x4  }
0x140: {  	v3 =	vsub.s32 v3, v0  }
0x141: {  	vm13 =	vlt.u32 v3, $0x13C0  }
0x142: {  	v3 =	vsel vm13, v3, v1  }
0x143: {  	[tilespmem:$0x16090] =	vst v3  }
0x144: {  	v3 =	vld [tilespmem:s26+$0x50A0];
	_ =	sdelay $0x4  }
0x145: {  	v3 =	vsub.s32 v3, v0  }
0x146: {  	vm14 =	vlt.u32 v3, $0x13C0  }
0x147: {  	v3 =	vsel vm14, v3, v1  }
0x148: {  	[tilespmem:$0x160A0] =	vst v3  }
0x149: {  	v3 =	vld [tilespmem:s26+$0x50B0];
	_ =	sdelay $0x4  }
0x14a: {  	v3 =	vsub.s32 v3, v0  }
0x14b: {  	vm15 =	vlt.u32 v3, $0x13C0  }
0x14c: {  	v3 =	vsel vm15, v3, v1  }
0x14d: {  	[tilespmem:$0x160B0] =	vst v3  }
0x14e: {  	v3 =	vld [tilespmem:s26+$0x50C0];
	_ =	sdelay $0x4  }
0x14f: {  	v3 =	vsub.s32 v3, v0  }
0x150: {  	vm4 =	vlt.u32 v3, $0x13C0  }
0x151: {  	v3 =	vsel vm4, v3, v1  }
0x152: {  	[tilespmem:$0x160C0] =	vst v3  }
0x153: {  	v3 =	vld [tilespmem:s26+$0x50D0];
	_ =	sdelay $0x4  }
0x154: {  	v3 =	vsub.s32 v3, v0  }
0x155: {  	vm5 =	vlt.u32 v3, $0x13C0  }
0x156: {  	v3 =	vsel vm5, v3, v1  }
0x157: {  	[tilespmem:$0x160D0] =	vst v3  }
0x158: {  	v3 =	vld [tilespmem:s26+$0x50E0];
	_ =	sdelay $0x4  }
0x159: {  	v3 =	vsub.s32 v3, v0  }
0x15a: {  	vm6 =	vlt.u32 v3, $0x13C0  }
0x15b: {  	v3 =	vsel vm6, v3, v1  }
0x15c: {  	[tilespmem:$0x160E0] =	vst v3  }
0x15d: {  	v3 =	vld [tilespmem:s26+$0x50F0];
	_ =	sdelay $0x4  }
0x15e: {  	v3 =	vsub.s32 v3, v0  }
0x15f: {  	vm7 =	vlt.u32 v3, $0x13C0  }
0x160: {  	v3 =	vsel vm7, v3, v1  }
0x161: {  	[tilespmem:$0x160F0] =	vst v3  }
0x162: {  	_ =	swait.ge [sflag:s23], $0x4000  }
0x163: {  	[sflag:s23] =	ssyncset.done $0x0  }
0x164: {  	[sflag:s23] =	ssyncadd.s32 $0xFFFFC000  }
0x165: {  	[spmem:s2] =	stream.indirect.scatter.add.f32 [tilespmem:s20], [sflag:$0x3], $0x80, s24, s18, $0xb8;
	[tilespmem:$0x1FF00] =	vst v63  }
0x166: {  	_ =	swait.ge [sflag:s16], $0x4000  }
0x167: {  	[sflag:s16] =	ssyncset.done $0x0  }
0x168: {  	[sflag:s16] =	ssyncadd.s32 $0xFFFFC000  }
0x169: {  	v3 =	vld [tilespmem:$0x9E00]  }
0x16a: {  	v4 =	vld [tilespmem:$0x9E10]  }
0x16b: {  	v5 =	vld [tilespmem:$0x9E20]  }
0x16c: {  	v6 =	vld [tilespmem:$0x9E30]  }
0x16d: {  	v7 =	vld [tilespmem:$0x9E40]  }
0x16e: {  	v8 =	vld [tilespmem:$0x9E50];
	v3 =	vsub.s32 v3, v0  }
0x16f: {  	v9 =	vld [tilespmem:$0x9E60];
	v4 =	vsub.s32 v4, v0;
	vm8 =	vlt.u32 v3, $0x13C0  }
0x170: {  	v10 =	vld [tilespmem:$0x9E70];
	v5 =	vsub.s32 v5, v0;
	vm9 =	vlt.u32 v4, $0x13C0;
	v3 =	vsel vm8, v3, v1  }
0x171: {  	v59 =	vsub.s32 v6, v0;
	vm10 =	vlt.u32 v5, $0x13C0;
	[tilespmem:$0x16000] =	vst v3;
	v3 =	vsel vm9, v4, v1  }
0x172: {  	v60 =	vsub.s32 v7, v0;
	vm11 =	vlt.u32 v59, $0x13C0;
	[tilespmem:$0x16010] =	vst v3;
	v3 =	vsel vm10, v5, v1  }
0x173: {  	v61 =	vsub.s32 v8, v0;
	vm12 =	vlt.u32 v60, $0x13C0;
	[tilespmem:$0x16020] =	vst v3;
	v3 =	vsel vm11, v59, v1  }
0x174: {  	v62 =	vsub.s32 v9, v0;
	vm13 =	vlt.u32 v61, $0x13C0;
	[tilespmem:$0x16030] =	vst v3;
	v3 =	vsel vm12, v60, v1  }
0x175: {  	v63 =	vsub.s32 v10, v0;
	vm14 =	vlt.u32 v62, $0x13C0;
	[tilespmem:$0x16040] =	vst v3;
	v3 =	vsel vm13, v61, v1  }
0x176: {  	vm15 =	vlt.u32 v63, $0x13C0;
	[tilespmem:$0x16050] =	vst v3;
	v3 =	vsel vm14, v62, v1  }
0x177: {  	[tilespmem:$0x16060] =	vst v3;
	v3 =	vsel vm15, v63, v1  }
0x178: {  	[tilespmem:$0x16070] =	vst v3  }
0x179: {  	_ =	swait.ge [sflag:s21], $0x4000  }
0x17a: {  	[sflag:s21] =	ssyncset.done $0x0  }
0x17b: {  	[sflag:s21] =	ssyncadd.s32 $0xFFFFC000  }
0x17c: {  	[spmem:s2] =	stream.indirect.scatter.add.f32 [tilespmem:s19], [sflag:$0x3], $0x80, s22, s18, $0xb8;
	[tilespmem:$0x1FF00] =	vst v63  }
0x17d: {  	_ =	swait.ge [sflag:s16], $0x4000  }
0x17e: {  	[sflag:s16] =	ssyncset.done $0x0  }
0x17f: {  	s26 =	sshll.u32 @p0 s1, $0x6;
	[sflag:s16] =	ssyncadd.s32 $0xFFFFC000  }
0x180: {  	s28 =	sshrl.u32 @p0 s7, $0x3;
	s26 =	sor.u32 @p0 $0x1C03, s26;
	[bflag:$0x0] =	sbarrier.arrive $0xFFFF  }
0x181: {  	[hbm:s13], [sflag:s26] =	dma.local @p0 [spmem:s28], $0x1380  }
0x182: {  	s26 =	simm.s32 @p0 $0x3  }
0x183: {  	s25 =	sadd.s32 $0x1, s25;
	_ =	swait.ge @p0 [sflag:s26], $0x1380  }
0x184: {  	p1 =	sne.s32 s25, s15;
	s28 =	sshll.u32 @!p0 s1, $0x6;
	[sflag:s26] =	ssyncset.done @p0 $0x0  }
0x185: {  	[sflag:s26] =	ssyncadd.s32 @p0 $0xFFFFEC80;
	s26 =	sor.u32 @!p0 $0x1C03, s28;
	s28 =	sshrl.u32 @!p0 s10, $0x3  }
0x186: {  	[hbm:s14], [sflag:s26] =	dma.local @!p0 [spmem:s28], $0x1400  }
.Ltmp2:
0x187: {  	_ = 	snop;
	(pc) =	sbr.rel @p1 .LBB2_1-.Ltmp2, $4  }
0x188: {  	s26 =	simm.s32 @!p0 $0x3  }
0x189: {  	_ =	swait.ge @!p0 [sflag:s26], $0x1400  }
0x18a: {  	[sflag:s26] =	ssyncset.done @!p0 $0x0  }
0x18b: {  	[sflag:s26] =	ssyncadd.s32 @!p0 $0xFFFFEC00  }
0x18c: {  	_ =	sfence.sel $0x180000  }
0x18d: {  	[bflag:$0x0] =	sbarrier.arrive $0xFFFF  }
0x18e: {  	p0 =	sne.s32 s1, $0x0;
	_ =	strace $0x9000004D  }
0x18f: {  	s0 =	sadd.s32 @!p0 $0x100000, s0;
	[bflag:$0x2] =	sbarrier.arrive $0xFFFF  }
0x190: {  	[sflag:s0] =	ssyncadd.tile.s32 @!p0 $0x1;
	_ =	shalt  }
.Lfunc_end2:
_tile_overlayer_lowered:
.L_overlay_start_2:
0x191: {  	(tag) =	ssettag $0x2  }
0x192: {  	s0 =	rddreg [dreg:$0x0];
	s2 =	stileid.u32  }
0x193: {  	s1 =	rddreg [dreg:$0x1];
	p0 =	sne.s32 s2, $0x0  }
0x194: {  	s3 =	rddreg [dreg:$0x2];
	[bflag:$0x3] =	sbarrier.arrive $0xFFFF;
	s2 =	simm.s32 @!p0 $0x1C03  }
0x195: {  	[timem:s3], [sflag:s2] =	dma.local @!p0 [hbm:s0], s1  }
0x196: {  	s0 =	simm.s32 @!p0 $0x3  }
0x197: {  	_ =	swait.ge @!p0 [sflag:s0], s1  }
0x198: {  	s1 =	ssub.s32 @!p0 $0x0, s1;
	[sflag:s0] =	ssyncset.done @!p0 $0x0  }
0x199: {  	[sflag:s0] =	ssyncadd.s32 @!p0 s1  }
0x19a: {  	[bflag:$0x3] =	sbarrier.arrive $0xFFFF  }
0x19b: {  	_ =	shalt  }

// kernel: kernel.8.cloned.1.call-start
scs
__scs_entry_jumppad:
0x0: {  	(pc) =	sbr.rel $0x88, $3  }
0x1: {  	(tag) =	ssettag $0x0;
	lr =	simm.s32 $0x1  }
0x2: {  	[smem:$0x3F9D] =	sst lr;
	_ =	strace $0xD0000000  }
0x3: {  	_ = 	snop  }
0x4: {  	_ = 	snop  }
0x5: {  	_ = 	snop  }
0x6: {  	_ = 	snop  }
0x7: {  	_ = 	snop  }
__scs_overlays_trampoline_lowered:
0x8: {  	[smem:$0x3FAC] =	sst s0  }
0x9: {  	[smem:$0x3FAD] =	sst s1  }
0xa: {  	[smem:$0x3FAE] =	sst s2  }
0xb: {  	[smem:$0x3FAF] =	sst s3  }
0xc: {  	[smem:$0x3FB0] =	sst s4  }
0xd: {  	[smem:$0x3FB1] =	sst s5  }
0xe: {  	[smem:$0x3FB2] =	sst s6  }
0xf: {  	[smem:$0x3FB3] =	sst s7  }
0x10: {  	[smem:$0x3FB4] =	sst s8  }
0x11: {  	[smem:$0x3FB5] =	sst s9;
	s0 =	simm.s32 @!p0 $0x0  }
0x12: {  	s1 =	sld [smem:$0x3F9B];
	s0 =	simm.s32 @p0 $0x1  }
0x13: {  	[smem:$0x3FB6] =	sst s0;
	s0 =	simm.s32 @!p1 $0x0  }
0x14: {  	s2 =	sld [smem:$0x3F9A];
	s0 =	simm.s32 @p1 $0x1  }
0x15: {  	[smem:$0x3FB7] =	sst s0;
	s0 =	simm.s32 @!p2 $0x0  }
0x16: {  	s3 =	sld [smem:$0x3FDB];
	s0 =	simm.s32 @p2 $0x1  }
0x17: {  	s4 =	simm.s32 $0x1BF5;
	[smem:$0x3FB9] =	sst s0  }
0x18: {  	s0 =	sld [smem:$0x3F9C];
	_ =	swait.ge [sflag:s4], $0x0  }
0x19: {  	s7 =	sld [smem:$0x3F9D]  }
0x1a: {  	s8 =	sadd.s32 $0xFFFFE003, lr  }
0x1b: {  	s9 =	sadd.s32 $0xFFFFFEF7, lr;
	s5 =	simm.s32 $0xFFFFFFFF;
	p2 =	slt.u32 s8, $0xFFFFF086  }
0x1c: {  	p1 =	slt.u32 s9, $0xF7A;
	s5 =	simm.s32 @!p2 $0x0  }
0x1d: {  	s5 =	simm.s32 @p1 $0x1;
	p0 =	seq.s32 s7, s2  }
0x1e: {  	s7 =	smul.u32 @!p0 $0xF7A, s2;
	p2 =	seq.s32 @!p0 s5, $0x0  }
0x1f: {  	s9 =	smul.u32 $0xF7A, s1;
	s8 =	simm.s32 @!p0 $0x1BF5;
	p2 =	por !p2, p0  }
0x20: {  	[sflag:s8] =	ssyncset.s32 @!p0 $0xFFFFF086;
	s6 =	sadd.s32 @!p0 s3, s7;
	s7 =	simm.s32 @!p0 $0x108  }
0x21: {  	s3 =	sadd.s32 s3, s9;
	s6 =	sadd.s32 @!p0 $0x88, s6;
	s7 =	simm.s32 @p2 $0x1082  }
0x22: {  	[simem:s7], [sflag:s8] =	dma.local @!p0 [hbm:s6], $0xF7A  }
0x23: {  	s9 =	sor.u32 $0xD0000000, s2;
	s6 =	simm.s32 $0x108;
	_ =	swait.ge @!p0 [sflag:s8], $0x0  }
0x24: {  	s3 =	sadd.s32 $0x88, s3;
	s6 =	simm.s32 @!p1 $0x1082;
	[sflag:s4] =	ssyncset.s32 $0xFFFFF086  }
0x25: {  	[simem:s6], [sflag:s4] =	dma.local [hbm:s3], $0xF7A  }
0x26: {  	[smem:$0x3F9D] =	sst s1;
	(tag) =	ssettag s2;
	_ =	strace s9  }
0x27: {  	s1 =	sld [smem:$0x3FAD]  }
0x28: {  	s2 =	sld [smem:$0x3FAE]  }
0x29: {  	s4 =	sld [smem:$0x3FB0]  }
0x2a: {  	p0 =	seq.s32 s5, $0x0;
	s5 =	sld [smem:$0x3FB1]  }
0x2b: {  	s6 =	sld [smem:$0x3FB2]  }
0x2c: {  	s7 =	sld [smem:$0x3FB3]  }
0x2d: {  	s3 =	simm.s32 $0x108;
	s8 =	sld [smem:$0x3FB4]  }
0x2e: {  	s3 =	simm.s32 @!p0 $0x1082;
	s9 =	sld [smem:$0x3FB5]  }
0x2f: {  	lr =	sadd.s32 s0, s3;
	s0 =	sld [smem:$0x3FAC]  }
0x30: {  	s3 =	sld [smem:$0x3FAF]  }
0x31: {  	[smem:$0x3FB8] =	sst s10  }
0x32: {  	s10 =	sld [smem:$0x3FB6];
	_ =	sdelay $0x3  }
0x33: {  	p0 =	seq.s32 s10, $0x1;
	s10 =	sld [smem:$0x3FB8];
	_ =	sdelay $0x3  }
0x34: {  	[smem:$0x3FB8] =	sst s10  }
0x35: {  	s10 =	sld [smem:$0x3FB7];
	_ =	sdelay $0x3  }
0x36: {  	p1 =	seq.s32 s10, $0x1;
	s10 =	sld [smem:$0x3FB8];
	_ =	sdelay $0x3  }
0x37: {  	[smem:$0x3FB8] =	sst s10  }
0x38: {  	s10 =	sld [smem:$0x3FB9]  }
0x39: {  	_ = 	snop;
	(pc) =	sbr.ind lr, $3  }
0x3a: {  	_ = 	snop  }
0x3b: {  	_ = 	snop  }
0x3c: {  	p2 =	seq.s32 s10, $0x1;
	s10 =	sld [smem:$0x3FB8]  }
0x3d: {  	_ =	shalt  }
0x3e: {  	_ =	shalt  }
0x3f: {  	_ =	shalt  }
0x40: {  	_ =	shalt  }
0x41: {  	_ =	shalt  }
0x42: {  	_ =	shalt  }
0x43: {  	_ =	shalt  }
0x44: {  	_ =	shalt  }
0x45: {  	_ =	shalt  }
0x46: {  	_ =	shalt  }
0x47: {  	_ =	shalt  }
0x48: {  	_ =	shalt  }
0x49: {  	_ =	shalt  }
0x4a: {  	_ =	shalt  }
0x4b: {  	_ =	shalt  }
0x4c: {  	_ =	shalt  }
0x4d: {  	_ =	shalt  }
0x4e: {  	_ =	shalt  }
0x4f: {  	_ =	shalt  }
0x50: {  	_ =	shalt  }
0x51: {  	_ =	shalt  }
0x52: {  	_ =	shalt  }
0x53: {  	_ =	shalt  }
0x54: {  	_ =	shalt  }
0x55: {  	_ =	shalt  }
0x56: {  	_ =	shalt  }
0x57: {  	_ =	shalt  }
0x58: {  	_ =	shalt  }
0x59: {  	_ =	shalt  }
0x5a: {  	_ =	shalt  }
0x5b: {  	_ =	shalt  }
0x5c: {  	_ =	shalt  }
0x5d: {  	_ =	shalt  }
0x5e: {  	_ =	shalt  }
0x5f: {  	_ =	shalt  }
0x60: {  	_ =	shalt  }
0x61: {  	_ =	shalt  }
0x62: {  	_ =	shalt  }
0x63: {  	_ =	shalt  }
0x64: {  	_ =	shalt  }
0x65: {  	_ =	shalt  }
0x66: {  	_ =	shalt  }
0x67: {  	_ =	shalt  }
0x68: {  	_ =	shalt  }
0x69: {  	_ =	shalt  }
0x6a: {  	_ =	shalt  }
0x6b: {  	_ =	shalt  }
0x6c: {  	_ =	shalt  }
0x6d: {  	_ =	shalt  }
0x6e: {  	_ =	shalt  }
0x6f: {  	_ =	shalt  }
0x70: {  	_ =	shalt  }
0x71: {  	_ =	shalt  }
0x72: {  	_ =	shalt  }
0x73: {  	_ =	shalt  }
0x74: {  	_ =	shalt  }
0x75: {  	_ =	shalt  }
0x76: {  	_ =	shalt  }
0x77: {  	_ =	shalt  }
0x78: {  	_ =	shalt  }
0x79: {  	_ =	shalt  }
0x7a: {  	_ =	shalt  }
0x7b: {  	_ =	shalt  }
0x7c: {  	_ =	shalt  }
0x7d: {  	_ =	shalt  }
0x7e: {  	_ =	shalt  }
0x7f: {  	_ =	shalt  }
0x80: {  	_ =	shalt  }
0x81: {  	_ =	shalt  }
0x82: {  	_ =	shalt  }
0x83: {  	_ =	shalt  }
0x84: {  	_ =	shalt  }
0x85: {  	_ =	shalt  }
0x86: {  	_ =	shalt  }
0x87: {  	_ =	shalt  }
.Lfunc_end0:
.L_simem_size_0:
called_computation_lowered:
.L_overlay_start_0:
0x88: {  	s2 =	sld [smem:$0x3FD9]  }
0x89: {  	s3 =	sld [smem:$0x3FFE];
	_ =	sdelay $0x1  }
0x8a: {  	s1 =	srdreg.scid  }
0x8b: {  	s0 =	sand.u32 $0x1, s1  }
0x8c: {  	s17 =	sshll.u32 s0, $0xA;
	s2 =	sadd.s32 s3, s2  }
0x8d: {  	s2 =	sadd.s32 s2, s17  }
0x8e: {  	[smem:$0x3FC4] =	sst s2  }
0x8f: {  	_ = 	snop  }
0x90: {  	s2 =	sld [smem:$0x3FD0];
	(tm) =	ssettm $0x1  }
0x91: {  	s18 =	sld [smem:$0x3FFB];
	_ =	sdelay $0x3  }
0x92: {  	_ =	strace s18  }
0x93: {  	s3 =	sld [smem:$0x3FFC];
	_ =	sdelay $0x3  }
0x94: {  	_ =	strace s3  }
0x95: {  	s3 =	sld [smem:$0x3FFD];
	_ =	sdelay $0x3  }
0x96: {  	_ =	strace s3  }
0x97: {  	_ =	strace $0x8FFFFFFF  }
0x98: {  	s19 =	sld [smem:$0x3FDB];
	_ =	sdelay $0x1  }
0x99: {  	s4 =	simm.s32 $_scs_section_size  }
0x9a: {  	s5 =	simm.s32 $_size__tile_overlayer_lowered;
	s6 =	simm.s32 $_tile_overlayer_lowered  }
0x9b: {  	s22 =	simm.s32 $0x1BFF;
	s21 =	sshll.u32 s6, $0x1;
	s3 =	sadd.s32 s4, s19  }
0x9c: {  	s7 =	simm.s32 $0x0;
	s20 =	sshll.u32 s5, $0x1;
	s5 =	sadd.s32 s21, s3  }
0x9d: {  	[timem:s7], [sflag:s22] =	dma.local [hbm:s5], s20  }
0x9e: {  	_ =	swait.ge [sflag:s22], s20  }
0x9f: {  	s4 =	ssub.s32 $0x0, s20;
	[sflag:s22] =	ssyncset.done $0x0  }
0xa0: {  	[sflag:s22] =	ssyncadd.s32 s4;
	_ =	sdelay $0x1  }
0xa1: {  	s23 =	simm.s32 $0x1B8B  }
0xa2: {  	_ =	swait.ge [sflag:s23], $0x1  }
0xa3: {  	[sflag:s23] =	ssyncset.done $0x0  }
0xa4: {  	s25 =	simm.s32 $0x1B8E;
	s24 =	sld [smem:$0x3FFE];
	[sflag:s23] =	ssyncadd.s32 $0xFFFFFFFF  }
0xa5: {  	s26 =	simm.s32 $execute0_lowered;
	[smem:$0x3FD2] =	sst s25  }
0xa6: {  	s5 =	sshll.u32 s26, $0x1;
	_ =	strace $0x80000046;
	[dreg:$0x1] =	wrdreg $0xFFFFFFFF  }
0xa7: {  	s28 =	simm.s32 $_size_execute0_lowered;
	s3 =	sadd.s32 s3, s5;
	[dreg:$0x0] =	wrdreg $0x0  }
0xa8: {  	s5 =	sshll.u32 s28, $0x1;
	[dreg:$0x2] =	wrdreg s3  }
0xa9: {  	[dreg:$0x3] =	wrdreg s5  }
0xaa: {  	[dreg:$0x4] =	wrdreg $0xC0  }
0xab: {  	_ =	task [dreg:s7], $0x5FFFF  }
0xac: {  	[dreg:$0x1] =	wrdreg $0xFFFFFFFF  }
0xad: {  	[dreg:$0x0] =	wrdreg $0x60  }
0xae: {  	[dreg:$0x2] =	wrdreg s2  }
0xaf: {  	[dreg:$0x3] =	wrdreg s24  }
0xb0: {  	[dreg:$0x4] =	wrdreg $0x9  }
0xb1: {  	_ =	task.clear_ibuf [dreg:s7], $0x5FFFF;
	_ =	strace $0x90000046  }
0xb2: {  	s29 =	simm.s32 $0x9;
	_ =	strace $0x80000048  }
0xb3: {  	_ =	swait.ge [sflag:s29], $0x1  }
0xb4: {  	[sflag:s29] =	ssyncadd.s32 $0xFFFFFFFF  }
0xb5: {  	_ =	strace $0x90000048  }
0xb6: {  	_ =	sfence  }
0xb7: {  	s30 =	sld [smem:$0x0];
	_ =	sdelay $0x2  }
0xb8: {  	s31 =	sshll.u32 s1, $0xD;
	s1 =	sshrl.u32 s1, $0x2  }
0xb9: {  	s3 =	sand.u32 $0x4000, s31;
	s1 =	sadd.s32 s1, s30  }
0xba: {  	s0 =	sor.u32 s3, s0;
	s1 =	sshll.u32 s1, $0x11  }
0xbb: {  	s0 =	sor.u32 s1, s0  }
0xbc: {  	s0 =	sadd.s32 $0x8F2B, s0  }
0xbd: {  	[sflag:s0] =	ssyncadd.remote.s32 $0x1  }
0xbe: {  	_ =	sfence.sel $0xFFFF  }
0xbf: {  	[dreg:$0x0] =	wrdreg $0xFFFFFFFF;
	(pc) =	sbr.abs _section_cstart, $3  }
0xc0: {  	[dreg:$0x1] =	wrdreg $0xFFFFFFFF  }
0xc1: {  	_ =	task.clear_ibuf [dreg:s7], $0x2FFFF;
	_ =	strace $0x9FFFFFFF  }
0xc2: {  	(tm) =	ssettm $0x7FFFFFFF  }
0xc3: {  	_ =	shalt  }
tec
execute0_lowered:
.L_overlay_start_1:
0x0: {  	(tag) =	ssettag $0x1  }
0x1: {  	s1 =	srdreg.scid  }
0x2: {  	s3 =	rddreg [dreg:$0x0];
	s0 =	stileid.u32  }
0x3: {  	s5 =	rddreg [dreg:$0x1];
	s2 =	simm.s32 $0x0;
	s11 =	simm.s32 $0x0  }
0x4: {  	s4 =	sand.u32 $0x1, s1;
	s1 =	rddreg [dreg:$0x2];
	s10 =	smul.u32 $0xA00, s0  }
0x5: {  	s7 =	sshrl.u32 s0, $0x3;
	[smem:$0x7FF] =	sst s2;
	s6 =	smul.u32 $0x14000, s4  }
0x6: {  	s8 =	sshll.u32 s0, $0x7;
	s7 =	smul.u32 $0xA000, s7;
	_ =	strace $0x80000047  }
0x7: {  	s26 =	sand.u32 $0x380, s8;
	s28 =	ssub.s32 $0x2, s4;
	s29 =	smul.u32 $0x13C0, s4  }
0x8: {  	s31 =	smul.u32 $0x13BF, s4;
	s8 =	simm.s32 $0x80;
	s6 =	sadd.s32 s6, s7  }
0x9: {  	s9 =	sshrl.u32 s28, $0x1;
	s3 =	sadd.s32 s3, s10;
	s6 =	sor.u32 s26, s6  }
0xa: {  	s10 =	simm.s32 $0x18C00;
	s30 =	ssub.s32 s28, s9;
	s6 =	sshrl.u32 s6, $0x3  }
0xb: {  	v2 =	vlaneseq.u32;
	v3 =	vimm.f32 $0.0e+00;
	v4 =	vimm.f32 $1.000000000e+00;
	s7 =	simm.s32 $0x5000;
	s9 =	simm.s32 $0x400;
	s5 =	sadd.s32 s6, s5  }
0xc: {  	v5 =	vmul.u32 $0x10, v2;
	v0 =	vmov s29;
	v1 =	vmov s31;
	s6 =	simm.s32 $0x1;
	s4 =	sadd.s32 $0x1C00, s5;
	s5 =	smax.u32 s30, $0x1  }
.LBB2_1:
0xd: {  	[tilespmem:s2], [sflag:$0x1] =	stream.linear.gather [hbm4b:s3+s2], $0x4E80, $0x38;
	[tilespmem:$0x1A000] =	vst v63  }
0xe: {  	_ =	swait.ge [sflag:s6], $0x4E80  }
0xf: {  	[sflag:s6] =	ssyncset.done $0x0  }
0x10: {  	s12 =	simm.s32 $0x40;
	s13 =	simm.s32 $0x0;
	[sflag:s6] =	ssyncadd.s32 $0xFFFFB180  }
.LBB2_2:
0x11: {  	p0 =	sne.s32 s12, $0x4EFC0;
	[tilespmem:s13+$0x5000] =	vst v3;
	s13 =	smov.u32 s12;
	s12 =	sadd.s32 $0x40, s12  }
.Ltmp0:
0x12: {  	(pc) =	sbr.rel @p0 .LBB2_2-.Ltmp0, $2  }
0x13: {  	_ =	sdelay $0x2  }
0x14: {  	s13 =	sshra.s32 s13, $0x2  }
0x15: {  	[tilespmem:s13+$0x5000] =	vst v3;
	s12 =	simm.s32 $0x0;
	s13 =	simm.s32 $0x0  }
.LBB2_4:
0x16: {  	s14 =	sshra.s32 s13, $0x2  }
0x17: {  	v6 =	vld [tilespmem:s14+$0x0];
	_ =	sdelay $0x4  }
0x18: {  	v6 =	vsub.s32 v6, v0  }
0x19: {  	vm0 =	vlt.u32 v6, $0x13C0  }
0x1a: {  	v6 =	vsel vm0, v6, v1  }
0x1b: {  	v6 =	vshll.u32 v6, $0x4  }
0x1c: {  	v6 =	vor.u32 v2, v6;
	_ =	sdelay $0x4  }
0x1d: {  	[tilespmem:v6+s7+$0x0] =	vst.idx.add.f32.msk $0xffff, v4  }
0x1e: {  	v6 =	vld [tilespmem:s14+$0x10];
	_ =	sdelay $0x4  }
0x1f: {  	v6 =	vsub.s32 v6, v0  }
0x20: {  	vm9 =	vlt.u32 v6, $0x13C0  }
0x21: {  	v6 =	vsel vm9, v6, v1  }
0x22: {  	v6 =	vshll.u32 v6, $0x4  }
0x23: {  	v6 =	vor.u32 v2, v6;
	_ =	sdelay $0x4  }
0x24: {  	[tilespmem:v6+s7+$0x0] =	vst.idx.add.f32.msk $0xffff, v4  }
0x25: {  	v6 =	vld [tilespmem:s14+$0x20];
	_ =	sdelay $0x4  }
0x26: {  	v6 =	vsub.s32 v6, v0  }
0x27: {  	vm10 =	vlt.u32 v6, $0x13C0  }
0x28: {  	v6 =	vsel vm10, v6, v1  }
0x29: {  	v6 =	vshll.u32 v6, $0x4  }
0x2a: {  	v6 =	vor.u32 v2, v6;
	_ =	sdelay $0x4  }
0x2b: {  	[tilespmem:v6+s7+$0x0] =	vst.idx.add.f32.msk $0xffff, v4  }
0x2c: {  	v6 =	vld [tilespmem:s14+$0x30];
	_ =	sdelay $0x4  }
0x2d: {  	v6 =	vsub.s32 v6, v0  }
0x2e: {  	vm11 =	vlt.u32 v6, $0x13C0  }
0x2f: {  	v6 =	vsel vm11, v6, v1  }
0x30: {  	v6 =	vshll.u32 v6, $0x4  }
0x31: {  	v6 =	vor.u32 v2, v6;
	_ =	sdelay $0x4  }
0x32: {  	[tilespmem:v6+s7+$0x0] =	vst.idx.add.f32.msk $0xffff, v4  }
0x33: {  	v6 =	vld [tilespmem:s14+$0x40];
	_ =	sdelay $0x4  }
0x34: {  	v6 =	vsub.s32 v6, v0  }
0x35: {  	vm12 =	vlt.u32 v6, $0x13C0  }
0x36: {  	v6 =	vsel vm12, v6, v1  }
0x37: {  	v6 =	vshll.u32 v6, $0x4  }
0x38: {  	v6 =	vor.u32 v2, v6;
	_ =	sdelay $0x4  }
0x39: {  	[tilespmem:v6+s7+$0x0] =	vst.idx.add.f32.msk $0xffff, v4  }
0x3a: {  	v6 =	vld [tilespmem:s14+$0x50];
	_ =	sdelay $0x4  }
0x3b: {  	v6 =	vsub.s32 v6, v0  }
0x3c: {  	vm13 =	vlt.u32 v6, $0x13C0  }
0x3d: {  	v6 =	vsel vm13, v6, v1  }
0x3e: {  	v6 =	vshll.u32 v6, $0x4  }
0x3f: {  	v6 =	vor.u32 v2, v6;
	_ =	sdelay $0x4  }
0x40: {  	[tilespmem:v6+s7+$0x0] =	vst.idx.add.f32.msk $0xffff, v4  }
0x41: {  	v6 =	vld [tilespmem:s14+$0x60];
	_ =	sdelay $0x4  }
0x42: {  	v6 =	vsub.s32 v6, v0  }
0x43: {  	vm14 =	vlt.u32 v6, $0x13C0  }
0x44: {  	v6 =	vsel vm14, v6, v1  }
0x45: {  	v6 =	vshll.u32 v6, $0x4  }
0x46: {  	v6 =	vor.u32 v2, v6;
	_ =	sdelay $0x4  }
0x47: {  	[tilespmem:v6+s7+$0x0] =	vst.idx.add.f32.msk $0xffff, v4  }
0x48: {  	v6 =	vld [tilespmem:s14+$0x70];
	_ =	sdelay $0x4  }
0x49: {  	v6 =	vsub.s32 v6, v0  }
0x4a: {  	vm15 =	vlt.u32 v6, $0x13C0  }
0x4b: {  	v6 =	vsel vm15, v6, v1  }
0x4c: {  	v6 =	vshll.u32 v6, $0x4  }
0x4d: {  	p0 =	sne.s32 s13, $0x13800;
	v6 =	vor.u32 v2, v6  }
.Ltmp1:
0x4e: {  	_ = 	snop;
	(pc) =	sbr.rel @p0 .LBB2_4-.Ltmp1, $2  }
0x4f: {  	_ =	sdelay $0x2  }
0x50: {  	s13 =	sadd.s32 $0x200, s13;
	[tilespmem:v6+s7+$0x0] =	vst.idx.add.f32.msk $0xffff, v4  }
0x51: {  	v6 =	vmov s12  }
0x52: {  	v6 =	vshll.u32 v6, $0x4  }
0x53: {  	v6 =	vor.u32 v5, v6;
	_ =	sdelay $0x1  }
0x54: {  	v7 =	vor.u32 $0x1, v6;
	_ =	sdelay $0x1  }
0x55: {  	v8 =	vor.u32 $0x2, v6  }
0x56: {  	v9 =	vld.idx.msk [tilespmem:v6+s7+$0x0], $0xffff  }
0x57: {  	v10 =	vor.u32 $0x3, v6  }
0x58: {  	v7 =	vld.idx.msk [tilespmem:v7+s7+$0x0], $0xffff  }
0x59: {  	v11 =	vor.u32 $0x4, v6  }
0x5a: {  	v8 =	vld.idx.msk [tilespmem:v8+s7+$0x0], $0xffff  }
0x5b: {  	v12 =	vor.u32 $0x5, v6;
	v9 =	vadd.f32 $0.0e+00, v9  }
0x5c: {  	v10 =	vld.idx.msk [tilespmem:v10+s7+$0x0], $0xffff  }
0x5d: {  	v13 =	vor.u32 $0x6, v6;
	v7 =	vadd.f32 v7, v9  }
0x5e: {  	v9 =	vld.idx.msk [tilespmem:v11+s7+$0x0], $0xffff  }
0x5f: {  	v11 =	vor.u32 $0x7, v6;
	v7 =	vadd.f32 v8, v7  }
0x60: {  	v8 =	vld.idx.msk [tilespmem:v12+s7+$0x0], $0xffff  }
0x61: {  	v52 =	vor.u32 $0x8, v6;
	v7 =	vadd.f32 v10, v7  }
0x62: {  	v10 =	vld.idx.msk [tilespmem:v13+s7+$0x0], $0xffff  }
0x63: {  	v53 =	vor.u32 $0x9, v6;
	v7 =	vadd.f32 v9, v7  }
0x64: {  	v9 =	vld.idx.msk [tilespmem:v11+s7+$0x0], $0xffff  }
0x65: {  	v11 =	vor.u32 $0xA, v6;
	v7 =	vadd.f32 v8, v7  }
0x66: {  	v8 =	vld.idx.msk [tilespmem:v52+s7+$0x0], $0xffff  }
0x67: {  	v54 =	vor.u32 $0xB, v6;
	v7 =	vadd.f32 v10, v7  }
0x68: {  	v10 =	vld.idx.msk [tilespmem:v53+s7+$0x0], $0xffff  }
0x69: {  	v55 =	vor.u32 $0xC, v6;
	v7 =	vadd.f32 v9, v7  }
0x6a: {  	v9 =	vld.idx.msk [tilespmem:v11+s7+$0x0], $0xffff  }
0x6b: {  	v11 =	vor.u32 $0xD, v6;
	v7 =	vadd.f32 v8, v7  }
0x6c: {  	v8 =	vld.idx.msk [tilespmem:v54+s7+$0x0], $0xffff  }
0x6d: {  	v56 =	vor.u32 $0xE, v6;
	v7 =	vadd.f32 v10, v7  }
0x6e: {  	v10 =	vld.idx.msk [tilespmem:v55+s7+$0x0], $0xffff  }
0x6f: {  	v6 =	vor.u32 $0xF, v6;
	v7 =	vadd.f32 v9, v7  }
0x70: {  	v9 =	vld.idx.msk [tilespmem:v11+s7+$0x0], $0xffff  }
0x71: {  	v7 =	vadd.f32 v8, v7  }
0x72: {  	v8 =	vld.idx.msk [tilespmem:v56+s7+$0x0], $0xffff  }
0x73: {  	v7 =	vadd.f32 v10, v7  }
0x74: {  	s31 =	simm.s32 $0x10;
	v6 =	vld.idx.msk [tilespmem:v6+s7+$0x0], $0xffff  }
0x75: {  	v10 =	vmov s31;
	v7 =	vadd.f32 v9, v7  }
0x76: {  	v9 =	vshll.u32 v10, $0x4  }
0x77: {  	v9 =	vor.u32 v5, v9;
	v7 =	vadd.f32 v8, v7;
	_ =	sdelay $0x1  }
0x78: {  	v8 =	vor.u32 $0x1, v9;
	v6 =	vadd.f32 v6, v7  }
0x79: {  	s12 =	simm.s32 $0x18C00  }
0x7a: {  	v7 =	vor.u32 $0x2, v9;
	[tilespmem:s12+$0x0] =	vst v6  }
0x7b: {  	v6 =	vld.idx.msk [tilespmem:v9+s7+$0x0], $0xffff  }
0x7c: {  	v10 =	vor.u32 $0x3, v9  }
0x7d: {  	v8 =	vld.idx.msk [tilespmem:v8+s7+$0x0], $0xffff  }
0x7e: {  	v11 =	vor.u32 $0x4, v9  }
0x7f: {  	v7 =	vld.idx.msk [tilespmem:v7+s7+$0x0], $0xffff  }
0x80: {  	v57 =	vor.u32 $0x5, v9;
	v6 =	vadd.f32 $0.0e+00, v6  }
0x81: {  	v10 =	vld.idx.msk [tilespmem:v10+s7+$0x0], $0xffff  }
0x82: {  	v58 =	vor.u32 $0x6, v9;
	v6 =	vadd.f32 v8, v6  }
0x83: {  	v8 =	vld.idx.msk [tilespmem:v11+s7+$0x0], $0xffff  }
0x84: {  	v11 =	vor.u32 $0x7, v9;
	v6 =	vadd.f32 v7, v6  }
0x85: {  	v7 =	vld.idx.msk [tilespmem:v57+s7+$0x0], $0xffff  }
0x86: {  	v59 =	vor.u32 $0x8, v9;
	v6 =	vadd.f32 v10, v6  }
0x87: {  	v10 =	vld.idx.msk [tilespmem:v58+s7+$0x0], $0xffff  }
0x88: {  	v60 =	vor.u32 $0x9, v9;
	v6 =	vadd.f32 v8, v6  }
0x89: {  	v8 =	vld.idx.msk [tilespmem:v11+s7+$0x0], $0xffff  }
0x8a: {  	v11 =	vor.u32 $0xA, v9;
	v6 =	vadd.f32 v7, v6  }
0x8b: {  	v7 =	vld.idx.msk [tilespmem:v59+s7+$0x0], $0xffff  }
0x8c: {  	v61 =	vor.u32 $0xB, v9;
	v6 =	vadd.f32 v10, v6  }
0x8d: {  	v10 =	vld.idx.msk [tilespmem:v60+s7+$0x0], $0xffff  }
0x8e: {  	v62 =	vor.u32 $0xC, v9;
	v6 =	vadd.f32 v8, v6  }
0x8f: {  	v8 =	vld.idx.msk [tilespmem:v11+s7+$0x0], $0xffff  }
0x90: {  	v11 =	vor.u32 $0xD, v9;
	v6 =	vadd.f32 v7, v6  }
0x91: {  	v7 =	vld.idx.msk [tilespmem:v61+s7+$0x0], $0xffff  }
0x92: {  	v63 =	vor.u32 $0xE, v9;
	v6 =	vadd.f32 v10, v6  }
0x93: {  	v10 =	vld.idx.msk [tilespmem:v62+s7+$0x0], $0xffff  }
0x94: {  	v6 =	vadd.f32 v8, v6;
	v8 =	vor.u32 $0xF, v9  }
0x95: {  	v11 =	vld.idx.msk [tilespmem:v11+s7+$0x0], $0xffff  }
0x96: {  	v6 =	vadd.f32 v7, v6  }
0x97: {  	v7 =	vld.idx.msk [tilespmem:v63+s7+$0x0], $0xffff  }
0x98: {  	v10 =	vadd.f32 v10, v6  }
0x99: {  	s13 =	simm.s32 $0x20;
	v6 =	vld.idx.msk [tilespmem:v8+s7+$0x0], $0xffff  }
0x9a: {  	v9 =	vmov s13;
	s13 =	simm.s32 $0x30;
	v8 =	vadd.f32 v11, v10  }
.LBB2_6:
0x9b: {  	p0 =	sne.s32 s13, $0x13B0;
	v9 =	vshll.u32 v9, $0x4  }
0x9c: {  	v9 =	vor.u32 v5, v9;
	v7 =	vadd.f32 v7, v8;
	_ =	sdelay $0x1  }
0x9d: {  	v8 =	vor.u32 $0x1, v9;
	v6 =	vadd.f32 v6, v7  }
0x9e: {  	s12 =	sadd.s32 $0x10, s12  }
0x9f: {  	v7 =	vor.u32 $0x2, v9;
	[tilespmem:s12+$0x0] =	vst v6  }
0xa0: {  	v6 =	vld.idx.msk [tilespmem:v9+s7+$0x0], $0xffff  }
0xa1: {  	v10 =	vor.u32 $0x3, v9  }
0xa2: {  	v8 =	vld.idx.msk [tilespmem:v8+s7+$0x0], $0xffff  }
0xa3: {  	v11 =	vor.u32 $0x4, v9  }
0xa4: {  	v7 =	vld.idx.msk [tilespmem:v7+s7+$0x0], $0xffff  }
0xa5: {  	v12 =	vor.u32 $0x5, v9  }
0xa6: {  	v6 =	vadd.f32 $0.0e+00, v6;
	v10 =	vld.idx.msk [tilespmem:v10+s7+$0x0], $0xffff  }
0xa7: {  	v13 =	vor.u32 $0x6, v9  }
0xa8: {  	v6 =	vadd.f32 v8, v6;
	v8 =	vld.idx.msk [tilespmem:v11+s7+$0x0], $0xffff  }
0xa9: {  	v11 =	vor.u32 $0x7, v9  }
0xaa: {  	v6 =	vadd.f32 v7, v6;
	v7 =	vld.idx.msk [tilespmem:v12+s7+$0x0], $0xffff  }
0xab: {  	v12 =	vor.u32 $0x8, v9  }
0xac: {  	v6 =	vadd.f32 v10, v6;
	v10 =	vld.idx.msk [tilespmem:v13+s7+$0x0], $0xffff  }
0xad: {  	v13 =	vor.u32 $0x9, v9  }
0xae: {  	v6 =	vadd.f32 v8, v6;
	v8 =	vld.idx.msk [tilespmem:v11+s7+$0x0], $0xffff  }
0xaf: {  	v11 =	vor.u32 $0xA, v9  }
0xb0: {  	v6 =	vadd.f32 v7, v6;
	v7 =	vld.idx.msk [tilespmem:v12+s7+$0x0], $0xffff  }
0xb1: {  	v12 =	vor.u32 $0xB, v9  }
0xb2: {  	v6 =	vadd.f32 v10, v6;
	v10 =	vld.idx.msk [tilespmem:v13+s7+$0x0], $0xffff  }
0xb3: {  	v13 =	vor.u32 $0xC, v9  }
0xb4: {  	v6 =	vadd.f32 v8, v6;
	v8 =	vld.idx.msk [tilespmem:v11+s7+$0x0], $0xffff  }
0xb5: {  	v11 =	vor.u32 $0xD, v9  }
0xb6: {  	v6 =	vadd.f32 v7, v6;
	v7 =	vld.idx.msk [tilespmem:v12+s7+$0x0], $0xffff  }
0xb7: {  	v12 =	vor.u32 $0xE, v9  }
0xb8: {  	v6 =	vadd.f32 v10, v6;
	v10 =	vld.idx.msk [tilespmem:v13+s7+$0x0], $0xffff  }
0xb9: {  	v9 =	vor.u32 $0xF, v9  }
0xba: {  	v6 =	vadd.f32 v8, v6;
	v8 =	vld.idx.msk [tilespmem:v11+s7+$0x0], $0xffff;
	_ =	sdelay $0x1  }
.Ltmp2:
0xbb: {  	v6 =	vadd.f32 v7, v6;
	v7 =	vld.idx.msk [tilespmem:v12+s7+$0x0], $0xffff;
	(pc) =	sbr.rel @p0 .LBB2_6-.Ltmp2, $3  }
0xbc: {  	_ = 	snop  }
0xbd: {  	v10 =	vadd.f32 v10, v6;
	v6 =	vld.idx.msk [tilespmem:v9+s7+$0x0], $0xffff;
	_ =	sdelay $0x1  }
0xbe: {  	v9 =	vmov s13;
	s13 =	sadd.s32 $0x10, s13;
	v8 =	vadd.f32 v8, v10  }
0xbf: {  	v9 =	vshll.u32 v9, $0x4  }
0xc0: {  	v9 =	vor.u32 v5, v9;
	v7 =	vadd.f32 v7, v8;
	_ =	sdelay $0x1  }
0xc1: {  	v48 =	vor.u32 $0x1, v9;
	v6 =	vadd.f32 v6, v7  }
0xc2: {  	s12 =	sadd.s32 $0x10, s12  }
0xc3: {  	v7 =	vor.u32 $0x2, v9;
	[tilespmem:s12+$0x0] =	vst v6  }
0xc4: {  	v6 =	vld.idx.msk [tilespmem:v9+s7+$0x0], $0xffff  }
0xc5: {  	v10 =	vor.u32 $0x3, v9  }
0xc6: {  	v8 =	vld.idx.msk [tilespmem:v48+s7+$0x0], $0xffff  }
0xc7: {  	v11 =	vor.u32 $0x4, v9  }
0xc8: {  	v7 =	vld.idx.msk [tilespmem:v7+s7+$0x0], $0xffff  }
0xc9: {  	v12 =	vor.u32 $0x5, v9;
	v6 =	vadd.f32 $0.0e+00, v6  }
0xca: {  	v10 =	vld.idx.msk [tilespmem:v10+s7+$0x0], $0xffff  }
0xcb: {  	v13 =	vor.u32 $0x6, v9;
	v6 =	vadd.f32 v8, v6  }
0xcc: {  	v49 =	vld.idx.msk [tilespmem:v11+s7+$0x0], $0xffff  }
0xcd: {  	v50 =	vor.u32 $0x7, v9;
	v6 =	vadd.f32 v7, v6  }
0xce: {  	v7 =	vld.idx.msk [tilespmem:v12+s7+$0x0], $0xffff  }
0xcf: {  	v51 =	vor.u32 $0x8, v9;
	v6 =	vadd.f32 v10, v6  }
0xd0: {  	v52 =	vld.idx.msk [tilespmem:v13+s7+$0x0], $0xffff  }
0xd1: {  	v53 =	vor.u32 $0x9, v9;
	v6 =	vadd.f32 v49, v6  }
0xd2: {  	v54 =	vld.idx.msk [tilespmem:v50+s7+$0x0], $0xffff  }
0xd3: {  	v55 =	vor.u32 $0xA, v9;
	v6 =	vadd.f32 v7, v6  }
0xd4: {  	v7 =	vld.idx.msk [tilespmem:v51+s7+$0x0], $0xffff  }
0xd5: {  	v56 =	vor.u32 $0xB, v9;
	v6 =	vadd.f32 v52, v6  }
0xd6: {  	v57 =	vld.idx.msk [tilespmem:v53+s7+$0x0], $0xffff  }
0xd7: {  	v58 =	vor.u32 $0xC, v9;
	v6 =	vadd.f32 v54, v6  }
0xd8: {  	v59 =	vld.idx.msk [tilespmem:v55+s7+$0x0], $0xffff  }
0xd9: {  	v60 =	vor.u32 $0xD, v9;
	v6 =	vadd.f32 v7, v6  }
0xda: {  	v7 =	vld.idx.msk [tilespmem:v56+s7+$0x0], $0xffff  }
0xdb: {  	v61 =	vor.u32 $0xE, v9;
	v6 =	vadd.f32 v57, v6  }
0xdc: {  	v62 =	vld.idx.msk [tilespmem:v58+s7+$0x0], $0xffff  }
0xdd: {  	v9 =	vor.u32 $0xF, v9;
	v6 =	vadd.f32 v59, v6  }
0xde: {  	v63 =	vld.idx.msk [tilespmem:v60+s7+$0x0], $0xffff  }
0xdf: {  	v6 =	vadd.f32 v7, v6  }
0xe0: {  	v7 =	vld.idx.msk [tilespmem:v61+s7+$0x0], $0xffff  }
0xe1: {  	v6 =	vadd.f32 v62, v6  }
0xe2: {  	v9 =	vld.idx.msk [tilespmem:v9+s7+$0x0], $0xffff  }
0xe3: {  	v6 =	vadd.f32 v63, v6;
	_ =	sdelay $0x1  }
0xe4: {  	v6 =	vadd.f32 v7, v6;
	_ =	sdelay $0x1  }
0xe5: {  	s11 =	sadd.s32 $0x1, s11;
	v6 =	vadd.f32 v9, v6  }
0xe6: {  	p0 =	sne.s32 s11, s5;
	s12 =	sadd.s32 $0x10, s12  }
.Ltmp3:
0xe7: {  	[tilespmem:s12+$0x0] =	vst v6;
	(pc) =	sbr.rel @p0 .LBB2_1-.Ltmp3, $4  }
0xe8: {  	[hbm4b:s4+s8] =	stream.strided.scatter [tilespmem:s10], [sflag:$0x1], $0x1400, s9, s8, $0x38;
	[tilespmem:$0x1A000] =	vst v63  }
0xe9: {  	_ =	swait.ge [sflag:s6], $0x1400  }
0xea: {  	[sflag:s6] =	ssyncset.done $0x0  }
0xeb: {  	[sflag:s6] =	ssyncadd.s32 $0xFFFFEC00  }
0xec: {  	_ =	sfence.sel $0x180000  }
0xed: {  	[bflag:$0x0] =	sbarrier.arrive $0xFFFF  }
0xee: {  	p0 =	sne.s32 s0, $0x0;
	_ =	strace $0x90000047  }
0xef: {  	s0 =	sadd.s32 @!p0 $0x100000, s1;
	[bflag:$0x2] =	sbarrier.arrive $0xFFFF  }
0xf0: {  	[sflag:s0] =	ssyncadd.tile.s32 @!p0 $0x1;
	_ =	shalt  }
.Lfunc_end2:
_tile_overlayer_lowered:
.L_overlay_start_2:
0xf1: {  	(tag) =	ssettag $0x2  }
0xf2: {  	s0 =	rddreg [dreg:$0x0];
	s2 =	stileid.u32  }
0xf3: {  	s1 =	rddreg [dreg:$0x1];
	p0 =	sne.s32 s2, $0x0  }
0xf4: {  	s3 =	rddreg [dreg:$0x2];
	[bflag:$0x3] =	sbarrier.arrive $0xFFFF;
	s2 =	simm.s32 @!p0 $0x1C01  }
0xf5: {  	[timem:s3], [sflag:s2] =	dma.local @!p0 [hbm:s0], s1  }
0xf6: {  	s0 =	simm.s32 @!p0 $0x1  }
0xf7: {  	_ =	swait.ge @!p0 [sflag:s0], s1  }
0xf8: {  	s1 =	ssub.s32 @!p0 $0x0, s1;
	[sflag:s0] =	ssyncset.done @!p0 $0x0  }
0xf9: {  	[sflag:s0] =	ssyncadd.s32 @!p0 s1  }
0xfa: {  	[bflag:$0x3] =	sbarrier.arrive $0xFFFF  }
0xfb: {  	_ =	shalt  }

</sc_bundles>
